<compile_context>
chip_gen: v7x
topology: tpu7x:2x2x1
jax: 0.10.2.dev20260603
libtpu: 0.0.44.dev20260713+nightly
codegen_flags: <defaults>
</compile_context>

<pallas_src>
import functools

import jax
import jax.numpy as jnp
import numpy as np
from jax import lax
from jax.experimental import pallas as pl
from jax.experimental.pallas import tpu as pltpu
from jax.experimental.pallas import tpu_sc as plsc

N = 10000
NPAD = 10240
D = 128
E = 320000
OUT_SIZE = 2
NUM_ROBOTS = 10
NUM_GRAPHS = 64
FC_OUT = OUT_SIZE * NUM_ROBOTS

NC = 2
NS = 16
NW = NC * NS
ECH = 128
CPT = 80
EPAD = NW * CPT * ECH
RPT = NPAD // NS

NB = 5000
GRID = N // NB

_mesh = plsc.VectorSubcoreMesh(core_axis_name="c", subcore_axis_name="s")

_EDGE_PAD = np.ascontiguousarray(
    np.broadcast_to(N + (np.arange(EPAD - E, dtype=np.int32) % (NPAD - N)),
                    (2, EPAD - E)))


def _deg_body(edges, out_hbm, didx, onesb, zb, deg_sh, ssem):
    cid = lax.axis_index("c")
    sid = lax.axis_index("s")
    wid = sid * NC + cid
    pltpu.sync_copy(edges.at[1, pl.ds(wid * CPT, CPT)], didx)
    for k in range(ECH // 16):
        onesb[pl.ds(k * 16, 16)] = jnp.ones((16,), jnp.float32)

    def zfill(r, c):
        zb[pl.ds(r * 16, 16)] = jnp.zeros((16,), jnp.float32)
        return c

    lax.fori_loop(0, RPT // 16, zfill, 0)
    pltpu.sync_copy(zb, deg_sh.at[pl.ds(sid * RPT, RPT)])
    plsc.subcore_barrier()

    def body(j, c):
        pltpu.async_copy(onesb, deg_sh.at[didx.at[j]], ssem, add=True)
        return c

    lax.fori_loop(0, CPT, body, 0)

    def drain(j, c):
        pltpu.make_async_copy(onesb, deg_sh.at[didx.at[j]], ssem).wait()
        return c

    lax.fori_loop(0, CPT, drain, 0)
    plsc.subcore_barrier()
    pltpu.sync_copy(deg_sh.at[pl.ds(sid * RPT, RPT)], zb)
    pltpu.sync_copy(zb, out_hbm.at[cid, pl.ds(sid * RPT, RPT)])


_deg_call = functools.partial(
    pl.kernel,
    _deg_body,
    out_type=jax.ShapeDtypeStruct((NC, NPAD), jnp.float32),
    mesh=_mesh,
    scratch_types=[
        pltpu.VMEM((CPT, ECH), jnp.int32),
        pltpu.VMEM((ECH,), jnp.float32),
        pltpu.VMEM((RPT,), jnp.float32),
        pltpu.VMEM_SHARED((NPAD,), jnp.float32),
        pltpu.SemaphoreType.DMA,
    ],
)()


GCH = 16
GRPS = CPT // GCH


def _scat_body(xs_hbm, edges, out_hbm, sidxb, didx, rows, acc_sh,
               gsem, isem):
    cid = lax.axis_index("c")
    sid = lax.axis_index("s")
    wid = sid * NC + cid
    base = wid * CPT

    pltpu.sync_copy(edges.at[1, pl.ds(base, CPT)], didx)
    pltpu.sync_copy(edges.at[0, pl.ds(base, GCH)], sidxb.at[0])

    rsl = pl.ds(sid * RPT, RPT)

    @pl.when(cid == 0)
    def _():
        pltpu.sync_copy(xs_hbm.at[rsl, :], acc_sh.at[rsl, :])

    @pl.when(cid == 1)
    def _():
        zv = jnp.zeros((16,), jnp.float32)

        def zbody(r, c):
            for k in range(D // 16):
                rows[0, r, pl.ds(k * 16, 16)] = zv
            return c

        lax.fori_loop(0, ECH, zbody, 0)
        for t in range(RPT // ECH):
            pltpu.sync_copy(rows.at[0],
                            acc_sh.at[pl.ds(sid * RPT + t * ECH, ECH), :])

    plsc.subcore_barrier()

    QPC = 2
    SUB = ECH // QPC
    SGRP = GCH * QPC

    def _s_idx(buf, s_loc):
        return sidxb.at[buf, s_loc // QPC, pl.ds(SUB * (s_loc % QPC), SUB)]

    def _s_buf(s_loc):
        return rows.at[(s_loc // QPC) % 2, pl.ds(SUB * (s_loc % QPC), SUB), :]

    def _gissue(buf, s_loc):
        pltpu.async_copy(xs_hbm.at[_s_idx(buf, s_loc)], _s_buf(s_loc), gsem)

    def _gwait(buf, s_loc):
        pltpu.make_async_copy(xs_hbm.at[_s_idx(buf, s_loc)], _s_buf(s_loc),
                              gsem).wait()

    def _issue_ahead(gb, ngb, g, s):
        if s < SGRP:
            _gissue(gb, s)
        else:
            @pl.when(g + 1 < GRPS)
            def _():
                if s == SGRP:
                    pltpu.make_async_copy(
                        edges.at[0, pl.ds(base + (g + 1) * GCH, GCH)],
                        sidxb.at[ngb], isem).wait()
                _gissue(ngb, s - SGRP)

    for s in range(QPC + QPC // 2):
        _gissue(0, s)

    def group(g, c):
        gb = lax.rem(g, 2)
        ngb = 1 - gb

        @pl.when(g + 1 < GRPS)
        def _():
            pltpu.async_copy(edges.at[0, pl.ds(base + (g + 1) * GCH, GCH)],
                             sidxb.at[ngb], isem)

        for j in range(GCH):
            pb = j % 2
            for q in range(QPC):
                _gwait(gb, QPC * j + q)
            for q in range(QPC // 2):
                _issue_ahead(gb, ngb, g, QPC * (j + 1) + QPC // 2 + q)
            pltpu.sync_copy(rows.at[pb], acc_sh.at[didx.at[g * GCH + j]],
                            add=True)
            for q in range(QPC // 2):
                _issue_ahead(gb, ngb, g, QPC * (j + 2) + q)
        return c

    lax.fori_loop(0, GRPS, group, 0)
    plsc.subcore_barrier()
    pltpu.sync_copy(acc_sh.at[rsl, :], out_hbm.at[cid, rsl, :])


_scat_call = functools.partial(
    pl.kernel,
    _scat_body,
    out_type=jax.ShapeDtypeStruct((NC, NPAD, D), jnp.float32),
    mesh=_mesh,
    scratch_types=[
        pltpu.VMEM((2, GCH, ECH), jnp.int32),
        pltpu.VMEM((CPT, ECH), jnp.int32),
        pltpu.VMEM((2, ECH, D), jnp.float32),
        pltpu.VMEM_SHARED((NPAD, D), jnp.float32),
        pltpu.SemaphoreType.DMA,
        pltpu.SemaphoreType.DMA,
    ],
)()



def _tc1_body(x_ref, w_ref, d_ref, xs_ref):
    dinv = lax.rsqrt(d_ref[...])
    xw = jnp.dot(x_ref[...], w_ref[...], preferred_element_type=jnp.float32)
    xs_ref[...] = xw * dinv


_tc1 = pl.pallas_call(
    _tc1_body,
    grid=(GRID,),
    in_specs=[
        pl.BlockSpec((NB, D), lambda i: (i, 0)),
        pl.BlockSpec((D, D), lambda i: (0, 0)),
        pl.BlockSpec((NB, 1), lambda i: (i, 0)),
    ],
    out_specs=pl.BlockSpec((NB, D), lambda i: (i, 0)),
    out_shape=jax.ShapeDtypeStruct((NPAD, D), jnp.float32),
)


def _tc2_body(acc_ref, d_ref, b_ref, w_ref, xs_ref):
    dinv = lax.rsqrt(d_ref[...])
    h = jnp.maximum(dinv * (acc_ref[0] + acc_ref[1]) + b_ref[...], 0.0)
    xw = jnp.dot(h, w_ref[...], preferred_element_type=jnp.float32)
    xs_ref[...] = xw * dinv


_tc2 = pl.pallas_call(
    _tc2_body,
    grid=(GRID,),
    in_specs=[
        pl.BlockSpec((NC, NB, D), lambda i: (0, i, 0)),
        pl.BlockSpec((NB, 1), lambda i: (i, 0)),
        pl.BlockSpec((1, D), lambda i: (0, 0)),
        pl.BlockSpec((D, D), lambda i: (0, 0)),
    ],
    out_specs=pl.BlockSpec((NB, D), lambda i: (i, 0)),
    out_shape=jax.ShapeDtypeStruct((NPAD, D), jnp.float32),
)


def _tc3_body(acc_ref, d_ref, b_ref, batch_ref, wfc_ref, bfc_ref, out_ref,
              psum, cnt):
    i = pl.program_id(0)
    dinv = lax.rsqrt(d_ref[...])
    h = jnp.maximum(dinv * (acc_ref[0] + acc_ref[1]) + b_ref[...], 0.0)
    gids = lax.broadcasted_iota(jnp.int32, (NUM_GRAPHS, NB), 0)
    onehot = (batch_ref[0] == gids).astype(jnp.float32)
    ps = jnp.dot(onehot, h, preferred_element_type=jnp.float32)
    c = jnp.sum(onehot, axis=1, keepdims=True)

    @pl.when(i == 0)
    def _():
        psum[...] = ps
        cnt[...] = c

    @pl.when(i > 0)
    def _():
        psum[...] += ps
        cnt[...] += c

    @pl.when(i == pl.num_programs(0) - 1)
    def _():
        pooled = psum[...] / jnp.maximum(cnt[...], 1.0)
        out_ref[...] = (jnp.dot(pooled, wfc_ref[...],
                                preferred_element_type=jnp.float32)
                        + bfc_ref[...])


_tc3 = pl.pallas_call(
    _tc3_body,
    grid=(GRID,),
    in_specs=[
        pl.BlockSpec((NC, NB, D), lambda i: (0, i, 0)),
        pl.BlockSpec((NB, 1), lambda i: (i, 0)),
        pl.BlockSpec((1, D), lambda i: (0, 0)),
        pl.BlockSpec((1, 1, NB), lambda i: (i, 0, 0)),
        pl.BlockSpec((D, FC_OUT), lambda i: (0, 0)),
        pl.BlockSpec((1, FC_OUT), lambda i: (0, 0)),
    ],
    out_specs=pl.BlockSpec((NUM_GRAPHS, FC_OUT), lambda i: (0, 0)),
    out_shape=jax.ShapeDtypeStruct((NUM_GRAPHS, FC_OUT), jnp.float32),
    scratch_shapes=[
        pltpu.VMEM((NUM_GRAPHS, D), jnp.float32),
        pltpu.VMEM((NUM_GRAPHS, 1), jnp.float32),
    ],
)


def kernel(x, edge_index, batch, W1, b1, W2, b2, Wfc, bfc):
    edges = jnp.concatenate([edge_index, _EDGE_PAD], axis=1)
    edges = edges.reshape(2, EPAD // ECH, ECH)

    deg2 = _deg_call(edges)
    dsum = (deg2[0] + deg2[1] + 1.0)[:, None]

    xs1 = _tc1(x, W1, dsum)
    acc1 = _scat_call(xs1, edges)
    xs2 = _tc2(acc1, dsum, b1.reshape(1, D), W2)
    acc2 = _scat_call(xs2, edges)

    batch3 = batch.reshape(GRID, 1, NB)
    vel = _tc3(acc2, dsum, b2.reshape(1, D), batch3, Wfc,
               bfc.reshape(1, FC_OUT))
    return vel.reshape(NUM_GRAPHS, NUM_ROBOTS, OUT_SIZE)

# --- scband reference (transcript-rebuilt; emitter-appended) ---
"""Pipeline reference for scband-gnncoverage-model-12292196402001 (READ-ONLY COPY).

The authoritative reference and input builder live on the scoring server;
editing this copy changes nothing except your own understanding.
"""

import jax, jax.numpy as jnp
import numpy as np

N = 10000
E = 320000
D_IN = 128
D_H = 128
NUM_ROBOTS = 10
OUT_SIZE = 2
NUM_GRAPHS = 64


def setup_inputs(seed: int = 0) -> dict:
    key = jax.random.key(seed)
    ks = jax.random.split(key, 10)
    x = jax.random.normal(ks[0], (N, D_IN), dtype=jnp.float32)
    edge_index = jax.random.randint(ks[1], (2, E), 0, N, dtype=jnp.int32)
    batch = jnp.sort(jax.random.randint(ks[2], (N,), 0, NUM_GRAPHS, dtype=jnp.int32))
    s1 = 1.0 / np.sqrt(D_IN)
    s2 = 1.0 / np.sqrt(D_H)
    W1 = jax.random.normal(ks[3], (D_IN, D_H), dtype=jnp.float32) * s1
    b1 = jnp.zeros((D_H,), dtype=jnp.float32)
    W2 = jax.random.normal(ks[4], (D_H, D_H), dtype=jnp.float32) * s2
    b2 = jnp.zeros((D_H,), dtype=jnp.float32)
    Wfc = jax.random.normal(ks[5], (D_H, OUT_SIZE * NUM_ROBOTS), dtype=jnp.float32) * s2
    bfc = jnp.zeros((OUT_SIZE * NUM_ROBOTS,), dtype=jnp.float32)
    return {"x": x, "edge_index": edge_index, "batch": batch,
            "W1": W1, "b1": b1, "W2": W2, "b2": b2, "Wfc": Wfc, "bfc": bfc}


def _gcn_conv(x, edge_index, W, b):
    # GCNConv: add self-loops, symmetric deg^{-1/2} normalization, scatter-add aggregation
    src = edge_index[0]
    dst = edge_index[1]
    loop = jnp.arange(N, dtype=src.dtype)
    src = jnp.concatenate([src, loop])
    dst = jnp.concatenate([dst, loop])
    deg = jnp.zeros((N,), x.dtype).at[dst].add(1.0)
    dinv = jnp.where(deg > 0, deg ** -0.5, 0.0)
    norm = dinv[src] * dinv[dst]
    xw = x @ W
    msg = xw[src] * norm[:, None]
    out = jnp.zeros((N, W.shape[1]), x.dtype).at[dst].add(msg)
    return out + b


def reference(x, edge_index, batch, W1, b1, W2, b2, Wfc, bfc):
    h = jax.nn.relu(_gcn_conv(x, edge_index, W1, b1))
    h = jax.nn.relu(_gcn_conv(h, edge_index, W2, b2))
    pooled_sum = jax.ops.segment_sum(h, batch, num_segments=NUM_GRAPHS)
    counts = jax.ops.segment_sum(jnp.ones((N, 1), h.dtype), batch, num_segments=NUM_GRAPHS)
    pooled = pooled_sum / jnp.maximum(counts, 1.0)
    vel = pooled @ Wfc + bfc
    return vel.reshape(-1, NUM_ROBOTS, OUT_SIZE)

if __name__ == "__main__":
    import jax
    _d = setup_inputs()
    print(jax.jit(kernel)(*tuple(_d.values())))

</pallas_src>

<mosaic_0001>
#map = affine_map<(d0, d1) -> (0, 0)>
#map1 = affine_map<(d0, d1) -> (0, 0, 0)>
module attributes {stable_mosaic.version = 14 : i64} {
  func.func @_scat_body(%arg0: i32, %arg1: i32, %arg2: memref<10240x128xf32, #tpu.memory_space<hbm>>, %arg3: memref<2x2560x128xi32, #tpu.memory_space<hbm>>, %arg4: memref<2x10240x128xf32, #tpu.memory_space<hbm>>, %arg5: memref<2x16x128xi32, #tpu.memory_space<vmem>>, %arg6: memref<80x128xi32, #tpu.memory_space<vmem>>, %arg7: memref<2x128x128xf32, #tpu.memory_space<vmem>>, %arg8: memref<10240x128xf32, #tpu.memory_space<vmem_shared>>, %arg9: memref<!tpu.dma_semaphore, #tpu.memory_space<semaphore_mem>>, %arg10: memref<!tpu.dma_semaphore, #tpu.memory_space<semaphore_mem>>) attributes {dimension_semantics = [#tpu.dimension_semantics<core_parallel>, #tpu.dimension_semantics<subcore_parallel>], iteration_bounds = array<i64: 2, 16>, scalar_prefetch = 0 : i64, scratch_operands = 6 : i64, tpu.core_type = #tpu.core_type<sc_vector_subcore>, window_params = [{transform_indices = #map}, {transform_indices = #map1}, {transform_indices = #map1}]} {
    %mul3A = arith.constant 2 : i32
    %mul3A_0 = arith.muli %arg1, %mul3A : i32
    %add3A = arith.addi %mul3A_0, %arg0 : i32
    %mul3A_1 = arith.constant 80 : i32
    %mul3A_2 = arith.muli %add3A, %mul3A_1 : i32
    %run_scoped3A = arith.constant 1 : i32
    "tpu.region"() ({
      %run_scoped3A_58 = tpu.sem_alloc : memref<!tpu.dma_semaphore, #tpu.memory_space<semaphore_mem>>
      %dma_start3A_59 = arith.constant 0 : i32
      %dma_start3A_60 = tpu.memref_slice %arg3[%run_scoped3A, %mul3A_2, %dma_start3A_59] : memref<2x2560x128xi32, #tpu.memory_space<hbm>> -> memref<1x80x128xi32, #tpu.memory_space<hbm>>
      %dma_start3A_61 = tpu.memref_squeeze %dma_start3A_60 : memref<1x80x128xi32, #tpu.memory_space<hbm>> -> memref<80x128xi32, #tpu.memory_space<hbm>>
      %dma_start3A_62 = arith.constant 0 : i32
      %dma_start3A_63 = tpu.memref_slice %arg3[%run_scoped3A, %mul3A_2, %dma_start3A_62] : memref<2x2560x128xi32, #tpu.memory_space<hbm>> -> memref<1x80x128xi32, #tpu.memory_space<hbm>>
      %dma_start3A_64 = tpu.memref_squeeze %dma_start3A_63 : memref<1x80x128xi32, #tpu.memory_space<hbm>> -> memref<80x128xi32, #tpu.memory_space<hbm>>
      tpu.enqueue_dma source(%dma_start3A_64 : memref<80x128xi32, #tpu.memory_space<hbm>>) target(%arg6 : memref<80x128xi32, #tpu.memory_space<vmem>>) target_semaphore(%run_scoped3A_58 : memref<!tpu.dma_semaphore, #tpu.memory_space<semaphore_mem>>)
      %dma_wait3A = arith.constant 0 : i32
      %dma_wait3A_65 = tpu.memref_slice %arg3[%run_scoped3A, %mul3A_2, %dma_wait3A] : memref<2x2560x128xi32, #tpu.memory_space<hbm>> -> memref<1x80x128xi32, #tpu.memory_space<hbm>>
      %dma_wait3A_66 = tpu.memref_squeeze %dma_wait3A_65 : memref<1x80x128xi32, #tpu.memory_space<hbm>> -> memref<80x128xi32, #tpu.memory_space<hbm>>
      %dma_wait3A_67 = arith.constant 0 : i32
      %dma_wait3A_68 = tpu.memref_slice %arg3[%run_scoped3A, %mul3A_2, %dma_wait3A_67] : memref<2x2560x128xi32, #tpu.memory_space<hbm>> -> memref<1x80x128xi32, #tpu.memory_space<hbm>>
      %dma_wait3A_69 = tpu.memref_squeeze %dma_wait3A_68 : memref<1x80x128xi32, #tpu.memory_space<hbm>> -> memref<80x128xi32, #tpu.memory_space<hbm>>
      tpu.wait_dma2 semaphore(%run_scoped3A_58 : memref<!tpu.dma_semaphore, #tpu.memory_space<semaphore_mem>>) src(%dma_wait3A_69 : memref<80x128xi32, #tpu.memory_space<hbm>>) dst(%arg6 : memref<80x128xi32, #tpu.memory_space<vmem>>)
      tpu.yield
    }) : () -> ()
    %run_scoped3A_3 = arith.constant 0 : i32
    %run_scoped3A_4 = arith.constant 0 : i32
    "tpu.region"() ({
      %run_scoped3A_58 = tpu.sem_alloc : memref<!tpu.dma_semaphore, #tpu.memory_space<semaphore_mem>>
      %dma_start3A_59 = arith.constant 0 : i32
      %dma_start3A_60 = arith.constant 0 : i32
      %dma_start3A_61 = tpu.memref_slice %arg5[%run_scoped3A_4, %dma_start3A_59, %dma_start3A_60] : memref<2x16x128xi32, #tpu.memory_space<vmem>> -> memref<1x16x128xi32, #tpu.memory_space<vmem>>
      %dma_start3A_62 = tpu.memref_squeeze %dma_start3A_61 : memref<1x16x128xi32, #tpu.memory_space<vmem>> -> memref<16x128xi32, #tpu.memory_space<vmem>>
      %dma_start3A_63 = arith.constant 0 : i32
      %dma_start3A_64 = tpu.memref_slice %arg3[%run_scoped3A_3, %mul3A_2, %dma_start3A_63] : memref<2x2560x128xi32, #tpu.memory_space<hbm>> -> memref<1x16x128xi32, #tpu.memory_space<hbm>>
      %dma_start3A_65 = tpu.memref_squeeze %dma_start3A_64 : memref<1x16x128xi32, #tpu.memory_space<hbm>> -> memref<16x128xi32, #tpu.memory_space<hbm>>
      %dma_start3A_66 = arith.constant 0 : i32
      %dma_start3A_67 = arith.constant 0 : i32
      %dma_start3A_68 = tpu.memref_slice %arg5[%run_scoped3A_4, %dma_start3A_66, %dma_start3A_67] : memref<2x16x128xi32, #tpu.memory_space<vmem>> -> memref<1x16x128xi32, #tpu.memory_space<vmem>>
      %dma_start3A_69 = tpu.memref_squeeze %dma_start3A_68 : memref<1x16x128xi32, #tpu.memory_space<vmem>> -> memref<16x128xi32, #tpu.memory_space<vmem>>
      %dma_start3A_70 = arith.constant 0 : i32
      %dma_start3A_71 = tpu.memref_slice %arg3[%run_scoped3A_3, %mul3A_2, %dma_start3A_70] : memref<2x2560x128xi32, #tpu.memory_space<hbm>> -> memref<1x16x128xi32, #tpu.memory_space<hbm>>
      %dma_start3A_72 = tpu.memref_squeeze %dma_start3A_71 : memref<1x16x128xi32, #tpu.memory_space<hbm>> -> memref<16x128xi32, #tpu.memory_space<hbm>>
      tpu.enqueue_dma source(%dma_start3A_72 : memref<16x128xi32, #tpu.memory_space<hbm>>) target(%dma_start3A_69 : memref<16x128xi32, #tpu.memory_space<vmem>>) target_semaphore(%run_scoped3A_58 : memref<!tpu.dma_semaphore, #tpu.memory_space<semaphore_mem>>)
      %dma_wait3A = arith.constant 0 : i32
      %dma_wait3A_73 = arith.constant 0 : i32
      %dma_wait3A_74 = tpu.memref_slice %arg5[%run_scoped3A_4, %dma_wait3A, %dma_wait3A_73] : memref<2x16x128xi32, #tpu.memory_space<vmem>> -> memref<1x16x128xi32, #tpu.memory_space<vmem>>
      %dma_wait3A_75 = tpu.memref_squeeze %dma_wait3A_74 : memref<1x16x128xi32, #tpu.memory_space<vmem>> -> memref<16x128xi32, #tpu.memory_space<vmem>>
      %dma_wait3A_76 = arith.constant 0 : i32
      %dma_wait3A_77 = tpu.memref_slice %arg3[%run_scoped3A_3, %mul3A_2, %dma_wait3A_76] : memref<2x2560x128xi32, #tpu.memory_space<hbm>> -> memref<1x16x128xi32, #tpu.memory_space<hbm>>
      %dma_wait3A_78 = tpu.memref_squeeze %dma_wait3A_77 : memref<1x16x128xi32, #tpu.memory_space<hbm>> -> memref<16x128xi32, #tpu.memory_space<hbm>>
      %dma_wait3A_79 = arith.constant 0 : i32
      %dma_wait3A_80 = arith.constant 0 : i32
      %dma_wait3A_81 = tpu.memref_slice %arg5[%run_scoped3A_4, %dma_wait3A_79, %dma_wait3A_80] : memref<2x16x128xi32, #tpu.memory_space<vmem>> -> memref<1x16x128xi32, #tpu.memory_space<vmem>>
      %dma_wait3A_82 = tpu.memref_squeeze %dma_wait3A_81 : memref<1x16x128xi32, #tpu.memory_space<vmem>> -> memref<16x128xi32, #tpu.memory_space<vmem>>
      %dma_wait3A_83 = arith.constant 0 : i32
      %dma_wait3A_84 = tpu.memref_slice %arg3[%run_scoped3A_3, %mul3A_2, %dma_wait3A_83] : memref<2x2560x128xi32, #tpu.memory_space<hbm>> -> memref<1x16x128xi32, #tpu.memory_space<hbm>>
      %dma_wait3A_85 = tpu.memref_squeeze %dma_wait3A_84 : memref<1x16x128xi32, #tpu.memory_space<hbm>> -> memref<16x128xi32, #tpu.memory_space<hbm>>
      tpu.wait_dma2 semaphore(%run_scoped3A_58 : memref<!tpu.dma_semaphore, #tpu.memory_space<semaphore_mem>>) src(%dma_wait3A_85 : memref<16x128xi32, #tpu.memory_space<hbm>>) dst(%dma_wait3A_82 : memref<16x128xi32, #tpu.memory_space<vmem>>)
      tpu.yield
    }) : () -> ()
    %mul3A_5 = arith.constant 640 : i32
    %mul3A_6 = arith.muli %arg1, %mul3A_5 : i32
    %eq3A = arith.constant 0 : i32
    %eq3A_7 = arith.cmpi eq, %arg0, %eq3A : i32
    %convert_element_type3A = arith.extui %eq3A_7 : i1 to i32
    %cond3A = arith.constant 0 : i32
    %cond3A_8 = arith.cmpi ne, %convert_element_type3A, %cond3A : i32
    scf.if %cond3A_8 {
      "tpu.region"() ({
        %run_scoped3A_58 = tpu.sem_alloc : memref<!tpu.dma_semaphore, #tpu.memory_space<semaphore_mem>>
        %dma_start3A_59 = arith.constant 0 : i32
        %dma_start3A_60 = tpu.memref_slice %arg8[%mul3A_6, %dma_start3A_59] : memref<10240x128xf32, #tpu.memory_space<vmem_shared>> -> memref<640x128xf32, #tpu.memory_space<vmem_shared>>
        %dma_start3A_61 = arith.constant 0 : i32
        %dma_start3A_62 = tpu.memref_slice %arg2[%mul3A_6, %dma_start3A_61] : memref<10240x128xf32, #tpu.memory_space<hbm>> -> memref<640x128xf32, #tpu.memory_space<hbm>>
        tpu.enqueue_dma source(%dma_start3A_62 : memref<640x128xf32, #tpu.memory_space<hbm>>) target(%dma_start3A_60 : memref<640x128xf32, #tpu.memory_space<vmem_shared>>) target_semaphore(%run_scoped3A_58 : memref<!tpu.dma_semaphore, #tpu.memory_space<semaphore_mem>>)
        %dma_wait3A = arith.constant 0 : i32
        %dma_wait3A_63 = tpu.memref_slice %arg8[%mul3A_6, %dma_wait3A] : memref<10240x128xf32, #tpu.memory_space<vmem_shared>> -> memref<640x128xf32, #tpu.memory_space<vmem_shared>>
        %dma_wait3A_64 = arith.constant 0 : i32
        %dma_wait3A_65 = tpu.memref_slice %arg2[%mul3A_6, %dma_wait3A_64] : memref<10240x128xf32, #tpu.memory_space<hbm>> -> memref<640x128xf32, #tpu.memory_space<hbm>>
        tpu.wait_dma2 semaphore(%run_scoped3A_58 : memref<!tpu.dma_semaphore, #tpu.memory_space<semaphore_mem>>) src(%dma_wait3A_65 : memref<640x128xf32, #tpu.memory_space<hbm>>) dst(%dma_wait3A_63 : memref<640x128xf32, #tpu.memory_space<vmem_shared>>)
        tpu.yield
      }) : () -> ()
    } else {
    }
    %eq3A_9 = arith.constant 1 : i32
    %eq3A_10 = arith.cmpi eq, %arg0, %eq3A_9 : i32
    %convert_element_type3A_11 = arith.extui %eq3A_10 : i1 to i32
    %cond3A_12 = arith.constant 0 : i32
    %cond3A_13 = arith.cmpi ne, %convert_element_type3A_11, %cond3A_12 : i32
    scf.if %cond3A_13 {
      %broadcast_in_dim3A = arith.constant 0.000000e+00 : f32
      %broadcast_in_dim3A_58 = vector.broadcast %broadcast_in_dim3A : f32 to vector<16xf32>
      %scan3A_59 = arith.constant 0 : i32
      %scan3A_60 = arith.constant 0 : i32
      %scan3A_61 = arith.constant 128 : i32
      %scan3A_62 = arith.addi %scan3A_60, %scan3A_61 : i32
      %scan3A_63 = arith.constant 1 : i32
      scf.for %scan3A_90 = %scan3A_60 to %scan3A_62 step %scan3A_63  : i32 {
        %swap3A = arith.constant 0 : i32
        %swap3A_91 = arith.index_cast %swap3A : i32 to index
        %swap3A_92 = arith.index_cast %scan3A_90 : i32 to index
        %swap3A_93 = arith.constant 0 : index
        %swap3A_94 = tpu.vector_load %arg7[%swap3A_91, %swap3A_92, %swap3A_93] {strides = array<i32>} : memref<2x128x128xf32, #tpu.memory_space<vmem>>, vector<1x1x16xf32>,
        %swap3A_95 = vector.shape_cast %swap3A_94 : vector<1x1x16xf32> to vector<16xf32>
        %swap3A_96 = vector.shape_cast %broadcast_in_dim3A_58 : vector<16xf32> to vector<1x1x16xf32>
        tpu.vector_store %arg7[%swap3A_91, %swap3A_92, %swap3A_93], %swap3A_96 {strides = array<i32>} : memref<2x128x128xf32, #tpu.memory_space<vmem>>, vector<1x1x16xf32>,
        %swap3A_97 = arith.constant 0 : i32
        %swap3A_98 = arith.index_cast %swap3A_97 : i32 to index
        %swap3A_99 = arith.index_cast %scan3A_90 : i32 to index
        %swap3A_100 = arith.constant 16 : index
        %swap3A_101 = tpu.vector_load %arg7[%swap3A_98, %swap3A_99, %swap3A_100] {strides = array<i32>} : memref<2x128x128xf32, #tpu.memory_space<vmem>>, vector<1x1x16xf32>,
        %swap3A_102 = vector.shape_cast %swap3A_101 : vector<1x1x16xf32> to vector<16xf32>
        %swap3A_103 = vector.shape_cast %broadcast_in_dim3A_58 : vector<16xf32> to vector<1x1x16xf32>
        tpu.vector_store %arg7[%swap3A_98, %swap3A_99, %swap3A_100], %swap3A_103 {strides = array<i32>} : memref<2x128x128xf32, #tpu.memory_space<vmem>>, vector<1x1x16xf32>,
        %swap3A_104 = arith.constant 0 : i32
        %swap3A_105 = arith.index_cast %swap3A_104 : i32 to index
        %swap3A_106 = arith.index_cast %scan3A_90 : i32 to index
        %swap3A_107 = arith.constant 32 : index
        %swap3A_108 = tpu.vector_load %arg7[%swap3A_105, %swap3A_106, %swap3A_107] {strides = array<i32>} : memref<2x128x128xf32, #tpu.memory_space<vmem>>, vector<1x1x16xf32>,
        %swap3A_109 = vector.shape_cast %swap3A_108 : vector<1x1x16xf32> to vector<16xf32>
        %swap3A_110 = vector.shape_cast %broadcast_in_dim3A_58 : vector<16xf32> to vector<1x1x16xf32>
        tpu.vector_store %arg7[%swap3A_105, %swap3A_106, %swap3A_107], %swap3A_110 {strides = array<i32>} : memref<2x128x128xf32, #tpu.memory_space<vmem>>, vector<1x1x16xf32>,
        %swap3A_111 = arith.constant 0 : i32
        %swap3A_112 = arith.index_cast %swap3A_111 : i32 to index
        %swap3A_113 = arith.index_cast %scan3A_90 : i32 to index
        %swap3A_114 = arith.constant 48 : index
        %swap3A_115 = tpu.vector_load %arg7[%swap3A_112, %swap3A_113, %swap3A_114] {strides = array<i32>} : memref<2x128x128xf32, #tpu.memory_space<vmem>>, vector<1x1x16xf32>,
        %swap3A_116 = vector.shape_cast %swap3A_115 : vector<1x1x16xf32> to vector<16xf32>
        %swap3A_117 = vector.shape_cast %broadcast_in_dim3A_58 : vector<16xf32> to vector<1x1x16xf32>
        tpu.vector_store %arg7[%swap3A_112, %swap3A_113, %swap3A_114], %swap3A_117 {strides = array<i32>} : memref<2x128x128xf32, #tpu.memory_space<vmem>>, vector<1x1x16xf32>,
        %swap3A_118 = arith.constant 0 : i32
        %swap3A_119 = arith.index_cast %swap3A_118 : i32 to index
        %swap3A_120 = arith.index_cast %scan3A_90 : i32 to index
        %swap3A_121 = arith.constant 64 : index
        %swap3A_122 = tpu.vector_load %arg7[%swap3A_119, %swap3A_120, %swap3A_121] {strides = array<i32>} : memref<2x128x128xf32, #tpu.memory_space<vmem>>, vector<1x1x16xf32>,
        %swap3A_123 = vector.shape_cast %swap3A_122 : vector<1x1x16xf32> to vector<16xf32>
        %swap3A_124 = vector.shape_cast %broadcast_in_dim3A_58 : vector<16xf32> to vector<1x1x16xf32>
        tpu.vector_store %arg7[%swap3A_119, %swap3A_120, %swap3A_121], %swap3A_124 {strides = array<i32>} : memref<2x128x128xf32, #tpu.memory_space<vmem>>, vector<1x1x16xf32>,
        %swap3A_125 = arith.constant 0 : i32
        %swap3A_126 = arith.index_cast %swap3A_125 : i32 to index
        %swap3A_127 = arith.index_cast %scan3A_90 : i32 to index
        %swap3A_128 = arith.constant 80 : index
        %swap3A_129 = tpu.vector_load %arg7[%swap3A_126, %swap3A_127, %swap3A_128] {strides = array<i32>} : memref<2x128x128xf32, #tpu.memory_space<vmem>>, vector<1x1x16xf32>,
        %swap3A_130 = vector.shape_cast %swap3A_129 : vector<1x1x16xf32> to vector<16xf32>
        %swap3A_131 = vector.shape_cast %broadcast_in_dim3A_58 : vector<16xf32> to vector<1x1x16xf32>
        tpu.vector_store %arg7[%swap3A_126, %swap3A_127, %swap3A_128], %swap3A_131 {strides = array<i32>} : memref<2x128x128xf32, #tpu.memory_space<vmem>>, vector<1x1x16xf32>,
        %swap3A_132 = arith.constant 0 : i32
        %swap3A_133 = arith.index_cast %swap3A_132 : i32 to index
        %swap3A_134 = arith.index_cast %scan3A_90 : i32 to index
        %swap3A_135 = arith.constant 96 : index
        %swap3A_136 = tpu.vector_load %arg7[%swap3A_133, %swap3A_134, %swap3A_135] {strides = array<i32>} : memref<2x128x128xf32, #tpu.memory_space<vmem>>, vector<1x1x16xf32>,
        %swap3A_137 = vector.shape_cast %swap3A_136 : vector<1x1x16xf32> to vector<16xf32>
        %swap3A_138 = vector.shape_cast %broadcast_in_dim3A_58 : vector<16xf32> to vector<1x1x16xf32>
        tpu.vector_store %arg7[%swap3A_133, %swap3A_134, %swap3A_135], %swap3A_138 {strides = array<i32>} : memref<2x128x128xf32, #tpu.memory_space<vmem>>, vector<1x1x16xf32>,
        %swap3A_139 = arith.constant 0 : i32
        %swap3A_140 = arith.index_cast %swap3A_139 : i32 to index
        %swap3A_141 = arith.index_cast %scan3A_90 : i32 to index
        %swap3A_142 = arith.constant 112 : index
        %swap3A_143 = tpu.vector_load %arg7[%swap3A_140, %swap3A_141, %swap3A_142] {strides = array<i32>} : memref<2x128x128xf32, #tpu.memory_space<vmem>>, vector<1x1x16xf32>,
        %swap3A_144 = vector.shape_cast %swap3A_143 : vector<1x1x16xf32> to vector<16xf32>
        %swap3A_145 = vector.shape_cast %broadcast_in_dim3A_58 : vector<16xf32> to vector<1x1x16xf32>
        tpu.vector_store %arg7[%swap3A_140, %swap3A_141, %swap3A_142], %swap3A_145 {strides = array<i32>} : memref<2x128x128xf32, #tpu.memory_space<vmem>>, vector<1x1x16xf32>,
      }
      %scan3A_64 = arith.constant 128 : i32
      %mul3A_65 = arith.constant 640 : i32
      %mul3A_66 = arith.muli %arg1, %mul3A_65 : i32
      %add3A_67 = arith.constant 0 : i32
      %add3A_68 = arith.addi %mul3A_66, %add3A_67 : i32
      %run_scoped3A_69 = arith.constant 0 : i32
      "tpu.region"() ({
        %run_scoped3A_90 = tpu.sem_alloc : memref<!tpu.dma_semaphore, #tpu.memory_space<semaphore_mem>>
        %dma_start3A_91 = arith.constant 0 : i32
        %dma_start3A_92 = arith.constant 0 : i32
        %dma_start3A_93 = tpu.memref_slice %arg7[%run_scoped3A_69, %dma_start3A_91, %dma_start3A_92] : memref<2x128x128xf32, #tpu.memory_space<vmem>> -> memref<1x128x128xf32, #tpu.memory_space<vmem>>
        %dma_start3A_94 = tpu.memref_squeeze %dma_start3A_93 : memref<1x128x128xf32, #tpu.memory_space<vmem>> -> memref<128x128xf32, #tpu.memory_space<vmem>>
        %dma_start3A_95 = arith.constant 0 : i32
        %dma_start3A_96 = tpu.memref_slice %arg8[%add3A_68, %dma_start3A_95] : memref<10240x128xf32, #tpu.memory_space<vmem_shared>> -> memref<128x128xf32, #tpu.memory_space<vmem_shared>>
        %dma_start3A_97 = arith.constant 0 : i32
        %dma_start3A_98 = tpu.memref_slice %arg8[%add3A_68, %dma_start3A_97] : memref<10240x128xf32, #tpu.memory_space<vmem_shared>> -> memref<128x128xf32, #tpu.memory_space<vmem_shared>>
        %dma_start3A_99 = arith.constant 0 : i32
        %dma_start3A_100 = arith.constant 0 : i32
        %dma_start3A_101 = tpu.memref_slice %arg7[%run_scoped3A_69, %dma_start3A_99, %dma_start3A_100] : memref<2x128x128xf32, #tpu.memory_space<vmem>> -> memref<1x128x128xf32, #tpu.memory_space<vmem>>
        %dma_start3A_102 = tpu.memref_squeeze %dma_start3A_101 : memref<1x128x128xf32, #tpu.memory_space<vmem>> -> memref<128x128xf32, #tpu.memory_space<vmem>>
        tpu.enqueue_dma source(%dma_start3A_102 : memref<128x128xf32, #tpu.memory_space<vmem>>) target(%dma_start3A_98 : memref<128x128xf32, #tpu.memory_space<vmem_shared>>) target_semaphore(%run_scoped3A_90 : memref<!tpu.dma_semaphore, #tpu.memory_space<semaphore_mem>>)
        %dma_wait3A = arith.constant 0 : i32
        %dma_wait3A_103 = arith.constant 0 : i32
        %dma_wait3A_104 = tpu.memref_slice %arg7[%run_scoped3A_69, %dma_wait3A, %dma_wait3A_103] : memref<2x128x128xf32, #tpu.memory_space<vmem>> -> memref<1x128x128xf32, #tpu.memory_space<vmem>>
        %dma_wait3A_105 = tpu.memref_squeeze %dma_wait3A_104 : memref<1x128x128xf32, #tpu.memory_space<vmem>> -> memref<128x128xf32, #tpu.memory_space<vmem>>
        %dma_wait3A_106 = arith.constant 0 : i32
        %dma_wait3A_107 = tpu.memref_slice %arg8[%add3A_68, %dma_wait3A_106] : memref<10240x128xf32, #tpu.memory_space<vmem_shared>> -> memref<128x128xf32, #tpu.memory_space<vmem_shared>>
        %dma_wait3A_108 = arith.constant 0 : i32
        %dma_wait3A_109 = tpu.memref_slice %arg8[%add3A_68, %dma_wait3A_108] : memref<10240x128xf32, #tpu.memory_space<vmem_shared>> -> memref<128x128xf32, #tpu.memory_space<vmem_shared>>
        %dma_wait3A_110 = arith.constant 0 : i32
        %dma_wait3A_111 = arith.constant 0 : i32
        %dma_wait3A_112 = tpu.memref_slice %arg7[%run_scoped3A_69, %dma_wait3A_110, %dma_wait3A_111] : memref<2x128x128xf32, #tpu.memory_space<vmem>> -> memref<1x128x128xf32, #tpu.memory_space<vmem>>
        %dma_wait3A_113 = tpu.memref_squeeze %dma_wait3A_112 : memref<1x128x128xf32, #tpu.memory_space<vmem>> -> memref<128x128xf32, #tpu.memory_space<vmem>>
        tpu.wait_dma2 semaphore(%run_scoped3A_90 : memref<!tpu.dma_semaphore, #tpu.memory_space<semaphore_mem>>) src(%dma_wait3A_113 : memref<128x128xf32, #tpu.memory_space<vmem>>) dst(%dma_wait3A_109 : memref<128x128xf32, #tpu.memory_space<vmem_shared>>)
        tpu.yield
      }) : () -> ()
      %mul3A_70 = arith.constant 640 : i32
      %mul3A_71 = arith.muli %arg1, %mul3A_70 : i32
      %add3A_72 = arith.constant 128 : i32
      %add3A_73 = arith.addi %mul3A_71, %add3A_72 : i32
      %run_scoped3A_74 = arith.constant 0 : i32
      "tpu.region"() ({
        %run_scoped3A_90 = tpu.sem_alloc : memref<!tpu.dma_semaphore, #tpu.memory_space<semaphore_mem>>
        %dma_start3A_91 = arith.constant 0 : i32
        %dma_start3A_92 = arith.constant 0 : i32
        %dma_start3A_93 = tpu.memref_slice %arg7[%run_scoped3A_74, %dma_start3A_91, %dma_start3A_92] : memref<2x128x128xf32, #tpu.memory_space<vmem>> -> memref<1x128x128xf32, #tpu.memory_space<vmem>>
        %dma_start3A_94 = tpu.memref_squeeze %dma_start3A_93 : memref<1x128x128xf32, #tpu.memory_space<vmem>> -> memref<128x128xf32, #tpu.memory_space<vmem>>
        %dma_start3A_95 = arith.constant 0 : i32
        %dma_start3A_96 = tpu.memref_slice %arg8[%add3A_73, %dma_start3A_95] : memref<10240x128xf32, #tpu.memory_space<vmem_shared>> -> memref<128x128xf32, #tpu.memory_space<vmem_shared>>
        %dma_start3A_97 = arith.constant 0 : i32
        %dma_start3A_98 = tpu.memref_slice %arg8[%add3A_73, %dma_start3A_97] : memref<10240x128xf32, #tpu.memory_space<vmem_shared>> -> memref<128x128xf32, #tpu.memory_space<vmem_shared>>
        %dma_start3A_99 = arith.constant 0 : i32
        %dma_start3A_100 = arith.constant 0 : i32
        %dma_start3A_101 = tpu.memref_slice %arg7[%run_scoped3A_74, %dma_start3A_99, %dma_start3A_100] : memref<2x128x128xf32, #tpu.memory_space<vmem>> -> memref<1x128x128xf32, #tpu.memory_space<vmem>>
        %dma_start3A_102 = tpu.memref_squeeze %dma_start3A_101 : memref<1x128x128xf32, #tpu.memory_space<vmem>> -> memref<128x128xf32, #tpu.memory_space<vmem>>
        tpu.enqueue_dma source(%dma_start3A_102 : memref<128x128xf32, #tpu.memory_space<vmem>>) target(%dma_start3A_98 : memref<128x128xf32, #tpu.memory_space<vmem_shared>>) target_semaphore(%run_scoped3A_90 : memref<!tpu.dma_semaphore, #tpu.memory_space<semaphore_mem>>)
        %dma_wait3A = arith.constant 0 : i32
        %dma_wait3A_103 = arith.constant 0 : i32
        %dma_wait3A_104 = tpu.memref_slice %arg7[%run_scoped3A_74, %dma_wait3A, %dma_wait3A_103] : memref<2x128x128xf32, #tpu.memory_space<vmem>> -> memref<1x128x128xf32, #tpu.memory_space<vmem>>
        %dma_wait3A_105 = tpu.memref_squeeze %dma_wait3A_104 : memref<1x128x128xf32, #tpu.memory_space<vmem>> -> memref<128x128xf32, #tpu.memory_space<vmem>>
        %dma_wait3A_106 = arith.constant 0 : i32
        %dma_wait3A_107 = tpu.memref_slice %arg8[%add3A_73, %dma_wait3A_106] : memref<10240x128xf32, #tpu.memory_space<vmem_shared>> -> memref<128x128xf32, #tpu.memory_space<vmem_shared>>
        %dma_wait3A_108 = arith.constant 0 : i32
        %dma_wait3A_109 = tpu.memref_slice %arg8[%add3A_73, %dma_wait3A_108] : memref<10240x128xf32, #tpu.memory_space<vmem_shared>> -> memref<128x128xf32, #tpu.memory_space<vmem_shared>>
        %dma_wait3A_110 = arith.constant 0 : i32
        %dma_wait3A_111 = arith.constant 0 : i32
        %dma_wait3A_112 = tpu.memref_slice %arg7[%run_scoped3A_74, %dma_wait3A_110, %dma_wait3A_111] : memref<2x128x128xf32, #tpu.memory_space<vmem>> -> memref<1x128x128xf32, #tpu.memory_space<vmem>>
        %dma_wait3A_113 = tpu.memref_squeeze %dma_wait3A_112 : memref<1x128x128xf32, #tpu.memory_space<vmem>> -> memref<128x128xf32, #tpu.memory_space<vmem>>
        tpu.wait_dma2 semaphore(%run_scoped3A_90 : memref<!tpu.dma_semaphore, #tpu.memory_space<semaphore_mem>>) src(%dma_wait3A_113 : memref<128x128xf32, #tpu.memory_space<vmem>>) dst(%dma_wait3A_109 : memref<128x128xf32, #tpu.memory_space<vmem_shared>>)
        tpu.yield
      }) : () -> ()
      %mul3A_75 = arith.constant 640 : i32
      %mul3A_76 = arith.muli %arg1, %mul3A_75 : i32
      %add3A_77 = arith.constant 256 : i32
      %add3A_78 = arith.addi %mul3A_76, %add3A_77 : i32
      %run_scoped3A_79 = arith.constant 0 : i32
      "tpu.region"() ({
        %run_scoped3A_90 = tpu.sem_alloc : memref<!tpu.dma_semaphore, #tpu.memory_space<semaphore_mem>>
        %dma_start3A_91 = arith.constant 0 : i32
        %dma_start3A_92 = arith.constant 0 : i32
        %dma_start3A_93 = tpu.memref_slice %arg7[%run_scoped3A_79, %dma_start3A_91, %dma_start3A_92] : memref<2x128x128xf32, #tpu.memory_space<vmem>> -> memref<1x128x128xf32, #tpu.memory_space<vmem>>
        %dma_start3A_94 = tpu.memref_squeeze %dma_start3A_93 : memref<1x128x128xf32, #tpu.memory_space<vmem>> -> memref<128x128xf32, #tpu.memory_space<vmem>>
        %dma_start3A_95 = arith.constant 0 : i32
        %dma_start3A_96 = tpu.memref_slice %arg8[%add3A_78, %dma_start3A_95] : memref<10240x128xf32, #tpu.memory_space<vmem_shared>> -> memref<128x128xf32, #tpu.memory_space<vmem_shared>>
        %dma_start3A_97 = arith.constant 0 : i32
        %dma_start3A_98 = tpu.memref_slice %arg8[%add3A_78, %dma_start3A_97] : memref<10240x128xf32, #tpu.memory_space<vmem_shared>> -> memref<128x128xf32, #tpu.memory_space<vmem_shared>>
        %dma_start3A_99 = arith.constant 0 : i32
        %dma_start3A_100 = arith.constant 0 : i32
        %dma_start3A_101 = tpu.memref_slice %arg7[%run_scoped3A_79, %dma_start3A_99, %dma_start3A_100] : memref<2x128x128xf32, #tpu.memory_space<vmem>> -> memref<1x128x128xf32, #tpu.memory_space<vmem>>
        %dma_start3A_102 = tpu.memref_squeeze %dma_start3A_101 : memref<1x128x128xf32, #tpu.memory_space<vmem>> -> memref<128x128xf32, #tpu.memory_space<vmem>>
        tpu.enqueue_dma source(%dma_start3A_102 : memref<128x128xf32, #tpu.memory_space<vmem>>) target(%dma_start3A_98 : memref<128x128xf32, #tpu.memory_space<vmem_shared>>) target_semaphore(%run_scoped3A_90 : memref<!tpu.dma_semaphore, #tpu.memory_space<semaphore_mem>>)
        %dma_wait3A = arith.constant 0 : i32
        %dma_wait3A_103 = arith.constant 0 : i32
        %dma_wait3A_104 = tpu.memref_slice %arg7[%run_scoped3A_79, %dma_wait3A, %dma_wait3A_103] : memref<2x128x128xf32, #tpu.memory_space<vmem>> -> memref<1x128x128xf32, #tpu.memory_space<vmem>>
        %dma_wait3A_105 = tpu.memref_squeeze %dma_wait3A_104 : memref<1x128x128xf32, #tpu.memory_space<vmem>> -> memref<128x128xf32, #tpu.memory_space<vmem>>
        %dma_wait3A_106 = arith.constant 0 : i32
        %dma_wait3A_107 = tpu.memref_slice %arg8[%add3A_78, %dma_wait3A_106] : memref<10240x128xf32, #tpu.memory_space<vmem_shared>> -> memref<128x128xf32, #tpu.memory_space<vmem_shared>>
        %dma_wait3A_108 = arith.constant 0 : i32
        %dma_wait3A_109 = tpu.memref_slice %arg8[%add3A_78, %dma_wait3A_108] : memref<10240x128xf32, #tpu.memory_space<vmem_shared>> -> memref<128x128xf32, #tpu.memory_space<vmem_shared>>
        %dma_wait3A_110 = arith.constant 0 : i32
        %dma_wait3A_111 = arith.constant 0 : i32
        %dma_wait3A_112 = tpu.memref_slice %arg7[%run_scoped3A_79, %dma_wait3A_110, %dma_wait3A_111] : memref<2x128x128xf32, #tpu.memory_space<vmem>> -> memref<1x128x128xf32, #tpu.memory_space<vmem>>
        %dma_wait3A_113 = tpu.memref_squeeze %dma_wait3A_112 : memref<1x128x128xf32, #tpu.memory_space<vmem>> -> memref<128x128xf32, #tpu.memory_space<vmem>>
        tpu.wait_dma2 semaphore(%run_scoped3A_90 : memref<!tpu.dma_semaphore, #tpu.memory_space<semaphore_mem>>) src(%dma_wait3A_113 : memref<128x128xf32, #tpu.memory_space<vmem>>) dst(%dma_wait3A_109 : memref<128x128xf32, #tpu.memory_space<vmem_shared>>)
        tpu.yield
      }) : () -> ()
      %mul3A_80 = arith.constant 640 : i32
      %mul3A_81 = arith.muli %arg1, %mul3A_80 : i32
      %add3A_82 = arith.constant 384 : i32
      %add3A_83 = arith.addi %mul3A_81, %add3A_82 : i32
      %run_scoped3A_84 = arith.constant 0 : i32
      "tpu.region"() ({
        %run_scoped3A_90 = tpu.sem_alloc : memref<!tpu.dma_semaphore, #tpu.memory_space<semaphore_mem>>
        %dma_start3A_91 = arith.constant 0 : i32
        %dma_start3A_92 = arith.constant 0 : i32
        %dma_start3A_93 = tpu.memref_slice %arg7[%run_scoped3A_84, %dma_start3A_91, %dma_start3A_92] : memref<2x128x128xf32, #tpu.memory_space<vmem>> -> memref<1x128x128xf32, #tpu.memory_space<vmem>>
        %dma_start3A_94 = tpu.memref_squeeze %dma_start3A_93 : memref<1x128x128xf32, #tpu.memory_space<vmem>> -> memref<128x128xf32, #tpu.memory_space<vmem>>
        %dma_start3A_95 = arith.constant 0 : i32
        %dma_start3A_96 = tpu.memref_slice %arg8[%add3A_83, %dma_start3A_95] : memref<10240x128xf32, #tpu.memory_space<vmem_shared>> -> memref<128x128xf32, #tpu.memory_space<vmem_shared>>
        %dma_start3A_97 = arith.constant 0 : i32
        %dma_start3A_98 = tpu.memref_slice %arg8[%add3A_83, %dma_start3A_97] : memref<10240x128xf32, #tpu.memory_space<vmem_shared>> -> memref<128x128xf32, #tpu.memory_space<vmem_shared>>
        %dma_start3A_99 = arith.constant 0 : i32
        %dma_start3A_100 = arith.constant 0 : i32
        %dma_start3A_101 = tpu.memref_slice %arg7[%run_scoped3A_84, %dma_start3A_99, %dma_start3A_100] : memref<2x128x128xf32, #tpu.memory_space<vmem>> -> memref<1x128x128xf32, #tpu.memory_space<vmem>>
        %dma_start3A_102 = tpu.memref_squeeze %dma_start3A_101 : memref<1x128x128xf32, #tpu.memory_space<vmem>> -> memref<128x128xf32, #tpu.memory_space<vmem>>
        tpu.enqueue_dma source(%dma_start3A_102 : memref<128x128xf32, #tpu.memory_space<vmem>>) target(%dma_start3A_98 : memref<128x128xf32, #tpu.memory_space<vmem_shared>>) target_semaphore(%run_scoped3A_90 : memref<!tpu.dma_semaphore, #tpu.memory_space<semaphore_mem>>)
        %dma_wait3A = arith.constant 0 : i32
        %dma_wait3A_103 = arith.constant 0 : i32
        %dma_wait3A_104 = tpu.memref_slice %arg7[%run_scoped3A_84, %dma_wait3A, %dma_wait3A_103] : memref<2x128x128xf32, #tpu.memory_space<vmem>> -> memref<1x128x128xf32, #tpu.memory_space<vmem>>
        %dma_wait3A_105 = tpu.memref_squeeze %dma_wait3A_104 : memref<1x128x128xf32, #tpu.memory_space<vmem>> -> memref<128x128xf32, #tpu.memory_space<vmem>>
        %dma_wait3A_106 = arith.constant 0 : i32
        %dma_wait3A_107 = tpu.memref_slice %arg8[%add3A_83, %dma_wait3A_106] : memref<10240x128xf32, #tpu.memory_space<vmem_shared>> -> memref<128x128xf32, #tpu.memory_space<vmem_shared>>
        %dma_wait3A_108 = arith.constant 0 : i32
        %dma_wait3A_109 = tpu.memref_slice %arg8[%add3A_83, %dma_wait3A_108] : memref<10240x128xf32, #tpu.memory_space<vmem_shared>> -> memref<128x128xf32, #tpu.memory_space<vmem_shared>>
        %dma_wait3A_110 = arith.constant 0 : i32
        %dma_wait3A_111 = arith.constant 0 : i32
        %dma_wait3A_112 = tpu.memref_slice %arg7[%run_scoped3A_84, %dma_wait3A_110, %dma_wait3A_111] : memref<2x128x128xf32, #tpu.memory_space<vmem>> -> memref<1x128x128xf32, #tpu.memory_space<vmem>>
        %dma_wait3A_113 = tpu.memref_squeeze %dma_wait3A_112 : memref<1x128x128xf32, #tpu.memory_space<vmem>> -> memref<128x128xf32, #tpu.memory_space<vmem>>
        tpu.wait_dma2 semaphore(%run_scoped3A_90 : memref<!tpu.dma_semaphore, #tpu.memory_space<semaphore_mem>>) src(%dma_wait3A_113 : memref<128x128xf32, #tpu.memory_space<vmem>>) dst(%dma_wait3A_109 : memref<128x128xf32, #tpu.memory_space<vmem_shared>>)
        tpu.yield
      }) : () -> ()
      %mul3A_85 = arith.constant 640 : i32
      %mul3A_86 = arith.muli %arg1, %mul3A_85 : i32
      %add3A_87 = arith.constant 512 : i32
      %add3A_88 = arith.addi %mul3A_86, %add3A_87 : i32
      %run_scoped3A_89 = arith.constant 0 : i32
      "tpu.region"() ({
        %run_scoped3A_90 = tpu.sem_alloc : memref<!tpu.dma_semaphore, #tpu.memory_space<semaphore_mem>>
        %dma_start3A_91 = arith.constant 0 : i32
        %dma_start3A_92 = arith.constant 0 : i32
        %dma_start3A_93 = tpu.memref_slice %arg7[%run_scoped3A_89, %dma_start3A_91, %dma_start3A_92] : memref<2x128x128xf32, #tpu.memory_space<vmem>> -> memref<1x128x128xf32, #tpu.memory_space<vmem>>
        %dma_start3A_94 = tpu.memref_squeeze %dma_start3A_93 : memref<1x128x128xf32, #tpu.memory_space<vmem>> -> memref<128x128xf32, #tpu.memory_space<vmem>>
        %dma_start3A_95 = arith.constant 0 : i32
        %dma_start3A_96 = tpu.memref_slice %arg8[%add3A_88, %dma_start3A_95] : memref<10240x128xf32, #tpu.memory_space<vmem_shared>> -> memref<128x128xf32, #tpu.memory_space<vmem_shared>>
        %dma_start3A_97 = arith.constant 0 : i32
        %dma_start3A_98 = tpu.memref_slice %arg8[%add3A_88, %dma_start3A_97] : memref<10240x128xf32, #tpu.memory_space<vmem_shared>> -> memref<128x128xf32, #tpu.memory_space<vmem_shared>>
        %dma_start3A_99 = arith.constant 0 : i32
        %dma_start3A_100 = arith.constant 0 : i32
        %dma_start3A_101 = tpu.memref_slice %arg7[%run_scoped3A_89, %dma_start3A_99, %dma_start3A_100] : memref<2x128x128xf32, #tpu.memory_space<vmem>> -> memref<1x128x128xf32, #tpu.memory_space<vmem>>
        %dma_start3A_102 = tpu.memref_squeeze %dma_start3A_101 : memref<1x128x128xf32, #tpu.memory_space<vmem>> -> memref<128x128xf32, #tpu.memory_space<vmem>>
        tpu.enqueue_dma source(%dma_start3A_102 : memref<128x128xf32, #tpu.memory_space<vmem>>) target(%dma_start3A_98 : memref<128x128xf32, #tpu.memory_space<vmem_shared>>) target_semaphore(%run_scoped3A_90 : memref<!tpu.dma_semaphore, #tpu.memory_space<semaphore_mem>>)
        %dma_wait3A = arith.constant 0 : i32
        %dma_wait3A_103 = arith.constant 0 : i32
        %dma_wait3A_104 = tpu.memref_slice %arg7[%run_scoped3A_89, %dma_wait3A, %dma_wait3A_103] : memref<2x128x128xf32, #tpu.memory_space<vmem>> -> memref<1x128x128xf32, #tpu.memory_space<vmem>>
        %dma_wait3A_105 = tpu.memref_squeeze %dma_wait3A_104 : memref<1x128x128xf32, #tpu.memory_space<vmem>> -> memref<128x128xf32, #tpu.memory_space<vmem>>
        %dma_wait3A_106 = arith.constant 0 : i32
        %dma_wait3A_107 = tpu.memref_slice %arg8[%add3A_88, %dma_wait3A_106] : memref<10240x128xf32, #tpu.memory_space<vmem_shared>> -> memref<128x128xf32, #tpu.memory_space<vmem_shared>>
        %dma_wait3A_108 = arith.constant 0 : i32
        %dma_wait3A_109 = tpu.memref_slice %arg8[%add3A_88, %dma_wait3A_108] : memref<10240x128xf32, #tpu.memory_space<vmem_shared>> -> memref<128x128xf32, #tpu.memory_space<vmem_shared>>
        %dma_wait3A_110 = arith.constant 0 : i32
        %dma_wait3A_111 = arith.constant 0 : i32
        %dma_wait3A_112 = tpu.memref_slice %arg7[%run_scoped3A_89, %dma_wait3A_110, %dma_wait3A_111] : memref<2x128x128xf32, #tpu.memory_space<vmem>> -> memref<1x128x128xf32, #tpu.memory_space<vmem>>
        %dma_wait3A_113 = tpu.memref_squeeze %dma_wait3A_112 : memref<1x128x128xf32, #tpu.memory_space<vmem>> -> memref<128x128xf32, #tpu.memory_space<vmem>>
        tpu.wait_dma2 semaphore(%run_scoped3A_90 : memref<!tpu.dma_semaphore, #tpu.memory_space<semaphore_mem>>) src(%dma_wait3A_113 : memref<128x128xf32, #tpu.memory_space<vmem>>) dst(%dma_wait3A_109 : memref<128x128xf32, #tpu.memory_space<vmem_shared>>)
        tpu.yield
      }) : () -> ()
    } else {
    }
    %barrier3A = arith.constant 0 : index
    tpu.barrier barrier_id(%barrier3A)
    %dma_start3A = arith.constant 0 : i32
    %dma_start3A_14 = arith.constant 0 : i32
    %dma_start3A_15 = arith.constant 0 : i32
    %dma_start3A_16 = arith.constant 0 : i32
    %dma_start3A_17 = arith.constant 0 : i32
    %dma_start3A_18 = tpu.memref_slice %arg7[%dma_start3A_15, %dma_start3A_16, %dma_start3A_17] : memref<2x128x128xf32, #tpu.memory_space<vmem>> -> memref<1x64x128xf32, #tpu.memory_space<vmem>>
    %dma_start3A_19 = tpu.memref_squeeze %dma_start3A_18 : memref<1x64x128xf32, #tpu.memory_space<vmem>> -> memref<64x128xf32, #tpu.memory_space<vmem>>
    %dma_start3A_20 = arith.constant 0 : i32
    %dma_start3A_21 = tpu.memref_slice %arg5[%dma_start3A, %dma_start3A_14, %dma_start3A_20] : memref<2x16x128xi32, #tpu.memory_space<vmem>> -> memref<1x1x64xi32, #tpu.memory_space<vmem>>
    %dma_start3A_22 = tpu.memref_squeeze %dma_start3A_21 : memref<1x1x64xi32, #tpu.memory_space<vmem>> -> memref<64xi32, #tpu.memory_space<vmem>>
    %dma_start3A_23 = arith.constant 0 : i32
    %dma_start3A_24 = arith.constant 0 : i32
    %dma_start3A_25 = tpu.memref_slice %arg2[%dma_start3A_23, %dma_start3A_24] : memref<10240x128xf32, #tpu.memory_space<hbm>> -> memref<10240x128xf32, #tpu.memory_space<hbm>>
    tpu.enqueue_indirect_dma source(%dma_start3A_25 : memref<10240x128xf32, #tpu.memory_space<hbm>>) target(%dma_start3A_19 : memref<64x128xf32, #tpu.memory_space<vmem>>) offsets(%dma_start3A_22 : memref<64xi32, #tpu.memory_space<vmem>>) semaphore(%arg9 : memref<!tpu.dma_semaphore, #tpu.memory_space<semaphore_mem>>)
    %dma_start3A_26 = arith.constant 0 : i32
    %dma_start3A_27 = arith.constant 0 : i32
    %dma_start3A_28 = arith.constant 0 : i32
    %dma_start3A_29 = arith.constant 64 : i32
    %dma_start3A_30 = arith.constant 0 : i32
    %dma_start3A_31 = tpu.memref_slice %arg7[%dma_start3A_28, %dma_start3A_29, %dma_start3A_30] : memref<2x128x128xf32, #tpu.memory_space<vmem>> -> memref<1x64x128xf32, #tpu.memory_space<vmem>>
    %dma_start3A_32 = tpu.memref_squeeze %dma_start3A_31 : memref<1x64x128xf32, #tpu.memory_space<vmem>> -> memref<64x128xf32, #tpu.memory_space<vmem>>
    %dma_start3A_33 = arith.constant 64 : i32
    %dma_start3A_34 = tpu.memref_slice %arg5[%dma_start3A_26, %dma_start3A_27, %dma_start3A_33] : memref<2x16x128xi32, #tpu.memory_space<vmem>> -> memref<1x1x64xi32, #tpu.memory_space<vmem>>
    %dma_start3A_35 = tpu.memref_squeeze %dma_start3A_34 : memref<1x1x64xi32, #tpu.memory_space<vmem>> -> memref<64xi32, #tpu.memory_space<vmem>>
    %dma_start3A_36 = arith.constant 0 : i32
    %dma_start3A_37 = arith.constant 0 : i32
    %dma_start3A_38 = tpu.memref_slice %arg2[%dma_start3A_36, %dma_start3A_37] : memref<10240x128xf32, #tpu.memory_space<hbm>> -> memref<10240x128xf32, #tpu.memory_space<hbm>>
    tpu.enqueue_indirect_dma source(%dma_start3A_38 : memref<10240x128xf32, #tpu.memory_space<hbm>>) target(%dma_start3A_32 : memref<64x128xf32, #tpu.memory_space<vmem>>) offsets(%dma_start3A_35 : memref<64xi32, #tpu.memory_space<vmem>>) semaphore(%arg9 : memref<!tpu.dma_semaphore, #tpu.memory_space<semaphore_mem>>)
    %dma_start3A_39 = arith.constant 0 : i32
    %dma_start3A_40 = arith.constant 1 : i32
    %dma_start3A_41 = arith.constant 1 : i32
    %dma_start3A_42 = arith.constant 0 : i32
    %dma_start3A_43 = arith.constant 0 : i32
    %dma_start3A_44 = tpu.memref_slice %arg7[%dma_start3A_41, %dma_start3A_42, %dma_start3A_43] : memref<2x128x128xf32, #tpu.memory_space<vmem>> -> memref<1x64x128xf32, #tpu.memory_space<vmem>>
    %dma_start3A_45 = tpu.memref_squeeze %dma_start3A_44 : memref<1x64x128xf32, #tpu.memory_space<vmem>> -> memref<64x128xf32, #tpu.memory_space<vmem>>
    %dma_start3A_46 = arith.constant 0 : i32
    %dma_start3A_47 = tpu.memref_slice %arg5[%dma_start3A_39, %dma_start3A_40, %dma_start3A_46] : memref<2x16x128xi32, #tpu.memory_space<vmem>> -> memref<1x1x64xi32, #tpu.memory_space<vmem>>
    %dma_start3A_48 = tpu.memref_squeeze %dma_start3A_47 : memref<1x1x64xi32, #tpu.memory_space<vmem>> -> memref<64xi32, #tpu.memory_space<vmem>>
    %dma_start3A_49 = arith.constant 0 : i32
    %dma_start3A_50 = arith.constant 0 : i32
    %dma_start3A_51 = tpu.memref_slice %arg2[%dma_start3A_49, %dma_start3A_50] : memref<10240x128xf32, #tpu.memory_space<hbm>> -> memref<10240x128xf32, #tpu.memory_space<hbm>>
    tpu.enqueue_indirect_dma source(%dma_start3A_51 : memref<10240x128xf32, #tpu.memory_space<hbm>>) target(%dma_start3A_45 : memref<64x128xf32, #tpu.memory_space<vmem>>) offsets(%dma_start3A_48 : memref<64xi32, #tpu.memory_space<vmem>>) semaphore(%arg9 : memref<!tpu.dma_semaphore, #tpu.memory_space<semaphore_mem>>)
    %scan3A = arith.constant 0 : i32
    %scan3A_52 = arith.constant 0 : i32
    %scan3A_53 = arith.constant 5 : i32
    %scan3A_54 = arith.addi %scan3A_52, %scan3A_53 : i32
    %scan3A_55 = arith.constant 1 : i32
    scf.for %scan3A_58 = %scan3A_52 to %scan3A_54 step %scan3A_55  : i32 {
      %rem3A = arith.constant 2 : i32
      %rem3A_59 = arith.remsi %scan3A_58, %rem3A : i32
      %sub3A = arith.constant 1 : i32
      %sub3A_60 = arith.subi %sub3A, %rem3A_59 : i32
      %add3A_61 = arith.constant 1 : i32
      %add3A_62 = arith.addi %scan3A_58, %add3A_61 : i32
      %lt3A = arith.constant 5 : i32
      %lt3A_63 = arith.cmpi slt, %add3A_62, %lt3A : i32
      %convert_element_type3A_64 = arith.extui %lt3A_63 : i1 to i32
      %cond3A_65 = arith.constant 0 : i32
      %cond3A_66 = arith.cmpi ne, %convert_element_type3A_64, %cond3A_65 : i32
      scf.if %cond3A_66 {
        %add3A_899 = arith.constant 1 : i32
        %add3A_900 = arith.addi %scan3A_58, %add3A_899 : i32
        %mul3A_901 = arith.constant 16 : i32
        %mul3A_902 = arith.muli %add3A_900, %mul3A_901 : i32
        %add3A_903 = arith.addi %mul3A_2, %mul3A_902 : i32
        %dma_start3A_904 = arith.constant 0 : i32
        %dma_start3A_905 = arith.constant 0 : i32
        %dma_start3A_906 = arith.constant 0 : i32
        %dma_start3A_907 = tpu.memref_slice %arg5[%sub3A_60, %dma_start3A_905, %dma_start3A_906] : memref<2x16x128xi32, #tpu.memory_space<vmem>> -> memref<1x16x128xi32, #tpu.memory_space<vmem>>
        %dma_start3A_908 = tpu.memref_squeeze %dma_start3A_907 : memref<1x16x128xi32, #tpu.memory_space<vmem>> -> memref<16x128xi32, #tpu.memory_space<vmem>>
        %dma_start3A_909 = arith.constant 0 : i32
        %dma_start3A_910 = tpu.memref_slice %arg3[%dma_start3A_904, %add3A_903, %dma_start3A_909] : memref<2x2560x128xi32, #tpu.memory_space<hbm>> -> memref<1x16x128xi32, #tpu.memory_space<hbm>>
        %dma_start3A_911 = tpu.memref_squeeze %dma_start3A_910 : memref<1x16x128xi32, #tpu.memory_space<hbm>> -> memref<16x128xi32, #tpu.memory_space<hbm>>
        %dma_start3A_912 = arith.constant 0 : i32
        %dma_start3A_913 = arith.constant 0 : i32
        %dma_start3A_914 = tpu.memref_slice %arg5[%sub3A_60, %dma_start3A_912, %dma_start3A_913] : memref<2x16x128xi32, #tpu.memory_space<vmem>> -> memref<1x16x128xi32, #tpu.memory_space<vmem>>
        %dma_start3A_915 = tpu.memref_squeeze %dma_start3A_914 : memref<1x16x128xi32, #tpu.memory_space<vmem>> -> memref<16x128xi32, #tpu.memory_space<vmem>>
        %dma_start3A_916 = arith.constant 0 : i32
        %dma_start3A_917 = tpu.memref_slice %arg3[%dma_start3A_904, %add3A_903, %dma_start3A_916] : memref<2x2560x128xi32, #tpu.memory_space<hbm>> -> memref<1x16x128xi32, #tpu.memory_space<hbm>>
        %dma_start3A_918 = tpu.memref_squeeze %dma_start3A_917 : memref<1x16x128xi32, #tpu.memory_space<hbm>> -> memref<16x128xi32, #tpu.memory_space<hbm>>
        tpu.enqueue_dma source(%dma_start3A_918 : memref<16x128xi32, #tpu.memory_space<hbm>>) target(%dma_start3A_915 : memref<16x128xi32, #tpu.memory_space<vmem>>) target_semaphore(%arg10 : memref<!tpu.dma_semaphore, #tpu.memory_space<semaphore_mem>>)
      } else {
      }
      %dma_wait3A = arith.constant 0 : i32
      %dma_wait3A_67 = arith.constant 0 : i32
      %dma_wait3A_68 = arith.constant 0 : i32
      %dma_wait3A_69 = arith.constant 0 : i32
      %dma_wait3A_70 = tpu.memref_slice %arg7[%dma_wait3A_67, %dma_wait3A_68, %dma_wait3A_69] : memref<2x128x128xf32, #tpu.memory_space<vmem>> -> memref<1x64x128xf32, #tpu.memory_space<vmem>>
      %dma_wait3A_71 = tpu.memref_squeeze %dma_wait3A_70 : memref<1x64x128xf32, #tpu.memory_space<vmem>> -> memref<64x128xf32, #tpu.memory_space<vmem>>
      %dma_wait3A_72 = arith.constant 0 : i32
      %dma_wait3A_73 = tpu.memref_slice %arg5[%rem3A_59, %dma_wait3A, %dma_wait3A_72] : memref<2x16x128xi32, #tpu.memory_space<vmem>> -> memref<1x1x64xi32, #tpu.memory_space<vmem>>
      %dma_wait3A_74 = tpu.memref_squeeze %dma_wait3A_73 : memref<1x1x64xi32, #tpu.memory_space<vmem>> -> memref<64xi32, #tpu.memory_space<vmem>>
      %dma_wait3A_75 = arith.constant 0 : i32
      %dma_wait3A_76 = arith.constant 0 : i32
      %dma_wait3A_77 = tpu.memref_slice %arg2[%dma_wait3A_75, %dma_wait3A_76] : memref<10240x128xf32, #tpu.memory_space<hbm>> -> memref<10240x128xf32, #tpu.memory_space<hbm>>
      tpu.wait_indirect_dma semaphore(%arg9 : memref<!tpu.dma_semaphore, #tpu.memory_space<semaphore_mem>>) src(%dma_wait3A_77 : memref<10240x128xf32, #tpu.memory_space<hbm>>) dst(%dma_wait3A_71 : memref<64x128xf32, #tpu.memory_space<vmem>>)
      %dma_wait3A_78 = arith.constant 0 : i32
      %dma_wait3A_79 = arith.constant 0 : i32
      %dma_wait3A_80 = arith.constant 64 : i32
      %dma_wait3A_81 = arith.constant 0 : i32
      %dma_wait3A_82 = tpu.memref_slice %arg7[%dma_wait3A_79, %dma_wait3A_80, %dma_wait3A_81] : memref<2x128x128xf32, #tpu.memory_space<vmem>> -> memref<1x64x128xf32, #tpu.memory_space<vmem>>
      %dma_wait3A_83 = tpu.memref_squeeze %dma_wait3A_82 : memref<1x64x128xf32, #tpu.memory_space<vmem>> -> memref<64x128xf32, #tpu.memory_space<vmem>>
      %dma_wait3A_84 = arith.constant 64 : i32
      %dma_wait3A_85 = tpu.memref_slice %arg5[%rem3A_59, %dma_wait3A_78, %dma_wait3A_84] : memref<2x16x128xi32, #tpu.memory_space<vmem>> -> memref<1x1x64xi32, #tpu.memory_space<vmem>>
      %dma_wait3A_86 = tpu.memref_squeeze %dma_wait3A_85 : memref<1x1x64xi32, #tpu.memory_space<vmem>> -> memref<64xi32, #tpu.memory_space<vmem>>
      %dma_wait3A_87 = arith.constant 0 : i32
      %dma_wait3A_88 = arith.constant 0 : i32
      %dma_wait3A_89 = tpu.memref_slice %arg2[%dma_wait3A_87, %dma_wait3A_88] : memref<10240x128xf32, #tpu.memory_space<hbm>> -> memref<10240x128xf32, #tpu.memory_space<hbm>>
      tpu.wait_indirect_dma semaphore(%arg9 : memref<!tpu.dma_semaphore, #tpu.memory_space<semaphore_mem>>) src(%dma_wait3A_89 : memref<10240x128xf32, #tpu.memory_space<hbm>>) dst(%dma_wait3A_83 : memref<64x128xf32, #tpu.memory_space<vmem>>)
      %dma_start3A_90 = arith.constant 1 : i32
      %dma_start3A_91 = arith.constant 1 : i32
      %dma_start3A_92 = arith.constant 64 : i32
      %dma_start3A_93 = arith.constant 0 : i32
      %dma_start3A_94 = tpu.memref_slice %arg7[%dma_start3A_91, %dma_start3A_92, %dma_start3A_93] : memref<2x128x128xf32, #tpu.memory_space<vmem>> -> memref<1x64x128xf32, #tpu.memory_space<vmem>>
      %dma_start3A_95 = tpu.memref_squeeze %dma_start3A_94 : memref<1x64x128xf32, #tpu.memory_space<vmem>> -> memref<64x128xf32, #tpu.memory_space<vmem>>
      %dma_start3A_96 = arith.constant 64 : i32
      %dma_start3A_97 = tpu.memref_slice %arg5[%rem3A_59, %dma_start3A_90, %dma_start3A_96] : memref<2x16x128xi32, #tpu.memory_space<vmem>> -> memref<1x1x64xi32, #tpu.memory_space<vmem>>
      %dma_start3A_98 = tpu.memref_squeeze %dma_start3A_97 : memref<1x1x64xi32, #tpu.memory_space<vmem>> -> memref<64xi32, #tpu.memory_space<vmem>>
      %dma_start3A_99 = arith.constant 0 : i32
      %dma_start3A_100 = arith.constant 0 : i32
      %dma_start3A_101 = tpu.memref_slice %arg2[%dma_start3A_99, %dma_start3A_100] : memref<10240x128xf32, #tpu.memory_space<hbm>> -> memref<10240x128xf32, #tpu.memory_space<hbm>>
      tpu.enqueue_indirect_dma source(%dma_start3A_101 : memref<10240x128xf32, #tpu.memory_space<hbm>>) target(%dma_start3A_95 : memref<64x128xf32, #tpu.memory_space<vmem>>) offsets(%dma_start3A_98 : memref<64xi32, #tpu.memory_space<vmem>>) semaphore(%arg9 : memref<!tpu.dma_semaphore, #tpu.memory_space<semaphore_mem>>)
      %mul3A_102 = arith.constant 16 : i32
      %mul3A_103 = arith.muli %scan3A_58, %mul3A_102 : i32
      %add3A_104 = arith.constant 0 : i32
      %add3A_105 = arith.addi %mul3A_103, %add3A_104 : i32
      %run_scoped3A_106 = arith.constant 0 : i32
      "tpu.region"() ({
        %run_scoped3A_899 = tpu.sem_alloc : memref<!tpu.dma_semaphore, #tpu.memory_space<semaphore_mem>>
        %dma_start3A_900 = arith.constant 0 : i32
        %dma_start3A_901 = arith.constant 0 : i32
        %dma_start3A_902 = tpu.memref_slice %arg7[%run_scoped3A_106, %dma_start3A_900, %dma_start3A_901] : memref<2x128x128xf32, #tpu.memory_space<vmem>> -> memref<1x128x128xf32, #tpu.memory_space<vmem>>
        %dma_start3A_903 = tpu.memref_squeeze %dma_start3A_902 : memref<1x128x128xf32, #tpu.memory_space<vmem>> -> memref<128x128xf32, #tpu.memory_space<vmem>>
        %dma_start3A_904 = arith.constant 0 : i32
        %dma_start3A_905 = tpu.memref_slice %arg6[%add3A_105, %dma_start3A_904] : memref<80x128xi32, #tpu.memory_space<vmem>> -> memref<1x128xi32, #tpu.memory_space<vmem>>
        %dma_start3A_906 = tpu.memref_squeeze %dma_start3A_905 : memref<1x128xi32, #tpu.memory_space<vmem>> -> memref<128xi32, #tpu.memory_space<vmem>>
        %dma_start3A_907 = arith.constant 0 : i32
        %dma_start3A_908 = arith.constant 0 : i32
        %dma_start3A_909 = tpu.memref_slice %arg8[%dma_start3A_907, %dma_start3A_908] : memref<10240x128xf32, #tpu.memory_space<vmem_shared>> -> memref<10240x128xf32, #tpu.memory_space<vmem_shared>>
        tpu.enqueue_indirect_dma source(%dma_start3A_903 : memref<128x128xf32, #tpu.memory_space<vmem>>) target(%dma_start3A_909 : memref<10240x128xf32, #tpu.memory_space<vmem_shared>>) offsets(%dma_start3A_906 : memref<128xi32, #tpu.memory_space<vmem>>) semaphore(%run_scoped3A_899 : memref<!tpu.dma_semaphore, #tpu.memory_space<semaphore_mem>>) {add = true}
        %dma_wait3A_910 = arith.constant 0 : i32
        %dma_wait3A_911 = arith.constant 0 : i32
        %dma_wait3A_912 = tpu.memref_slice %arg7[%run_scoped3A_106, %dma_wait3A_910, %dma_wait3A_911] : memref<2x128x128xf32, #tpu.memory_space<vmem>> -> memref<1x128x128xf32, #tpu.memory_space<vmem>>
        %dma_wait3A_913 = tpu.memref_squeeze %dma_wait3A_912 : memref<1x128x128xf32, #tpu.memory_space<vmem>> -> memref<128x128xf32, #tpu.memory_space<vmem>>
        %dma_wait3A_914 = arith.constant 0 : i32
        %dma_wait3A_915 = tpu.memref_slice %arg6[%add3A_105, %dma_wait3A_914] : memref<80x128xi32, #tpu.memory_space<vmem>> -> memref<1x128xi32, #tpu.memory_space<vmem>>
        %dma_wait3A_916 = tpu.memref_squeeze %dma_wait3A_915 : memref<1x128xi32, #tpu.memory_space<vmem>> -> memref<128xi32, #tpu.memory_space<vmem>>
        %dma_wait3A_917 = arith.constant 0 : i32
        %dma_wait3A_918 = arith.constant 0 : i32
        %dma_wait3A_919 = tpu.memref_slice %arg8[%dma_wait3A_917, %dma_wait3A_918] : memref<10240x128xf32, #tpu.memory_space<vmem_shared>> -> memref<10240x128xf32, #tpu.memory_space<vmem_shared>>
        tpu.wait_indirect_dma semaphore(%run_scoped3A_899 : memref<!tpu.dma_semaphore, #tpu.memory_space<semaphore_mem>>) src(%dma_wait3A_913 : memref<128x128xf32, #tpu.memory_space<vmem>>) dst(%dma_wait3A_919 : memref<10240x128xf32, #tpu.memory_space<vmem_shared>>)
        tpu.yield
      }) : () -> ()
      %dma_start3A_107 = arith.constant 2 : i32
      %dma_start3A_108 = arith.constant 0 : i32
      %dma_start3A_109 = arith.constant 0 : i32
      %dma_start3A_110 = arith.constant 0 : i32
      %dma_start3A_111 = tpu.memref_slice %arg7[%dma_start3A_108, %dma_start3A_109, %dma_start3A_110] : memref<2x128x128xf32, #tpu.memory_space<vmem>> -> memref<1x64x128xf32, #tpu.memory_space<vmem>>
      %dma_start3A_112 = tpu.memref_squeeze %dma_start3A_111 : memref<1x64x128xf32, #tpu.memory_space<vmem>> -> memref<64x128xf32, #tpu.memory_space<vmem>>
      %dma_start3A_113 = arith.constant 0 : i32
      %dma_start3A_114 = tpu.memref_slice %arg5[%rem3A_59, %dma_start3A_107, %dma_start3A_113] : memref<2x16x128xi32, #tpu.memory_space<vmem>> -> memref<1x1x64xi32, #tpu.memory_space<vmem>>
      %dma_start3A_115 = tpu.memref_squeeze %dma_start3A_114 : memref<1x1x64xi32, #tpu.memory_space<vmem>> -> memref<64xi32, #tpu.memory_space<vmem>>
      %dma_start3A_116 = arith.constant 0 : i32
      %dma_start3A_117 = arith.constant 0 : i32
      %dma_start3A_118 = tpu.memref_slice %arg2[%dma_start3A_116, %dma_start3A_117] : memref<10240x128xf32, #tpu.memory_space<hbm>> -> memref<10240x128xf32, #tpu.memory_space<hbm>>
      tpu.enqueue_indirect_dma source(%dma_start3A_118 : memref<10240x128xf32, #tpu.memory_space<hbm>>) target(%dma_start3A_112 : memref<64x128xf32, #tpu.memory_space<vmem>>) offsets(%dma_start3A_115 : memref<64xi32, #tpu.memory_space<vmem>>) semaphore(%arg9 : memref<!tpu.dma_semaphore, #tpu.memory_space<semaphore_mem>>)
      %dma_wait3A_119 = arith.constant 1 : i32
      %dma_wait3A_120 = arith.constant 1 : i32
      %dma_wait3A_121 = arith.constant 0 : i32
      %dma_wait3A_122 = arith.constant 0 : i32
      %dma_wait3A_123 = tpu.memref_slice %arg7[%dma_wait3A_120, %dma_wait3A_121, %dma_wait3A_122] : memref<2x128x128xf32, #tpu.memory_space<vmem>> -> memref<1x64x128xf32, #tpu.memory_space<vmem>>
      %dma_wait3A_124 = tpu.memref_squeeze %dma_wait3A_123 : memref<1x64x128xf32, #tpu.memory_space<vmem>> -> memref<64x128xf32, #tpu.memory_space<vmem>>
      %dma_wait3A_125 = arith.constant 0 : i32
      %dma_wait3A_126 = tpu.memref_slice %arg5[%rem3A_59, %dma_wait3A_119, %dma_wait3A_125] : memref<2x16x128xi32, #tpu.memory_space<vmem>> -> memref<1x1x64xi32, #tpu.memory_space<vmem>>
      %dma_wait3A_127 = tpu.memref_squeeze %dma_wait3A_126 : memref<1x1x64xi32, #tpu.memory_space<vmem>> -> memref<64xi32, #tpu.memory_space<vmem>>
      %dma_wait3A_128 = arith.constant 0 : i32
      %dma_wait3A_129 = arith.constant 0 : i32
      %dma_wait3A_130 = tpu.memref_slice %arg2[%dma_wait3A_128, %dma_wait3A_129] : memref<10240x128xf32, #tpu.memory_space<hbm>> -> memref<10240x128xf32, #tpu.memory_space<hbm>>
      tpu.wait_indirect_dma semaphore(%arg9 : memref<!tpu.dma_semaphore, #tpu.memory_space<semaphore_mem>>) src(%dma_wait3A_130 : memref<10240x128xf32, #tpu.memory_space<hbm>>) dst(%dma_wait3A_124 : memref<64x128xf32, #tpu.memory_space<vmem>>)
      %dma_wait3A_131 = arith.constant 1 : i32
      %dma_wait3A_132 = arith.constant 1 : i32
      %dma_wait3A_133 = arith.constant 64 : i32
      %dma_wait3A_134 = arith.constant 0 : i32
      %dma_wait3A_135 = tpu.memref_slice %arg7[%dma_wait3A_132, %dma_wait3A_133, %dma_wait3A_134] : memref<2x128x128xf32, #tpu.memory_space<vmem>> -> memref<1x64x128xf32, #tpu.memory_space<vmem>>
      %dma_wait3A_136 = tpu.memref_squeeze %dma_wait3A_135 : memref<1x64x128xf32, #tpu.memory_space<vmem>> -> memref<64x128xf32, #tpu.memory_space<vmem>>
      %dma_wait3A_137 = arith.constant 64 : i32
      %dma_wait3A_138 = tpu.memref_slice %arg5[%rem3A_59, %dma_wait3A_131, %dma_wait3A_137] : memref<2x16x128xi32, #tpu.memory_space<vmem>> -> memref<1x1x64xi32, #tpu.memory_space<vmem>>
      %dma_wait3A_139 = tpu.memref_squeeze %dma_wait3A_138 : memref<1x1x64xi32, #tpu.memory_space<vmem>> -> memref<64xi32, #tpu.memory_space<vmem>>
      %dma_wait3A_140 = arith.constant 0 : i32
      %dma_wait3A_141 = arith.constant 0 : i32
      %dma_wait3A_142 = tpu.memref_slice %arg2[%dma_wait3A_140, %dma_wait3A_141] : memref<10240x128xf32, #tpu.memory_space<hbm>> -> memref<10240x128xf32, #tpu.memory_space<hbm>>
      tpu.wait_indirect_dma semaphore(%arg9 : memref<!tpu.dma_semaphore, #tpu.memory_space<semaphore_mem>>) src(%dma_wait3A_142 : memref<10240x128xf32, #tpu.memory_space<hbm>>) dst(%dma_wait3A_136 : memref<64x128xf32, #tpu.memory_space<vmem>>)
      %dma_start3A_143 = arith.constant 2 : i32
      %dma_start3A_144 = arith.constant 0 : i32
      %dma_start3A_145 = arith.constant 64 : i32
      %dma_start3A_146 = arith.constant 0 : i32
      %dma_start3A_147 = tpu.memref_slice %arg7[%dma_start3A_144, %dma_start3A_145, %dma_start3A_146] : memref<2x128x128xf32, #tpu.memory_space<vmem>> -> memref<1x64x128xf32, #tpu.memory_space<vmem>>
      %dma_start3A_148 = tpu.memref_squeeze %dma_start3A_147 : memref<1x64x128xf32, #tpu.memory_space<vmem>> -> memref<64x128xf32, #tpu.memory_space<vmem>>
      %dma_start3A_149 = arith.constant 64 : i32
      %dma_start3A_150 = tpu.memref_slice %arg5[%rem3A_59, %dma_start3A_143, %dma_start3A_149] : memref<2x16x128xi32, #tpu.memory_space<vmem>> -> memref<1x1x64xi32, #tpu.memory_space<vmem>>
      %dma_start3A_151 = tpu.memref_squeeze %dma_start3A_150 : memref<1x1x64xi32, #tpu.memory_space<vmem>> -> memref<64xi32, #tpu.memory_space<vmem>>
      %dma_start3A_152 = arith.constant 0 : i32
      %dma_start3A_153 = arith.constant 0 : i32
      %dma_start3A_154 = tpu.memref_slice %arg2[%dma_start3A_152, %dma_start3A_153] : memref<10240x128xf32, #tpu.memory_space<hbm>> -> memref<10240x128xf32, #tpu.memory_space<hbm>>
      tpu.enqueue_indirect_dma source(%dma_start3A_154 : memref<10240x128xf32, #tpu.memory_space<hbm>>) target(%dma_start3A_148 : memref<64x128xf32, #tpu.memory_space<vmem>>) offsets(%dma_start3A_151 : memref<64xi32, #tpu.memory_space<vmem>>) semaphore(%arg9 : memref<!tpu.dma_semaphore, #tpu.memory_space<semaphore_mem>>)
      %mul3A_155 = arith.constant 16 : i32
      %mul3A_156 = arith.muli %scan3A_58, %mul3A_155 : i32
      %add3A_157 = arith.constant 1 : i32
      %add3A_158 = arith.addi %mul3A_156, %add3A_157 : i32
      %run_scoped3A_159 = arith.constant 1 : i32
      "tpu.region"() ({
        %run_scoped3A_899 = tpu.sem_alloc : memref<!tpu.dma_semaphore, #tpu.memory_space<semaphore_mem>>
        %dma_start3A_900 = arith.constant 0 : i32
        %dma_start3A_901 = arith.constant 0 : i32
        %dma_start3A_902 = tpu.memref_slice %arg7[%run_scoped3A_159, %dma_start3A_900, %dma_start3A_901] : memref<2x128x128xf32, #tpu.memory_space<vmem>> -> memref<1x128x128xf32, #tpu.memory_space<vmem>>
        %dma_start3A_903 = tpu.memref_squeeze %dma_start3A_902 : memref<1x128x128xf32, #tpu.memory_space<vmem>> -> memref<128x128xf32, #tpu.memory_space<vmem>>
        %dma_start3A_904 = arith.constant 0 : i32
        %dma_start3A_905 = tpu.memref_slice %arg6[%add3A_158, %dma_start3A_904] : memref<80x128xi32, #tpu.memory_space<vmem>> -> memref<1x128xi32, #tpu.memory_space<vmem>>
        %dma_start3A_906 = tpu.memref_squeeze %dma_start3A_905 : memref<1x128xi32, #tpu.memory_space<vmem>> -> memref<128xi32, #tpu.memory_space<vmem>>
        %dma_start3A_907 = arith.constant 0 : i32
        %dma_start3A_908 = arith.constant 0 : i32
        %dma_start3A_909 = tpu.memref_slice %arg8[%dma_start3A_907, %dma_start3A_908] : memref<10240x128xf32, #tpu.memory_space<vmem_shared>> -> memref<10240x128xf32, #tpu.memory_space<vmem_shared>>
        tpu.enqueue_indirect_dma source(%dma_start3A_903 : memref<128x128xf32, #tpu.memory_space<vmem>>) target(%dma_start3A_909 : memref<10240x128xf32, #tpu.memory_space<vmem_shared>>) offsets(%dma_start3A_906 : memref<128xi32, #tpu.memory_space<vmem>>) semaphore(%run_scoped3A_899 : memref<!tpu.dma_semaphore, #tpu.memory_space<semaphore_mem>>) {add = true}
        %dma_wait3A_910 = arith.constant 0 : i32
        %dma_wait3A_911 = arith.constant 0 : i32
        %dma_wait3A_912 = tpu.memref_slice %arg7[%run_scoped3A_159, %dma_wait3A_910, %dma_wait3A_911] : memref<2x128x128xf32, #tpu.memory_space<vmem>> -> memref<1x128x128xf32, #tpu.memory_space<vmem>>
        %dma_wait3A_913 = tpu.memref_squeeze %dma_wait3A_912 : memref<1x128x128xf32, #tpu.memory_space<vmem>> -> memref<128x128xf32, #tpu.memory_space<vmem>>
        %dma_wait3A_914 = arith.constant 0 : i32
        %dma_wait3A_915 = tpu.memref_slice %arg6[%add3A_158, %dma_wait3A_914] : memref<80x128xi32, #tpu.memory_space<vmem>> -> memref<1x128xi32, #tpu.memory_space<vmem>>
        %dma_wait3A_916 = tpu.memref_squeeze %dma_wait3A_915 : memref<1x128xi32, #tpu.memory_space<vmem>> -> memref<128xi32, #tpu.memory_space<vmem>>
        %dma_wait3A_917 = arith.constant 0 : i32
        %dma_wait3A_918 = arith.constant 0 : i32
        %dma_wait3A_919 = tpu.memref_slice %arg8[%dma_wait3A_917, %dma_wait3A_918] : memref<10240x128xf32, #tpu.memory_space<vmem_shared>> -> memref<10240x128xf32, #tpu.memory_space<vmem_shared>>
        tpu.wait_indirect_dma semaphore(%run_scoped3A_899 : memref<!tpu.dma_semaphore, #tpu.memory_space<semaphore_mem>>) src(%dma_wait3A_913 : memref<128x128xf32, #tpu.memory_space<vmem>>) dst(%dma_wait3A_919 : memref<10240x128xf32, #tpu.memory_space<vmem_shared>>)
        tpu.yield
      }) : () -> ()
      %dma_start3A_160 = arith.constant 3 : i32
      %dma_start3A_161 = arith.constant 1 : i32
      %dma_start3A_162 = arith.constant 0 : i32
      %dma_start3A_163 = arith.constant 0 : i32
      %dma_start3A_164 = tpu.memref_slice %arg7[%dma_start3A_161, %dma_start3A_162, %dma_start3A_163] : memref<2x128x128xf32, #tpu.memory_space<vmem>> -> memref<1x64x128xf32, #tpu.memory_space<vmem>>
      %dma_start3A_165 = tpu.memref_squeeze %dma_start3A_164 : memref<1x64x128xf32, #tpu.memory_space<vmem>> -> memref<64x128xf32, #tpu.memory_space<vmem>>
      %dma_start3A_166 = arith.constant 0 : i32
      %dma_start3A_167 = tpu.memref_slice %arg5[%rem3A_59, %dma_start3A_160, %dma_start3A_166] : memref<2x16x128xi32, #tpu.memory_space<vmem>> -> memref<1x1x64xi32, #tpu.memory_space<vmem>>
      %dma_start3A_168 = tpu.memref_squeeze %dma_start3A_167 : memref<1x1x64xi32, #tpu.memory_space<vmem>> -> memref<64xi32, #tpu.memory_space<vmem>>
      %dma_start3A_169 = arith.constant 0 : i32
      %dma_start3A_170 = arith.constant 0 : i32
      %dma_start3A_171 = tpu.memref_slice %arg2[%dma_start3A_169, %dma_start3A_170] : memref<10240x128xf32, #tpu.memory_space<hbm>> -> memref<10240x128xf32, #tpu.memory_space<hbm>>
      tpu.enqueue_indirect_dma source(%dma_start3A_171 : memref<10240x128xf32, #tpu.memory_space<hbm>>) target(%dma_start3A_165 : memref<64x128xf32, #tpu.memory_space<vmem>>) offsets(%dma_start3A_168 : memref<64xi32, #tpu.memory_space<vmem>>) semaphore(%arg9 : memref<!tpu.dma_semaphore, #tpu.memory_space<semaphore_mem>>)
      %dma_wait3A_172 = arith.constant 2 : i32
      %dma_wait3A_173 = arith.constant 0 : i32
      %dma_wait3A_174 = arith.constant 0 : i32
      %dma_wait3A_175 = arith.constant 0 : i32
      %dma_wait3A_176 = tpu.memref_slice %arg7[%dma_wait3A_173, %dma_wait3A_174, %dma_wait3A_175] : memref<2x128x128xf32, #tpu.memory_space<vmem>> -> memref<1x64x128xf32, #tpu.memory_space<vmem>>
      %dma_wait3A_177 = tpu.memref_squeeze %dma_wait3A_176 : memref<1x64x128xf32, #tpu.memory_space<vmem>> -> memref<64x128xf32, #tpu.memory_space<vmem>>
      %dma_wait3A_178 = arith.constant 0 : i32
      %dma_wait3A_179 = tpu.memref_slice %arg5[%rem3A_59, %dma_wait3A_172, %dma_wait3A_178] : memref<2x16x128xi32, #tpu.memory_space<vmem>> -> memref<1x1x64xi32, #tpu.memory_space<vmem>>
      %dma_wait3A_180 = tpu.memref_squeeze %dma_wait3A_179 : memref<1x1x64xi32, #tpu.memory_space<vmem>> -> memref<64xi32, #tpu.memory_space<vmem>>
      %dma_wait3A_181 = arith.constant 0 : i32
      %dma_wait3A_182 = arith.constant 0 : i32
      %dma_wait3A_183 = tpu.memref_slice %arg2[%dma_wait3A_181, %dma_wait3A_182] : memref<10240x128xf32, #tpu.memory_space<hbm>> -> memref<10240x128xf32, #tpu.memory_space<hbm>>
      tpu.wait_indirect_dma semaphore(%arg9 : memref<!tpu.dma_semaphore, #tpu.memory_space<semaphore_mem>>) src(%dma_wait3A_183 : memref<10240x128xf32, #tpu.memory_space<hbm>>) dst(%dma_wait3A_177 : memref<64x128xf32, #tpu.memory_space<vmem>>)
      %dma_wait3A_184 = arith.constant 2 : i32
      %dma_wait3A_185 = arith.constant 0 : i32
      %dma_wait3A_186 = arith.constant 64 : i32
      %dma_wait3A_187 = arith.constant 0 : i32
      %dma_wait3A_188 = tpu.memref_slice %arg7[%dma_wait3A_185, %dma_wait3A_186, %dma_wait3A_187] : memref<2x128x128xf32, #tpu.memory_space<vmem>> -> memref<1x64x128xf32, #tpu.memory_space<vmem>>
      %dma_wait3A_189 = tpu.memref_squeeze %dma_wait3A_188 : memref<1x64x128xf32, #tpu.memory_space<vmem>> -> memref<64x128xf32, #tpu.memory_space<vmem>>
      %dma_wait3A_190 = arith.constant 64 : i32
      %dma_wait3A_191 = tpu.memref_slice %arg5[%rem3A_59, %dma_wait3A_184, %dma_wait3A_190] : memref<2x16x128xi32, #tpu.memory_space<vmem>> -> memref<1x1x64xi32, #tpu.memory_space<vmem>>
      %dma_wait3A_192 = tpu.memref_squeeze %dma_wait3A_191 : memref<1x1x64xi32, #tpu.memory_space<vmem>> -> memref<64xi32, #tpu.memory_space<vmem>>
      %dma_wait3A_193 = arith.constant 0 : i32
      %dma_wait3A_194 = arith.constant 0 : i32
      %dma_wait3A_195 = tpu.memref_slice %arg2[%dma_wait3A_193, %dma_wait3A_194] : memref<10240x128xf32, #tpu.memory_space<hbm>> -> memref<10240x128xf32, #tpu.memory_space<hbm>>
      tpu.wait_indirect_dma semaphore(%arg9 : memref<!tpu.dma_semaphore, #tpu.memory_space<semaphore_mem>>) src(%dma_wait3A_195 : memref<10240x128xf32, #tpu.memory_space<hbm>>) dst(%dma_wait3A_189 : memref<64x128xf32, #tpu.memory_space<vmem>>)
      %dma_start3A_196 = arith.constant 3 : i32
      %dma_start3A_197 = arith.constant 1 : i32
      %dma_start3A_198 = arith.constant 64 : i32
      %dma_start3A_199 = arith.constant 0 : i32
      %dma_start3A_200 = tpu.memref_slice %arg7[%dma_start3A_197, %dma_start3A_198, %dma_start3A_199] : memref<2x128x128xf32, #tpu.memory_space<vmem>> -> memref<1x64x128xf32, #tpu.memory_space<vmem>>
      %dma_start3A_201 = tpu.memref_squeeze %dma_start3A_200 : memref<1x64x128xf32, #tpu.memory_space<vmem>> -> memref<64x128xf32, #tpu.memory_space<vmem>>
      %dma_start3A_202 = arith.constant 64 : i32
      %dma_start3A_203 = tpu.memref_slice %arg5[%rem3A_59, %dma_start3A_196, %dma_start3A_202] : memref<2x16x128xi32, #tpu.memory_space<vmem>> -> memref<1x1x64xi32, #tpu.memory_space<vmem>>
      %dma_start3A_204 = tpu.memref_squeeze %dma_start3A_203 : memref<1x1x64xi32, #tpu.memory_space<vmem>> -> memref<64xi32, #tpu.memory_space<vmem>>
      %dma_start3A_205 = arith.constant 0 : i32
      %dma_start3A_206 = arith.constant 0 : i32
      %dma_start3A_207 = tpu.memref_slice %arg2[%dma_start3A_205, %dma_start3A_206] : memref<10240x128xf32, #tpu.memory_space<hbm>> -> memref<10240x128xf32, #tpu.memory_space<hbm>>
      tpu.enqueue_indirect_dma source(%dma_start3A_207 : memref<10240x128xf32, #tpu.memory_space<hbm>>) target(%dma_start3A_201 : memref<64x128xf32, #tpu.memory_space<vmem>>) offsets(%dma_start3A_204 : memref<64xi32, #tpu.memory_space<vmem>>) semaphore(%arg9 : memref<!tpu.dma_semaphore, #tpu.memory_space<semaphore_mem>>)
      %mul3A_208 = arith.constant 16 : i32
      %mul3A_209 = arith.muli %scan3A_58, %mul3A_208 : i32
      %add3A_210 = arith.constant 2 : i32
      %add3A_211 = arith.addi %mul3A_209, %add3A_210 : i32
      %run_scoped3A_212 = arith.constant 0 : i32
      "tpu.region"() ({
        %run_scoped3A_899 = tpu.sem_alloc : memref<!tpu.dma_semaphore, #tpu.memory_space<semaphore_mem>>
        %dma_start3A_900 = arith.constant 0 : i32
        %dma_start3A_901 = arith.constant 0 : i32
        %dma_start3A_902 = tpu.memref_slice %arg7[%run_scoped3A_212, %dma_start3A_900, %dma_start3A_901] : memref<2x128x128xf32, #tpu.memory_space<vmem>> -> memref<1x128x128xf32, #tpu.memory_space<vmem>>
        %dma_start3A_903 = tpu.memref_squeeze %dma_start3A_902 : memref<1x128x128xf32, #tpu.memory_space<vmem>> -> memref<128x128xf32, #tpu.memory_space<vmem>>
        %dma_start3A_904 = arith.constant 0 : i32
        %dma_start3A_905 = tpu.memref_slice %arg6[%add3A_211, %dma_start3A_904] : memref<80x128xi32, #tpu.memory_space<vmem>> -> memref<1x128xi32, #tpu.memory_space<vmem>>
        %dma_start3A_906 = tpu.memref_squeeze %dma_start3A_905 : memref<1x128xi32, #tpu.memory_space<vmem>> -> memref<128xi32, #tpu.memory_space<vmem>>
        %dma_start3A_907 = arith.constant 0 : i32
        %dma_start3A_908 = arith.constant 0 : i32
        %dma_start3A_909 = tpu.memref_slice %arg8[%dma_start3A_907, %dma_start3A_908] : memref<10240x128xf32, #tpu.memory_space<vmem_shared>> -> memref<10240x128xf32, #tpu.memory_space<vmem_shared>>
        tpu.enqueue_indirect_dma source(%dma_start3A_903 : memref<128x128xf32, #tpu.memory_space<vmem>>) target(%dma_start3A_909 : memref<10240x128xf32, #tpu.memory_space<vmem_shared>>) offsets(%dma_start3A_906 : memref<128xi32, #tpu.memory_space<vmem>>) semaphore(%run_scoped3A_899 : memref<!tpu.dma_semaphore, #tpu.memory_space<semaphore_mem>>) {add = true}
        %dma_wait3A_910 = arith.constant 0 : i32
        %dma_wait3A_911 = arith.constant 0 : i32
        %dma_wait3A_912 = tpu.memref_slice %arg7[%run_scoped3A_212, %dma_wait3A_910, %dma_wait3A_911] : memref<2x128x128xf32, #tpu.memory_space<vmem>> -> memref<1x128x128xf32, #tpu.memory_space<vmem>>
        %dma_wait3A_913 = tpu.memref_squeeze %dma_wait3A_912 : memref<1x128x128xf32, #tpu.memory_space<vmem>> -> memref<128x128xf32, #tpu.memory_space<vmem>>
        %dma_wait3A_914 = arith.constant 0 : i32
        %dma_wait3A_915 = tpu.memref_slice %arg6[%add3A_211, %dma_wait3A_914] : memref<80x128xi32, #tpu.memory_space<vmem>> -> memref<1x128xi32, #tpu.memory_space<vmem>>
        %dma_wait3A_916 = tpu.memref_squeeze %dma_wait3A_915 : memref<1x128xi32, #tpu.memory_space<vmem>> -> memref<128xi32, #tpu.memory_space<vmem>>
        %dma_wait3A_917 = arith.constant 0 : i32
        %dma_wait3A_918 = arith.constant 0 : i32
        %dma_wait3A_919 = tpu.memref_slice %arg8[%dma_wait3A_917, %dma_wait3A_918] : memref<10240x128xf32, #tpu.memory_space<vmem_shared>> -> memref<10240x128xf32, #tpu.memory_space<vmem_shared>>
        tpu.wait_indirect_dma semaphore(%run_scoped3A_899 : memref<!tpu.dma_semaphore, #tpu.memory_space<semaphore_mem>>) src(%dma_wait3A_913 : memref<128x128xf32, #tpu.memory_space<vmem>>) dst(%dma_wait3A_919 : memref<10240x128xf32, #tpu.memory_space<vmem_shared>>)
        tpu.yield
      }) : () -> ()
      %dma_start3A_213 = arith.constant 4 : i32
      %dma_start3A_214 = arith.constant 0 : i32
      %dma_start3A_215 = arith.constant 0 : i32
      %dma_start3A_216 = arith.constant 0 : i32
      %dma_start3A_217 = tpu.memref_slice %arg7[%dma_start3A_214, %dma_start3A_215, %dma_start3A_216] : memref<2x128x128xf32, #tpu.memory_space<vmem>> -> memref<1x64x128xf32, #tpu.memory_space<vmem>>
      %dma_start3A_218 = tpu.memref_squeeze %dma_start3A_217 : memref<1x64x128xf32, #tpu.memory_space<vmem>> -> memref<64x128xf32, #tpu.memory_space<vmem>>
      %dma_start3A_219 = arith.constant 0 : i32
      %dma_start3A_220 = tpu.memref_slice %arg5[%rem3A_59, %dma_start3A_213, %dma_start3A_219] : memref<2x16x128xi32, #tpu.memory_space<vmem>> -> memref<1x1x64xi32, #tpu.memory_space<vmem>>
      %dma_start3A_221 = tpu.memref_squeeze %dma_start3A_220 : memref<1x1x64xi32, #tpu.memory_space<vmem>> -> memref<64xi32, #tpu.memory_space<vmem>>
      %dma_start3A_222 = arith.constant 0 : i32
      %dma_start3A_223 = arith.constant 0 : i32
      %dma_start3A_224 = tpu.memref_slice %arg2[%dma_start3A_222, %dma_start3A_223] : memref<10240x128xf32, #tpu.memory_space<hbm>> -> memref<10240x128xf32, #tpu.memory_space<hbm>>
      tpu.enqueue_indirect_dma source(%dma_start3A_224 : memref<10240x128xf32, #tpu.memory_space<hbm>>) target(%dma_start3A_218 : memref<64x128xf32, #tpu.memory_space<vmem>>) offsets(%dma_start3A_221 : memref<64xi32, #tpu.memory_space<vmem>>) semaphore(%arg9 : memref<!tpu.dma_semaphore, #tpu.memory_space<semaphore_mem>>)
      %dma_wait3A_225 = arith.constant 3 : i32
      %dma_wait3A_226 = arith.constant 1 : i32
      %dma_wait3A_227 = arith.constant 0 : i32
      %dma_wait3A_228 = arith.constant 0 : i32
      %dma_wait3A_229 = tpu.memref_slice %arg7[%dma_wait3A_226, %dma_wait3A_227, %dma_wait3A_228] : memref<2x128x128xf32, #tpu.memory_space<vmem>> -> memref<1x64x128xf32, #tpu.memory_space<vmem>>
      %dma_wait3A_230 = tpu.memref_squeeze %dma_wait3A_229 : memref<1x64x128xf32, #tpu.memory_space<vmem>> -> memref<64x128xf32, #tpu.memory_space<vmem>>
      %dma_wait3A_231 = arith.constant 0 : i32
      %dma_wait3A_232 = tpu.memref_slice %arg5[%rem3A_59, %dma_wait3A_225, %dma_wait3A_231] : memref<2x16x128xi32, #tpu.memory_space<vmem>> -> memref<1x1x64xi32, #tpu.memory_space<vmem>>
      %dma_wait3A_233 = tpu.memref_squeeze %dma_wait3A_232 : memref<1x1x64xi32, #tpu.memory_space<vmem>> -> memref<64xi32, #tpu.memory_space<vmem>>
      %dma_wait3A_234 = arith.constant 0 : i32
      %dma_wait3A_235 = arith.constant 0 : i32
      %dma_wait3A_236 = tpu.memref_slice %arg2[%dma_wait3A_234, %dma_wait3A_235] : memref<10240x128xf32, #tpu.memory_space<hbm>> -> memref<10240x128xf32, #tpu.memory_space<hbm>>
      tpu.wait_indirect_dma semaphore(%arg9 : memref<!tpu.dma_semaphore, #tpu.memory_space<semaphore_mem>>) src(%dma_wait3A_236 : memref<10240x128xf32, #tpu.memory_space<hbm>>) dst(%dma_wait3A_230 : memref<64x128xf32, #tpu.memory_space<vmem>>)
      %dma_wait3A_237 = arith.constant 3 : i32
      %dma_wait3A_238 = arith.constant 1 : i32
      %dma_wait3A_239 = arith.constant 64 : i32
      %dma_wait3A_240 = arith.constant 0 : i32
      %dma_wait3A_241 = tpu.memref_slice %arg7[%dma_wait3A_238, %dma_wait3A_239, %dma_wait3A_240] : memref<2x128x128xf32, #tpu.memory_space<vmem>> -> memref<1x64x128xf32, #tpu.memory_space<vmem>>
      %dma_wait3A_242 = tpu.memref_squeeze %dma_wait3A_241 : memref<1x64x128xf32, #tpu.memory_space<vmem>> -> memref<64x128xf32, #tpu.memory_space<vmem>>
      %dma_wait3A_243 = arith.constant 64 : i32
      %dma_wait3A_244 = tpu.memref_slice %arg5[%rem3A_59, %dma_wait3A_237, %dma_wait3A_243] : memref<2x16x128xi32, #tpu.memory_space<vmem>> -> memref<1x1x64xi32, #tpu.memory_space<vmem>>
      %dma_wait3A_245 = tpu.memref_squeeze %dma_wait3A_244 : memref<1x1x64xi32, #tpu.memory_space<vmem>> -> memref<64xi32, #tpu.memory_space<vmem>>
      %dma_wait3A_246 = arith.constant 0 : i32
      %dma_wait3A_247 = arith.constant 0 : i32
      %dma_wait3A_248 = tpu.memref_slice %arg2[%dma_wait3A_246, %dma_wait3A_247] : memref<10240x128xf32, #tpu.memory_space<hbm>> -> memref<10240x128xf32, #tpu.memory_space<hbm>>
      tpu.wait_indirect_dma semaphore(%arg9 : memref<!tpu.dma_semaphore, #tpu.memory_space<semaphore_mem>>) src(%dma_wait3A_248 : memref<10240x128xf32, #tpu.memory_space<hbm>>) dst(%dma_wait3A_242 : memref<64x128xf32, #tpu.memory_space<vmem>>)
      %dma_start3A_249 = arith.constant 4 : i32
      %dma_start3A_250 = arith.constant 0 : i32
      %dma_start3A_251 = arith.constant 64 : i32
      %dma_start3A_252 = arith.constant 0 : i32
      %dma_start3A_253 = tpu.memref_slice %arg7[%dma_start3A_250, %dma_start3A_251, %dma_start3A_252] : memref<2x128x128xf32, #tpu.memory_space<vmem>> -> memref<1x64x128xf32, #tpu.memory_space<vmem>>
      %dma_start3A_254 = tpu.memref_squeeze %dma_start3A_253 : memref<1x64x128xf32, #tpu.memory_space<vmem>> -> memref<64x128xf32, #tpu.memory_space<vmem>>
      %dma_start3A_255 = arith.constant 64 : i32
      %dma_start3A_256 = tpu.memref_slice %arg5[%rem3A_59, %dma_start3A_249, %dma_start3A_255] : memref<2x16x128xi32, #tpu.memory_space<vmem>> -> memref<1x1x64xi32, #tpu.memory_space<vmem>>
      %dma_start3A_257 = tpu.memref_squeeze %dma_start3A_256 : memref<1x1x64xi32, #tpu.memory_space<vmem>> -> memref<64xi32, #tpu.memory_space<vmem>>
      %dma_start3A_258 = arith.constant 0 : i32
      %dma_start3A_259 = arith.constant 0 : i32
      %dma_start3A_260 = tpu.memref_slice %arg2[%dma_start3A_258, %dma_start3A_259] : memref<10240x128xf32, #tpu.memory_space<hbm>> -> memref<10240x128xf32, #tpu.memory_space<hbm>>
      tpu.enqueue_indirect_dma source(%dma_start3A_260 : memref<10240x128xf32, #tpu.memory_space<hbm>>) target(%dma_start3A_254 : memref<64x128xf32, #tpu.memory_space<vmem>>) offsets(%dma_start3A_257 : memref<64xi32, #tpu.memory_space<vmem>>) semaphore(%arg9 : memref<!tpu.dma_semaphore, #tpu.memory_space<semaphore_mem>>)
      %mul3A_261 = arith.constant 16 : i32
      %mul3A_262 = arith.muli %scan3A_58, %mul3A_261 : i32
      %add3A_263 = arith.constant 3 : i32
      %add3A_264 = arith.addi %mul3A_262, %add3A_263 : i32
      %run_scoped3A_265 = arith.constant 1 : i32
      "tpu.region"() ({
        %run_scoped3A_899 = tpu.sem_alloc : memref<!tpu.dma_semaphore, #tpu.memory_space<semaphore_mem>>
        %dma_start3A_900 = arith.constant 0 : i32
        %dma_start3A_901 = arith.constant 0 : i32
        %dma_start3A_902 = tpu.memref_slice %arg7[%run_scoped3A_265, %dma_start3A_900, %dma_start3A_901] : memref<2x128x128xf32, #tpu.memory_space<vmem>> -> memref<1x128x128xf32, #tpu.memory_space<vmem>>
        %dma_start3A_903 = tpu.memref_squeeze %dma_start3A_902 : memref<1x128x128xf32, #tpu.memory_space<vmem>> -> memref<128x128xf32, #tpu.memory_space<vmem>>
        %dma_start3A_904 = arith.constant 0 : i32
        %dma_start3A_905 = tpu.memref_slice %arg6[%add3A_264, %dma_start3A_904] : memref<80x128xi32, #tpu.memory_space<vmem>> -> memref<1x128xi32, #tpu.memory_space<vmem>>
        %dma_start3A_906 = tpu.memref_squeeze %dma_start3A_905 : memref<1x128xi32, #tpu.memory_space<vmem>> -> memref<128xi32, #tpu.memory_space<vmem>>
        %dma_start3A_907 = arith.constant 0 : i32
        %dma_start3A_908 = arith.constant 0 : i32
        %dma_start3A_909 = tpu.memref_slice %arg8[%dma_start3A_907, %dma_start3A_908] : memref<10240x128xf32, #tpu.memory_space<vmem_shared>> -> memref<10240x128xf32, #tpu.memory_space<vmem_shared>>
        tpu.enqueue_indirect_dma source(%dma_start3A_903 : memref<128x128xf32, #tpu.memory_space<vmem>>) target(%dma_start3A_909 : memref<10240x128xf32, #tpu.memory_space<vmem_shared>>) offsets(%dma_start3A_906 : memref<128xi32, #tpu.memory_space<vmem>>) semaphore(%run_scoped3A_899 : memref<!tpu.dma_semaphore, #tpu.memory_space<semaphore_mem>>) {add = true}
        %dma_wait3A_910 = arith.constant 0 : i32
        %dma_wait3A_911 = arith.constant 0 : i32
        %dma_wait3A_912 = tpu.memref_slice %arg7[%run_scoped3A_265, %dma_wait3A_910, %dma_wait3A_911] : memref<2x128x128xf32, #tpu.memory_space<vmem>> -> memref<1x128x128xf32, #tpu.memory_space<vmem>>
        %dma_wait3A_913 = tpu.memref_squeeze %dma_wait3A_912 : memref<1x128x128xf32, #tpu.memory_space<vmem>> -> memref<128x128xf32, #tpu.memory_space<vmem>>
        %dma_wait3A_914 = arith.constant 0 : i32
        %dma_wait3A_915 = tpu.memref_slice %arg6[%add3A_264, %dma_wait3A_914] : memref<80x128xi32, #tpu.memory_space<vmem>> -> memref<1x128xi32, #tpu.memory_space<vmem>>
        %dma_wait3A_916 = tpu.memref_squeeze %dma_wait3A_915 : memref<1x128xi32, #tpu.memory_space<vmem>> -> memref<128xi32, #tpu.memory_space<vmem>>
        %dma_wait3A_917 = arith.constant 0 : i32
        %dma_wait3A_918 = arith.constant 0 : i32
        %dma_wait3A_919 = tpu.memref_slice %arg8[%dma_wait3A_917, %dma_wait3A_918] : memref<10240x128xf32, #tpu.memory_space<vmem_shared>> -> memref<10240x128xf32, #tpu.memory_space<vmem_shared>>
        tpu.wait_indirect_dma semaphore(%run_scoped3A_899 : memref<!tpu.dma_semaphore, #tpu.memory_space<semaphore_mem>>) src(%dma_wait3A_913 : memref<128x128xf32, #tpu.memory_space<vmem>>) dst(%dma_wait3A_919 : memref<10240x128xf32, #tpu.memory_space<vmem_shared>>)
        tpu.yield
      }) : () -> ()
      %dma_start3A_266 = arith.constant 5 : i32
      %dma_start3A_267 = arith.constant 1 : i32
      %dma_start3A_268 = arith.constant 0 : i32
      %dma_start3A_269 = arith.constant 0 : i32
      %dma_start3A_270 = tpu.memref_slice %arg7[%dma_start3A_267, %dma_start3A_268, %dma_start3A_269] : memref<2x128x128xf32, #tpu.memory_space<vmem>> -> memref<1x64x128xf32, #tpu.memory_space<vmem>>
      %dma_start3A_271 = tpu.memref_squeeze %dma_start3A_270 : memref<1x64x128xf32, #tpu.memory_space<vmem>> -> memref<64x128xf32, #tpu.memory_space<vmem>>
      %dma_start3A_272 = arith.constant 0 : i32
      %dma_start3A_273 = tpu.memref_slice %arg5[%rem3A_59, %dma_start3A_266, %dma_start3A_272] : memref<2x16x128xi32, #tpu.memory_space<vmem>> -> memref<1x1x64xi32, #tpu.memory_space<vmem>>
      %dma_start3A_274 = tpu.memref_squeeze %dma_start3A_273 : memref<1x1x64xi32, #tpu.memory_space<vmem>> -> memref<64xi32, #tpu.memory_space<vmem>>
      %dma_start3A_275 = arith.constant 0 : i32
      %dma_start3A_276 = arith.constant 0 : i32
      %dma_start3A_277 = tpu.memref_slice %arg2[%dma_start3A_275, %dma_start3A_276] : memref<10240x128xf32, #tpu.memory_space<hbm>> -> memref<10240x128xf32, #tpu.memory_space<hbm>>
      tpu.enqueue_indirect_dma source(%dma_start3A_277 : memref<10240x128xf32, #tpu.memory_space<hbm>>) target(%dma_start3A_271 : memref<64x128xf32, #tpu.memory_space<vmem>>) offsets(%dma_start3A_274 : memref<64xi32, #tpu.memory_space<vmem>>) semaphore(%arg9 : memref<!tpu.dma_semaphore, #tpu.memory_space<semaphore_mem>>)
      %dma_wait3A_278 = arith.constant 4 : i32
      %dma_wait3A_279 = arith.constant 0 : i32
      %dma_wait3A_280 = arith.constant 0 : i32
      %dma_wait3A_281 = arith.constant 0 : i32
      %dma_wait3A_282 = tpu.memref_slice %arg7[%dma_wait3A_279, %dma_wait3A_280, %dma_wait3A_281] : memref<2x128x128xf32, #tpu.memory_space<vmem>> -> memref<1x64x128xf32, #tpu.memory_space<vmem>>
      %dma_wait3A_283 = tpu.memref_squeeze %dma_wait3A_282 : memref<1x64x128xf32, #tpu.memory_space<vmem>> -> memref<64x128xf32, #tpu.memory_space<vmem>>
      %dma_wait3A_284 = arith.constant 0 : i32
      %dma_wait3A_285 = tpu.memref_slice %arg5[%rem3A_59, %dma_wait3A_278, %dma_wait3A_284] : memref<2x16x128xi32, #tpu.memory_space<vmem>> -> memref<1x1x64xi32, #tpu.memory_space<vmem>>
      %dma_wait3A_286 = tpu.memref_squeeze %dma_wait3A_285 : memref<1x1x64xi32, #tpu.memory_space<vmem>> -> memref<64xi32, #tpu.memory_space<vmem>>
      %dma_wait3A_287 = arith.constant 0 : i32
      %dma_wait3A_288 = arith.constant 0 : i32
      %dma_wait3A_289 = tpu.memref_slice %arg2[%dma_wait3A_287, %dma_wait3A_288] : memref<10240x128xf32, #tpu.memory_space<hbm>> -> memref<10240x128xf32, #tpu.memory_space<hbm>>
      tpu.wait_indirect_dma semaphore(%arg9 : memref<!tpu.dma_semaphore, #tpu.memory_space<semaphore_mem>>) src(%dma_wait3A_289 : memref<10240x128xf32, #tpu.memory_space<hbm>>) dst(%dma_wait3A_283 : memref<64x128xf32, #tpu.memory_space<vmem>>)
      %dma_wait3A_290 = arith.constant 4 : i32
      %dma_wait3A_291 = arith.constant 0 : i32
      %dma_wait3A_292 = arith.constant 64 : i32
      %dma_wait3A_293 = arith.constant 0 : i32
      %dma_wait3A_294 = tpu.memref_slice %arg7[%dma_wait3A_291, %dma_wait3A_292, %dma_wait3A_293] : memref<2x128x128xf32, #tpu.memory_space<vmem>> -> memref<1x64x128xf32, #tpu.memory_space<vmem>>
      %dma_wait3A_295 = tpu.memref_squeeze %dma_wait3A_294 : memref<1x64x128xf32, #tpu.memory_space<vmem>> -> memref<64x128xf32, #tpu.memory_space<vmem>>
      %dma_wait3A_296 = arith.constant 64 : i32
      %dma_wait3A_297 = tpu.memref_slice %arg5[%rem3A_59, %dma_wait3A_290, %dma_wait3A_296] : memref<2x16x128xi32, #tpu.memory_space<vmem>> -> memref<1x1x64xi32, #tpu.memory_space<vmem>>
      %dma_wait3A_298 = tpu.memref_squeeze %dma_wait3A_297 : memref<1x1x64xi32, #tpu.memory_space<vmem>> -> memref<64xi32, #tpu.memory_space<vmem>>
      %dma_wait3A_299 = arith.constant 0 : i32
      %dma_wait3A_300 = arith.constant 0 : i32
      %dma_wait3A_301 = tpu.memref_slice %arg2[%dma_wait3A_299, %dma_wait3A_300] : memref<10240x128xf32, #tpu.memory_space<hbm>> -> memref<10240x128xf32, #tpu.memory_space<hbm>>
      tpu.wait_indirect_dma semaphore(%arg9 : memref<!tpu.dma_semaphore, #tpu.memory_space<semaphore_mem>>) src(%dma_wait3A_301 : memref<10240x128xf32, #tpu.memory_space<hbm>>) dst(%dma_wait3A_295 : memref<64x128xf32, #tpu.memory_space<vmem>>)
      %dma_start3A_302 = arith.constant 5 : i32
      %dma_start3A_303 = arith.constant 1 : i32
      %dma_start3A_304 = arith.constant 64 : i32
      %dma_start3A_305 = arith.constant 0 : i32
      %dma_start3A_306 = tpu.memref_slice %arg7[%dma_start3A_303, %dma_start3A_304, %dma_start3A_305] : memref<2x128x128xf32, #tpu.memory_space<vmem>> -> memref<1x64x128xf32, #tpu.memory_space<vmem>>
      %dma_start3A_307 = tpu.memref_squeeze %dma_start3A_306 : memref<1x64x128xf32, #tpu.memory_space<vmem>> -> memref<64x128xf32, #tpu.memory_space<vmem>>
      %dma_start3A_308 = arith.constant 64 : i32
      %dma_start3A_309 = tpu.memref_slice %arg5[%rem3A_59, %dma_start3A_302, %dma_start3A_308] : memref<2x16x128xi32, #tpu.memory_space<vmem>> -> memref<1x1x64xi32, #tpu.memory_space<vmem>>
      %dma_start3A_310 = tpu.memref_squeeze %dma_start3A_309 : memref<1x1x64xi32, #tpu.memory_space<vmem>> -> memref<64xi32, #tpu.memory_space<vmem>>
      %dma_start3A_311 = arith.constant 0 : i32
      %dma_start3A_312 = arith.constant 0 : i32
      %dma_start3A_313 = tpu.memref_slice %arg2[%dma_start3A_311, %dma_start3A_312] : memref<10240x128xf32, #tpu.memory_space<hbm>> -> memref<10240x128xf32, #tpu.memory_space<hbm>>
      tpu.enqueue_indirect_dma source(%dma_start3A_313 : memref<10240x128xf32, #tpu.memory_space<hbm>>) target(%dma_start3A_307 : memref<64x128xf32, #tpu.memory_space<vmem>>) offsets(%dma_start3A_310 : memref<64xi32, #tpu.memory_space<vmem>>) semaphore(%arg9 : memref<!tpu.dma_semaphore, #tpu.memory_space<semaphore_mem>>)
      %mul3A_314 = arith.constant 16 : i32
      %mul3A_315 = arith.muli %scan3A_58, %mul3A_314 : i32
      %add3A_316 = arith.constant 4 : i32
      %add3A_317 = arith.addi %mul3A_315, %add3A_316 : i32
      %run_scoped3A_318 = arith.constant 0 : i32
      "tpu.region"() ({
        %run_scoped3A_899 = tpu.sem_alloc : memref<!tpu.dma_semaphore, #tpu.memory_space<semaphore_mem>>
        %dma_start3A_900 = arith.constant 0 : i32
        %dma_start3A_901 = arith.constant 0 : i32
        %dma_start3A_902 = tpu.memref_slice %arg7[%run_scoped3A_318, %dma_start3A_900, %dma_start3A_901] : memref<2x128x128xf32, #tpu.memory_space<vmem>> -> memref<1x128x128xf32, #tpu.memory_space<vmem>>
        %dma_start3A_903 = tpu.memref_squeeze %dma_start3A_902 : memref<1x128x128xf32, #tpu.memory_space<vmem>> -> memref<128x128xf32, #tpu.memory_space<vmem>>
        %dma_start3A_904 = arith.constant 0 : i32
        %dma_start3A_905 = tpu.memref_slice %arg6[%add3A_317, %dma_start3A_904] : memref<80x128xi32, #tpu.memory_space<vmem>> -> memref<1x128xi32, #tpu.memory_space<vmem>>
        %dma_start3A_906 = tpu.memref_squeeze %dma_start3A_905 : memref<1x128xi32, #tpu.memory_space<vmem>> -> memref<128xi32, #tpu.memory_space<vmem>>
        %dma_start3A_907 = arith.constant 0 : i32
        %dma_start3A_908 = arith.constant 0 : i32
        %dma_start3A_909 = tpu.memref_slice %arg8[%dma_start3A_907, %dma_start3A_908] : memref<10240x128xf32, #tpu.memory_space<vmem_shared>> -> memref<10240x128xf32, #tpu.memory_space<vmem_shared>>
        tpu.enqueue_indirect_dma source(%dma_start3A_903 : memref<128x128xf32, #tpu.memory_space<vmem>>) target(%dma_start3A_909 : memref<10240x128xf32, #tpu.memory_space<vmem_shared>>) offsets(%dma_start3A_906 : memref<128xi32, #tpu.memory_space<vmem>>) semaphore(%run_scoped3A_899 : memref<!tpu.dma_semaphore, #tpu.memory_space<semaphore_mem>>) {add = true}
        %dma_wait3A_910 = arith.constant 0 : i32
        %dma_wait3A_911 = arith.constant 0 : i32
        %dma_wait3A_912 = tpu.memref_slice %arg7[%run_scoped3A_318, %dma_wait3A_910, %dma_wait3A_911] : memref<2x128x128xf32, #tpu.memory_space<vmem>> -> memref<1x128x128xf32, #tpu.memory_space<vmem>>
        %dma_wait3A_913 = tpu.memref_squeeze %dma_wait3A_912 : memref<1x128x128xf32, #tpu.memory_space<vmem>> -> memref<128x128xf32, #tpu.memory_space<vmem>>
        %dma_wait3A_914 = arith.constant 0 : i32
        %dma_wait3A_915 = tpu.memref_slice %arg6[%add3A_317, %dma_wait3A_914] : memref<80x128xi32, #tpu.memory_space<vmem>> -> memref<1x128xi32, #tpu.memory_space<vmem>>
        %dma_wait3A_916 = tpu.memref_squeeze %dma_wait3A_915 : memref<1x128xi32, #tpu.memory_space<vmem>> -> memref<128xi32, #tpu.memory_space<vmem>>
        %dma_wait3A_917 = arith.constant 0 : i32
        %dma_wait3A_918 = arith.constant 0 : i32
        %dma_wait3A_919 = tpu.memref_slice %arg8[%dma_wait3A_917, %dma_wait3A_918] : memref<10240x128xf32, #tpu.memory_space<vmem_shared>> -> memref<10240x128xf32, #tpu.memory_space<vmem_shared>>
        tpu.wait_indirect_dma semaphore(%run_scoped3A_899 : memref<!tpu.dma_semaphore, #tpu.memory_space<semaphore_mem>>) src(%dma_wait3A_913 : memref<128x128xf32, #tpu.memory_space<vmem>>) dst(%dma_wait3A_919 : memref<10240x128xf32, #tpu.memory_space<vmem_shared>>)
        tpu.yield
      }) : () -> ()
      %dma_start3A_319 = arith.constant 6 : i32
      %dma_start3A_320 = arith.constant 0 : i32
      %dma_start3A_321 = arith.constant 0 : i32
      %dma_start3A_322 = arith.constant 0 : i32
      %dma_start3A_323 = tpu.memref_slice %arg7[%dma_start3A_320, %dma_start3A_321, %dma_start3A_322] : memref<2x128x128xf32, #tpu.memory_space<vmem>> -> memref<1x64x128xf32, #tpu.memory_space<vmem>>
      %dma_start3A_324 = tpu.memref_squeeze %dma_start3A_323 : memref<1x64x128xf32, #tpu.memory_space<vmem>> -> memref<64x128xf32, #tpu.memory_space<vmem>>
      %dma_start3A_325 = arith.constant 0 : i32
      %dma_start3A_326 = tpu.memref_slice %arg5[%rem3A_59, %dma_start3A_319, %dma_start3A_325] : memref<2x16x128xi32, #tpu.memory_space<vmem>> -> memref<1x1x64xi32, #tpu.memory_space<vmem>>
      %dma_start3A_327 = tpu.memref_squeeze %dma_start3A_326 : memref<1x1x64xi32, #tpu.memory_space<vmem>> -> memref<64xi32, #tpu.memory_space<vmem>>
      %dma_start3A_328 = arith.constant 0 : i32
      %dma_start3A_329 = arith.constant 0 : i32
      %dma_start3A_330 = tpu.memref_slice %arg2[%dma_start3A_328, %dma_start3A_329] : memref<10240x128xf32, #tpu.memory_space<hbm>> -> memref<10240x128xf32, #tpu.memory_space<hbm>>
      tpu.enqueue_indirect_dma source(%dma_start3A_330 : memref<10240x128xf32, #tpu.memory_space<hbm>>) target(%dma_start3A_324 : memref<64x128xf32, #tpu.memory_space<vmem>>) offsets(%dma_start3A_327 : memref<64xi32, #tpu.memory_space<vmem>>) semaphore(%arg9 : memref<!tpu.dma_semaphore, #tpu.memory_space<semaphore_mem>>)
      %dma_wait3A_331 = arith.constant 5 : i32
      %dma_wait3A_332 = arith.constant 1 : i32
      %dma_wait3A_333 = arith.constant 0 : i32
      %dma_wait3A_334 = arith.constant 0 : i32
      %dma_wait3A_335 = tpu.memref_slice %arg7[%dma_wait3A_332, %dma_wait3A_333, %dma_wait3A_334] : memref<2x128x128xf32, #tpu.memory_space<vmem>> -> memref<1x64x128xf32, #tpu.memory_space<vmem>>
      %dma_wait3A_336 = tpu.memref_squeeze %dma_wait3A_335 : memref<1x64x128xf32, #tpu.memory_space<vmem>> -> memref<64x128xf32, #tpu.memory_space<vmem>>
      %dma_wait3A_337 = arith.constant 0 : i32
      %dma_wait3A_338 = tpu.memref_slice %arg5[%rem3A_59, %dma_wait3A_331, %dma_wait3A_337] : memref<2x16x128xi32, #tpu.memory_space<vmem>> -> memref<1x1x64xi32, #tpu.memory_space<vmem>>
      %dma_wait3A_339 = tpu.memref_squeeze %dma_wait3A_338 : memref<1x1x64xi32, #tpu.memory_space<vmem>> -> memref<64xi32, #tpu.memory_space<vmem>>
      %dma_wait3A_340 = arith.constant 0 : i32
      %dma_wait3A_341 = arith.constant 0 : i32
      %dma_wait3A_342 = tpu.memref_slice %arg2[%dma_wait3A_340, %dma_wait3A_341] : memref<10240x128xf32, #tpu.memory_space<hbm>> -> memref<10240x128xf32, #tpu.memory_space<hbm>>
      tpu.wait_indirect_dma semaphore(%arg9 : memref<!tpu.dma_semaphore, #tpu.memory_space<semaphore_mem>>) src(%dma_wait3A_342 : memref<10240x128xf32, #tpu.memory_space<hbm>>) dst(%dma_wait3A_336 : memref<64x128xf32, #tpu.memory_space<vmem>>)
      %dma_wait3A_343 = arith.constant 5 : i32
      %dma_wait3A_344 = arith.constant 1 : i32
      %dma_wait3A_345 = arith.constant 64 : i32
      %dma_wait3A_346 = arith.constant 0 : i32
      %dma_wait3A_347 = tpu.memref_slice %arg7[%dma_wait3A_344, %dma_wait3A_345, %dma_wait3A_346] : memref<2x128x128xf32, #tpu.memory_space<vmem>> -> memref<1x64x128xf32, #tpu.memory_space<vmem>>
      %dma_wait3A_348 = tpu.memref_squeeze %dma_wait3A_347 : memref<1x64x128xf32, #tpu.memory_space<vmem>> -> memref<64x128xf32, #tpu.memory_space<vmem>>
      %dma_wait3A_349 = arith.constant 64 : i32
      %dma_wait3A_350 = tpu.memref_slice %arg5[%rem3A_59, %dma_wait3A_343, %dma_wait3A_349] : memref<2x16x128xi32, #tpu.memory_space<vmem>> -> memref<1x1x64xi32, #tpu.memory_space<vmem>>
      %dma_wait3A_351 = tpu.memref_squeeze %dma_wait3A_350 : memref<1x1x64xi32, #tpu.memory_space<vmem>> -> memref<64xi32, #tpu.memory_space<vmem>>
      %dma_wait3A_352 = arith.constant 0 : i32
      %dma_wait3A_353 = arith.constant 0 : i32
      %dma_wait3A_354 = tpu.memref_slice %arg2[%dma_wait3A_352, %dma_wait3A_353] : memref<10240x128xf32, #tpu.memory_space<hbm>> -> memref<10240x128xf32, #tpu.memory_space<hbm>>
      tpu.wait_indirect_dma semaphore(%arg9 : memref<!tpu.dma_semaphore, #tpu.memory_space<semaphore_mem>>) src(%dma_wait3A_354 : memref<10240x128xf32, #tpu.memory_space<hbm>>) dst(%dma_wait3A_348 : memref<64x128xf32, #tpu.memory_space<vmem>>)
      %dma_start3A_355 = arith.constant 6 : i32
      %dma_start3A_356 = arith.constant 0 : i32
      %dma_start3A_357 = arith.constant 64 : i32
      %dma_start3A_358 = arith.constant 0 : i32
      %dma_start3A_359 = tpu.memref_slice %arg7[%dma_start3A_356, %dma_start3A_357, %dma_start3A_358] : memref<2x128x128xf32, #tpu.memory_space<vmem>> -> memref<1x64x128xf32, #tpu.memory_space<vmem>>
      %dma_start3A_360 = tpu.memref_squeeze %dma_start3A_359 : memref<1x64x128xf32, #tpu.memory_space<vmem>> -> memref<64x128xf32, #tpu.memory_space<vmem>>
      %dma_start3A_361 = arith.constant 64 : i32
      %dma_start3A_362 = tpu.memref_slice %arg5[%rem3A_59, %dma_start3A_355, %dma_start3A_361] : memref<2x16x128xi32, #tpu.memory_space<vmem>> -> memref<1x1x64xi32, #tpu.memory_space<vmem>>
      %dma_start3A_363 = tpu.memref_squeeze %dma_start3A_362 : memref<1x1x64xi32, #tpu.memory_space<vmem>> -> memref<64xi32, #tpu.memory_space<vmem>>
      %dma_start3A_364 = arith.constant 0 : i32
      %dma_start3A_365 = arith.constant 0 : i32
      %dma_start3A_366 = tpu.memref_slice %arg2[%dma_start3A_364, %dma_start3A_365] : memref<10240x128xf32, #tpu.memory_space<hbm>> -> memref<10240x128xf32, #tpu.memory_space<hbm>>
      tpu.enqueue_indirect_dma source(%dma_start3A_366 : memref<10240x128xf32, #tpu.memory_space<hbm>>) target(%dma_start3A_360 : memref<64x128xf32, #tpu.memory_space<vmem>>) offsets(%dma_start3A_363 : memref<64xi32, #tpu.memory_space<vmem>>) semaphore(%arg9 : memref<!tpu.dma_semaphore, #tpu.memory_space<semaphore_mem>>)
      %mul3A_367 = arith.constant 16 : i32
      %mul3A_368 = arith.muli %scan3A_58, %mul3A_367 : i32
      %add3A_369 = arith.constant 5 : i32
      %add3A_370 = arith.addi %mul3A_368, %add3A_369 : i32
      %run_scoped3A_371 = arith.constant 1 : i32
      "tpu.region"() ({
        %run_scoped3A_899 = tpu.sem_alloc : memref<!tpu.dma_semaphore, #tpu.memory_space<semaphore_mem>>
        %dma_start3A_900 = arith.constant 0 : i32
        %dma_start3A_901 = arith.constant 0 : i32
        %dma_start3A_902 = tpu.memref_slice %arg7[%run_scoped3A_371, %dma_start3A_900, %dma_start3A_901] : memref<2x128x128xf32, #tpu.memory_space<vmem>> -> memref<1x128x128xf32, #tpu.memory_space<vmem>>
        %dma_start3A_903 = tpu.memref_squeeze %dma_start3A_902 : memref<1x128x128xf32, #tpu.memory_space<vmem>> -> memref<128x128xf32, #tpu.memory_space<vmem>>
        %dma_start3A_904 = arith.constant 0 : i32
        %dma_start3A_905 = tpu.memref_slice %arg6[%add3A_370, %dma_start3A_904] : memref<80x128xi32, #tpu.memory_space<vmem>> -> memref<1x128xi32, #tpu.memory_space<vmem>>
        %dma_start3A_906 = tpu.memref_squeeze %dma_start3A_905 : memref<1x128xi32, #tpu.memory_space<vmem>> -> memref<128xi32, #tpu.memory_space<vmem>>
        %dma_start3A_907 = arith.constant 0 : i32
        %dma_start3A_908 = arith.constant 0 : i32
        %dma_start3A_909 = tpu.memref_slice %arg8[%dma_start3A_907, %dma_start3A_908] : memref<10240x128xf32, #tpu.memory_space<vmem_shared>> -> memref<10240x128xf32, #tpu.memory_space<vmem_shared>>
        tpu.enqueue_indirect_dma source(%dma_start3A_903 : memref<128x128xf32, #tpu.memory_space<vmem>>) target(%dma_start3A_909 : memref<10240x128xf32, #tpu.memory_space<vmem_shared>>) offsets(%dma_start3A_906 : memref<128xi32, #tpu.memory_space<vmem>>) semaphore(%run_scoped3A_899 : memref<!tpu.dma_semaphore, #tpu.memory_space<semaphore_mem>>) {add = true}
        %dma_wait3A_910 = arith.constant 0 : i32
        %dma_wait3A_911 = arith.constant 0 : i32
        %dma_wait3A_912 = tpu.memref_slice %arg7[%run_scoped3A_371, %dma_wait3A_910, %dma_wait3A_911] : memref<2x128x128xf32, #tpu.memory_space<vmem>> -> memref<1x128x128xf32, #tpu.memory_space<vmem>>
        %dma_wait3A_913 = tpu.memref_squeeze %dma_wait3A_912 : memref<1x128x128xf32, #tpu.memory_space<vmem>> -> memref<128x128xf32, #tpu.memory_space<vmem>>
        %dma_wait3A_914 = arith.constant 0 : i32
        %dma_wait3A_915 = tpu.memref_slice %arg6[%add3A_370, %dma_wait3A_914] : memref<80x128xi32, #tpu.memory_space<vmem>> -> memref<1x128xi32, #tpu.memory_space<vmem>>
        %dma_wait3A_916 = tpu.memref_squeeze %dma_wait3A_915 : memref<1x128xi32, #tpu.memory_space<vmem>> -> memref<128xi32, #tpu.memory_space<vmem>>
        %dma_wait3A_917 = arith.constant 0 : i32
        %dma_wait3A_918 = arith.constant 0 : i32
        %dma_wait3A_919 = tpu.memref_slice %arg8[%dma_wait3A_917, %dma_wait3A_918] : memref<10240x128xf32, #tpu.memory_space<vmem_shared>> -> memref<10240x128xf32, #tpu.memory_space<vmem_shared>>
        tpu.wait_indirect_dma semaphore(%run_scoped3A_899 : memref<!tpu.dma_semaphore, #tpu.memory_space<semaphore_mem>>) src(%dma_wait3A_913 : memref<128x128xf32, #tpu.memory_space<vmem>>) dst(%dma_wait3A_919 : memref<10240x128xf32, #tpu.memory_space<vmem_shared>>)
        tpu.yield
      }) : () -> ()
      %dma_start3A_372 = arith.constant 7 : i32
      %dma_start3A_373 = arith.constant 1 : i32
      %dma_start3A_374 = arith.constant 0 : i32
      %dma_start3A_375 = arith.constant 0 : i32
      %dma_start3A_376 = tpu.memref_slice %arg7[%dma_start3A_373, %dma_start3A_374, %dma_start3A_375] : memref<2x128x128xf32, #tpu.memory_space<vmem>> -> memref<1x64x128xf32, #tpu.memory_space<vmem>>
      %dma_start3A_377 = tpu.memref_squeeze %dma_start3A_376 : memref<1x64x128xf32, #tpu.memory_space<vmem>> -> memref<64x128xf32, #tpu.memory_space<vmem>>
      %dma_start3A_378 = arith.constant 0 : i32
      %dma_start3A_379 = tpu.memref_slice %arg5[%rem3A_59, %dma_start3A_372, %dma_start3A_378] : memref<2x16x128xi32, #tpu.memory_space<vmem>> -> memref<1x1x64xi32, #tpu.memory_space<vmem>>
      %dma_start3A_380 = tpu.memref_squeeze %dma_start3A_379 : memref<1x1x64xi32, #tpu.memory_space<vmem>> -> memref<64xi32, #tpu.memory_space<vmem>>
      %dma_start3A_381 = arith.constant 0 : i32
      %dma_start3A_382 = arith.constant 0 : i32
      %dma_start3A_383 = tpu.memref_slice %arg2[%dma_start3A_381, %dma_start3A_382] : memref<10240x128xf32, #tpu.memory_space<hbm>> -> memref<10240x128xf32, #tpu.memory_space<hbm>>
      tpu.enqueue_indirect_dma source(%dma_start3A_383 : memref<10240x128xf32, #tpu.memory_space<hbm>>) target(%dma_start3A_377 : memref<64x128xf32, #tpu.memory_space<vmem>>) offsets(%dma_start3A_380 : memref<64xi32, #tpu.memory_space<vmem>>) semaphore(%arg9 : memref<!tpu.dma_semaphore, #tpu.memory_space<semaphore_mem>>)
      %dma_wait3A_384 = arith.constant 6 : i32
      %dma_wait3A_385 = arith.constant 0 : i32
      %dma_wait3A_386 = arith.constant 0 : i32
      %dma_wait3A_387 = arith.constant 0 : i32
      %dma_wait3A_388 = tpu.memref_slice %arg7[%dma_wait3A_385, %dma_wait3A_386, %dma_wait3A_387] : memref<2x128x128xf32, #tpu.memory_space<vmem>> -> memref<1x64x128xf32, #tpu.memory_space<vmem>>
      %dma_wait3A_389 = tpu.memref_squeeze %dma_wait3A_388 : memref<1x64x128xf32, #tpu.memory_space<vmem>> -> memref<64x128xf32, #tpu.memory_space<vmem>>
      %dma_wait3A_390 = arith.constant 0 : i32
      %dma_wait3A_391 = tpu.memref_slice %arg5[%rem3A_59, %dma_wait3A_384, %dma_wait3A_390] : memref<2x16x128xi32, #tpu.memory_space<vmem>> -> memref<1x1x64xi32, #tpu.memory_space<vmem>>
      %dma_wait3A_392 = tpu.memref_squeeze %dma_wait3A_391 : memref<1x1x64xi32, #tpu.memory_space<vmem>> -> memref<64xi32, #tpu.memory_space<vmem>>
      %dma_wait3A_393 = arith.constant 0 : i32
      %dma_wait3A_394 = arith.constant 0 : i32
      %dma_wait3A_395 = tpu.memref_slice %arg2[%dma_wait3A_393, %dma_wait3A_394] : memref<10240x128xf32, #tpu.memory_space<hbm>> -> memref<10240x128xf32, #tpu.memory_space<hbm>>
      tpu.wait_indirect_dma semaphore(%arg9 : memref<!tpu.dma_semaphore, #tpu.memory_space<semaphore_mem>>) src(%dma_wait3A_395 : memref<10240x128xf32, #tpu.memory_space<hbm>>) dst(%dma_wait3A_389 : memref<64x128xf32, #tpu.memory_space<vmem>>)
      %dma_wait3A_396 = arith.constant 6 : i32
      %dma_wait3A_397 = arith.constant 0 : i32
      %dma_wait3A_398 = arith.constant 64 : i32
      %dma_wait3A_399 = arith.constant 0 : i32
      %dma_wait3A_400 = tpu.memref_slice %arg7[%dma_wait3A_397, %dma_wait3A_398, %dma_wait3A_399] : memref<2x128x128xf32, #tpu.memory_space<vmem>> -> memref<1x64x128xf32, #tpu.memory_space<vmem>>
      %dma_wait3A_401 = tpu.memref_squeeze %dma_wait3A_400 : memref<1x64x128xf32, #tpu.memory_space<vmem>> -> memref<64x128xf32, #tpu.memory_space<vmem>>
      %dma_wait3A_402 = arith.constant 64 : i32
      %dma_wait3A_403 = tpu.memref_slice %arg5[%rem3A_59, %dma_wait3A_396, %dma_wait3A_402] : memref<2x16x128xi32, #tpu.memory_space<vmem>> -> memref<1x1x64xi32, #tpu.memory_space<vmem>>
      %dma_wait3A_404 = tpu.memref_squeeze %dma_wait3A_403 : memref<1x1x64xi32, #tpu.memory_space<vmem>> -> memref<64xi32, #tpu.memory_space<vmem>>
      %dma_wait3A_405 = arith.constant 0 : i32
      %dma_wait3A_406 = arith.constant 0 : i32
      %dma_wait3A_407 = tpu.memref_slice %arg2[%dma_wait3A_405, %dma_wait3A_406] : memref<10240x128xf32, #tpu.memory_space<hbm>> -> memref<10240x128xf32, #tpu.memory_space<hbm>>
      tpu.wait_indirect_dma semaphore(%arg9 : memref<!tpu.dma_semaphore, #tpu.memory_space<semaphore_mem>>) src(%dma_wait3A_407 : memref<10240x128xf32, #tpu.memory_space<hbm>>) dst(%dma_wait3A_401 : memref<64x128xf32, #tpu.memory_space<vmem>>)
      %dma_start3A_408 = arith.constant 7 : i32
      %dma_start3A_409 = arith.constant 1 : i32
      %dma_start3A_410 = arith.constant 64 : i32
      %dma_start3A_411 = arith.constant 0 : i32
      %dma_start3A_412 = tpu.memref_slice %arg7[%dma_start3A_409, %dma_start3A_410, %dma_start3A_411] : memref<2x128x128xf32, #tpu.memory_space<vmem>> -> memref<1x64x128xf32, #tpu.memory_space<vmem>>
      %dma_start3A_413 = tpu.memref_squeeze %dma_start3A_412 : memref<1x64x128xf32, #tpu.memory_space<vmem>> -> memref<64x128xf32, #tpu.memory_space<vmem>>
      %dma_start3A_414 = arith.constant 64 : i32
      %dma_start3A_415 = tpu.memref_slice %arg5[%rem3A_59, %dma_start3A_408, %dma_start3A_414] : memref<2x16x128xi32, #tpu.memory_space<vmem>> -> memref<1x1x64xi32, #tpu.memory_space<vmem>>
      %dma_start3A_416 = tpu.memref_squeeze %dma_start3A_415 : memref<1x1x64xi32, #tpu.memory_space<vmem>> -> memref<64xi32, #tpu.memory_space<vmem>>
      %dma_start3A_417 = arith.constant 0 : i32
      %dma_start3A_418 = arith.constant 0 : i32
      %dma_start3A_419 = tpu.memref_slice %arg2[%dma_start3A_417, %dma_start3A_418] : memref<10240x128xf32, #tpu.memory_space<hbm>> -> memref<10240x128xf32, #tpu.memory_space<hbm>>
      tpu.enqueue_indirect_dma source(%dma_start3A_419 : memref<10240x128xf32, #tpu.memory_space<hbm>>) target(%dma_start3A_413 : memref<64x128xf32, #tpu.memory_space<vmem>>) offsets(%dma_start3A_416 : memref<64xi32, #tpu.memory_space<vmem>>) semaphore(%arg9 : memref<!tpu.dma_semaphore, #tpu.memory_space<semaphore_mem>>)
      %mul3A_420 = arith.constant 16 : i32
      %mul3A_421 = arith.muli %scan3A_58, %mul3A_420 : i32
      %add3A_422 = arith.constant 6 : i32
      %add3A_423 = arith.addi %mul3A_421, %add3A_422 : i32
      %run_scoped3A_424 = arith.constant 0 : i32
      "tpu.region"() ({
        %run_scoped3A_899 = tpu.sem_alloc : memref<!tpu.dma_semaphore, #tpu.memory_space<semaphore_mem>>
        %dma_start3A_900 = arith.constant 0 : i32
        %dma_start3A_901 = arith.constant 0 : i32
        %dma_start3A_902 = tpu.memref_slice %arg7[%run_scoped3A_424, %dma_start3A_900, %dma_start3A_901] : memref<2x128x128xf32, #tpu.memory_space<vmem>> -> memref<1x128x128xf32, #tpu.memory_space<vmem>>
        %dma_start3A_903 = tpu.memref_squeeze %dma_start3A_902 : memref<1x128x128xf32, #tpu.memory_space<vmem>> -> memref<128x128xf32, #tpu.memory_space<vmem>>
        %dma_start3A_904 = arith.constant 0 : i32
        %dma_start3A_905 = tpu.memref_slice %arg6[%add3A_423, %dma_start3A_904] : memref<80x128xi32, #tpu.memory_space<vmem>> -> memref<1x128xi32, #tpu.memory_space<vmem>>
        %dma_start3A_906 = tpu.memref_squeeze %dma_start3A_905 : memref<1x128xi32, #tpu.memory_space<vmem>> -> memref<128xi32, #tpu.memory_space<vmem>>
        %dma_start3A_907 = arith.constant 0 : i32
        %dma_start3A_908 = arith.constant 0 : i32
        %dma_start3A_909 = tpu.memref_slice %arg8[%dma_start3A_907, %dma_start3A_908] : memref<10240x128xf32, #tpu.memory_space<vmem_shared>> -> memref<10240x128xf32, #tpu.memory_space<vmem_shared>>
        tpu.enqueue_indirect_dma source(%dma_start3A_903 : memref<128x128xf32, #tpu.memory_space<vmem>>) target(%dma_start3A_909 : memref<10240x128xf32, #tpu.memory_space<vmem_shared>>) offsets(%dma_start3A_906 : memref<128xi32, #tpu.memory_space<vmem>>) semaphore(%run_scoped3A_899 : memref<!tpu.dma_semaphore, #tpu.memory_space<semaphore_mem>>) {add = true}
        %dma_wait3A_910 = arith.constant 0 : i32
        %dma_wait3A_911 = arith.constant 0 : i32
        %dma_wait3A_912 = tpu.memref_slice %arg7[%run_scoped3A_424, %dma_wait3A_910, %dma_wait3A_911] : memref<2x128x128xf32, #tpu.memory_space<vmem>> -> memref<1x128x128xf32, #tpu.memory_space<vmem>>
        %dma_wait3A_913 = tpu.memref_squeeze %dma_wait3A_912 : memref<1x128x128xf32, #tpu.memory_space<vmem>> -> memref<128x128xf32, #tpu.memory_space<vmem>>
        %dma_wait3A_914 = arith.constant 0 : i32
        %dma_wait3A_915 = tpu.memref_slice %arg6[%add3A_423, %dma_wait3A_914] : memref<80x128xi32, #tpu.memory_space<vmem>> -> memref<1x128xi32, #tpu.memory_space<vmem>>
        %dma_wait3A_916 = tpu.memref_squeeze %dma_wait3A_915 : memref<1x128xi32, #tpu.memory_space<vmem>> -> memref<128xi32, #tpu.memory_space<vmem>>
        %dma_wait3A_917 = arith.constant 0 : i32
        %dma_wait3A_918 = arith.constant 0 : i32
        %dma_wait3A_919 = tpu.memref_slice %arg8[%dma_wait3A_917, %dma_wait3A_918] : memref<10240x128xf32, #tpu.memory_space<vmem_shared>> -> memref<10240x128xf32, #tpu.memory_space<vmem_shared>>
        tpu.wait_indirect_dma semaphore(%run_scoped3A_899 : memref<!tpu.dma_semaphore, #tpu.memory_space<semaphore_mem>>) src(%dma_wait3A_913 : memref<128x128xf32, #tpu.memory_space<vmem>>) dst(%dma_wait3A_919 : memref<10240x128xf32, #tpu.memory_space<vmem_shared>>)
        tpu.yield
      }) : () -> ()
      %dma_start3A_425 = arith.constant 8 : i32
      %dma_start3A_426 = arith.constant 0 : i32
      %dma_start3A_427 = arith.constant 0 : i32
      %dma_start3A_428 = arith.constant 0 : i32
      %dma_start3A_429 = tpu.memref_slice %arg7[%dma_start3A_426, %dma_start3A_427, %dma_start3A_428] : memref<2x128x128xf32, #tpu.memory_space<vmem>> -> memref<1x64x128xf32, #tpu.memory_space<vmem>>
      %dma_start3A_430 = tpu.memref_squeeze %dma_start3A_429 : memref<1x64x128xf32, #tpu.memory_space<vmem>> -> memref<64x128xf32, #tpu.memory_space<vmem>>
      %dma_start3A_431 = arith.constant 0 : i32
      %dma_start3A_432 = tpu.memref_slice %arg5[%rem3A_59, %dma_start3A_425, %dma_start3A_431] : memref<2x16x128xi32, #tpu.memory_space<vmem>> -> memref<1x1x64xi32, #tpu.memory_space<vmem>>
      %dma_start3A_433 = tpu.memref_squeeze %dma_start3A_432 : memref<1x1x64xi32, #tpu.memory_space<vmem>> -> memref<64xi32, #tpu.memory_space<vmem>>
      %dma_start3A_434 = arith.constant 0 : i32
      %dma_start3A_435 = arith.constant 0 : i32
      %dma_start3A_436 = tpu.memref_slice %arg2[%dma_start3A_434, %dma_start3A_435] : memref<10240x128xf32, #tpu.memory_space<hbm>> -> memref<10240x128xf32, #tpu.memory_space<hbm>>
      tpu.enqueue_indirect_dma source(%dma_start3A_436 : memref<10240x128xf32, #tpu.memory_space<hbm>>) target(%dma_start3A_430 : memref<64x128xf32, #tpu.memory_space<vmem>>) offsets(%dma_start3A_433 : memref<64xi32, #tpu.memory_space<vmem>>) semaphore(%arg9 : memref<!tpu.dma_semaphore, #tpu.memory_space<semaphore_mem>>)
      %dma_wait3A_437 = arith.constant 7 : i32
      %dma_wait3A_438 = arith.constant 1 : i32
      %dma_wait3A_439 = arith.constant 0 : i32
      %dma_wait3A_440 = arith.constant 0 : i32
      %dma_wait3A_441 = tpu.memref_slice %arg7[%dma_wait3A_438, %dma_wait3A_439, %dma_wait3A_440] : memref<2x128x128xf32, #tpu.memory_space<vmem>> -> memref<1x64x128xf32, #tpu.memory_space<vmem>>
      %dma_wait3A_442 = tpu.memref_squeeze %dma_wait3A_441 : memref<1x64x128xf32, #tpu.memory_space<vmem>> -> memref<64x128xf32, #tpu.memory_space<vmem>>
      %dma_wait3A_443 = arith.constant 0 : i32
      %dma_wait3A_444 = tpu.memref_slice %arg5[%rem3A_59, %dma_wait3A_437, %dma_wait3A_443] : memref<2x16x128xi32, #tpu.memory_space<vmem>> -> memref<1x1x64xi32, #tpu.memory_space<vmem>>
      %dma_wait3A_445 = tpu.memref_squeeze %dma_wait3A_444 : memref<1x1x64xi32, #tpu.memory_space<vmem>> -> memref<64xi32, #tpu.memory_space<vmem>>
      %dma_wait3A_446 = arith.constant 0 : i32
      %dma_wait3A_447 = arith.constant 0 : i32
      %dma_wait3A_448 = tpu.memref_slice %arg2[%dma_wait3A_446, %dma_wait3A_447] : memref<10240x128xf32, #tpu.memory_space<hbm>> -> memref<10240x128xf32, #tpu.memory_space<hbm>>
      tpu.wait_indirect_dma semaphore(%arg9 : memref<!tpu.dma_semaphore, #tpu.memory_space<semaphore_mem>>) src(%dma_wait3A_448 : memref<10240x128xf32, #tpu.memory_space<hbm>>) dst(%dma_wait3A_442 : memref<64x128xf32, #tpu.memory_space<vmem>>)
      %dma_wait3A_449 = arith.constant 7 : i32
      %dma_wait3A_450 = arith.constant 1 : i32
      %dma_wait3A_451 = arith.constant 64 : i32
      %dma_wait3A_452 = arith.constant 0 : i32
      %dma_wait3A_453 = tpu.memref_slice %arg7[%dma_wait3A_450, %dma_wait3A_451, %dma_wait3A_452] : memref<2x128x128xf32, #tpu.memory_space<vmem>> -> memref<1x64x128xf32, #tpu.memory_space<vmem>>
      %dma_wait3A_454 = tpu.memref_squeeze %dma_wait3A_453 : memref<1x64x128xf32, #tpu.memory_space<vmem>> -> memref<64x128xf32, #tpu.memory_space<vmem>>
      %dma_wait3A_455 = arith.constant 64 : i32
      %dma_wait3A_456 = tpu.memref_slice %arg5[%rem3A_59, %dma_wait3A_449, %dma_wait3A_455] : memref<2x16x128xi32, #tpu.memory_space<vmem>> -> memref<1x1x64xi32, #tpu.memory_space<vmem>>
      %dma_wait3A_457 = tpu.memref_squeeze %dma_wait3A_456 : memref<1x1x64xi32, #tpu.memory_space<vmem>> -> memref<64xi32, #tpu.memory_space<vmem>>
      %dma_wait3A_458 = arith.constant 0 : i32
      %dma_wait3A_459 = arith.constant 0 : i32
      %dma_wait3A_460 = tpu.memref_slice %arg2[%dma_wait3A_458, %dma_wait3A_459] : memref<10240x128xf32, #tpu.memory_space<hbm>> -> memref<10240x128xf32, #tpu.memory_space<hbm>>
      tpu.wait_indirect_dma semaphore(%arg9 : memref<!tpu.dma_semaphore, #tpu.memory_space<semaphore_mem>>) src(%dma_wait3A_460 : memref<10240x128xf32, #tpu.memory_space<hbm>>) dst(%dma_wait3A_454 : memref<64x128xf32, #tpu.memory_space<vmem>>)
      %dma_start3A_461 = arith.constant 8 : i32
      %dma_start3A_462 = arith.constant 0 : i32
      %dma_start3A_463 = arith.constant 64 : i32
      %dma_start3A_464 = arith.constant 0 : i32
      %dma_start3A_465 = tpu.memref_slice %arg7[%dma_start3A_462, %dma_start3A_463, %dma_start3A_464] : memref<2x128x128xf32, #tpu.memory_space<vmem>> -> memref<1x64x128xf32, #tpu.memory_space<vmem>>
      %dma_start3A_466 = tpu.memref_squeeze %dma_start3A_465 : memref<1x64x128xf32, #tpu.memory_space<vmem>> -> memref<64x128xf32, #tpu.memory_space<vmem>>
      %dma_start3A_467 = arith.constant 64 : i32
      %dma_start3A_468 = tpu.memref_slice %arg5[%rem3A_59, %dma_start3A_461, %dma_start3A_467] : memref<2x16x128xi32, #tpu.memory_space<vmem>> -> memref<1x1x64xi32, #tpu.memory_space<vmem>>
      %dma_start3A_469 = tpu.memref_squeeze %dma_start3A_468 : memref<1x1x64xi32, #tpu.memory_space<vmem>> -> memref<64xi32, #tpu.memory_space<vmem>>
      %dma_start3A_470 = arith.constant 0 : i32
      %dma_start3A_471 = arith.constant 0 : i32
      %dma_start3A_472 = tpu.memref_slice %arg2[%dma_start3A_470, %dma_start3A_471] : memref<10240x128xf32, #tpu.memory_space<hbm>> -> memref<10240x128xf32, #tpu.memory_space<hbm>>
      tpu.enqueue_indirect_dma source(%dma_start3A_472 : memref<10240x128xf32, #tpu.memory_space<hbm>>) target(%dma_start3A_466 : memref<64x128xf32, #tpu.memory_space<vmem>>) offsets(%dma_start3A_469 : memref<64xi32, #tpu.memory_space<vmem>>) semaphore(%arg9 : memref<!tpu.dma_semaphore, #tpu.memory_space<semaphore_mem>>)
      %mul3A_473 = arith.constant 16 : i32
      %mul3A_474 = arith.muli %scan3A_58, %mul3A_473 : i32
      %add3A_475 = arith.constant 7 : i32
      %add3A_476 = arith.addi %mul3A_474, %add3A_475 : i32
      %run_scoped3A_477 = arith.constant 1 : i32
      "tpu.region"() ({
        %run_scoped3A_899 = tpu.sem_alloc : memref<!tpu.dma_semaphore, #tpu.memory_space<semaphore_mem>>
        %dma_start3A_900 = arith.constant 0 : i32
        %dma_start3A_901 = arith.constant 0 : i32
        %dma_start3A_902 = tpu.memref_slice %arg7[%run_scoped3A_477, %dma_start3A_900, %dma_start3A_901] : memref<2x128x128xf32, #tpu.memory_space<vmem>> -> memref<1x128x128xf32, #tpu.memory_space<vmem>>
        %dma_start3A_903 = tpu.memref_squeeze %dma_start3A_902 : memref<1x128x128xf32, #tpu.memory_space<vmem>> -> memref<128x128xf32, #tpu.memory_space<vmem>>
        %dma_start3A_904 = arith.constant 0 : i32
        %dma_start3A_905 = tpu.memref_slice %arg6[%add3A_476, %dma_start3A_904] : memref<80x128xi32, #tpu.memory_space<vmem>> -> memref<1x128xi32, #tpu.memory_space<vmem>>
        %dma_start3A_906 = tpu.memref_squeeze %dma_start3A_905 : memref<1x128xi32, #tpu.memory_space<vmem>> -> memref<128xi32, #tpu.memory_space<vmem>>
        %dma_start3A_907 = arith.constant 0 : i32
        %dma_start3A_908 = arith.constant 0 : i32
        %dma_start3A_909 = tpu.memref_slice %arg8[%dma_start3A_907, %dma_start3A_908] : memref<10240x128xf32, #tpu.memory_space<vmem_shared>> -> memref<10240x128xf32, #tpu.memory_space<vmem_shared>>
        tpu.enqueue_indirect_dma source(%dma_start3A_903 : memref<128x128xf32, #tpu.memory_space<vmem>>) target(%dma_start3A_909 : memref<10240x128xf32, #tpu.memory_space<vmem_shared>>) offsets(%dma_start3A_906 : memref<128xi32, #tpu.memory_space<vmem>>) semaphore(%run_scoped3A_899 : memref<!tpu.dma_semaphore, #tpu.memory_space<semaphore_mem>>) {add = true}
        %dma_wait3A_910 = arith.constant 0 : i32
        %dma_wait3A_911 = arith.constant 0 : i32
        %dma_wait3A_912 = tpu.memref_slice %arg7[%run_scoped3A_477, %dma_wait3A_910, %dma_wait3A_911] : memref<2x128x128xf32, #tpu.memory_space<vmem>> -> memref<1x128x128xf32, #tpu.memory_space<vmem>>
        %dma_wait3A_913 = tpu.memref_squeeze %dma_wait3A_912 : memref<1x128x128xf32, #tpu.memory_space<vmem>> -> memref<128x128xf32, #tpu.memory_space<vmem>>
        %dma_wait3A_914 = arith.constant 0 : i32
        %dma_wait3A_915 = tpu.memref_slice %arg6[%add3A_476, %dma_wait3A_914] : memref<80x128xi32, #tpu.memory_space<vmem>> -> memref<1x128xi32, #tpu.memory_space<vmem>>
        %dma_wait3A_916 = tpu.memref_squeeze %dma_wait3A_915 : memref<1x128xi32, #tpu.memory_space<vmem>> -> memref<128xi32, #tpu.memory_space<vmem>>
        %dma_wait3A_917 = arith.constant 0 : i32
        %dma_wait3A_918 = arith.constant 0 : i32
        %dma_wait3A_919 = tpu.memref_slice %arg8[%dma_wait3A_917, %dma_wait3A_918] : memref<10240x128xf32, #tpu.memory_space<vmem_shared>> -> memref<10240x128xf32, #tpu.memory_space<vmem_shared>>
        tpu.wait_indirect_dma semaphore(%run_scoped3A_899 : memref<!tpu.dma_semaphore, #tpu.memory_space<semaphore_mem>>) src(%dma_wait3A_913 : memref<128x128xf32, #tpu.memory_space<vmem>>) dst(%dma_wait3A_919 : memref<10240x128xf32, #tpu.memory_space<vmem_shared>>)
        tpu.yield
      }) : () -> ()
      %dma_start3A_478 = arith.constant 9 : i32
      %dma_start3A_479 = arith.constant 1 : i32
      %dma_start3A_480 = arith.constant 0 : i32
      %dma_start3A_481 = arith.constant 0 : i32
      %dma_start3A_482 = tpu.memref_slice %arg7[%dma_start3A_479, %dma_start3A_480, %dma_start3A_481] : memref<2x128x128xf32, #tpu.memory_space<vmem>> -> memref<1x64x128xf32, #tpu.memory_space<vmem>>
      %dma_start3A_483 = tpu.memref_squeeze %dma_start3A_482 : memref<1x64x128xf32, #tpu.memory_space<vmem>> -> memref<64x128xf32, #tpu.memory_space<vmem>>
      %dma_start3A_484 = arith.constant 0 : i32
      %dma_start3A_485 = tpu.memref_slice %arg5[%rem3A_59, %dma_start3A_478, %dma_start3A_484] : memref<2x16x128xi32, #tpu.memory_space<vmem>> -> memref<1x1x64xi32, #tpu.memory_space<vmem>>
      %dma_start3A_486 = tpu.memref_squeeze %dma_start3A_485 : memref<1x1x64xi32, #tpu.memory_space<vmem>> -> memref<64xi32, #tpu.memory_space<vmem>>
      %dma_start3A_487 = arith.constant 0 : i32
      %dma_start3A_488 = arith.constant 0 : i32
      %dma_start3A_489 = tpu.memref_slice %arg2[%dma_start3A_487, %dma_start3A_488] : memref<10240x128xf32, #tpu.memory_space<hbm>> -> memref<10240x128xf32, #tpu.memory_space<hbm>>
      tpu.enqueue_indirect_dma source(%dma_start3A_489 : memref<10240x128xf32, #tpu.memory_space<hbm>>) target(%dma_start3A_483 : memref<64x128xf32, #tpu.memory_space<vmem>>) offsets(%dma_start3A_486 : memref<64xi32, #tpu.memory_space<vmem>>) semaphore(%arg9 : memref<!tpu.dma_semaphore, #tpu.memory_space<semaphore_mem>>)
      %dma_wait3A_490 = arith.constant 8 : i32
      %dma_wait3A_491 = arith.constant 0 : i32
      %dma_wait3A_492 = arith.constant 0 : i32
      %dma_wait3A_493 = arith.constant 0 : i32
      %dma_wait3A_494 = tpu.memref_slice %arg7[%dma_wait3A_491, %dma_wait3A_492, %dma_wait3A_493] : memref<2x128x128xf32, #tpu.memory_space<vmem>> -> memref<1x64x128xf32, #tpu.memory_space<vmem>>
      %dma_wait3A_495 = tpu.memref_squeeze %dma_wait3A_494 : memref<1x64x128xf32, #tpu.memory_space<vmem>> -> memref<64x128xf32, #tpu.memory_space<vmem>>
      %dma_wait3A_496 = arith.constant 0 : i32
      %dma_wait3A_497 = tpu.memref_slice %arg5[%rem3A_59, %dma_wait3A_490, %dma_wait3A_496] : memref<2x16x128xi32, #tpu.memory_space<vmem>> -> memref<1x1x64xi32, #tpu.memory_space<vmem>>
      %dma_wait3A_498 = tpu.memref_squeeze %dma_wait3A_497 : memref<1x1x64xi32, #tpu.memory_space<vmem>> -> memref<64xi32, #tpu.memory_space<vmem>>
      %dma_wait3A_499 = arith.constant 0 : i32
      %dma_wait3A_500 = arith.constant 0 : i32
      %dma_wait3A_501 = tpu.memref_slice %arg2[%dma_wait3A_499, %dma_wait3A_500] : memref<10240x128xf32, #tpu.memory_space<hbm>> -> memref<10240x128xf32, #tpu.memory_space<hbm>>
      tpu.wait_indirect_dma semaphore(%arg9 : memref<!tpu.dma_semaphore, #tpu.memory_space<semaphore_mem>>) src(%dma_wait3A_501 : memref<10240x128xf32, #tpu.memory_space<hbm>>) dst(%dma_wait3A_495 : memref<64x128xf32, #tpu.memory_space<vmem>>)
      %dma_wait3A_502 = arith.constant 8 : i32
      %dma_wait3A_503 = arith.constant 0 : i32
      %dma_wait3A_504 = arith.constant 64 : i32
      %dma_wait3A_505 = arith.constant 0 : i32
      %dma_wait3A_506 = tpu.memref_slice %arg7[%dma_wait3A_503, %dma_wait3A_504, %dma_wait3A_505] : memref<2x128x128xf32, #tpu.memory_space<vmem>> -> memref<1x64x128xf32, #tpu.memory_space<vmem>>
      %dma_wait3A_507 = tpu.memref_squeeze %dma_wait3A_506 : memref<1x64x128xf32, #tpu.memory_space<vmem>> -> memref<64x128xf32, #tpu.memory_space<vmem>>
      %dma_wait3A_508 = arith.constant 64 : i32
      %dma_wait3A_509 = tpu.memref_slice %arg5[%rem3A_59, %dma_wait3A_502, %dma_wait3A_508] : memref<2x16x128xi32, #tpu.memory_space<vmem>> -> memref<1x1x64xi32, #tpu.memory_space<vmem>>
      %dma_wait3A_510 = tpu.memref_squeeze %dma_wait3A_509 : memref<1x1x64xi32, #tpu.memory_space<vmem>> -> memref<64xi32, #tpu.memory_space<vmem>>
      %dma_wait3A_511 = arith.constant 0 : i32
      %dma_wait3A_512 = arith.constant 0 : i32
      %dma_wait3A_513 = tpu.memref_slice %arg2[%dma_wait3A_511, %dma_wait3A_512] : memref<10240x128xf32, #tpu.memory_space<hbm>> -> memref<10240x128xf32, #tpu.memory_space<hbm>>
      tpu.wait_indirect_dma semaphore(%arg9 : memref<!tpu.dma_semaphore, #tpu.memory_space<semaphore_mem>>) src(%dma_wait3A_513 : memref<10240x128xf32, #tpu.memory_space<hbm>>) dst(%dma_wait3A_507 : memref<64x128xf32, #tpu.memory_space<vmem>>)
      %dma_start3A_514 = arith.constant 9 : i32
      %dma_start3A_515 = arith.constant 1 : i32
      %dma_start3A_516 = arith.constant 64 : i32
      %dma_start3A_517 = arith.constant 0 : i32
      %dma_start3A_518 = tpu.memref_slice %arg7[%dma_start3A_515, %dma_start3A_516, %dma_start3A_517] : memref<2x128x128xf32, #tpu.memory_space<vmem>> -> memref<1x64x128xf32, #tpu.memory_space<vmem>>
      %dma_start3A_519 = tpu.memref_squeeze %dma_start3A_518 : memref<1x64x128xf32, #tpu.memory_space<vmem>> -> memref<64x128xf32, #tpu.memory_space<vmem>>
      %dma_start3A_520 = arith.constant 64 : i32
      %dma_start3A_521 = tpu.memref_slice %arg5[%rem3A_59, %dma_start3A_514, %dma_start3A_520] : memref<2x16x128xi32, #tpu.memory_space<vmem>> -> memref<1x1x64xi32, #tpu.memory_space<vmem>>
      %dma_start3A_522 = tpu.memref_squeeze %dma_start3A_521 : memref<1x1x64xi32, #tpu.memory_space<vmem>> -> memref<64xi32, #tpu.memory_space<vmem>>
      %dma_start3A_523 = arith.constant 0 : i32
      %dma_start3A_524 = arith.constant 0 : i32
      %dma_start3A_525 = tpu.memref_slice %arg2[%dma_start3A_523, %dma_start3A_524] : memref<10240x128xf32, #tpu.memory_space<hbm>> -> memref<10240x128xf32, #tpu.memory_space<hbm>>
      tpu.enqueue_indirect_dma source(%dma_start3A_525 : memref<10240x128xf32, #tpu.memory_space<hbm>>) target(%dma_start3A_519 : memref<64x128xf32, #tpu.memory_space<vmem>>) offsets(%dma_start3A_522 : memref<64xi32, #tpu.memory_space<vmem>>) semaphore(%arg9 : memref<!tpu.dma_semaphore, #tpu.memory_space<semaphore_mem>>)
      %mul3A_526 = arith.constant 16 : i32
      %mul3A_527 = arith.muli %scan3A_58, %mul3A_526 : i32
      %add3A_528 = arith.constant 8 : i32
      %add3A_529 = arith.addi %mul3A_527, %add3A_528 : i32
      %run_scoped3A_530 = arith.constant 0 : i32
      "tpu.region"() ({
        %run_scoped3A_899 = tpu.sem_alloc : memref<!tpu.dma_semaphore, #tpu.memory_space<semaphore_mem>>
        %dma_start3A_900 = arith.constant 0 : i32
        %dma_start3A_901 = arith.constant 0 : i32
        %dma_start3A_902 = tpu.memref_slice %arg7[%run_scoped3A_530, %dma_start3A_900, %dma_start3A_901] : memref<2x128x128xf32, #tpu.memory_space<vmem>> -> memref<1x128x128xf32, #tpu.memory_space<vmem>>
        %dma_start3A_903 = tpu.memref_squeeze %dma_start3A_902 : memref<1x128x128xf32, #tpu.memory_space<vmem>> -> memref<128x128xf32, #tpu.memory_space<vmem>>
        %dma_start3A_904 = arith.constant 0 : i32
        %dma_start3A_905 = tpu.memref_slice %arg6[%add3A_529, %dma_start3A_904] : memref<80x128xi32, #tpu.memory_space<vmem>> -> memref<1x128xi32, #tpu.memory_space<vmem>>
        %dma_start3A_906 = tpu.memref_squeeze %dma_start3A_905 : memref<1x128xi32, #tpu.memory_space<vmem>> -> memref<128xi32, #tpu.memory_space<vmem>>
        %dma_start3A_907 = arith.constant 0 : i32
        %dma_start3A_908 = arith.constant 0 : i32
        %dma_start3A_909 = tpu.memref_slice %arg8[%dma_start3A_907, %dma_start3A_908] : memref<10240x128xf32, #tpu.memory_space<vmem_shared>> -> memref<10240x128xf32, #tpu.memory_space<vmem_shared>>
        tpu.enqueue_indirect_dma source(%dma_start3A_903 : memref<128x128xf32, #tpu.memory_space<vmem>>) target(%dma_start3A_909 : memref<10240x128xf32, #tpu.memory_space<vmem_shared>>) offsets(%dma_start3A_906 : memref<128xi32, #tpu.memory_space<vmem>>) semaphore(%run_scoped3A_899 : memref<!tpu.dma_semaphore, #tpu.memory_space<semaphore_mem>>) {add = true}
        %dma_wait3A_910 = arith.constant 0 : i32
        %dma_wait3A_911 = arith.constant 0 : i32
        %dma_wait3A_912 = tpu.memref_slice %arg7[%run_scoped3A_530, %dma_wait3A_910, %dma_wait3A_911] : memref<2x128x128xf32, #tpu.memory_space<vmem>> -> memref<1x128x128xf32, #tpu.memory_space<vmem>>
        %dma_wait3A_913 = tpu.memref_squeeze %dma_wait3A_912 : memref<1x128x128xf32, #tpu.memory_space<vmem>> -> memref<128x128xf32, #tpu.memory_space<vmem>>
        %dma_wait3A_914 = arith.constant 0 : i32
        %dma_wait3A_915 = tpu.memref_slice %arg6[%add3A_529, %dma_wait3A_914] : memref<80x128xi32, #tpu.memory_space<vmem>> -> memref<1x128xi32, #tpu.memory_space<vmem>>
        %dma_wait3A_916 = tpu.memref_squeeze %dma_wait3A_915 : memref<1x128xi32, #tpu.memory_space<vmem>> -> memref<128xi32, #tpu.memory_space<vmem>>
        %dma_wait3A_917 = arith.constant 0 : i32
        %dma_wait3A_918 = arith.constant 0 : i32
        %dma_wait3A_919 = tpu.memref_slice %arg8[%dma_wait3A_917, %dma_wait3A_918] : memref<10240x128xf32, #tpu.memory_space<vmem_shared>> -> memref<10240x128xf32, #tpu.memory_space<vmem_shared>>
        tpu.wait_indirect_dma semaphore(%run_scoped3A_899 : memref<!tpu.dma_semaphore, #tpu.memory_space<semaphore_mem>>) src(%dma_wait3A_913 : memref<128x128xf32, #tpu.memory_space<vmem>>) dst(%dma_wait3A_919 : memref<10240x128xf32, #tpu.memory_space<vmem_shared>>)
        tpu.yield
      }) : () -> ()
      %dma_start3A_531 = arith.constant 10 : i32
      %dma_start3A_532 = arith.constant 0 : i32
      %dma_start3A_533 = arith.constant 0 : i32
      %dma_start3A_534 = arith.constant 0 : i32
      %dma_start3A_535 = tpu.memref_slice %arg7[%dma_start3A_532, %dma_start3A_533, %dma_start3A_534] : memref<2x128x128xf32, #tpu.memory_space<vmem>> -> memref<1x64x128xf32, #tpu.memory_space<vmem>>
      %dma_start3A_536 = tpu.memref_squeeze %dma_start3A_535 : memref<1x64x128xf32, #tpu.memory_space<vmem>> -> memref<64x128xf32, #tpu.memory_space<vmem>>
      %dma_start3A_537 = arith.constant 0 : i32
      %dma_start3A_538 = tpu.memref_slice %arg5[%rem3A_59, %dma_start3A_531, %dma_start3A_537] : memref<2x16x128xi32, #tpu.memory_space<vmem>> -> memref<1x1x64xi32, #tpu.memory_space<vmem>>
      %dma_start3A_539 = tpu.memref_squeeze %dma_start3A_538 : memref<1x1x64xi32, #tpu.memory_space<vmem>> -> memref<64xi32, #tpu.memory_space<vmem>>
      %dma_start3A_540 = arith.constant 0 : i32
      %dma_start3A_541 = arith.constant 0 : i32
      %dma_start3A_542 = tpu.memref_slice %arg2[%dma_start3A_540, %dma_start3A_541] : memref<10240x128xf32, #tpu.memory_space<hbm>> -> memref<10240x128xf32, #tpu.memory_space<hbm>>
      tpu.enqueue_indirect_dma source(%dma_start3A_542 : memref<10240x128xf32, #tpu.memory_space<hbm>>) target(%dma_start3A_536 : memref<64x128xf32, #tpu.memory_space<vmem>>) offsets(%dma_start3A_539 : memref<64xi32, #tpu.memory_space<vmem>>) semaphore(%arg9 : memref<!tpu.dma_semaphore, #tpu.memory_space<semaphore_mem>>)
      %dma_wait3A_543 = arith.constant 9 : i32
      %dma_wait3A_544 = arith.constant 1 : i32
      %dma_wait3A_545 = arith.constant 0 : i32
      %dma_wait3A_546 = arith.constant 0 : i32
      %dma_wait3A_547 = tpu.memref_slice %arg7[%dma_wait3A_544, %dma_wait3A_545, %dma_wait3A_546] : memref<2x128x128xf32, #tpu.memory_space<vmem>> -> memref<1x64x128xf32, #tpu.memory_space<vmem>>
      %dma_wait3A_548 = tpu.memref_squeeze %dma_wait3A_547 : memref<1x64x128xf32, #tpu.memory_space<vmem>> -> memref<64x128xf32, #tpu.memory_space<vmem>>
      %dma_wait3A_549 = arith.constant 0 : i32
      %dma_wait3A_550 = tpu.memref_slice %arg5[%rem3A_59, %dma_wait3A_543, %dma_wait3A_549] : memref<2x16x128xi32, #tpu.memory_space<vmem>> -> memref<1x1x64xi32, #tpu.memory_space<vmem>>
      %dma_wait3A_551 = tpu.memref_squeeze %dma_wait3A_550 : memref<1x1x64xi32, #tpu.memory_space<vmem>> -> memref<64xi32, #tpu.memory_space<vmem>>
      %dma_wait3A_552 = arith.constant 0 : i32
      %dma_wait3A_553 = arith.constant 0 : i32
      %dma_wait3A_554 = tpu.memref_slice %arg2[%dma_wait3A_552, %dma_wait3A_553] : memref<10240x128xf32, #tpu.memory_space<hbm>> -> memref<10240x128xf32, #tpu.memory_space<hbm>>
      tpu.wait_indirect_dma semaphore(%arg9 : memref<!tpu.dma_semaphore, #tpu.memory_space<semaphore_mem>>) src(%dma_wait3A_554 : memref<10240x128xf32, #tpu.memory_space<hbm>>) dst(%dma_wait3A_548 : memref<64x128xf32, #tpu.memory_space<vmem>>)
      %dma_wait3A_555 = arith.constant 9 : i32
      %dma_wait3A_556 = arith.constant 1 : i32
      %dma_wait3A_557 = arith.constant 64 : i32
      %dma_wait3A_558 = arith.constant 0 : i32
      %dma_wait3A_559 = tpu.memref_slice %arg7[%dma_wait3A_556, %dma_wait3A_557, %dma_wait3A_558] : memref<2x128x128xf32, #tpu.memory_space<vmem>> -> memref<1x64x128xf32, #tpu.memory_space<vmem>>
      %dma_wait3A_560 = tpu.memref_squeeze %dma_wait3A_559 : memref<1x64x128xf32, #tpu.memory_space<vmem>> -> memref<64x128xf32, #tpu.memory_space<vmem>>
      %dma_wait3A_561 = arith.constant 64 : i32
      %dma_wait3A_562 = tpu.memref_slice %arg5[%rem3A_59, %dma_wait3A_555, %dma_wait3A_561] : memref<2x16x128xi32, #tpu.memory_space<vmem>> -> memref<1x1x64xi32, #tpu.memory_space<vmem>>
      %dma_wait3A_563 = tpu.memref_squeeze %dma_wait3A_562 : memref<1x1x64xi32, #tpu.memory_space<vmem>> -> memref<64xi32, #tpu.memory_space<vmem>>
      %dma_wait3A_564 = arith.constant 0 : i32
      %dma_wait3A_565 = arith.constant 0 : i32
      %dma_wait3A_566 = tpu.memref_slice %arg2[%dma_wait3A_564, %dma_wait3A_565] : memref<10240x128xf32, #tpu.memory_space<hbm>> -> memref<10240x128xf32, #tpu.memory_space<hbm>>
      tpu.wait_indirect_dma semaphore(%arg9 : memref<!tpu.dma_semaphore, #tpu.memory_space<semaphore_mem>>) src(%dma_wait3A_566 : memref<10240x128xf32, #tpu.memory_space<hbm>>) dst(%dma_wait3A_560 : memref<64x128xf32, #tpu.memory_space<vmem>>)
      %dma_start3A_567 = arith.constant 10 : i32
      %dma_start3A_568 = arith.constant 0 : i32
      %dma_start3A_569 = arith.constant 64 : i32
      %dma_start3A_570 = arith.constant 0 : i32
      %dma_start3A_571 = tpu.memref_slice %arg7[%dma_start3A_568, %dma_start3A_569, %dma_start3A_570] : memref<2x128x128xf32, #tpu.memory_space<vmem>> -> memref<1x64x128xf32, #tpu.memory_space<vmem>>
      %dma_start3A_572 = tpu.memref_squeeze %dma_start3A_571 : memref<1x64x128xf32, #tpu.memory_space<vmem>> -> memref<64x128xf32, #tpu.memory_space<vmem>>
      %dma_start3A_573 = arith.constant 64 : i32
      %dma_start3A_574 = tpu.memref_slice %arg5[%rem3A_59, %dma_start3A_567, %dma_start3A_573] : memref<2x16x128xi32, #tpu.memory_space<vmem>> -> memref<1x1x64xi32, #tpu.memory_space<vmem>>
      %dma_start3A_575 = tpu.memref_squeeze %dma_start3A_574 : memref<1x1x64xi32, #tpu.memory_space<vmem>> -> memref<64xi32, #tpu.memory_space<vmem>>
      %dma_start3A_576 = arith.constant 0 : i32
      %dma_start3A_577 = arith.constant 0 : i32
      %dma_start3A_578 = tpu.memref_slice %arg2[%dma_start3A_576, %dma_start3A_577] : memref<10240x128xf32, #tpu.memory_space<hbm>> -> memref<10240x128xf32, #tpu.memory_space<hbm>>
      tpu.enqueue_indirect_dma source(%dma_start3A_578 : memref<10240x128xf32, #tpu.memory_space<hbm>>) target(%dma_start3A_572 : memref<64x128xf32, #tpu.memory_space<vmem>>) offsets(%dma_start3A_575 : memref<64xi32, #tpu.memory_space<vmem>>) semaphore(%arg9 : memref<!tpu.dma_semaphore, #tpu.memory_space<semaphore_mem>>)
      %mul3A_579 = arith.constant 16 : i32
      %mul3A_580 = arith.muli %scan3A_58, %mul3A_579 : i32
      %add3A_581 = arith.constant 9 : i32
      %add3A_582 = arith.addi %mul3A_580, %add3A_581 : i32
      %run_scoped3A_583 = arith.constant 1 : i32
      "tpu.region"() ({
        %run_scoped3A_899 = tpu.sem_alloc : memref<!tpu.dma_semaphore, #tpu.memory_space<semaphore_mem>>
        %dma_start3A_900 = arith.constant 0 : i32
        %dma_start3A_901 = arith.constant 0 : i32
        %dma_start3A_902 = tpu.memref_slice %arg7[%run_scoped3A_583, %dma_start3A_900, %dma_start3A_901] : memref<2x128x128xf32, #tpu.memory_space<vmem>> -> memref<1x128x128xf32, #tpu.memory_space<vmem>>
        %dma_start3A_903 = tpu.memref_squeeze %dma_start3A_902 : memref<1x128x128xf32, #tpu.memory_space<vmem>> -> memref<128x128xf32, #tpu.memory_space<vmem>>
        %dma_start3A_904 = arith.constant 0 : i32
        %dma_start3A_905 = tpu.memref_slice %arg6[%add3A_582, %dma_start3A_904] : memref<80x128xi32, #tpu.memory_space<vmem>> -> memref<1x128xi32, #tpu.memory_space<vmem>>
        %dma_start3A_906 = tpu.memref_squeeze %dma_start3A_905 : memref<1x128xi32, #tpu.memory_space<vmem>> -> memref<128xi32, #tpu.memory_space<vmem>>
        %dma_start3A_907 = arith.constant 0 : i32
        %dma_start3A_908 = arith.constant 0 : i32
        %dma_start3A_909 = tpu.memref_slice %arg8[%dma_start3A_907, %dma_start3A_908] : memref<10240x128xf32, #tpu.memory_space<vmem_shared>> -> memref<10240x128xf32, #tpu.memory_space<vmem_shared>>
        tpu.enqueue_indirect_dma source(%dma_start3A_903 : memref<128x128xf32, #tpu.memory_space<vmem>>) target(%dma_start3A_909 : memref<10240x128xf32, #tpu.memory_space<vmem_shared>>) offsets(%dma_start3A_906 : memref<128xi32, #tpu.memory_space<vmem>>) semaphore(%run_scoped3A_899 : memref<!tpu.dma_semaphore, #tpu.memory_space<semaphore_mem>>) {add = true}
        %dma_wait3A_910 = arith.constant 0 : i32
        %dma_wait3A_911 = arith.constant 0 : i32
        %dma_wait3A_912 = tpu.memref_slice %arg7[%run_scoped3A_583, %dma_wait3A_910, %dma_wait3A_911] : memref<2x128x128xf32, #tpu.memory_space<vmem>> -> memref<1x128x128xf32, #tpu.memory_space<vmem>>
        %dma_wait3A_913 = tpu.memref_squeeze %dma_wait3A_912 : memref<1x128x128xf32, #tpu.memory_space<vmem>> -> memref<128x128xf32, #tpu.memory_space<vmem>>
        %dma_wait3A_914 = arith.constant 0 : i32
        %dma_wait3A_915 = tpu.memref_slice %arg6[%add3A_582, %dma_wait3A_914] : memref<80x128xi32, #tpu.memory_space<vmem>> -> memref<1x128xi32, #tpu.memory_space<vmem>>
        %dma_wait3A_916 = tpu.memref_squeeze %dma_wait3A_915 : memref<1x128xi32, #tpu.memory_space<vmem>> -> memref<128xi32, #tpu.memory_space<vmem>>
        %dma_wait3A_917 = arith.constant 0 : i32
        %dma_wait3A_918 = arith.constant 0 : i32
        %dma_wait3A_919 = tpu.memref_slice %arg8[%dma_wait3A_917, %dma_wait3A_918] : memref<10240x128xf32, #tpu.memory_space<vmem_shared>> -> memref<10240x128xf32, #tpu.memory_space<vmem_shared>>
        tpu.wait_indirect_dma semaphore(%run_scoped3A_899 : memref<!tpu.dma_semaphore, #tpu.memory_space<semaphore_mem>>) src(%dma_wait3A_913 : memref<128x128xf32, #tpu.memory_space<vmem>>) dst(%dma_wait3A_919 : memref<10240x128xf32, #tpu.memory_space<vmem_shared>>)
        tpu.yield
      }) : () -> ()
      %dma_start3A_584 = arith.constant 11 : i32
      %dma_start3A_585 = arith.constant 1 : i32
      %dma_start3A_586 = arith.constant 0 : i32
      %dma_start3A_587 = arith.constant 0 : i32
      %dma_start3A_588 = tpu.memref_slice %arg7[%dma_start3A_585, %dma_start3A_586, %dma_start3A_587] : memref<2x128x128xf32, #tpu.memory_space<vmem>> -> memref<1x64x128xf32, #tpu.memory_space<vmem>>
      %dma_start3A_589 = tpu.memref_squeeze %dma_start3A_588 : memref<1x64x128xf32, #tpu.memory_space<vmem>> -> memref<64x128xf32, #tpu.memory_space<vmem>>
      %dma_start3A_590 = arith.constant 0 : i32
      %dma_start3A_591 = tpu.memref_slice %arg5[%rem3A_59, %dma_start3A_584, %dma_start3A_590] : memref<2x16x128xi32, #tpu.memory_space<vmem>> -> memref<1x1x64xi32, #tpu.memory_space<vmem>>
      %dma_start3A_592 = tpu.memref_squeeze %dma_start3A_591 : memref<1x1x64xi32, #tpu.memory_space<vmem>> -> memref<64xi32, #tpu.memory_space<vmem>>
      %dma_start3A_593 = arith.constant 0 : i32
      %dma_start3A_594 = arith.constant 0 : i32
      %dma_start3A_595 = tpu.memref_slice %arg2[%dma_start3A_593, %dma_start3A_594] : memref<10240x128xf32, #tpu.memory_space<hbm>> -> memref<10240x128xf32, #tpu.memory_space<hbm>>
      tpu.enqueue_indirect_dma source(%dma_start3A_595 : memref<10240x128xf32, #tpu.memory_space<hbm>>) target(%dma_start3A_589 : memref<64x128xf32, #tpu.memory_space<vmem>>) offsets(%dma_start3A_592 : memref<64xi32, #tpu.memory_space<vmem>>) semaphore(%arg9 : memref<!tpu.dma_semaphore, #tpu.memory_space<semaphore_mem>>)
      %dma_wait3A_596 = arith.constant 10 : i32
      %dma_wait3A_597 = arith.constant 0 : i32
      %dma_wait3A_598 = arith.constant 0 : i32
      %dma_wait3A_599 = arith.constant 0 : i32
      %dma_wait3A_600 = tpu.memref_slice %arg7[%dma_wait3A_597, %dma_wait3A_598, %dma_wait3A_599] : memref<2x128x128xf32, #tpu.memory_space<vmem>> -> memref<1x64x128xf32, #tpu.memory_space<vmem>>
      %dma_wait3A_601 = tpu.memref_squeeze %dma_wait3A_600 : memref<1x64x128xf32, #tpu.memory_space<vmem>> -> memref<64x128xf32, #tpu.memory_space<vmem>>
      %dma_wait3A_602 = arith.constant 0 : i32
      %dma_wait3A_603 = tpu.memref_slice %arg5[%rem3A_59, %dma_wait3A_596, %dma_wait3A_602] : memref<2x16x128xi32, #tpu.memory_space<vmem>> -> memref<1x1x64xi32, #tpu.memory_space<vmem>>
      %dma_wait3A_604 = tpu.memref_squeeze %dma_wait3A_603 : memref<1x1x64xi32, #tpu.memory_space<vmem>> -> memref<64xi32, #tpu.memory_space<vmem>>
      %dma_wait3A_605 = arith.constant 0 : i32
      %dma_wait3A_606 = arith.constant 0 : i32
      %dma_wait3A_607 = tpu.memref_slice %arg2[%dma_wait3A_605, %dma_wait3A_606] : memref<10240x128xf32, #tpu.memory_space<hbm>> -> memref<10240x128xf32, #tpu.memory_space<hbm>>
      tpu.wait_indirect_dma semaphore(%arg9 : memref<!tpu.dma_semaphore, #tpu.memory_space<semaphore_mem>>) src(%dma_wait3A_607 : memref<10240x128xf32, #tpu.memory_space<hbm>>) dst(%dma_wait3A_601 : memref<64x128xf32, #tpu.memory_space<vmem>>)
      %dma_wait3A_608 = arith.constant 10 : i32
      %dma_wait3A_609 = arith.constant 0 : i32
      %dma_wait3A_610 = arith.constant 64 : i32
      %dma_wait3A_611 = arith.constant 0 : i32
      %dma_wait3A_612 = tpu.memref_slice %arg7[%dma_wait3A_609, %dma_wait3A_610, %dma_wait3A_611] : memref<2x128x128xf32, #tpu.memory_space<vmem>> -> memref<1x64x128xf32, #tpu.memory_space<vmem>>
      %dma_wait3A_613 = tpu.memref_squeeze %dma_wait3A_612 : memref<1x64x128xf32, #tpu.memory_space<vmem>> -> memref<64x128xf32, #tpu.memory_space<vmem>>
      %dma_wait3A_614 = arith.constant 64 : i32
      %dma_wait3A_615 = tpu.memref_slice %arg5[%rem3A_59, %dma_wait3A_608, %dma_wait3A_614] : memref<2x16x128xi32, #tpu.memory_space<vmem>> -> memref<1x1x64xi32, #tpu.memory_space<vmem>>
      %dma_wait3A_616 = tpu.memref_squeeze %dma_wait3A_615 : memref<1x1x64xi32, #tpu.memory_space<vmem>> -> memref<64xi32, #tpu.memory_space<vmem>>
      %dma_wait3A_617 = arith.constant 0 : i32
      %dma_wait3A_618 = arith.constant 0 : i32
      %dma_wait3A_619 = tpu.memref_slice %arg2[%dma_wait3A_617, %dma_wait3A_618] : memref<10240x128xf32, #tpu.memory_space<hbm>> -> memref<10240x128xf32, #tpu.memory_space<hbm>>
      tpu.wait_indirect_dma semaphore(%arg9 : memref<!tpu.dma_semaphore, #tpu.memory_space<semaphore_mem>>) src(%dma_wait3A_619 : memref<10240x128xf32, #tpu.memory_space<hbm>>) dst(%dma_wait3A_613 : memref<64x128xf32, #tpu.memory_space<vmem>>)
      %dma_start3A_620 = arith.constant 11 : i32
      %dma_start3A_621 = arith.constant 1 : i32
      %dma_start3A_622 = arith.constant 64 : i32
      %dma_start3A_623 = arith.constant 0 : i32
      %dma_start3A_624 = tpu.memref_slice %arg7[%dma_start3A_621, %dma_start3A_622, %dma_start3A_623] : memref<2x128x128xf32, #tpu.memory_space<vmem>> -> memref<1x64x128xf32, #tpu.memory_space<vmem>>
      %dma_start3A_625 = tpu.memref_squeeze %dma_start3A_624 : memref<1x64x128xf32, #tpu.memory_space<vmem>> -> memref<64x128xf32, #tpu.memory_space<vmem>>
      %dma_start3A_626 = arith.constant 64 : i32
      %dma_start3A_627 = tpu.memref_slice %arg5[%rem3A_59, %dma_start3A_620, %dma_start3A_626] : memref<2x16x128xi32, #tpu.memory_space<vmem>> -> memref<1x1x64xi32, #tpu.memory_space<vmem>>
      %dma_start3A_628 = tpu.memref_squeeze %dma_start3A_627 : memref<1x1x64xi32, #tpu.memory_space<vmem>> -> memref<64xi32, #tpu.memory_space<vmem>>
      %dma_start3A_629 = arith.constant 0 : i32
      %dma_start3A_630 = arith.constant 0 : i32
      %dma_start3A_631 = tpu.memref_slice %arg2[%dma_start3A_629, %dma_start3A_630] : memref<10240x128xf32, #tpu.memory_space<hbm>> -> memref<10240x128xf32, #tpu.memory_space<hbm>>
      tpu.enqueue_indirect_dma source(%dma_start3A_631 : memref<10240x128xf32, #tpu.memory_space<hbm>>) target(%dma_start3A_625 : memref<64x128xf32, #tpu.memory_space<vmem>>) offsets(%dma_start3A_628 : memref<64xi32, #tpu.memory_space<vmem>>) semaphore(%arg9 : memref<!tpu.dma_semaphore, #tpu.memory_space<semaphore_mem>>)
      %mul3A_632 = arith.constant 16 : i32
      %mul3A_633 = arith.muli %scan3A_58, %mul3A_632 : i32
      %add3A_634 = arith.constant 10 : i32
      %add3A_635 = arith.addi %mul3A_633, %add3A_634 : i32
      %run_scoped3A_636 = arith.constant 0 : i32
      "tpu.region"() ({
        %run_scoped3A_899 = tpu.sem_alloc : memref<!tpu.dma_semaphore, #tpu.memory_space<semaphore_mem>>
        %dma_start3A_900 = arith.constant 0 : i32
        %dma_start3A_901 = arith.constant 0 : i32
        %dma_start3A_902 = tpu.memref_slice %arg7[%run_scoped3A_636, %dma_start3A_900, %dma_start3A_901] : memref<2x128x128xf32, #tpu.memory_space<vmem>> -> memref<1x128x128xf32, #tpu.memory_space<vmem>>
        %dma_start3A_903 = tpu.memref_squeeze %dma_start3A_902 : memref<1x128x128xf32, #tpu.memory_space<vmem>> -> memref<128x128xf32, #tpu.memory_space<vmem>>
        %dma_start3A_904 = arith.constant 0 : i32
        %dma_start3A_905 = tpu.memref_slice %arg6[%add3A_635, %dma_start3A_904] : memref<80x128xi32, #tpu.memory_space<vmem>> -> memref<1x128xi32, #tpu.memory_space<vmem>>
        %dma_start3A_906 = tpu.memref_squeeze %dma_start3A_905 : memref<1x128xi32, #tpu.memory_space<vmem>> -> memref<128xi32, #tpu.memory_space<vmem>>
        %dma_start3A_907 = arith.constant 0 : i32
        %dma_start3A_908 = arith.constant 0 : i32
        %dma_start3A_909 = tpu.memref_slice %arg8[%dma_start3A_907, %dma_start3A_908] : memref<10240x128xf32, #tpu.memory_space<vmem_shared>> -> memref<10240x128xf32, #tpu.memory_space<vmem_shared>>
        tpu.enqueue_indirect_dma source(%dma_start3A_903 : memref<128x128xf32, #tpu.memory_space<vmem>>) target(%dma_start3A_909 : memref<10240x128xf32, #tpu.memory_space<vmem_shared>>) offsets(%dma_start3A_906 : memref<128xi32, #tpu.memory_space<vmem>>) semaphore(%run_scoped3A_899 : memref<!tpu.dma_semaphore, #tpu.memory_space<semaphore_mem>>) {add = true}
        %dma_wait3A_910 = arith.constant 0 : i32
        %dma_wait3A_911 = arith.constant 0 : i32
        %dma_wait3A_912 = tpu.memref_slice %arg7[%run_scoped3A_636, %dma_wait3A_910, %dma_wait3A_911] : memref<2x128x128xf32, #tpu.memory_space<vmem>> -> memref<1x128x128xf32, #tpu.memory_space<vmem>>
        %dma_wait3A_913 = tpu.memref_squeeze %dma_wait3A_912 : memref<1x128x128xf32, #tpu.memory_space<vmem>> -> memref<128x128xf32, #tpu.memory_space<vmem>>
        %dma_wait3A_914 = arith.constant 0 : i32
        %dma_wait3A_915 = tpu.memref_slice %arg6[%add3A_635, %dma_wait3A_914] : memref<80x128xi32, #tpu.memory_space<vmem>> -> memref<1x128xi32, #tpu.memory_space<vmem>>
        %dma_wait3A_916 = tpu.memref_squeeze %dma_wait3A_915 : memref<1x128xi32, #tpu.memory_space<vmem>> -> memref<128xi32, #tpu.memory_space<vmem>>
        %dma_wait3A_917 = arith.constant 0 : i32
        %dma_wait3A_918 = arith.constant 0 : i32
        %dma_wait3A_919 = tpu.memref_slice %arg8[%dma_wait3A_917, %dma_wait3A_918] : memref<10240x128xf32, #tpu.memory_space<vmem_shared>> -> memref<10240x128xf32, #tpu.memory_space<vmem_shared>>
        tpu.wait_indirect_dma semaphore(%run_scoped3A_899 : memref<!tpu.dma_semaphore, #tpu.memory_space<semaphore_mem>>) src(%dma_wait3A_913 : memref<128x128xf32, #tpu.memory_space<vmem>>) dst(%dma_wait3A_919 : memref<10240x128xf32, #tpu.memory_space<vmem_shared>>)
        tpu.yield
      }) : () -> ()
      %dma_start3A_637 = arith.constant 12 : i32
      %dma_start3A_638 = arith.constant 0 : i32
      %dma_start3A_639 = arith.constant 0 : i32
      %dma_start3A_640 = arith.constant 0 : i32
      %dma_start3A_641 = tpu.memref_slice %arg7[%dma_start3A_638, %dma_start3A_639, %dma_start3A_640] : memref<2x128x128xf32, #tpu.memory_space<vmem>> -> memref<1x64x128xf32, #tpu.memory_space<vmem>>
      %dma_start3A_642 = tpu.memref_squeeze %dma_start3A_641 : memref<1x64x128xf32, #tpu.memory_space<vmem>> -> memref<64x128xf32, #tpu.memory_space<vmem>>
      %dma_start3A_643 = arith.constant 0 : i32
      %dma_start3A_644 = tpu.memref_slice %arg5[%rem3A_59, %dma_start3A_637, %dma_start3A_643] : memref<2x16x128xi32, #tpu.memory_space<vmem>> -> memref<1x1x64xi32, #tpu.memory_space<vmem>>
      %dma_start3A_645 = tpu.memref_squeeze %dma_start3A_644 : memref<1x1x64xi32, #tpu.memory_space<vmem>> -> memref<64xi32, #tpu.memory_space<vmem>>
      %dma_start3A_646 = arith.constant 0 : i32
      %dma_start3A_647 = arith.constant 0 : i32
      %dma_start3A_648 = tpu.memref_slice %arg2[%dma_start3A_646, %dma_start3A_647] : memref<10240x128xf32, #tpu.memory_space<hbm>> -> memref<10240x128xf32, #tpu.memory_space<hbm>>
      tpu.enqueue_indirect_dma source(%dma_start3A_648 : memref<10240x128xf32, #tpu.memory_space<hbm>>) target(%dma_start3A_642 : memref<64x128xf32, #tpu.memory_space<vmem>>) offsets(%dma_start3A_645 : memref<64xi32, #tpu.memory_space<vmem>>) semaphore(%arg9 : memref<!tpu.dma_semaphore, #tpu.memory_space<semaphore_mem>>)
      %dma_wait3A_649 = arith.constant 11 : i32
      %dma_wait3A_650 = arith.constant 1 : i32
      %dma_wait3A_651 = arith.constant 0 : i32
      %dma_wait3A_652 = arith.constant 0 : i32
      %dma_wait3A_653 = tpu.memref_slice %arg7[%dma_wait3A_650, %dma_wait3A_651, %dma_wait3A_652] : memref<2x128x128xf32, #tpu.memory_space<vmem>> -> memref<1x64x128xf32, #tpu.memory_space<vmem>>
      %dma_wait3A_654 = tpu.memref_squeeze %dma_wait3A_653 : memref<1x64x128xf32, #tpu.memory_space<vmem>> -> memref<64x128xf32, #tpu.memory_space<vmem>>
      %dma_wait3A_655 = arith.constant 0 : i32
      %dma_wait3A_656 = tpu.memref_slice %arg5[%rem3A_59, %dma_wait3A_649, %dma_wait3A_655] : memref<2x16x128xi32, #tpu.memory_space<vmem>> -> memref<1x1x64xi32, #tpu.memory_space<vmem>>
      %dma_wait3A_657 = tpu.memref_squeeze %dma_wait3A_656 : memref<1x1x64xi32, #tpu.memory_space<vmem>> -> memref<64xi32, #tpu.memory_space<vmem>>
      %dma_wait3A_658 = arith.constant 0 : i32
      %dma_wait3A_659 = arith.constant 0 : i32
      %dma_wait3A_660 = tpu.memref_slice %arg2[%dma_wait3A_658, %dma_wait3A_659] : memref<10240x128xf32, #tpu.memory_space<hbm>> -> memref<10240x128xf32, #tpu.memory_space<hbm>>
      tpu.wait_indirect_dma semaphore(%arg9 : memref<!tpu.dma_semaphore, #tpu.memory_space<semaphore_mem>>) src(%dma_wait3A_660 : memref<10240x128xf32, #tpu.memory_space<hbm>>) dst(%dma_wait3A_654 : memref<64x128xf32, #tpu.memory_space<vmem>>)
      %dma_wait3A_661 = arith.constant 11 : i32
      %dma_wait3A_662 = arith.constant 1 : i32
      %dma_wait3A_663 = arith.constant 64 : i32
      %dma_wait3A_664 = arith.constant 0 : i32
      %dma_wait3A_665 = tpu.memref_slice %arg7[%dma_wait3A_662, %dma_wait3A_663, %dma_wait3A_664] : memref<2x128x128xf32, #tpu.memory_space<vmem>> -> memref<1x64x128xf32, #tpu.memory_space<vmem>>
      %dma_wait3A_666 = tpu.memref_squeeze %dma_wait3A_665 : memref<1x64x128xf32, #tpu.memory_space<vmem>> -> memref<64x128xf32, #tpu.memory_space<vmem>>
      %dma_wait3A_667 = arith.constant 64 : i32
      %dma_wait3A_668 = tpu.memref_slice %arg5[%rem3A_59, %dma_wait3A_661, %dma_wait3A_667] : memref<2x16x128xi32, #tpu.memory_space<vmem>> -> memref<1x1x64xi32, #tpu.memory_space<vmem>>
      %dma_wait3A_669 = tpu.memref_squeeze %dma_wait3A_668 : memref<1x1x64xi32, #tpu.memory_space<vmem>> -> memref<64xi32, #tpu.memory_space<vmem>>
      %dma_wait3A_670 = arith.constant 0 : i32
      %dma_wait3A_671 = arith.constant 0 : i32
      %dma_wait3A_672 = tpu.memref_slice %arg2[%dma_wait3A_670, %dma_wait3A_671] : memref<10240x128xf32, #tpu.memory_space<hbm>> -> memref<10240x128xf32, #tpu.memory_space<hbm>>
      tpu.wait_indirect_dma semaphore(%arg9 : memref<!tpu.dma_semaphore, #tpu.memory_space<semaphore_mem>>) src(%dma_wait3A_672 : memref<10240x128xf32, #tpu.memory_space<hbm>>) dst(%dma_wait3A_666 : memref<64x128xf32, #tpu.memory_space<vmem>>)
      %dma_start3A_673 = arith.constant 12 : i32
      %dma_start3A_674 = arith.constant 0 : i32
      %dma_start3A_675 = arith.constant 64 : i32
      %dma_start3A_676 = arith.constant 0 : i32
      %dma_start3A_677 = tpu.memref_slice %arg7[%dma_start3A_674, %dma_start3A_675, %dma_start3A_676] : memref<2x128x128xf32, #tpu.memory_space<vmem>> -> memref<1x64x128xf32, #tpu.memory_space<vmem>>
      %dma_start3A_678 = tpu.memref_squeeze %dma_start3A_677 : memref<1x64x128xf32, #tpu.memory_space<vmem>> -> memref<64x128xf32, #tpu.memory_space<vmem>>
      %dma_start3A_679 = arith.constant 64 : i32
      %dma_start3A_680 = tpu.memref_slice %arg5[%rem3A_59, %dma_start3A_673, %dma_start3A_679] : memref<2x16x128xi32, #tpu.memory_space<vmem>> -> memref<1x1x64xi32, #tpu.memory_space<vmem>>
      %dma_start3A_681 = tpu.memref_squeeze %dma_start3A_680 : memref<1x1x64xi32, #tpu.memory_space<vmem>> -> memref<64xi32, #tpu.memory_space<vmem>>
      %dma_start3A_682 = arith.constant 0 : i32
      %dma_start3A_683 = arith.constant 0 : i32
      %dma_start3A_684 = tpu.memref_slice %arg2[%dma_start3A_682, %dma_start3A_683] : memref<10240x128xf32, #tpu.memory_space<hbm>> -> memref<10240x128xf32, #tpu.memory_space<hbm>>
      tpu.enqueue_indirect_dma source(%dma_start3A_684 : memref<10240x128xf32, #tpu.memory_space<hbm>>) target(%dma_start3A_678 : memref<64x128xf32, #tpu.memory_space<vmem>>) offsets(%dma_start3A_681 : memref<64xi32, #tpu.memory_space<vmem>>) semaphore(%arg9 : memref<!tpu.dma_semaphore, #tpu.memory_space<semaphore_mem>>)
      %mul3A_685 = arith.constant 16 : i32
      %mul3A_686 = arith.muli %scan3A_58, %mul3A_685 : i32
      %add3A_687 = arith.constant 11 : i32
      %add3A_688 = arith.addi %mul3A_686, %add3A_687 : i32
      %run_scoped3A_689 = arith.constant 1 : i32
      "tpu.region"() ({
        %run_scoped3A_899 = tpu.sem_alloc : memref<!tpu.dma_semaphore, #tpu.memory_space<semaphore_mem>>
        %dma_start3A_900 = arith.constant 0 : i32
        %dma_start3A_901 = arith.constant 0 : i32
        %dma_start3A_902 = tpu.memref_slice %arg7[%run_scoped3A_689, %dma_start3A_900, %dma_start3A_901] : memref<2x128x128xf32, #tpu.memory_space<vmem>> -> memref<1x128x128xf32, #tpu.memory_space<vmem>>
        %dma_start3A_903 = tpu.memref_squeeze %dma_start3A_902 : memref<1x128x128xf32, #tpu.memory_space<vmem>> -> memref<128x128xf32, #tpu.memory_space<vmem>>
        %dma_start3A_904 = arith.constant 0 : i32
        %dma_start3A_905 = tpu.memref_slice %arg6[%add3A_688, %dma_start3A_904] : memref<80x128xi32, #tpu.memory_space<vmem>> -> memref<1x128xi32, #tpu.memory_space<vmem>>
        %dma_start3A_906 = tpu.memref_squeeze %dma_start3A_905 : memref<1x128xi32, #tpu.memory_space<vmem>> -> memref<128xi32, #tpu.memory_space<vmem>>
        %dma_start3A_907 = arith.constant 0 : i32
        %dma_start3A_908 = arith.constant 0 : i32
        %dma_start3A_909 = tpu.memref_slice %arg8[%dma_start3A_907, %dma_start3A_908] : memref<10240x128xf32, #tpu.memory_space<vmem_shared>> -> memref<10240x128xf32, #tpu.memory_space<vmem_shared>>
        tpu.enqueue_indirect_dma source(%dma_start3A_903 : memref<128x128xf32, #tpu.memory_space<vmem>>) target(%dma_start3A_909 : memref<10240x128xf32, #tpu.memory_space<vmem_shared>>) offsets(%dma_start3A_906 : memref<128xi32, #tpu.memory_space<vmem>>) semaphore(%run_scoped3A_899 : memref<!tpu.dma_semaphore, #tpu.memory_space<semaphore_mem>>) {add = true}
        %dma_wait3A_910 = arith.constant 0 : i32
        %dma_wait3A_911 = arith.constant 0 : i32
        %dma_wait3A_912 = tpu.memref_slice %arg7[%run_scoped3A_689, %dma_wait3A_910, %dma_wait3A_911] : memref<2x128x128xf32, #tpu.memory_space<vmem>> -> memref<1x128x128xf32, #tpu.memory_space<vmem>>
        %dma_wait3A_913 = tpu.memref_squeeze %dma_wait3A_912 : memref<1x128x128xf32, #tpu.memory_space<vmem>> -> memref<128x128xf32, #tpu.memory_space<vmem>>
        %dma_wait3A_914 = arith.constant 0 : i32
        %dma_wait3A_915 = tpu.memref_slice %arg6[%add3A_688, %dma_wait3A_914] : memref<80x128xi32, #tpu.memory_space<vmem>> -> memref<1x128xi32, #tpu.memory_space<vmem>>
        %dma_wait3A_916 = tpu.memref_squeeze %dma_wait3A_915 : memref<1x128xi32, #tpu.memory_space<vmem>> -> memref<128xi32, #tpu.memory_space<vmem>>
        %dma_wait3A_917 = arith.constant 0 : i32
        %dma_wait3A_918 = arith.constant 0 : i32
        %dma_wait3A_919 = tpu.memref_slice %arg8[%dma_wait3A_917, %dma_wait3A_918] : memref<10240x128xf32, #tpu.memory_space<vmem_shared>> -> memref<10240x128xf32, #tpu.memory_space<vmem_shared>>
        tpu.wait_indirect_dma semaphore(%run_scoped3A_899 : memref<!tpu.dma_semaphore, #tpu.memory_space<semaphore_mem>>) src(%dma_wait3A_913 : memref<128x128xf32, #tpu.memory_space<vmem>>) dst(%dma_wait3A_919 : memref<10240x128xf32, #tpu.memory_space<vmem_shared>>)
        tpu.yield
      }) : () -> ()
      %dma_start3A_690 = arith.constant 13 : i32
      %dma_start3A_691 = arith.constant 1 : i32
      %dma_start3A_692 = arith.constant 0 : i32
      %dma_start3A_693 = arith.constant 0 : i32
      %dma_start3A_694 = tpu.memref_slice %arg7[%dma_start3A_691, %dma_start3A_692, %dma_start3A_693] : memref<2x128x128xf32, #tpu.memory_space<vmem>> -> memref<1x64x128xf32, #tpu.memory_space<vmem>>
      %dma_start3A_695 = tpu.memref_squeeze %dma_start3A_694 : memref<1x64x128xf32, #tpu.memory_space<vmem>> -> memref<64x128xf32, #tpu.memory_space<vmem>>
      %dma_start3A_696 = arith.constant 0 : i32
      %dma_start3A_697 = tpu.memref_slice %arg5[%rem3A_59, %dma_start3A_690, %dma_start3A_696] : memref<2x16x128xi32, #tpu.memory_space<vmem>> -> memref<1x1x64xi32, #tpu.memory_space<vmem>>
      %dma_start3A_698 = tpu.memref_squeeze %dma_start3A_697 : memref<1x1x64xi32, #tpu.memory_space<vmem>> -> memref<64xi32, #tpu.memory_space<vmem>>
      %dma_start3A_699 = arith.constant 0 : i32
      %dma_start3A_700 = arith.constant 0 : i32
      %dma_start3A_701 = tpu.memref_slice %arg2[%dma_start3A_699, %dma_start3A_700] : memref<10240x128xf32, #tpu.memory_space<hbm>> -> memref<10240x128xf32, #tpu.memory_space<hbm>>
      tpu.enqueue_indirect_dma source(%dma_start3A_701 : memref<10240x128xf32, #tpu.memory_space<hbm>>) target(%dma_start3A_695 : memref<64x128xf32, #tpu.memory_space<vmem>>) offsets(%dma_start3A_698 : memref<64xi32, #tpu.memory_space<vmem>>) semaphore(%arg9 : memref<!tpu.dma_semaphore, #tpu.memory_space<semaphore_mem>>)
      %dma_wait3A_702 = arith.constant 12 : i32
      %dma_wait3A_703 = arith.constant 0 : i32
      %dma_wait3A_704 = arith.constant 0 : i32
      %dma_wait3A_705 = arith.constant 0 : i32
      %dma_wait3A_706 = tpu.memref_slice %arg7[%dma_wait3A_703, %dma_wait3A_704, %dma_wait3A_705] : memref<2x128x128xf32, #tpu.memory_space<vmem>> -> memref<1x64x128xf32, #tpu.memory_space<vmem>>
      %dma_wait3A_707 = tpu.memref_squeeze %dma_wait3A_706 : memref<1x64x128xf32, #tpu.memory_space<vmem>> -> memref<64x128xf32, #tpu.memory_space<vmem>>
      %dma_wait3A_708 = arith.constant 0 : i32
      %dma_wait3A_709 = tpu.memref_slice %arg5[%rem3A_59, %dma_wait3A_702, %dma_wait3A_708] : memref<2x16x128xi32, #tpu.memory_space<vmem>> -> memref<1x1x64xi32, #tpu.memory_space<vmem>>
      %dma_wait3A_710 = tpu.memref_squeeze %dma_wait3A_709 : memref<1x1x64xi32, #tpu.memory_space<vmem>> -> memref<64xi32, #tpu.memory_space<vmem>>
      %dma_wait3A_711 = arith.constant 0 : i32
      %dma_wait3A_712 = arith.constant 0 : i32
      %dma_wait3A_713 = tpu.memref_slice %arg2[%dma_wait3A_711, %dma_wait3A_712] : memref<10240x128xf32, #tpu.memory_space<hbm>> -> memref<10240x128xf32, #tpu.memory_space<hbm>>
      tpu.wait_indirect_dma semaphore(%arg9 : memref<!tpu.dma_semaphore, #tpu.memory_space<semaphore_mem>>) src(%dma_wait3A_713 : memref<10240x128xf32, #tpu.memory_space<hbm>>) dst(%dma_wait3A_707 : memref<64x128xf32, #tpu.memory_space<vmem>>)
      %dma_wait3A_714 = arith.constant 12 : i32
      %dma_wait3A_715 = arith.constant 0 : i32
      %dma_wait3A_716 = arith.constant 64 : i32
      %dma_wait3A_717 = arith.constant 0 : i32
      %dma_wait3A_718 = tpu.memref_slice %arg7[%dma_wait3A_715, %dma_wait3A_716, %dma_wait3A_717] : memref<2x128x128xf32, #tpu.memory_space<vmem>> -> memref<1x64x128xf32, #tpu.memory_space<vmem>>
      %dma_wait3A_719 = tpu.memref_squeeze %dma_wait3A_718 : memref<1x64x128xf32, #tpu.memory_space<vmem>> -> memref<64x128xf32, #tpu.memory_space<vmem>>
      %dma_wait3A_720 = arith.constant 64 : i32
      %dma_wait3A_721 = tpu.memref_slice %arg5[%rem3A_59, %dma_wait3A_714, %dma_wait3A_720] : memref<2x16x128xi32, #tpu.memory_space<vmem>> -> memref<1x1x64xi32, #tpu.memory_space<vmem>>
      %dma_wait3A_722 = tpu.memref_squeeze %dma_wait3A_721 : memref<1x1x64xi32, #tpu.memory_space<vmem>> -> memref<64xi32, #tpu.memory_space<vmem>>
      %dma_wait3A_723 = arith.constant 0 : i32
      %dma_wait3A_724 = arith.constant 0 : i32
      %dma_wait3A_725 = tpu.memref_slice %arg2[%dma_wait3A_723, %dma_wait3A_724] : memref<10240x128xf32, #tpu.memory_space<hbm>> -> memref<10240x128xf32, #tpu.memory_space<hbm>>
      tpu.wait_indirect_dma semaphore(%arg9 : memref<!tpu.dma_semaphore, #tpu.memory_space<semaphore_mem>>) src(%dma_wait3A_725 : memref<10240x128xf32, #tpu.memory_space<hbm>>) dst(%dma_wait3A_719 : memref<64x128xf32, #tpu.memory_space<vmem>>)
      %dma_start3A_726 = arith.constant 13 : i32
      %dma_start3A_727 = arith.constant 1 : i32
      %dma_start3A_728 = arith.constant 64 : i32
      %dma_start3A_729 = arith.constant 0 : i32
      %dma_start3A_730 = tpu.memref_slice %arg7[%dma_start3A_727, %dma_start3A_728, %dma_start3A_729] : memref<2x128x128xf32, #tpu.memory_space<vmem>> -> memref<1x64x128xf32, #tpu.memory_space<vmem>>
      %dma_start3A_731 = tpu.memref_squeeze %dma_start3A_730 : memref<1x64x128xf32, #tpu.memory_space<vmem>> -> memref<64x128xf32, #tpu.memory_space<vmem>>
      %dma_start3A_732 = arith.constant 64 : i32
      %dma_start3A_733 = tpu.memref_slice %arg5[%rem3A_59, %dma_start3A_726, %dma_start3A_732] : memref<2x16x128xi32, #tpu.memory_space<vmem>> -> memref<1x1x64xi32, #tpu.memory_space<vmem>>
      %dma_start3A_734 = tpu.memref_squeeze %dma_start3A_733 : memref<1x1x64xi32, #tpu.memory_space<vmem>> -> memref<64xi32, #tpu.memory_space<vmem>>
      %dma_start3A_735 = arith.constant 0 : i32
      %dma_start3A_736 = arith.constant 0 : i32
      %dma_start3A_737 = tpu.memref_slice %arg2[%dma_start3A_735, %dma_start3A_736] : memref<10240x128xf32, #tpu.memory_space<hbm>> -> memref<10240x128xf32, #tpu.memory_space<hbm>>
      tpu.enqueue_indirect_dma source(%dma_start3A_737 : memref<10240x128xf32, #tpu.memory_space<hbm>>) target(%dma_start3A_731 : memref<64x128xf32, #tpu.memory_space<vmem>>) offsets(%dma_start3A_734 : memref<64xi32, #tpu.memory_space<vmem>>) semaphore(%arg9 : memref<!tpu.dma_semaphore, #tpu.memory_space<semaphore_mem>>)
      %mul3A_738 = arith.constant 16 : i32
      %mul3A_739 = arith.muli %scan3A_58, %mul3A_738 : i32
      %add3A_740 = arith.constant 12 : i32
      %add3A_741 = arith.addi %mul3A_739, %add3A_740 : i32
      %run_scoped3A_742 = arith.constant 0 : i32
      "tpu.region"() ({
        %run_scoped3A_899 = tpu.sem_alloc : memref<!tpu.dma_semaphore, #tpu.memory_space<semaphore_mem>>
        %dma_start3A_900 = arith.constant 0 : i32
        %dma_start3A_901 = arith.constant 0 : i32
        %dma_start3A_902 = tpu.memref_slice %arg7[%run_scoped3A_742, %dma_start3A_900, %dma_start3A_901] : memref<2x128x128xf32, #tpu.memory_space<vmem>> -> memref<1x128x128xf32, #tpu.memory_space<vmem>>
        %dma_start3A_903 = tpu.memref_squeeze %dma_start3A_902 : memref<1x128x128xf32, #tpu.memory_space<vmem>> -> memref<128x128xf32, #tpu.memory_space<vmem>>
        %dma_start3A_904 = arith.constant 0 : i32
        %dma_start3A_905 = tpu.memref_slice %arg6[%add3A_741, %dma_start3A_904] : memref<80x128xi32, #tpu.memory_space<vmem>> -> memref<1x128xi32, #tpu.memory_space<vmem>>
        %dma_start3A_906 = tpu.memref_squeeze %dma_start3A_905 : memref<1x128xi32, #tpu.memory_space<vmem>> -> memref<128xi32, #tpu.memory_space<vmem>>
        %dma_start3A_907 = arith.constant 0 : i32
        %dma_start3A_908 = arith.constant 0 : i32
        %dma_start3A_909 = tpu.memref_slice %arg8[%dma_start3A_907, %dma_start3A_908] : memref<10240x128xf32, #tpu.memory_space<vmem_shared>> -> memref<10240x128xf32, #tpu.memory_space<vmem_shared>>
        tpu.enqueue_indirect_dma source(%dma_start3A_903 : memref<128x128xf32, #tpu.memory_space<vmem>>) target(%dma_start3A_909 : memref<10240x128xf32, #tpu.memory_space<vmem_shared>>) offsets(%dma_start3A_906 : memref<128xi32, #tpu.memory_space<vmem>>) semaphore(%run_scoped3A_899 : memref<!tpu.dma_semaphore, #tpu.memory_space<semaphore_mem>>) {add = true}
        %dma_wait3A_910 = arith.constant 0 : i32
        %dma_wait3A_911 = arith.constant 0 : i32
        %dma_wait3A_912 = tpu.memref_slice %arg7[%run_scoped3A_742, %dma_wait3A_910, %dma_wait3A_911] : memref<2x128x128xf32, #tpu.memory_space<vmem>> -> memref<1x128x128xf32, #tpu.memory_space<vmem>>
        %dma_wait3A_913 = tpu.memref_squeeze %dma_wait3A_912 : memref<1x128x128xf32, #tpu.memory_space<vmem>> -> memref<128x128xf32, #tpu.memory_space<vmem>>
        %dma_wait3A_914 = arith.constant 0 : i32
        %dma_wait3A_915 = tpu.memref_slice %arg6[%add3A_741, %dma_wait3A_914] : memref<80x128xi32, #tpu.memory_space<vmem>> -> memref<1x128xi32, #tpu.memory_space<vmem>>
        %dma_wait3A_916 = tpu.memref_squeeze %dma_wait3A_915 : memref<1x128xi32, #tpu.memory_space<vmem>> -> memref<128xi32, #tpu.memory_space<vmem>>
        %dma_wait3A_917 = arith.constant 0 : i32
        %dma_wait3A_918 = arith.constant 0 : i32
        %dma_wait3A_919 = tpu.memref_slice %arg8[%dma_wait3A_917, %dma_wait3A_918] : memref<10240x128xf32, #tpu.memory_space<vmem_shared>> -> memref<10240x128xf32, #tpu.memory_space<vmem_shared>>
        tpu.wait_indirect_dma semaphore(%run_scoped3A_899 : memref<!tpu.dma_semaphore, #tpu.memory_space<semaphore_mem>>) src(%dma_wait3A_913 : memref<128x128xf32, #tpu.memory_space<vmem>>) dst(%dma_wait3A_919 : memref<10240x128xf32, #tpu.memory_space<vmem_shared>>)
        tpu.yield
      }) : () -> ()
      %dma_start3A_743 = arith.constant 14 : i32
      %dma_start3A_744 = arith.constant 0 : i32
      %dma_start3A_745 = arith.constant 0 : i32
      %dma_start3A_746 = arith.constant 0 : i32
      %dma_start3A_747 = tpu.memref_slice %arg7[%dma_start3A_744, %dma_start3A_745, %dma_start3A_746] : memref<2x128x128xf32, #tpu.memory_space<vmem>> -> memref<1x64x128xf32, #tpu.memory_space<vmem>>
      %dma_start3A_748 = tpu.memref_squeeze %dma_start3A_747 : memref<1x64x128xf32, #tpu.memory_space<vmem>> -> memref<64x128xf32, #tpu.memory_space<vmem>>
      %dma_start3A_749 = arith.constant 0 : i32
      %dma_start3A_750 = tpu.memref_slice %arg5[%rem3A_59, %dma_start3A_743, %dma_start3A_749] : memref<2x16x128xi32, #tpu.memory_space<vmem>> -> memref<1x1x64xi32, #tpu.memory_space<vmem>>
      %dma_start3A_751 = tpu.memref_squeeze %dma_start3A_750 : memref<1x1x64xi32, #tpu.memory_space<vmem>> -> memref<64xi32, #tpu.memory_space<vmem>>
      %dma_start3A_752 = arith.constant 0 : i32
      %dma_start3A_753 = arith.constant 0 : i32
      %dma_start3A_754 = tpu.memref_slice %arg2[%dma_start3A_752, %dma_start3A_753] : memref<10240x128xf32, #tpu.memory_space<hbm>> -> memref<10240x128xf32, #tpu.memory_space<hbm>>
      tpu.enqueue_indirect_dma source(%dma_start3A_754 : memref<10240x128xf32, #tpu.memory_space<hbm>>) target(%dma_start3A_748 : memref<64x128xf32, #tpu.memory_space<vmem>>) offsets(%dma_start3A_751 : memref<64xi32, #tpu.memory_space<vmem>>) semaphore(%arg9 : memref<!tpu.dma_semaphore, #tpu.memory_space<semaphore_mem>>)
      %dma_wait3A_755 = arith.constant 13 : i32
      %dma_wait3A_756 = arith.constant 1 : i32
      %dma_wait3A_757 = arith.constant 0 : i32
      %dma_wait3A_758 = arith.constant 0 : i32
      %dma_wait3A_759 = tpu.memref_slice %arg7[%dma_wait3A_756, %dma_wait3A_757, %dma_wait3A_758] : memref<2x128x128xf32, #tpu.memory_space<vmem>> -> memref<1x64x128xf32, #tpu.memory_space<vmem>>
      %dma_wait3A_760 = tpu.memref_squeeze %dma_wait3A_759 : memref<1x64x128xf32, #tpu.memory_space<vmem>> -> memref<64x128xf32, #tpu.memory_space<vmem>>
      %dma_wait3A_761 = arith.constant 0 : i32
      %dma_wait3A_762 = tpu.memref_slice %arg5[%rem3A_59, %dma_wait3A_755, %dma_wait3A_761] : memref<2x16x128xi32, #tpu.memory_space<vmem>> -> memref<1x1x64xi32, #tpu.memory_space<vmem>>
      %dma_wait3A_763 = tpu.memref_squeeze %dma_wait3A_762 : memref<1x1x64xi32, #tpu.memory_space<vmem>> -> memref<64xi32, #tpu.memory_space<vmem>>
      %dma_wait3A_764 = arith.constant 0 : i32
      %dma_wait3A_765 = arith.constant 0 : i32
      %dma_wait3A_766 = tpu.memref_slice %arg2[%dma_wait3A_764, %dma_wait3A_765] : memref<10240x128xf32, #tpu.memory_space<hbm>> -> memref<10240x128xf32, #tpu.memory_space<hbm>>
      tpu.wait_indirect_dma semaphore(%arg9 : memref<!tpu.dma_semaphore, #tpu.memory_space<semaphore_mem>>) src(%dma_wait3A_766 : memref<10240x128xf32, #tpu.memory_space<hbm>>) dst(%dma_wait3A_760 : memref<64x128xf32, #tpu.memory_space<vmem>>)
      %dma_wait3A_767 = arith.constant 13 : i32
      %dma_wait3A_768 = arith.constant 1 : i32
      %dma_wait3A_769 = arith.constant 64 : i32
      %dma_wait3A_770 = arith.constant 0 : i32
      %dma_wait3A_771 = tpu.memref_slice %arg7[%dma_wait3A_768, %dma_wait3A_769, %dma_wait3A_770] : memref<2x128x128xf32, #tpu.memory_space<vmem>> -> memref<1x64x128xf32, #tpu.memory_space<vmem>>
      %dma_wait3A_772 = tpu.memref_squeeze %dma_wait3A_771 : memref<1x64x128xf32, #tpu.memory_space<vmem>> -> memref<64x128xf32, #tpu.memory_space<vmem>>
      %dma_wait3A_773 = arith.constant 64 : i32
      %dma_wait3A_774 = tpu.memref_slice %arg5[%rem3A_59, %dma_wait3A_767, %dma_wait3A_773] : memref<2x16x128xi32, #tpu.memory_space<vmem>> -> memref<1x1x64xi32, #tpu.memory_space<vmem>>
      %dma_wait3A_775 = tpu.memref_squeeze %dma_wait3A_774 : memref<1x1x64xi32, #tpu.memory_space<vmem>> -> memref<64xi32, #tpu.memory_space<vmem>>
      %dma_wait3A_776 = arith.constant 0 : i32
      %dma_wait3A_777 = arith.constant 0 : i32
      %dma_wait3A_778 = tpu.memref_slice %arg2[%dma_wait3A_776, %dma_wait3A_777] : memref<10240x128xf32, #tpu.memory_space<hbm>> -> memref<10240x128xf32, #tpu.memory_space<hbm>>
      tpu.wait_indirect_dma semaphore(%arg9 : memref<!tpu.dma_semaphore, #tpu.memory_space<semaphore_mem>>) src(%dma_wait3A_778 : memref<10240x128xf32, #tpu.memory_space<hbm>>) dst(%dma_wait3A_772 : memref<64x128xf32, #tpu.memory_space<vmem>>)
      %dma_start3A_779 = arith.constant 14 : i32
      %dma_start3A_780 = arith.constant 0 : i32
      %dma_start3A_781 = arith.constant 64 : i32
      %dma_start3A_782 = arith.constant 0 : i32
      %dma_start3A_783 = tpu.memref_slice %arg7[%dma_start3A_780, %dma_start3A_781, %dma_start3A_782] : memref<2x128x128xf32, #tpu.memory_space<vmem>> -> memref<1x64x128xf32, #tpu.memory_space<vmem>>
      %dma_start3A_784 = tpu.memref_squeeze %dma_start3A_783 : memref<1x64x128xf32, #tpu.memory_space<vmem>> -> memref<64x128xf32, #tpu.memory_space<vmem>>
      %dma_start3A_785 = arith.constant 64 : i32
      %dma_start3A_786 = tpu.memref_slice %arg5[%rem3A_59, %dma_start3A_779, %dma_start3A_785] : memref<2x16x128xi32, #tpu.memory_space<vmem>> -> memref<1x1x64xi32, #tpu.memory_space<vmem>>
      %dma_start3A_787 = tpu.memref_squeeze %dma_start3A_786 : memref<1x1x64xi32, #tpu.memory_space<vmem>> -> memref<64xi32, #tpu.memory_space<vmem>>
      %dma_start3A_788 = arith.constant 0 : i32
      %dma_start3A_789 = arith.constant 0 : i32
      %dma_start3A_790 = tpu.memref_slice %arg2[%dma_start3A_788, %dma_start3A_789] : memref<10240x128xf32, #tpu.memory_space<hbm>> -> memref<10240x128xf32, #tpu.memory_space<hbm>>
      tpu.enqueue_indirect_dma source(%dma_start3A_790 : memref<10240x128xf32, #tpu.memory_space<hbm>>) target(%dma_start3A_784 : memref<64x128xf32, #tpu.memory_space<vmem>>) offsets(%dma_start3A_787 : memref<64xi32, #tpu.memory_space<vmem>>) semaphore(%arg9 : memref<!tpu.dma_semaphore, #tpu.memory_space<semaphore_mem>>)
      %mul3A_791 = arith.constant 16 : i32
      %mul3A_792 = arith.muli %scan3A_58, %mul3A_791 : i32
      %add3A_793 = arith.constant 13 : i32
      %add3A_794 = arith.addi %mul3A_792, %add3A_793 : i32
      %run_scoped3A_795 = arith.constant 1 : i32
      "tpu.region"() ({
        %run_scoped3A_899 = tpu.sem_alloc : memref<!tpu.dma_semaphore, #tpu.memory_space<semaphore_mem>>
        %dma_start3A_900 = arith.constant 0 : i32
        %dma_start3A_901 = arith.constant 0 : i32
        %dma_start3A_902 = tpu.memref_slice %arg7[%run_scoped3A_795, %dma_start3A_900, %dma_start3A_901] : memref<2x128x128xf32, #tpu.memory_space<vmem>> -> memref<1x128x128xf32, #tpu.memory_space<vmem>>
        %dma_start3A_903 = tpu.memref_squeeze %dma_start3A_902 : memref<1x128x128xf32, #tpu.memory_space<vmem>> -> memref<128x128xf32, #tpu.memory_space<vmem>>
        %dma_start3A_904 = arith.constant 0 : i32
        %dma_start3A_905 = tpu.memref_slice %arg6[%add3A_794, %dma_start3A_904] : memref<80x128xi32, #tpu.memory_space<vmem>> -> memref<1x128xi32, #tpu.memory_space<vmem>>
        %dma_start3A_906 = tpu.memref_squeeze %dma_start3A_905 : memref<1x128xi32, #tpu.memory_space<vmem>> -> memref<128xi32, #tpu.memory_space<vmem>>
        %dma_start3A_907 = arith.constant 0 : i32
        %dma_start3A_908 = arith.constant 0 : i32
        %dma_start3A_909 = tpu.memref_slice %arg8[%dma_start3A_907, %dma_start3A_908] : memref<10240x128xf32, #tpu.memory_space<vmem_shared>> -> memref<10240x128xf32, #tpu.memory_space<vmem_shared>>
        tpu.enqueue_indirect_dma source(%dma_start3A_903 : memref<128x128xf32, #tpu.memory_space<vmem>>) target(%dma_start3A_909 : memref<10240x128xf32, #tpu.memory_space<vmem_shared>>) offsets(%dma_start3A_906 : memref<128xi32, #tpu.memory_space<vmem>>) semaphore(%run_scoped3A_899 : memref<!tpu.dma_semaphore, #tpu.memory_space<semaphore_mem>>) {add = true}
        %dma_wait3A_910 = arith.constant 0 : i32
        %dma_wait3A_911 = arith.constant 0 : i32
        %dma_wait3A_912 = tpu.memref_slice %arg7[%run_scoped3A_795, %dma_wait3A_910, %dma_wait3A_911] : memref<2x128x128xf32, #tpu.memory_space<vmem>> -> memref<1x128x128xf32, #tpu.memory_space<vmem>>
        %dma_wait3A_913 = tpu.memref_squeeze %dma_wait3A_912 : memref<1x128x128xf32, #tpu.memory_space<vmem>> -> memref<128x128xf32, #tpu.memory_space<vmem>>
        %dma_wait3A_914 = arith.constant 0 : i32
        %dma_wait3A_915 = tpu.memref_slice %arg6[%add3A_794, %dma_wait3A_914] : memref<80x128xi32, #tpu.memory_space<vmem>> -> memref<1x128xi32, #tpu.memory_space<vmem>>
        %dma_wait3A_916 = tpu.memref_squeeze %dma_wait3A_915 : memref<1x128xi32, #tpu.memory_space<vmem>> -> memref<128xi32, #tpu.memory_space<vmem>>
        %dma_wait3A_917 = arith.constant 0 : i32
        %dma_wait3A_918 = arith.constant 0 : i32
        %dma_wait3A_919 = tpu.memref_slice %arg8[%dma_wait3A_917, %dma_wait3A_918] : memref<10240x128xf32, #tpu.memory_space<vmem_shared>> -> memref<10240x128xf32, #tpu.memory_space<vmem_shared>>
        tpu.wait_indirect_dma semaphore(%run_scoped3A_899 : memref<!tpu.dma_semaphore, #tpu.memory_space<semaphore_mem>>) src(%dma_wait3A_913 : memref<128x128xf32, #tpu.memory_space<vmem>>) dst(%dma_wait3A_919 : memref<10240x128xf32, #tpu.memory_space<vmem_shared>>)
        tpu.yield
      }) : () -> ()
      %dma_start3A_796 = arith.constant 15 : i32
      %dma_start3A_797 = arith.constant 1 : i32
      %dma_start3A_798 = arith.constant 0 : i32
      %dma_start3A_799 = arith.constant 0 : i32
      %dma_start3A_800 = tpu.memref_slice %arg7[%dma_start3A_797, %dma_start3A_798, %dma_start3A_799] : memref<2x128x128xf32, #tpu.memory_space<vmem>> -> memref<1x64x128xf32, #tpu.memory_space<vmem>>
      %dma_start3A_801 = tpu.memref_squeeze %dma_start3A_800 : memref<1x64x128xf32, #tpu.memory_space<vmem>> -> memref<64x128xf32, #tpu.memory_space<vmem>>
      %dma_start3A_802 = arith.constant 0 : i32
      %dma_start3A_803 = tpu.memref_slice %arg5[%rem3A_59, %dma_start3A_796, %dma_start3A_802] : memref<2x16x128xi32, #tpu.memory_space<vmem>> -> memref<1x1x64xi32, #tpu.memory_space<vmem>>
      %dma_start3A_804 = tpu.memref_squeeze %dma_start3A_803 : memref<1x1x64xi32, #tpu.memory_space<vmem>> -> memref<64xi32, #tpu.memory_space<vmem>>
      %dma_start3A_805 = arith.constant 0 : i32
      %dma_start3A_806 = arith.constant 0 : i32
      %dma_start3A_807 = tpu.memref_slice %arg2[%dma_start3A_805, %dma_start3A_806] : memref<10240x128xf32, #tpu.memory_space<hbm>> -> memref<10240x128xf32, #tpu.memory_space<hbm>>
      tpu.enqueue_indirect_dma source(%dma_start3A_807 : memref<10240x128xf32, #tpu.memory_space<hbm>>) target(%dma_start3A_801 : memref<64x128xf32, #tpu.memory_space<vmem>>) offsets(%dma_start3A_804 : memref<64xi32, #tpu.memory_space<vmem>>) semaphore(%arg9 : memref<!tpu.dma_semaphore, #tpu.memory_space<semaphore_mem>>)
      %dma_wait3A_808 = arith.constant 14 : i32
      %dma_wait3A_809 = arith.constant 0 : i32
      %dma_wait3A_810 = arith.constant 0 : i32
      %dma_wait3A_811 = arith.constant 0 : i32
      %dma_wait3A_812 = tpu.memref_slice %arg7[%dma_wait3A_809, %dma_wait3A_810, %dma_wait3A_811] : memref<2x128x128xf32, #tpu.memory_space<vmem>> -> memref<1x64x128xf32, #tpu.memory_space<vmem>>
      %dma_wait3A_813 = tpu.memref_squeeze %dma_wait3A_812 : memref<1x64x128xf32, #tpu.memory_space<vmem>> -> memref<64x128xf32, #tpu.memory_space<vmem>>
      %dma_wait3A_814 = arith.constant 0 : i32
      %dma_wait3A_815 = tpu.memref_slice %arg5[%rem3A_59, %dma_wait3A_808, %dma_wait3A_814] : memref<2x16x128xi32, #tpu.memory_space<vmem>> -> memref<1x1x64xi32, #tpu.memory_space<vmem>>
      %dma_wait3A_816 = tpu.memref_squeeze %dma_wait3A_815 : memref<1x1x64xi32, #tpu.memory_space<vmem>> -> memref<64xi32, #tpu.memory_space<vmem>>
      %dma_wait3A_817 = arith.constant 0 : i32
      %dma_wait3A_818 = arith.constant 0 : i32
      %dma_wait3A_819 = tpu.memref_slice %arg2[%dma_wait3A_817, %dma_wait3A_818] : memref<10240x128xf32, #tpu.memory_space<hbm>> -> memref<10240x128xf32, #tpu.memory_space<hbm>>
      tpu.wait_indirect_dma semaphore(%arg9 : memref<!tpu.dma_semaphore, #tpu.memory_space<semaphore_mem>>) src(%dma_wait3A_819 : memref<10240x128xf32, #tpu.memory_space<hbm>>) dst(%dma_wait3A_813 : memref<64x128xf32, #tpu.memory_space<vmem>>)
      %dma_wait3A_820 = arith.constant 14 : i32
      %dma_wait3A_821 = arith.constant 0 : i32
      %dma_wait3A_822 = arith.constant 64 : i32
      %dma_wait3A_823 = arith.constant 0 : i32
      %dma_wait3A_824 = tpu.memref_slice %arg7[%dma_wait3A_821, %dma_wait3A_822, %dma_wait3A_823] : memref<2x128x128xf32, #tpu.memory_space<vmem>> -> memref<1x64x128xf32, #tpu.memory_space<vmem>>
      %dma_wait3A_825 = tpu.memref_squeeze %dma_wait3A_824 : memref<1x64x128xf32, #tpu.memory_space<vmem>> -> memref<64x128xf32, #tpu.memory_space<vmem>>
      %dma_wait3A_826 = arith.constant 64 : i32
      %dma_wait3A_827 = tpu.memref_slice %arg5[%rem3A_59, %dma_wait3A_820, %dma_wait3A_826] : memref<2x16x128xi32, #tpu.memory_space<vmem>> -> memref<1x1x64xi32, #tpu.memory_space<vmem>>
      %dma_wait3A_828 = tpu.memref_squeeze %dma_wait3A_827 : memref<1x1x64xi32, #tpu.memory_space<vmem>> -> memref<64xi32, #tpu.memory_space<vmem>>
      %dma_wait3A_829 = arith.constant 0 : i32
      %dma_wait3A_830 = arith.constant 0 : i32
      %dma_wait3A_831 = tpu.memref_slice %arg2[%dma_wait3A_829, %dma_wait3A_830] : memref<10240x128xf32, #tpu.memory_space<hbm>> -> memref<10240x128xf32, #tpu.memory_space<hbm>>
      tpu.wait_indirect_dma semaphore(%arg9 : memref<!tpu.dma_semaphore, #tpu.memory_space<semaphore_mem>>) src(%dma_wait3A_831 : memref<10240x128xf32, #tpu.memory_space<hbm>>) dst(%dma_wait3A_825 : memref<64x128xf32, #tpu.memory_space<vmem>>)
      %dma_start3A_832 = arith.constant 15 : i32
      %dma_start3A_833 = arith.constant 1 : i32
      %dma_start3A_834 = arith.constant 64 : i32
      %dma_start3A_835 = arith.constant 0 : i32
      %dma_start3A_836 = tpu.memref_slice %arg7[%dma_start3A_833, %dma_start3A_834, %dma_start3A_835] : memref<2x128x128xf32, #tpu.memory_space<vmem>> -> memref<1x64x128xf32, #tpu.memory_space<vmem>>
      %dma_start3A_837 = tpu.memref_squeeze %dma_start3A_836 : memref<1x64x128xf32, #tpu.memory_space<vmem>> -> memref<64x128xf32, #tpu.memory_space<vmem>>
      %dma_start3A_838 = arith.constant 64 : i32
      %dma_start3A_839 = tpu.memref_slice %arg5[%rem3A_59, %dma_start3A_832, %dma_start3A_838] : memref<2x16x128xi32, #tpu.memory_space<vmem>> -> memref<1x1x64xi32, #tpu.memory_space<vmem>>
      %dma_start3A_840 = tpu.memref_squeeze %dma_start3A_839 : memref<1x1x64xi32, #tpu.memory_space<vmem>> -> memref<64xi32, #tpu.memory_space<vmem>>
      %dma_start3A_841 = arith.constant 0 : i32
      %dma_start3A_842 = arith.constant 0 : i32
      %dma_start3A_843 = tpu.memref_slice %arg2[%dma_start3A_841, %dma_start3A_842] : memref<10240x128xf32, #tpu.memory_space<hbm>> -> memref<10240x128xf32, #tpu.memory_space<hbm>>
      tpu.enqueue_indirect_dma source(%dma_start3A_843 : memref<10240x128xf32, #tpu.memory_space<hbm>>) target(%dma_start3A_837 : memref<64x128xf32, #tpu.memory_space<vmem>>) offsets(%dma_start3A_840 : memref<64xi32, #tpu.memory_space<vmem>>) semaphore(%arg9 : memref<!tpu.dma_semaphore, #tpu.memory_space<semaphore_mem>>)
      %mul3A_844 = arith.constant 16 : i32
      %mul3A_845 = arith.muli %scan3A_58, %mul3A_844 : i32
      %add3A_846 = arith.constant 14 : i32
      %add3A_847 = arith.addi %mul3A_845, %add3A_846 : i32
      %run_scoped3A_848 = arith.constant 0 : i32
      "tpu.region"() ({
        %run_scoped3A_899 = tpu.sem_alloc : memref<!tpu.dma_semaphore, #tpu.memory_space<semaphore_mem>>
        %dma_start3A_900 = arith.constant 0 : i32
        %dma_start3A_901 = arith.constant 0 : i32
        %dma_start3A_902 = tpu.memref_slice %arg7[%run_scoped3A_848, %dma_start3A_900, %dma_start3A_901] : memref<2x128x128xf32, #tpu.memory_space<vmem>> -> memref<1x128x128xf32, #tpu.memory_space<vmem>>
        %dma_start3A_903 = tpu.memref_squeeze %dma_start3A_902 : memref<1x128x128xf32, #tpu.memory_space<vmem>> -> memref<128x128xf32, #tpu.memory_space<vmem>>
        %dma_start3A_904 = arith.constant 0 : i32
        %dma_start3A_905 = tpu.memref_slice %arg6[%add3A_847, %dma_start3A_904] : memref<80x128xi32, #tpu.memory_space<vmem>> -> memref<1x128xi32, #tpu.memory_space<vmem>>
        %dma_start3A_906 = tpu.memref_squeeze %dma_start3A_905 : memref<1x128xi32, #tpu.memory_space<vmem>> -> memref<128xi32, #tpu.memory_space<vmem>>
        %dma_start3A_907 = arith.constant 0 : i32
        %dma_start3A_908 = arith.constant 0 : i32
        %dma_start3A_909 = tpu.memref_slice %arg8[%dma_start3A_907, %dma_start3A_908] : memref<10240x128xf32, #tpu.memory_space<vmem_shared>> -> memref<10240x128xf32, #tpu.memory_space<vmem_shared>>
        tpu.enqueue_indirect_dma source(%dma_start3A_903 : memref<128x128xf32, #tpu.memory_space<vmem>>) target(%dma_start3A_909 : memref<10240x128xf32, #tpu.memory_space<vmem_shared>>) offsets(%dma_start3A_906 : memref<128xi32, #tpu.memory_space<vmem>>) semaphore(%run_scoped3A_899 : memref<!tpu.dma_semaphore, #tpu.memory_space<semaphore_mem>>) {add = true}
        %dma_wait3A_910 = arith.constant 0 : i32
        %dma_wait3A_911 = arith.constant 0 : i32
        %dma_wait3A_912 = tpu.memref_slice %arg7[%run_scoped3A_848, %dma_wait3A_910, %dma_wait3A_911] : memref<2x128x128xf32, #tpu.memory_space<vmem>> -> memref<1x128x128xf32, #tpu.memory_space<vmem>>
        %dma_wait3A_913 = tpu.memref_squeeze %dma_wait3A_912 : memref<1x128x128xf32, #tpu.memory_space<vmem>> -> memref<128x128xf32, #tpu.memory_space<vmem>>
        %dma_wait3A_914 = arith.constant 0 : i32
        %dma_wait3A_915 = tpu.memref_slice %arg6[%add3A_847, %dma_wait3A_914] : memref<80x128xi32, #tpu.memory_space<vmem>> -> memref<1x128xi32, #tpu.memory_space<vmem>>
        %dma_wait3A_916 = tpu.memref_squeeze %dma_wait3A_915 : memref<1x128xi32, #tpu.memory_space<vmem>> -> memref<128xi32, #tpu.memory_space<vmem>>
        %dma_wait3A_917 = arith.constant 0 : i32
        %dma_wait3A_918 = arith.constant 0 : i32
        %dma_wait3A_919 = tpu.memref_slice %arg8[%dma_wait3A_917, %dma_wait3A_918] : memref<10240x128xf32, #tpu.memory_space<vmem_shared>> -> memref<10240x128xf32, #tpu.memory_space<vmem_shared>>
        tpu.wait_indirect_dma semaphore(%run_scoped3A_899 : memref<!tpu.dma_semaphore, #tpu.memory_space<semaphore_mem>>) src(%dma_wait3A_913 : memref<128x128xf32, #tpu.memory_space<vmem>>) dst(%dma_wait3A_919 : memref<10240x128xf32, #tpu.memory_space<vmem_shared>>)
        tpu.yield
      }) : () -> ()
      %add3A_849 = arith.constant 1 : i32
      %add3A_850 = arith.addi %scan3A_58, %add3A_849 : i32
      %lt3A_851 = arith.constant 5 : i32
      %lt3A_852 = arith.cmpi slt, %add3A_850, %lt3A_851 : i32
      %convert_element_type3A_853 = arith.extui %lt3A_852 : i1 to i32
      %cond3A_854 = arith.constant 0 : i32
      %cond3A_855 = arith.cmpi ne, %convert_element_type3A_853, %cond3A_854 : i32
      scf.if %cond3A_855 {
        %add3A_899 = arith.constant 1 : i32
        %add3A_900 = arith.addi %scan3A_58, %add3A_899 : i32
        %mul3A_901 = arith.constant 16 : i32
        %mul3A_902 = arith.muli %add3A_900, %mul3A_901 : i32
        %add3A_903 = arith.addi %mul3A_2, %mul3A_902 : i32
        %dma_wait3A_904 = arith.constant 0 : i32
        %dma_wait3A_905 = arith.constant 0 : i32
        %dma_wait3A_906 = arith.constant 0 : i32
        %dma_wait3A_907 = tpu.memref_slice %arg5[%sub3A_60, %dma_wait3A_905, %dma_wait3A_906] : memref<2x16x128xi32, #tpu.memory_space<vmem>> -> memref<1x16x128xi32, #tpu.memory_space<vmem>>
        %dma_wait3A_908 = tpu.memref_squeeze %dma_wait3A_907 : memref<1x16x128xi32, #tpu.memory_space<vmem>> -> memref<16x128xi32, #tpu.memory_space<vmem>>
        %dma_wait3A_909 = arith.constant 0 : i32
        %dma_wait3A_910 = tpu.memref_slice %arg3[%dma_wait3A_904, %add3A_903, %dma_wait3A_909] : memref<2x2560x128xi32, #tpu.memory_space<hbm>> -> memref<1x16x128xi32, #tpu.memory_space<hbm>>
        %dma_wait3A_911 = tpu.memref_squeeze %dma_wait3A_910 : memref<1x16x128xi32, #tpu.memory_space<hbm>> -> memref<16x128xi32, #tpu.memory_space<hbm>>
        %dma_wait3A_912 = arith.constant 0 : i32
        %dma_wait3A_913 = arith.constant 0 : i32
        %dma_wait3A_914 = tpu.memref_slice %arg5[%sub3A_60, %dma_wait3A_912, %dma_wait3A_913] : memref<2x16x128xi32, #tpu.memory_space<vmem>> -> memref<1x16x128xi32, #tpu.memory_space<vmem>>
        %dma_wait3A_915 = tpu.memref_squeeze %dma_wait3A_914 : memref<1x16x128xi32, #tpu.memory_space<vmem>> -> memref<16x128xi32, #tpu.memory_space<vmem>>
        %dma_wait3A_916 = arith.constant 0 : i32
        %dma_wait3A_917 = tpu.memref_slice %arg3[%dma_wait3A_904, %add3A_903, %dma_wait3A_916] : memref<2x2560x128xi32, #tpu.memory_space<hbm>> -> memref<1x16x128xi32, #tpu.memory_space<hbm>>
        %dma_wait3A_918 = tpu.memref_squeeze %dma_wait3A_917 : memref<1x16x128xi32, #tpu.memory_space<hbm>> -> memref<16x128xi32, #tpu.memory_space<hbm>>
        tpu.wait_dma2 semaphore(%arg10 : memref<!tpu.dma_semaphore, #tpu.memory_space<semaphore_mem>>) src(%dma_wait3A_918 : memref<16x128xi32, #tpu.memory_space<hbm>>) dst(%dma_wait3A_915 : memref<16x128xi32, #tpu.memory_space<vmem>>)
        %dma_start3A_919 = arith.constant 0 : i32
        %dma_start3A_920 = arith.constant 0 : i32
        %dma_start3A_921 = arith.constant 0 : i32
        %dma_start3A_922 = arith.constant 0 : i32
        %dma_start3A_923 = tpu.memref_slice %arg7[%dma_start3A_920, %dma_start3A_921, %dma_start3A_922] : memref<2x128x128xf32, #tpu.memory_space<vmem>> -> memref<1x64x128xf32, #tpu.memory_space<vmem>>
        %dma_start3A_924 = tpu.memref_squeeze %dma_start3A_923 : memref<1x64x128xf32, #tpu.memory_space<vmem>> -> memref<64x128xf32, #tpu.memory_space<vmem>>
        %dma_start3A_925 = arith.constant 0 : i32
        %dma_start3A_926 = tpu.memref_slice %arg5[%sub3A_60, %dma_start3A_919, %dma_start3A_925] : memref<2x16x128xi32, #tpu.memory_space<vmem>> -> memref<1x1x64xi32, #tpu.memory_space<vmem>>
        %dma_start3A_927 = tpu.memref_squeeze %dma_start3A_926 : memref<1x1x64xi32, #tpu.memory_space<vmem>> -> memref<64xi32, #tpu.memory_space<vmem>>
        %dma_start3A_928 = arith.constant 0 : i32
        %dma_start3A_929 = arith.constant 0 : i32
        %dma_start3A_930 = tpu.memref_slice %arg2[%dma_start3A_928, %dma_start3A_929] : memref<10240x128xf32, #tpu.memory_space<hbm>> -> memref<10240x128xf32, #tpu.memory_space<hbm>>
        tpu.enqueue_indirect_dma source(%dma_start3A_930 : memref<10240x128xf32, #tpu.memory_space<hbm>>) target(%dma_start3A_924 : memref<64x128xf32, #tpu.memory_space<vmem>>) offsets(%dma_start3A_927 : memref<64xi32, #tpu.memory_space<vmem>>) semaphore(%arg9 : memref<!tpu.dma_semaphore, #tpu.memory_space<semaphore_mem>>)
      } else {
      }
      %dma_wait3A_856 = arith.constant 15 : i32
      %dma_wait3A_857 = arith.constant 1 : i32
      %dma_wait3A_858 = arith.constant 0 : i32
      %dma_wait3A_859 = arith.constant 0 : i32
      %dma_wait3A_860 = tpu.memref_slice %arg7[%dma_wait3A_857, %dma_wait3A_858, %dma_wait3A_859] : memref<2x128x128xf32, #tpu.memory_space<vmem>> -> memref<1x64x128xf32, #tpu.memory_space<vmem>>
      %dma_wait3A_861 = tpu.memref_squeeze %dma_wait3A_860 : memref<1x64x128xf32, #tpu.memory_space<vmem>> -> memref<64x128xf32, #tpu.memory_space<vmem>>
      %dma_wait3A_862 = arith.constant 0 : i32
      %dma_wait3A_863 = tpu.memref_slice %arg5[%rem3A_59, %dma_wait3A_856, %dma_wait3A_862] : memref<2x16x128xi32, #tpu.memory_space<vmem>> -> memref<1x1x64xi32, #tpu.memory_space<vmem>>
      %dma_wait3A_864 = tpu.memref_squeeze %dma_wait3A_863 : memref<1x1x64xi32, #tpu.memory_space<vmem>> -> memref<64xi32, #tpu.memory_space<vmem>>
      %dma_wait3A_865 = arith.constant 0 : i32
      %dma_wait3A_866 = arith.constant 0 : i32
      %dma_wait3A_867 = tpu.memref_slice %arg2[%dma_wait3A_865, %dma_wait3A_866] : memref<10240x128xf32, #tpu.memory_space<hbm>> -> memref<10240x128xf32, #tpu.memory_space<hbm>>
      tpu.wait_indirect_dma semaphore(%arg9 : memref<!tpu.dma_semaphore, #tpu.memory_space<semaphore_mem>>) src(%dma_wait3A_867 : memref<10240x128xf32, #tpu.memory_space<hbm>>) dst(%dma_wait3A_861 : memref<64x128xf32, #tpu.memory_space<vmem>>)
      %dma_wait3A_868 = arith.constant 15 : i32
      %dma_wait3A_869 = arith.constant 1 : i32
      %dma_wait3A_870 = arith.constant 64 : i32
      %dma_wait3A_871 = arith.constant 0 : i32
      %dma_wait3A_872 = tpu.memref_slice %arg7[%dma_wait3A_869, %dma_wait3A_870, %dma_wait3A_871] : memref<2x128x128xf32, #tpu.memory_space<vmem>> -> memref<1x64x128xf32, #tpu.memory_space<vmem>>
      %dma_wait3A_873 = tpu.memref_squeeze %dma_wait3A_872 : memref<1x64x128xf32, #tpu.memory_space<vmem>> -> memref<64x128xf32, #tpu.memory_space<vmem>>
      %dma_wait3A_874 = arith.constant 64 : i32
      %dma_wait3A_875 = tpu.memref_slice %arg5[%rem3A_59, %dma_wait3A_868, %dma_wait3A_874] : memref<2x16x128xi32, #tpu.memory_space<vmem>> -> memref<1x1x64xi32, #tpu.memory_space<vmem>>
      %dma_wait3A_876 = tpu.memref_squeeze %dma_wait3A_875 : memref<1x1x64xi32, #tpu.memory_space<vmem>> -> memref<64xi32, #tpu.memory_space<vmem>>
      %dma_wait3A_877 = arith.constant 0 : i32
      %dma_wait3A_878 = arith.constant 0 : i32
      %dma_wait3A_879 = tpu.memref_slice %arg2[%dma_wait3A_877, %dma_wait3A_878] : memref<10240x128xf32, #tpu.memory_space<hbm>> -> memref<10240x128xf32, #tpu.memory_space<hbm>>
      tpu.wait_indirect_dma semaphore(%arg9 : memref<!tpu.dma_semaphore, #tpu.memory_space<semaphore_mem>>) src(%dma_wait3A_879 : memref<10240x128xf32, #tpu.memory_space<hbm>>) dst(%dma_wait3A_873 : memref<64x128xf32, #tpu.memory_space<vmem>>)
      %add3A_880 = arith.constant 1 : i32
      %add3A_881 = arith.addi %scan3A_58, %add3A_880 : i32
      %lt3A_882 = arith.constant 5 : i32
      %lt3A_883 = arith.cmpi slt, %add3A_881, %lt3A_882 : i32
      %convert_element_type3A_884 = arith.extui %lt3A_883 : i1 to i32
      %cond3A_885 = arith.constant 0 : i32
      %cond3A_886 = arith.cmpi ne, %convert_element_type3A_884, %cond3A_885 : i32
      scf.if %cond3A_886 {
        %dma_start3A_899 = arith.constant 0 : i32
        %dma_start3A_900 = arith.constant 0 : i32
        %dma_start3A_901 = arith.constant 64 : i32
        %dma_start3A_902 = arith.constant 0 : i32
        %dma_start3A_903 = tpu.memref_slice %arg7[%dma_start3A_900, %dma_start3A_901, %dma_start3A_902] : memref<2x128x128xf32, #tpu.memory_space<vmem>> -> memref<1x64x128xf32, #tpu.memory_space<vmem>>
        %dma_start3A_904 = tpu.memref_squeeze %dma_start3A_903 : memref<1x64x128xf32, #tpu.memory_space<vmem>> -> memref<64x128xf32, #tpu.memory_space<vmem>>
        %dma_start3A_905 = arith.constant 64 : i32
        %dma_start3A_906 = tpu.memref_slice %arg5[%sub3A_60, %dma_start3A_899, %dma_start3A_905] : memref<2x16x128xi32, #tpu.memory_space<vmem>> -> memref<1x1x64xi32, #tpu.memory_space<vmem>>
        %dma_start3A_907 = tpu.memref_squeeze %dma_start3A_906 : memref<1x1x64xi32, #tpu.memory_space<vmem>> -> memref<64xi32, #tpu.memory_space<vmem>>
        %dma_start3A_908 = arith.constant 0 : i32
        %dma_start3A_909 = arith.constant 0 : i32
        %dma_start3A_910 = tpu.memref_slice %arg2[%dma_start3A_908, %dma_start3A_909] : memref<10240x128xf32, #tpu.memory_space<hbm>> -> memref<10240x128xf32, #tpu.memory_space<hbm>>
        tpu.enqueue_indirect_dma source(%dma_start3A_910 : memref<10240x128xf32, #tpu.memory_space<hbm>>) target(%dma_start3A_904 : memref<64x128xf32, #tpu.memory_space<vmem>>) offsets(%dma_start3A_907 : memref<64xi32, #tpu.memory_space<vmem>>) semaphore(%arg9 : memref<!tpu.dma_semaphore, #tpu.memory_space<semaphore_mem>>)
      } else {
      }
      %mul3A_887 = arith.constant 16 : i32
      %mul3A_888 = arith.muli %scan3A_58, %mul3A_887 : i32
      %add3A_889 = arith.constant 15 : i32
      %add3A_890 = arith.addi %mul3A_888, %add3A_889 : i32
      %run_scoped3A_891 = arith.constant 1 : i32
      "tpu.region"() ({
        %run_scoped3A_899 = tpu.sem_alloc : memref<!tpu.dma_semaphore, #tpu.memory_space<semaphore_mem>>
        %dma_start3A_900 = arith.constant 0 : i32
        %dma_start3A_901 = arith.constant 0 : i32
        %dma_start3A_902 = tpu.memref_slice %arg7[%run_scoped3A_891, %dma_start3A_900, %dma_start3A_901] : memref<2x128x128xf32, #tpu.memory_space<vmem>> -> memref<1x128x128xf32, #tpu.memory_space<vmem>>
        %dma_start3A_903 = tpu.memref_squeeze %dma_start3A_902 : memref<1x128x128xf32, #tpu.memory_space<vmem>> -> memref<128x128xf32, #tpu.memory_space<vmem>>
        %dma_start3A_904 = arith.constant 0 : i32
        %dma_start3A_905 = tpu.memref_slice %arg6[%add3A_890, %dma_start3A_904] : memref<80x128xi32, #tpu.memory_space<vmem>> -> memref<1x128xi32, #tpu.memory_space<vmem>>
        %dma_start3A_906 = tpu.memref_squeeze %dma_start3A_905 : memref<1x128xi32, #tpu.memory_space<vmem>> -> memref<128xi32, #tpu.memory_space<vmem>>
        %dma_start3A_907 = arith.constant 0 : i32
        %dma_start3A_908 = arith.constant 0 : i32
        %dma_start3A_909 = tpu.memref_slice %arg8[%dma_start3A_907, %dma_start3A_908] : memref<10240x128xf32, #tpu.memory_space<vmem_shared>> -> memref<10240x128xf32, #tpu.memory_space<vmem_shared>>
        tpu.enqueue_indirect_dma source(%dma_start3A_903 : memref<128x128xf32, #tpu.memory_space<vmem>>) target(%dma_start3A_909 : memref<10240x128xf32, #tpu.memory_space<vmem_shared>>) offsets(%dma_start3A_906 : memref<128xi32, #tpu.memory_space<vmem>>) semaphore(%run_scoped3A_899 : memref<!tpu.dma_semaphore, #tpu.memory_space<semaphore_mem>>) {add = true}
        %dma_wait3A_910 = arith.constant 0 : i32
        %dma_wait3A_911 = arith.constant 0 : i32
        %dma_wait3A_912 = tpu.memref_slice %arg7[%run_scoped3A_891, %dma_wait3A_910, %dma_wait3A_911] : memref<2x128x128xf32, #tpu.memory_space<vmem>> -> memref<1x128x128xf32, #tpu.memory_space<vmem>>
        %dma_wait3A_913 = tpu.memref_squeeze %dma_wait3A_912 : memref<1x128x128xf32, #tpu.memory_space<vmem>> -> memref<128x128xf32, #tpu.memory_space<vmem>>
        %dma_wait3A_914 = arith.constant 0 : i32
        %dma_wait3A_915 = tpu.memref_slice %arg6[%add3A_890, %dma_wait3A_914] : memref<80x128xi32, #tpu.memory_space<vmem>> -> memref<1x128xi32, #tpu.memory_space<vmem>>
        %dma_wait3A_916 = tpu.memref_squeeze %dma_wait3A_915 : memref<1x128xi32, #tpu.memory_space<vmem>> -> memref<128xi32, #tpu.memory_space<vmem>>
        %dma_wait3A_917 = arith.constant 0 : i32
        %dma_wait3A_918 = arith.constant 0 : i32
        %dma_wait3A_919 = tpu.memref_slice %arg8[%dma_wait3A_917, %dma_wait3A_918] : memref<10240x128xf32, #tpu.memory_space<vmem_shared>> -> memref<10240x128xf32, #tpu.memory_space<vmem_shared>>
        tpu.wait_indirect_dma semaphore(%run_scoped3A_899 : memref<!tpu.dma_semaphore, #tpu.memory_space<semaphore_mem>>) src(%dma_wait3A_913 : memref<128x128xf32, #tpu.memory_space<vmem>>) dst(%dma_wait3A_919 : memref<10240x128xf32, #tpu.memory_space<vmem_shared>>)
        tpu.yield
      }) : () -> ()
      %add3A_892 = arith.constant 1 : i32
      %add3A_893 = arith.addi %scan3A_58, %add3A_892 : i32
      %lt3A_894 = arith.constant 5 : i32
      %lt3A_895 = arith.cmpi slt, %add3A_893, %lt3A_894 : i32
      %convert_element_type3A_896 = arith.extui %lt3A_895 : i1 to i32
      %cond3A_897 = arith.constant 0 : i32
      %cond3A_898 = arith.cmpi ne, %convert_element_type3A_896, %cond3A_897 : i32
      scf.if %cond3A_898 {
        %dma_start3A_899 = arith.constant 1 : i32
        %dma_start3A_900 = arith.constant 1 : i32
        %dma_start3A_901 = arith.constant 0 : i32
        %dma_start3A_902 = arith.constant 0 : i32
        %dma_start3A_903 = tpu.memref_slice %arg7[%dma_start3A_900, %dma_start3A_901, %dma_start3A_902] : memref<2x128x128xf32, #tpu.memory_space<vmem>> -> memref<1x64x128xf32, #tpu.memory_space<vmem>>
        %dma_start3A_904 = tpu.memref_squeeze %dma_start3A_903 : memref<1x64x128xf32, #tpu.memory_space<vmem>> -> memref<64x128xf32, #tpu.memory_space<vmem>>
        %dma_start3A_905 = arith.constant 0 : i32
        %dma_start3A_906 = tpu.memref_slice %arg5[%sub3A_60, %dma_start3A_899, %dma_start3A_905] : memref<2x16x128xi32, #tpu.memory_space<vmem>> -> memref<1x1x64xi32, #tpu.memory_space<vmem>>
        %dma_start3A_907 = tpu.memref_squeeze %dma_start3A_906 : memref<1x1x64xi32, #tpu.memory_space<vmem>> -> memref<64xi32, #tpu.memory_space<vmem>>
        %dma_start3A_908 = arith.constant 0 : i32
        %dma_start3A_909 = arith.constant 0 : i32
        %dma_start3A_910 = tpu.memref_slice %arg2[%dma_start3A_908, %dma_start3A_909] : memref<10240x128xf32, #tpu.memory_space<hbm>> -> memref<10240x128xf32, #tpu.memory_space<hbm>>
        tpu.enqueue_indirect_dma source(%dma_start3A_910 : memref<10240x128xf32, #tpu.memory_space<hbm>>) target(%dma_start3A_904 : memref<64x128xf32, #tpu.memory_space<vmem>>) offsets(%dma_start3A_907 : memref<64xi32, #tpu.memory_space<vmem>>) semaphore(%arg9 : memref<!tpu.dma_semaphore, #tpu.memory_space<semaphore_mem>>)
      } else {
      }
    }
    %scan3A_56 = arith.constant 5 : i32
    %barrier3A_57 = arith.constant 0 : index
    tpu.barrier barrier_id(%barrier3A_57)
    "tpu.region"() ({
      %run_scoped3A_58 = tpu.sem_alloc : memref<!tpu.dma_semaphore, #tpu.memory_space<semaphore_mem>>
      %dma_start3A_59 = arith.constant 0 : i32
      %dma_start3A_60 = tpu.memref_slice %arg4[%arg0, %mul3A_6, %dma_start3A_59] : memref<2x10240x128xf32, #tpu.memory_space<hbm>> -> memref<1x640x128xf32, #tpu.memory_space<hbm>>
      %dma_start3A_61 = tpu.memref_squeeze %dma_start3A_60 : memref<1x640x128xf32, #tpu.memory_space<hbm>> -> memref<640x128xf32, #tpu.memory_space<hbm>>
      %dma_start3A_62 = arith.constant 0 : i32
      %dma_start3A_63 = tpu.memref_slice %arg8[%mul3A_6, %dma_start3A_62] : memref<10240x128xf32, #tpu.memory_space<vmem_shared>> -> memref<640x128xf32, #tpu.memory_space<vmem_shared>>
      tpu.enqueue_dma source(%dma_start3A_63 : memref<640x128xf32, #tpu.memory_space<vmem_shared>>) target(%dma_start3A_61 : memref<640x128xf32, #tpu.memory_space<hbm>>) target_semaphore(%run_scoped3A_58 : memref<!tpu.dma_semaphore, #tpu.memory_space<semaphore_mem>>)
      %dma_wait3A = arith.constant 0 : i32
      %dma_wait3A_64 = tpu.memref_slice %arg4[%arg0, %mul3A_6, %dma_wait3A] : memref<2x10240x128xf32, #tpu.memory_space<hbm>> -> memref<1x640x128xf32, #tpu.memory_space<hbm>>
      %dma_wait3A_65 = tpu.memref_squeeze %dma_wait3A_64 : memref<1x640x128xf32, #tpu.memory_space<hbm>> -> memref<640x128xf32, #tpu.memory_space<hbm>>
      %dma_wait3A_66 = arith.constant 0 : i32
      %dma_wait3A_67 = tpu.memref_slice %arg8[%mul3A_6, %dma_wait3A_66] : memref<10240x128xf32, #tpu.memory_space<vmem_shared>> -> memref<640x128xf32, #tpu.memory_space<vmem_shared>>
      tpu.wait_dma2 semaphore(%run_scoped3A_58 : memref<!tpu.dma_semaphore, #tpu.memory_space<semaphore_mem>>) src(%dma_wait3A_67 : memref<640x128xf32, #tpu.memory_space<vmem_shared>>) dst(%dma_wait3A_65 : memref<640x128xf32, #tpu.memory_space<hbm>>)
      tpu.yield
    }) : () -> ()
    return
  }
}

#map = affine_map<(d0, d1) -> (0, 0, 0)>
#map1 = affine_map<(d0, d1) -> (0, 0)>
module attributes {stable_mosaic.version = 14 : i64} {
  func.func @_deg_body(%arg0: i32, %arg1: i32, %arg2: memref<2x2560x128xi32, #tpu.memory_space<hbm>>, %arg3: memref<2x10240xf32, #tpu.memory_space<hbm>>, %arg4: memref<80x128xi32, #tpu.memory_space<vmem>>, %arg5: memref<128xf32, #tpu.memory_space<vmem>>, %arg6: memref<640xf32, #tpu.memory_space<vmem>>, %arg7: memref<10240xf32, #tpu.memory_space<vmem_shared>>, %arg8: memref<!tpu.dma_semaphore, #tpu.memory_space<semaphore_mem>>) attributes {dimension_semantics = [#tpu.dimension_semantics<core_parallel>, #tpu.dimension_semantics<subcore_parallel>], iteration_bounds = array<i64: 2, 16>, scalar_prefetch = 0 : i64, scratch_operands = 5 : i64, tpu.core_type = #tpu.core_type<sc_vector_subcore>, window_params = [{transform_indices = #map}, {transform_indices = #map1}]} {
    %mul3A = arith.constant 2 : i32
    %mul3A_0 = arith.muli %arg1, %mul3A : i32
    %add3A = arith.addi %mul3A_0, %arg0 : i32
    %mul3A_1 = arith.constant 80 : i32
    %mul3A_2 = arith.muli %add3A, %mul3A_1 : i32
    %run_scoped3A = arith.constant 1 : i32
    "tpu.region"() ({
      %run_scoped3A_73 = tpu.sem_alloc : memref<!tpu.dma_semaphore, #tpu.memory_space<semaphore_mem>>
      %dma_start3A = arith.constant 0 : i32
      %dma_start3A_74 = tpu.memref_slice %arg2[%run_scoped3A, %mul3A_2, %dma_start3A] : memref<2x2560x128xi32, #tpu.memory_space<hbm>> -> memref<1x80x128xi32, #tpu.memory_space<hbm>>
      %dma_start3A_75 = tpu.memref_squeeze %dma_start3A_74 : memref<1x80x128xi32, #tpu.memory_space<hbm>> -> memref<80x128xi32, #tpu.memory_space<hbm>>
      %dma_start3A_76 = arith.constant 0 : i32
      %dma_start3A_77 = tpu.memref_slice %arg2[%run_scoped3A, %mul3A_2, %dma_start3A_76] : memref<2x2560x128xi32, #tpu.memory_space<hbm>> -> memref<1x80x128xi32, #tpu.memory_space<hbm>>
      %dma_start3A_78 = tpu.memref_squeeze %dma_start3A_77 : memref<1x80x128xi32, #tpu.memory_space<hbm>> -> memref<80x128xi32, #tpu.memory_space<hbm>>
      tpu.enqueue_dma source(%dma_start3A_78 : memref<80x128xi32, #tpu.memory_space<hbm>>) target(%arg4 : memref<80x128xi32, #tpu.memory_space<vmem>>) target_semaphore(%run_scoped3A_73 : memref<!tpu.dma_semaphore, #tpu.memory_space<semaphore_mem>>)
      %dma_wait3A = arith.constant 0 : i32
      %dma_wait3A_79 = tpu.memref_slice %arg2[%run_scoped3A, %mul3A_2, %dma_wait3A] : memref<2x2560x128xi32, #tpu.memory_space<hbm>> -> memref<1x80x128xi32, #tpu.memory_space<hbm>>
      %dma_wait3A_80 = tpu.memref_squeeze %dma_wait3A_79 : memref<1x80x128xi32, #tpu.memory_space<hbm>> -> memref<80x128xi32, #tpu.memory_space<hbm>>
      %dma_wait3A_81 = arith.constant 0 : i32
      %dma_wait3A_82 = tpu.memref_slice %arg2[%run_scoped3A, %mul3A_2, %dma_wait3A_81] : memref<2x2560x128xi32, #tpu.memory_space<hbm>> -> memref<1x80x128xi32, #tpu.memory_space<hbm>>
      %dma_wait3A_83 = tpu.memref_squeeze %dma_wait3A_82 : memref<1x80x128xi32, #tpu.memory_space<hbm>> -> memref<80x128xi32, #tpu.memory_space<hbm>>
      tpu.wait_dma2 semaphore(%run_scoped3A_73 : memref<!tpu.dma_semaphore, #tpu.memory_space<semaphore_mem>>) src(%dma_wait3A_83 : memref<80x128xi32, #tpu.memory_space<hbm>>) dst(%arg4 : memref<80x128xi32, #tpu.memory_space<vmem>>)
      tpu.yield
    }) : () -> ()
    %broadcast_in_dim3A = arith.constant 1.000000e+00 : f32
    %broadcast_in_dim3A_3 = vector.broadcast %broadcast_in_dim3A : f32 to vector<16xf32>
    %swap3A = arith.constant 0 : index
    %swap3A_4 = tpu.vector_load %arg5[%swap3A] {strides = array<i32>} : memref<128xf32, #tpu.memory_space<vmem>>, vector<16xf32>,
    %swap3A_5 = vector.shape_cast %swap3A_4 : vector<16xf32> to vector<16xf32>
    %swap3A_6 = vector.shape_cast %broadcast_in_dim3A_3 : vector<16xf32> to vector<16xf32>
    tpu.vector_store %arg5[%swap3A], %swap3A_6 {strides = array<i32>} : memref<128xf32, #tpu.memory_space<vmem>>, vector<16xf32>,
    %broadcast_in_dim3A_7 = arith.constant 1.000000e+00 : f32
    %broadcast_in_dim3A_8 = vector.broadcast %broadcast_in_dim3A_7 : f32 to vector<16xf32>
    %swap3A_9 = arith.constant 16 : index
    %swap3A_10 = tpu.vector_load %arg5[%swap3A_9] {strides = array<i32>} : memref<128xf32, #tpu.memory_space<vmem>>, vector<16xf32>,
    %swap3A_11 = vector.shape_cast %swap3A_10 : vector<16xf32> to vector<16xf32>
    %swap3A_12 = vector.shape_cast %broadcast_in_dim3A_8 : vector<16xf32> to vector<16xf32>
    tpu.vector_store %arg5[%swap3A_9], %swap3A_12 {strides = array<i32>} : memref<128xf32, #tpu.memory_space<vmem>>, vector<16xf32>,
    %broadcast_in_dim3A_13 = arith.constant 1.000000e+00 : f32
    %broadcast_in_dim3A_14 = vector.broadcast %broadcast_in_dim3A_13 : f32 to vector<16xf32>
    %swap3A_15 = arith.constant 32 : index
    %swap3A_16 = tpu.vector_load %arg5[%swap3A_15] {strides = array<i32>} : memref<128xf32, #tpu.memory_space<vmem>>, vector<16xf32>,
    %swap3A_17 = vector.shape_cast %swap3A_16 : vector<16xf32> to vector<16xf32>
    %swap3A_18 = vector.shape_cast %broadcast_in_dim3A_14 : vector<16xf32> to vector<16xf32>
    tpu.vector_store %arg5[%swap3A_15], %swap3A_18 {strides = array<i32>} : memref<128xf32, #tpu.memory_space<vmem>>, vector<16xf32>,
    %broadcast_in_dim3A_19 = arith.constant 1.000000e+00 : f32
    %broadcast_in_dim3A_20 = vector.broadcast %broadcast_in_dim3A_19 : f32 to vector<16xf32>
    %swap3A_21 = arith.constant 48 : index
    %swap3A_22 = tpu.vector_load %arg5[%swap3A_21] {strides = array<i32>} : memref<128xf32, #tpu.memory_space<vmem>>, vector<16xf32>,
    %swap3A_23 = vector.shape_cast %swap3A_22 : vector<16xf32> to vector<16xf32>
    %swap3A_24 = vector.shape_cast %broadcast_in_dim3A_20 : vector<16xf32> to vector<16xf32>
    tpu.vector_store %arg5[%swap3A_21], %swap3A_24 {strides = array<i32>} : memref<128xf32, #tpu.memory_space<vmem>>, vector<16xf32>,
    %broadcast_in_dim3A_25 = arith.constant 1.000000e+00 : f32
    %broadcast_in_dim3A_26 = vector.broadcast %broadcast_in_dim3A_25 : f32 to vector<16xf32>
    %swap3A_27 = arith.constant 64 : index
    %swap3A_28 = tpu.vector_load %arg5[%swap3A_27] {strides = array<i32>} : memref<128xf32, #tpu.memory_space<vmem>>, vector<16xf32>,
    %swap3A_29 = vector.shape_cast %swap3A_28 : vector<16xf32> to vector<16xf32>
    %swap3A_30 = vector.shape_cast %broadcast_in_dim3A_26 : vector<16xf32> to vector<16xf32>
    tpu.vector_store %arg5[%swap3A_27], %swap3A_30 {strides = array<i32>} : memref<128xf32, #tpu.memory_space<vmem>>, vector<16xf32>,
    %broadcast_in_dim3A_31 = arith.constant 1.000000e+00 : f32
    %broadcast_in_dim3A_32 = vector.broadcast %broadcast_in_dim3A_31 : f32 to vector<16xf32>
    %swap3A_33 = arith.constant 80 : index
    %swap3A_34 = tpu.vector_load %arg5[%swap3A_33] {strides = array<i32>} : memref<128xf32, #tpu.memory_space<vmem>>, vector<16xf32>,
    %swap3A_35 = vector.shape_cast %swap3A_34 : vector<16xf32> to vector<16xf32>
    %swap3A_36 = vector.shape_cast %broadcast_in_dim3A_32 : vector<16xf32> to vector<16xf32>
    tpu.vector_store %arg5[%swap3A_33], %swap3A_36 {strides = array<i32>} : memref<128xf32, #tpu.memory_space<vmem>>, vector<16xf32>,
    %broadcast_in_dim3A_37 = arith.constant 1.000000e+00 : f32
    %broadcast_in_dim3A_38 = vector.broadcast %broadcast_in_dim3A_37 : f32 to vector<16xf32>
    %swap3A_39 = arith.constant 96 : index
    %swap3A_40 = tpu.vector_load %arg5[%swap3A_39] {strides = array<i32>} : memref<128xf32, #tpu.memory_space<vmem>>, vector<16xf32>,
    %swap3A_41 = vector.shape_cast %swap3A_40 : vector<16xf32> to vector<16xf32>
    %swap3A_42 = vector.shape_cast %broadcast_in_dim3A_38 : vector<16xf32> to vector<16xf32>
    tpu.vector_store %arg5[%swap3A_39], %swap3A_42 {strides = array<i32>} : memref<128xf32, #tpu.memory_space<vmem>>, vector<16xf32>,
    %broadcast_in_dim3A_43 = arith.constant 1.000000e+00 : f32
    %broadcast_in_dim3A_44 = vector.broadcast %broadcast_in_dim3A_43 : f32 to vector<16xf32>
    %swap3A_45 = arith.constant 112 : index
    %swap3A_46 = tpu.vector_load %arg5[%swap3A_45] {strides = array<i32>} : memref<128xf32, #tpu.memory_space<vmem>>, vector<16xf32>,
    %swap3A_47 = vector.shape_cast %swap3A_46 : vector<16xf32> to vector<16xf32>
    %swap3A_48 = vector.shape_cast %broadcast_in_dim3A_44 : vector<16xf32> to vector<16xf32>
    tpu.vector_store %arg5[%swap3A_45], %swap3A_48 {strides = array<i32>} : memref<128xf32, #tpu.memory_space<vmem>>, vector<16xf32>,
    %scan3A = arith.constant 0 : i32
    %scan3A_49 = arith.constant 0 : i32
    %scan3A_50 = arith.constant 40 : i32
    %scan3A_51 = arith.addi %scan3A_49, %scan3A_50 : i32
    %scan3A_52 = arith.constant 1 : i32
    scf.for %scan3A_73 = %scan3A_49 to %scan3A_51 step %scan3A_52  : i32 {
      %broadcast_in_dim3A_74 = arith.constant 0.000000e+00 : f32
      %broadcast_in_dim3A_75 = vector.broadcast %broadcast_in_dim3A_74 : f32 to vector<16xf32>
      %mul3A_76 = arith.constant 16 : i32
      %mul3A_77 = arith.muli %scan3A_73, %mul3A_76 : i32
      %swap3A_78 = arith.index_cast %mul3A_77 : i32 to index
      %swap3A_79 = tpu.vector_load %arg6[%swap3A_78] {strides = array<i32>} : memref<640xf32, #tpu.memory_space<vmem>>, vector<16xf32>,
      %swap3A_80 = vector.shape_cast %swap3A_79 : vector<16xf32> to vector<16xf32>
      %swap3A_81 = vector.shape_cast %broadcast_in_dim3A_75 : vector<16xf32> to vector<16xf32>
      tpu.vector_store %arg6[%swap3A_78], %swap3A_81 {strides = array<i32>} : memref<640xf32, #tpu.memory_space<vmem>>, vector<16xf32>,
    }
    %scan3A_53 = arith.constant 40 : i32
    %mul3A_54 = arith.constant 640 : i32
    %mul3A_55 = arith.muli %arg1, %mul3A_54 : i32
    "tpu.region"() ({
      %run_scoped3A_73 = tpu.sem_alloc : memref<!tpu.dma_semaphore, #tpu.memory_space<semaphore_mem>>
      %dma_start3A = tpu.memref_slice %arg7[%mul3A_55] : memref<10240xf32, #tpu.memory_space<vmem_shared>> -> memref<640xf32, #tpu.memory_space<vmem_shared>>
      %dma_start3A_74 = tpu.memref_slice %arg7[%mul3A_55] : memref<10240xf32, #tpu.memory_space<vmem_shared>> -> memref<640xf32, #tpu.memory_space<vmem_shared>>
      tpu.enqueue_dma source(%arg6 : memref<640xf32, #tpu.memory_space<vmem>>) target(%dma_start3A_74 : memref<640xf32, #tpu.memory_space<vmem_shared>>) target_semaphore(%run_scoped3A_73 : memref<!tpu.dma_semaphore, #tpu.memory_space<semaphore_mem>>)
      %dma_wait3A = tpu.memref_slice %arg7[%mul3A_55] : memref<10240xf32, #tpu.memory_space<vmem_shared>> -> memref<640xf32, #tpu.memory_space<vmem_shared>>
      %dma_wait3A_75 = tpu.memref_slice %arg7[%mul3A_55] : memref<10240xf32, #tpu.memory_space<vmem_shared>> -> memref<640xf32, #tpu.memory_space<vmem_shared>>
      tpu.wait_dma2 semaphore(%run_scoped3A_73 : memref<!tpu.dma_semaphore, #tpu.memory_space<semaphore_mem>>) src(%arg6 : memref<640xf32, #tpu.memory_space<vmem>>) dst(%dma_wait3A_75 : memref<640xf32, #tpu.memory_space<vmem_shared>>)
      tpu.yield
    }) : () -> ()
    %barrier3A = arith.constant 0 : index
    tpu.barrier barrier_id(%barrier3A)
    %scan3A_56 = arith.constant 0 : i32
    %scan3A_57 = arith.constant 0 : i32
    %scan3A_58 = arith.constant 80 : i32
    %scan3A_59 = arith.addi %scan3A_57, %scan3A_58 : i32
    %scan3A_60 = arith.constant 1 : i32
    scf.for %scan3A_73 = %scan3A_57 to %scan3A_59 step %scan3A_60  : i32 {
      %dma_start3A = arith.constant 0 : i32
      %dma_start3A_74 = tpu.memref_slice %arg4[%scan3A_73, %dma_start3A] : memref<80x128xi32, #tpu.memory_space<vmem>> -> memref<1x128xi32, #tpu.memory_space<vmem>>
      %dma_start3A_75 = tpu.memref_squeeze %dma_start3A_74 : memref<1x128xi32, #tpu.memory_space<vmem>> -> memref<128xi32, #tpu.memory_space<vmem>>
      %dma_start3A_76 = arith.constant 0 : i32
      %dma_start3A_77 = tpu.memref_slice %arg7[%dma_start3A_76] : memref<10240xf32, #tpu.memory_space<vmem_shared>> -> memref<10240xf32, #tpu.memory_space<vmem_shared>>
      tpu.enqueue_indirect_dma source(%arg5 : memref<128xf32, #tpu.memory_space<vmem>>) target(%dma_start3A_77 : memref<10240xf32, #tpu.memory_space<vmem_shared>>) offsets(%dma_start3A_75 : memref<128xi32, #tpu.memory_space<vmem>>) semaphore(%arg8 : memref<!tpu.dma_semaphore, #tpu.memory_space<semaphore_mem>>) {add = true}
    }
    %scan3A_61 = arith.constant 80 : i32
    %scan3A_62 = arith.constant 0 : i32
    %scan3A_63 = arith.constant 0 : i32
    %scan3A_64 = arith.constant 80 : i32
    %scan3A_65 = arith.addi %scan3A_63, %scan3A_64 : i32
    %scan3A_66 = arith.constant 1 : i32
    scf.for %scan3A_73 = %scan3A_63 to %scan3A_65 step %scan3A_66  : i32 {
      %dma_wait3A = arith.constant 0 : i32
      %dma_wait3A_74 = tpu.memref_slice %arg4[%scan3A_73, %dma_wait3A] : memref<80x128xi32, #tpu.memory_space<vmem>> -> memref<1x128xi32, #tpu.memory_space<vmem>>
      %dma_wait3A_75 = tpu.memref_squeeze %dma_wait3A_74 : memref<1x128xi32, #tpu.memory_space<vmem>> -> memref<128xi32, #tpu.memory_space<vmem>>
      %dma_wait3A_76 = arith.constant 0 : i32
      %dma_wait3A_77 = tpu.memref_slice %arg7[%dma_wait3A_76] : memref<10240xf32, #tpu.memory_space<vmem_shared>> -> memref<10240xf32, #tpu.memory_space<vmem_shared>>
      tpu.wait_indirect_dma semaphore(%arg8 : memref<!tpu.dma_semaphore, #tpu.memory_space<semaphore_mem>>) src(%arg5 : memref<128xf32, #tpu.memory_space<vmem>>) dst(%dma_wait3A_77 : memref<10240xf32, #tpu.memory_space<vmem_shared>>)
    }
    %scan3A_67 = arith.constant 80 : i32
    %barrier3A_68 = arith.constant 0 : index
    tpu.barrier barrier_id(%barrier3A_68)
    %mul3A_69 = arith.constant 640 : i32
    %mul3A_70 = arith.muli %arg1, %mul3A_69 : i32
    "tpu.region"() ({
      %run_scoped3A_73 = tpu.sem_alloc : memref<!tpu.dma_semaphore, #tpu.memory_space<semaphore_mem>>
      %dma_start3A = tpu.memref_slice %arg7[%mul3A_70] : memref<10240xf32, #tpu.memory_space<vmem_shared>> -> memref<640xf32, #tpu.memory_space<vmem_shared>>
      %dma_start3A_74 = tpu.memref_slice %arg7[%mul3A_70] : memref<10240xf32, #tpu.memory_space<vmem_shared>> -> memref<640xf32, #tpu.memory_space<vmem_shared>>
      tpu.enqueue_dma source(%dma_start3A_74 : memref<640xf32, #tpu.memory_space<vmem_shared>>) target(%arg6 : memref<640xf32, #tpu.memory_space<vmem>>) target_semaphore(%run_scoped3A_73 : memref<!tpu.dma_semaphore, #tpu.memory_space<semaphore_mem>>)
      %dma_wait3A = tpu.memref_slice %arg7[%mul3A_70] : memref<10240xf32, #tpu.memory_space<vmem_shared>> -> memref<640xf32, #tpu.memory_space<vmem_shared>>
      %dma_wait3A_75 = tpu.memref_slice %arg7[%mul3A_70] : memref<10240xf32, #tpu.memory_space<vmem_shared>> -> memref<640xf32, #tpu.memory_space<vmem_shared>>
      tpu.wait_dma2 semaphore(%run_scoped3A_73 : memref<!tpu.dma_semaphore, #tpu.memory_space<semaphore_mem>>) src(%dma_wait3A_75 : memref<640xf32, #tpu.memory_space<vmem_shared>>) dst(%arg6 : memref<640xf32, #tpu.memory_space<vmem>>)
      tpu.yield
    }) : () -> ()
    %mul3A_71 = arith.constant 640 : i32
    %mul3A_72 = arith.muli %arg1, %mul3A_71 : i32
    "tpu.region"() ({
      %run_scoped3A_73 = tpu.sem_alloc : memref<!tpu.dma_semaphore, #tpu.memory_space<semaphore_mem>>
      %dma_start3A = tpu.memref_slice %arg3[%arg0, %mul3A_72] : memref<2x10240xf32, #tpu.memory_space<hbm>> -> memref<1x640xf32, #tpu.memory_space<hbm>>
      %dma_start3A_74 = tpu.memref_squeeze %dma_start3A : memref<1x640xf32, #tpu.memory_space<hbm>> -> memref<640xf32, #tpu.memory_space<hbm>>
      %dma_start3A_75 = tpu.memref_slice %arg3[%arg0, %mul3A_72] : memref<2x10240xf32, #tpu.memory_space<hbm>> -> memref<1x640xf32, #tpu.memory_space<hbm>>
      %dma_start3A_76 = tpu.memref_squeeze %dma_start3A_75 : memref<1x640xf32, #tpu.memory_space<hbm>> -> memref<640xf32, #tpu.memory_space<hbm>>
      tpu.enqueue_dma source(%arg6 : memref<640xf32, #tpu.memory_space<vmem>>) target(%dma_start3A_76 : memref<640xf32, #tpu.memory_space<hbm>>) target_semaphore(%run_scoped3A_73 : memref<!tpu.dma_semaphore, #tpu.memory_space<semaphore_mem>>)
      %dma_wait3A = tpu.memref_slice %arg3[%arg0, %mul3A_72] : memref<2x10240xf32, #tpu.memory_space<hbm>> -> memref<1x640xf32, #tpu.memory_space<hbm>>
      %dma_wait3A_77 = tpu.memref_squeeze %dma_wait3A : memref<1x640xf32, #tpu.memory_space<hbm>> -> memref<640xf32, #tpu.memory_space<hbm>>
      %dma_wait3A_78 = tpu.memref_slice %arg3[%arg0, %mul3A_72] : memref<2x10240xf32, #tpu.memory_space<hbm>> -> memref<1x640xf32, #tpu.memory_space<hbm>>
      %dma_wait3A_79 = tpu.memref_squeeze %dma_wait3A_78 : memref<1x640xf32, #tpu.memory_space<hbm>> -> memref<640xf32, #tpu.memory_space<hbm>>
      tpu.wait_dma2 semaphore(%run_scoped3A_73 : memref<!tpu.dma_semaphore, #tpu.memory_space<semaphore_mem>>) src(%arg6 : memref<640xf32, #tpu.memory_space<vmem>>) dst(%dma_wait3A_79 : memref<640xf32, #tpu.memory_space<hbm>>)
      tpu.yield
    }) : () -> ()
    return
  }
}

#map = affine_map<(d0, d1) -> (0, 0)>
#map1 = affine_map<(d0, d1) -> (0, 0, 0)>
module attributes {stable_mosaic.version = 14 : i64} {
  func.func @_scat_body(%arg0: i32, %arg1: i32, %arg2: memref<10240x128xf32, #tpu.memory_space<hbm>>, %arg3: memref<2x2560x128xi32, #tpu.memory_space<hbm>>, %arg4: memref<2x10240x128xf32, #tpu.memory_space<hbm>>, %arg5: memref<2x16x128xi32, #tpu.memory_space<vmem>>, %arg6: memref<80x128xi32, #tpu.memory_space<vmem>>, %arg7: memref<2x128x128xf32, #tpu.memory_space<vmem>>, %arg8: memref<10240x128xf32, #tpu.memory_space<vmem_shared>>, %arg9: memref<!tpu.dma_semaphore, #tpu.memory_space<semaphore_mem>>, %arg10: memref<!tpu.dma_semaphore, #tpu.memory_space<semaphore_mem>>) attributes {dimension_semantics = [#tpu.dimension_semantics<core_parallel>, #tpu.dimension_semantics<subcore_parallel>], iteration_bounds = array<i64: 2, 16>, scalar_prefetch = 0 : i64, scratch_operands = 6 : i64, tpu.core_type = #tpu.core_type<sc_vector_subcore>, window_params = [{transform_indices = #map}, {transform_indices = #map1}, {transform_indices = #map1}]} {
    %mul3A = arith.constant 2 : i32
    %mul3A_0 = arith.muli %arg1, %mul3A : i32
    %add3A = arith.addi %mul3A_0, %arg0 : i32
    %mul3A_1 = arith.constant 80 : i32
    %mul3A_2 = arith.muli %add3A, %mul3A_1 : i32
    %run_scoped3A = arith.constant 1 : i32
    "tpu.region"() ({
      %run_scoped3A_58 = tpu.sem_alloc : memref<!tpu.dma_semaphore, #tpu.memory_space<semaphore_mem>>
      %dma_start3A_59 = arith.constant 0 : i32
      %dma_start3A_60 = tpu.memref_slice %arg3[%run_scoped3A, %mul3A_2, %dma_start3A_59] : memref<2x2560x128xi32, #tpu.memory_space<hbm>> -> memref<1x80x128xi32, #tpu.memory_space<hbm>>
      %dma_start3A_61 = tpu.memref_squeeze %dma_start3A_60 : memref<1x80x128xi32, #tpu.memory_space<hbm>> -> memref<80x128xi32, #tpu.memory_space<hbm>>
      %dma_start3A_62 = arith.constant 0 : i32
      %dma_start3A_63 = tpu.memref_slice %arg3[%run_scoped3A, %mul3A_2, %dma_start3A_62] : memref<2x2560x128xi32, #tpu.memory_space<hbm>> -> memref<1x80x128xi32, #tpu.memory_space<hbm>>
      %dma_start3A_64 = tpu.memref_squeeze %dma_start3A_63 : memref<1x80x128xi32, #tpu.memory_space<hbm>> -> memref<80x128xi32, #tpu.memory_space<hbm>>
      tpu.enqueue_dma source(%dma_start3A_64 : memref<80x128xi32, #tpu.memory_space<hbm>>) target(%arg6 : memref<80x128xi32, #tpu.memory_space<vmem>>) target_semaphore(%run_scoped3A_58 : memref<!tpu.dma_semaphore, #tpu.memory_space<semaphore_mem>>)
      %dma_wait3A = arith.constant 0 : i32
      %dma_wait3A_65 = tpu.memref_slice %arg3[%run_scoped3A, %mul3A_2, %dma_wait3A] : memref<2x2560x128xi32, #tpu.memory_space<hbm>> -> memref<1x80x128xi32, #tpu.memory_space<hbm>>
      %dma_wait3A_66 = tpu.memref_squeeze %dma_wait3A_65 : memref<1x80x128xi32, #tpu.memory_space<hbm>> -> memref<80x128xi32, #tpu.memory_space<hbm>>
      %dma_wait3A_67 = arith.constant 0 : i32
      %dma_wait3A_68 = tpu.memref_slice %arg3[%run_scoped3A, %mul3A_2, %dma_wait3A_67] : memref<2x2560x128xi32, #tpu.memory_space<hbm>> -> memref<1x80x128xi32, #tpu.memory_space<hbm>>
      %dma_wait3A_69 = tpu.memref_squeeze %dma_wait3A_68 : memref<1x80x128xi32, #tpu.memory_space<hbm>> -> memref<80x128xi32, #tpu.memory_space<hbm>>
      tpu.wait_dma2 semaphore(%run_scoped3A_58 : memref<!tpu.dma_semaphore, #tpu.memory_space<semaphore_mem>>) src(%dma_wait3A_69 : memref<80x128xi32, #tpu.memory_space<hbm>>) dst(%arg6 : memref<80x128xi32, #tpu.memory_space<vmem>>)
      tpu.yield
    }) : () -> ()
    %run_scoped3A_3 = arith.constant 0 : i32
    %run_scoped3A_4 = arith.constant 0 : i32
    "tpu.region"() ({
      %run_scoped3A_58 = tpu.sem_alloc : memref<!tpu.dma_semaphore, #tpu.memory_space<semaphore_mem>>
      %dma_start3A_59 = arith.constant 0 : i32
      %dma_start3A_60 = arith.constant 0 : i32
      %dma_start3A_61 = tpu.memref_slice %arg5[%run_scoped3A_4, %dma_start3A_59, %dma_start3A_60] : memref<2x16x128xi32, #tpu.memory_space<vmem>> -> memref<1x16x128xi32, #tpu.memory_space<vmem>>
      %dma_start3A_62 = tpu.memref_squeeze %dma_start3A_61 : memref<1x16x128xi32, #tpu.memory_space<vmem>> -> memref<16x128xi32, #tpu.memory_space<vmem>>
      %dma_start3A_63 = arith.constant 0 : i32
      %dma_start3A_64 = tpu.memref_slice %arg3[%run_scoped3A_3, %mul3A_2, %dma_start3A_63] : memref<2x2560x128xi32, #tpu.memory_space<hbm>> -> memref<1x16x128xi32, #tpu.memory_space<hbm>>
      %dma_start3A_65 = tpu.memref_squeeze %dma_start3A_64 : memref<1x16x128xi32, #tpu.memory_space<hbm>> -> memref<16x128xi32, #tpu.memory_space<hbm>>
      %dma_start3A_66 = arith.constant 0 : i32
      %dma_start3A_67 = arith.constant 0 : i32
      %dma_start3A_68 = tpu.memref_slice %arg5[%run_scoped3A_4, %dma_start3A_66, %dma_start3A_67] : memref<2x16x128xi32, #tpu.memory_space<vmem>> -> memref<1x16x128xi32, #tpu.memory_space<vmem>>
      %dma_start3A_69 = tpu.memref_squeeze %dma_start3A_68 : memref<1x16x128xi32, #tpu.memory_space<vmem>> -> memref<16x128xi32, #tpu.memory_space<vmem>>
      %dma_start3A_70 = arith.constant 0 : i32
      %dma_start3A_71 = tpu.memref_slice %arg3[%run_scoped3A_3, %mul3A_2, %dma_start3A_70] : memref<2x2560x128xi32, #tpu.memory_space<hbm>> -> memref<1x16x128xi32, #tpu.memory_space<hbm>>
      %dma_start3A_72 = tpu.memref_squeeze %dma_start3A_71 : memref<1x16x128xi32, #tpu.memory_space<hbm>> -> memref<16x128xi32, #tpu.memory_space<hbm>>
      tpu.enqueue_dma source(%dma_start3A_72 : memref<16x128xi32, #tpu.memory_space<hbm>>) target(%dma_start3A_69 : memref<16x128xi32, #tpu.memory_space<vmem>>) target_semaphore(%run_scoped3A_58 : memref<!tpu.dma_semaphore, #tpu.memory_space<semaphore_mem>>)
      %dma_wait3A = arith.constant 0 : i32
      %dma_wait3A_73 = arith.constant 0 : i32
      %dma_wait3A_74 = tpu.memref_slice %arg5[%run_scoped3A_4, %dma_wait3A, %dma_wait3A_73] : memref<2x16x128xi32, #tpu.memory_space<vmem>> -> memref<1x16x128xi32, #tpu.memory_space<vmem>>
      %dma_wait3A_75 = tpu.memref_squeeze %dma_wait3A_74 : memref<1x16x128xi32, #tpu.memory_space<vmem>> -> memref<16x128xi32, #tpu.memory_space<vmem>>
      %dma_wait3A_76 = arith.constant 0 : i32
      %dma_wait3A_77 = tpu.memref_slice %arg3[%run_scoped3A_3, %mul3A_2, %dma_wait3A_76] : memref<2x2560x128xi32, #tpu.memory_space<hbm>> -> memref<1x16x128xi32, #tpu.memory_space<hbm>>
      %dma_wait3A_78 = tpu.memref_squeeze %dma_wait3A_77 : memref<1x16x128xi32, #tpu.memory_space<hbm>> -> memref<16x128xi32, #tpu.memory_space<hbm>>
      %dma_wait3A_79 = arith.constant 0 : i32
      %dma_wait3A_80 = arith.constant 0 : i32
      %dma_wait3A_81 = tpu.memref_slice %arg5[%run_scoped3A_4, %dma_wait3A_79, %dma_wait3A_80] : memref<2x16x128xi32, #tpu.memory_space<vmem>> -> memref<1x16x128xi32, #tpu.memory_space<vmem>>
      %dma_wait3A_82 = tpu.memref_squeeze %dma_wait3A_81 : memref<1x16x128xi32, #tpu.memory_space<vmem>> -> memref<16x128xi32, #tpu.memory_space<vmem>>
      %dma_wait3A_83 = arith.constant 0 : i32
      %dma_wait3A_84 = tpu.memref_slice %arg3[%run_scoped3A_3, %mul3A_2, %dma_wait3A_83] : memref<2x2560x128xi32, #tpu.memory_space<hbm>> -> memref<1x16x128xi32, #tpu.memory_space<hbm>>
      %dma_wait3A_85 = tpu.memref_squeeze %dma_wait3A_84 : memref<1x16x128xi32, #tpu.memory_space<hbm>> -> memref<16x128xi32, #tpu.memory_space<hbm>>
      tpu.wait_dma2 semaphore(%run_scoped3A_58 : memref<!tpu.dma_semaphore, #tpu.memory_space<semaphore_mem>>) src(%dma_wait3A_85 : memref<16x128xi32, #tpu.memory_space<hbm>>) dst(%dma_wait3A_82 : memref<16x128xi32, #tpu.memory_space<vmem>>)
      tpu.yield
    }) : () -> ()
    %mul3A_5 = arith.constant 640 : i32
    %mul3A_6 = arith.muli %arg1, %mul3A_5 : i32
    %eq3A = arith.constant 0 : i32
    %eq3A_7 = arith.cmpi eq, %arg0, %eq3A : i32
    %convert_element_type3A = arith.extui %eq3A_7 : i1 to i32
    %cond3A = arith.constant 0 : i32
    %cond3A_8 = arith.cmpi ne, %convert_element_type3A, %cond3A : i32
    scf.if %cond3A_8 {
      "tpu.region"() ({
        %run_scoped3A_58 = tpu.sem_alloc : memref<!tpu.dma_semaphore, #tpu.memory_space<semaphore_mem>>
        %dma_start3A_59 = arith.constant 0 : i32
        %dma_start3A_60 = tpu.memref_slice %arg8[%mul3A_6, %dma_start3A_59] : memref<10240x128xf32, #tpu.memory_space<vmem_shared>> -> memref<640x128xf32, #tpu.memory_space<vmem_shared>>
        %dma_start3A_61 = arith.constant 0 : i32
        %dma_start3A_62 = tpu.memref_slice %arg2[%mul3A_6, %dma_start3A_61] : memref<10240x128xf32, #tpu.memory_space<hbm>> -> memref<640x128xf32, #tpu.memory_space<hbm>>
        tpu.enqueue_dma source(%dma_start3A_62 : memref<640x128xf32, #tpu.memory_space<hbm>>) target(%dma_start3A_60 : memref<640x128xf32, #tpu.memory_space<vmem_shared>>) target_semaphore(%run_scoped3A_58 : memref<!tpu.dma_semaphore, #tpu.memory_space<semaphore_mem>>)
        %dma_wait3A = arith.constant 0 : i32
        %dma_wait3A_63 = tpu.memref_slice %arg8[%mul3A_6, %dma_wait3A] : memref<10240x128xf32, #tpu.memory_space<vmem_shared>> -> memref<640x128xf32, #tpu.memory_space<vmem_shared>>
        %dma_wait3A_64 = arith.constant 0 : i32
        %dma_wait3A_65 = tpu.memref_slice %arg2[%mul3A_6, %dma_wait3A_64] : memref<10240x128xf32, #tpu.memory_space<hbm>> -> memref<640x128xf32, #tpu.memory_space<hbm>>
        tpu.wait_dma2 semaphore(%run_scoped3A_58 : memref<!tpu.dma_semaphore, #tpu.memory_space<semaphore_mem>>) src(%dma_wait3A_65 : memref<640x128xf32, #tpu.memory_space<hbm>>) dst(%dma_wait3A_63 : memref<640x128xf32, #tpu.memory_space<vmem_shared>>)
        tpu.yield
      }) : () -> ()
    } else {
    }
    %eq3A_9 = arith.constant 1 : i32
    %eq3A_10 = arith.cmpi eq, %arg0, %eq3A_9 : i32
    %convert_element_type3A_11 = arith.extui %eq3A_10 : i1 to i32
    %cond3A_12 = arith.constant 0 : i32
    %cond3A_13 = arith.cmpi ne, %convert_element_type3A_11, %cond3A_12 : i32
    scf.if %cond3A_13 {
      %broadcast_in_dim3A = arith.constant 0.000000e+00 : f32
      %broadcast_in_dim3A_58 = vector.broadcast %broadcast_in_dim3A : f32 to vector<16xf32>
      %scan3A_59 = arith.constant 0 : i32
      %scan3A_60 = arith.constant 0 : i32
      %scan3A_61 = arith.constant 128 : i32
      %scan3A_62 = arith.addi %scan3A_60, %scan3A_61 : i32
      %scan3A_63 = arith.constant 1 : i32
      scf.for %scan3A_90 = %scan3A_60 to %scan3A_62 step %scan3A_63  : i32 {
        %swap3A = arith.constant 0 : i32
        %swap3A_91 = arith.index_cast %swap3A : i32 to index
        %swap3A_92 = arith.index_cast %scan3A_90 : i32 to index
        %swap3A_93 = arith.constant 0 : index
        %swap3A_94 = tpu.vector_load %arg7[%swap3A_91, %swap3A_92, %swap3A_93] {strides = array<i32>} : memref<2x128x128xf32, #tpu.memory_space<vmem>>, vector<1x1x16xf32>,
        %swap3A_95 = vector.shape_cast %swap3A_94 : vector<1x1x16xf32> to vector<16xf32>
        %swap3A_96 = vector.shape_cast %broadcast_in_dim3A_58 : vector<16xf32> to vector<1x1x16xf32>
        tpu.vector_store %arg7[%swap3A_91, %swap3A_92, %swap3A_93], %swap3A_96 {strides = array<i32>} : memref<2x128x128xf32, #tpu.memory_space<vmem>>, vector<1x1x16xf32>,
        %swap3A_97 = arith.constant 0 : i32
        %swap3A_98 = arith.index_cast %swap3A_97 : i32 to index
        %swap3A_99 = arith.index_cast %scan3A_90 : i32 to index
        %swap3A_100 = arith.constant 16 : index
        %swap3A_101 = tpu.vector_load %arg7[%swap3A_98, %swap3A_99, %swap3A_100] {strides = array<i32>} : memref<2x128x128xf32, #tpu.memory_space<vmem>>, vector<1x1x16xf32>,
        %swap3A_102 = vector.shape_cast %swap3A_101 : vector<1x1x16xf32> to vector<16xf32>
        %swap3A_103 = vector.shape_cast %broadcast_in_dim3A_58 : vector<16xf32> to vector<1x1x16xf32>
        tpu.vector_store %arg7[%swap3A_98, %swap3A_99, %swap3A_100], %swap3A_103 {strides = array<i32>} : memref<2x128x128xf32, #tpu.memory_space<vmem>>, vector<1x1x16xf32>,
        %swap3A_104 = arith.constant 0 : i32
        %swap3A_105 = arith.index_cast %swap3A_104 : i32 to index
        %swap3A_106 = arith.index_cast %scan3A_90 : i32 to index
        %swap3A_107 = arith.constant 32 : index
        %swap3A_108 = tpu.vector_load %arg7[%swap3A_105, %swap3A_106, %swap3A_107] {strides = array<i32>} : memref<2x128x128xf32, #tpu.memory_space<vmem>>, vector<1x1x16xf32>,
        %swap3A_109 = vector.shape_cast %swap3A_108 : vector<1x1x16xf32> to vector<16xf32>
        %swap3A_110 = vector.shape_cast %broadcast_in_dim3A_58 : vector<16xf32> to vector<1x1x16xf32>
        tpu.vector_store %arg7[%swap3A_105, %swap3A_106, %swap3A_107], %swap3A_110 {strides = array<i32>} : memref<2x128x128xf32, #tpu.memory_space<vmem>>, vector<1x1x16xf32>,
        %swap3A_111 = arith.constant 0 : i32
        %swap3A_112 = arith.index_cast %swap3A_111 : i32 to index
        %swap3A_113 = arith.index_cast %scan3A_90 : i32 to index
        %swap3A_114 = arith.constant 48 : index
        %swap3A_115 = tpu.vector_load %arg7[%swap3A_112, %swap3A_113, %swap3A_114] {strides = array<i32>} : memref<2x128x128xf32, #tpu.memory_space<vmem>>, vector<1x1x16xf32>,
        %swap3A_116 = vector.shape_cast %swap3A_115 : vector<1x1x16xf32> to vector<16xf32>
        %swap3A_117 = vector.shape_cast %broadcast_in_dim3A_58 : vector<16xf32> to vector<1x1x16xf32>
        tpu.vector_store %arg7[%swap3A_112, %swap3A_113, %swap3A_114], %swap3A_117 {strides = array<i32>} : memref<2x128x128xf32, #tpu.memory_space<vmem>>, vector<1x1x16xf32>,
        %swap3A_118 = arith.constant 0 : i32
        %swap3A_119 = arith.index_cast %swap3A_118 : i32 to index
        %swap3A_120 = arith.index_cast %scan3A_90 : i32 to index
        %swap3A_121 = arith.constant 64 : index
        %swap3A_122 = tpu.vector_load %arg7[%swap3A_119, %swap3A_120, %swap3A_121] {strides = array<i32>} : memref<2x128x128xf32, #tpu.memory_space<vmem>>, vector<1x1x16xf32>,
        %swap3A_123 = vector.shape_cast %swap3A_122 : vector<1x1x16xf32> to vector<16xf32>
        %swap3A_124 = vector.shape_cast %broadcast_in_dim3A_58 : vector<16xf32> to vector<1x1x16xf32>
        tpu.vector_store %arg7[%swap3A_119, %swap3A_120, %swap3A_121], %swap3A_124 {strides = array<i32>} : memref<2x128x128xf32, #tpu.memory_space<vmem>>, vector<1x1x16xf32>,
        %swap3A_125 = arith.constant 0 : i32
        %swap3A_126 = arith.index_cast %swap3A_125 : i32 to index
        %swap3A_127 = arith.index_cast %scan3A_90 : i32 to index
        %swap3A_128 = arith.constant 80 : index
        %swap3A_129 = tpu.vector_load %arg7[%swap3A_126, %swap3A_127, %swap3A_128] {strides = array<i32>} : memref<2x128x128xf32, #tpu.memory_space<vmem>>, vector<1x1x16xf32>,
        %swap3A_130 = vector.shape_cast %swap3A_129 : vector<1x1x16xf32> to vector<16xf32>
        %swap3A_131 = vector.shape_cast %broadcast_in_dim3A_58 : vector<16xf32> to vector<1x1x16xf32>
        tpu.vector_store %arg7[%swap3A_126, %swap3A_127, %swap3A_128], %swap3A_131 {strides = array<i32>} : memref<2x128x128xf32, #tpu.memory_space<vmem>>, vector<1x1x16xf32>,
        %swap3A_132 = arith.constant 0 : i32
        %swap3A_133 = arith.index_cast %swap3A_132 : i32 to index
        %swap3A_134 = arith.index_cast %scan3A_90 : i32 to index
        %swap3A_135 = arith.constant 96 : index
        %swap3A_136 = tpu.vector_load %arg7[%swap3A_133, %swap3A_134, %swap3A_135] {strides = array<i32>} : memref<2x128x128xf32, #tpu.memory_space<vmem>>, vector<1x1x16xf32>,
        %swap3A_137 = vector.shape_cast %swap3A_136 : vector<1x1x16xf32> to vector<16xf32>
        %swap3A_138 = vector.shape_cast %broadcast_in_dim3A_58 : vector<16xf32> to vector<1x1x16xf32>
        tpu.vector_store %arg7[%swap3A_133, %swap3A_134, %swap3A_135], %swap3A_138 {strides = array<i32>} : memref<2x128x128xf32, #tpu.memory_space<vmem>>, vector<1x1x16xf32>,
        %swap3A_139 = arith.constant 0 : i32
        %swap3A_140 = arith.index_cast %swap3A_139 : i32 to index
        %swap3A_141 = arith.index_cast %scan3A_90 : i32 to index
        %swap3A_142 = arith.constant 112 : index
        %swap3A_143 = tpu.vector_load %arg7[%swap3A_140, %swap3A_141, %swap3A_142] {strides = array<i32>} : memref<2x128x128xf32, #tpu.memory_space<vmem>>, vector<1x1x16xf32>,
        %swap3A_144 = vector.shape_cast %swap3A_143 : vector<1x1x16xf32> to vector<16xf32>
        %swap3A_145 = vector.shape_cast %broadcast_in_dim3A_58 : vector<16xf32> to vector<1x1x16xf32>
        tpu.vector_store %arg7[%swap3A_140, %swap3A_141, %swap3A_142], %swap3A_145 {strides = array<i32>} : memref<2x128x128xf32, #tpu.memory_space<vmem>>, vector<1x1x16xf32>,
      }
      %scan3A_64 = arith.constant 128 : i32
      %mul3A_65 = arith.constant 640 : i32
      %mul3A_66 = arith.muli %arg1, %mul3A_65 : i32
      %add3A_67 = arith.constant 0 : i32
      %add3A_68 = arith.addi %mul3A_66, %add3A_67 : i32
      %run_scoped3A_69 = arith.constant 0 : i32
      "tpu.region"() ({
        %run_scoped3A_90 = tpu.sem_alloc : memref<!tpu.dma_semaphore, #tpu.memory_space<semaphore_mem>>
        %dma_start3A_91 = arith.constant 0 : i32
        %dma_start3A_92 = arith.constant 0 : i32
        %dma_start3A_93 = tpu.memref_slice %arg7[%run_scoped3A_69, %dma_start3A_91, %dma_start3A_92] : memref<2x128x128xf32, #tpu.memory_space<vmem>> -> memref<1x128x128xf32, #tpu.memory_space<vmem>>
        %dma_start3A_94 = tpu.memref_squeeze %dma_start3A_93 : memref<1x128x128xf32, #tpu.memory_space<vmem>> -> memref<128x128xf32, #tpu.memory_space<vmem>>
        %dma_start3A_95 = arith.constant 0 : i32
        %dma_start3A_96 = tpu.memref_slice %arg8[%add3A_68, %dma_start3A_95] : memref<10240x128xf32, #tpu.memory_space<vmem_shared>> -> memref<128x128xf32, #tpu.memory_space<vmem_shared>>
        %dma_start3A_97 = arith.constant 0 : i32
        %dma_start3A_98 = tpu.memref_slice %arg8[%add3A_68, %dma_start3A_97] : memref<10240x128xf32, #tpu.memory_space<vmem_shared>> -> memref<128x128xf32, #tpu.memory_space<vmem_shared>>
        %dma_start3A_99 = arith.constant 0 : i32
        %dma_start3A_100 = arith.constant 0 : i32
        %dma_start3A_101 = tpu.memref_slice %arg7[%run_scoped3A_69, %dma_start3A_99, %dma_start3A_100] : memref<2x128x128xf32, #tpu.memory_space<vmem>> -> memref<1x128x128xf32, #tpu.memory_space<vmem>>
        %dma_start3A_102 = tpu.memref_squeeze %dma_start3A_101 : memref<1x128x128xf32, #tpu.memory_space<vmem>> -> memref<128x128xf32, #tpu.memory_space<vmem>>
        tpu.enqueue_dma source(%dma_start3A_102 : memref<128x128xf32, #tpu.memory_space<vmem>>) target(%dma_start3A_98 : memref<128x128xf32, #tpu.memory_space<vmem_shared>>) target_semaphore(%run_scoped3A_90 : memref<!tpu.dma_semaphore, #tpu.memory_space<semaphore_mem>>)
        %dma_wait3A = arith.constant 0 : i32
        %dma_wait3A_103 = arith.constant 0 : i32
        %dma_wait3A_104 = tpu.memref_slice %arg7[%run_scoped3A_69, %dma_wait3A, %dma_wait3A_103] : memref<2x128x128xf32, #tpu.memory_space<vmem>> -> memref<1x128x128xf32, #tpu.memory_space<vmem>>
        %dma_wait3A_105 = tpu.memref_squeeze %dma_wait3A_104 : memref<1x128x128xf32, #tpu.memory_space<vmem>> -> memref<128x128xf32, #tpu.memory_space<vmem>>
        %dma_wait3A_106 = arith.constant 0 : i32
        %dma_wait3A_107 = tpu.memref_slice %arg8[%add3A_68, %dma_wait3A_106] : memref<10240x128xf32, #tpu.memory_space<vmem_shared>> -> memref<128x128xf32, #tpu.memory_space<vmem_shared>>
        %dma_wait3A_108 = arith.constant 0 : i32
        %dma_wait3A_109 = tpu.memref_slice %arg8[%add3A_68, %dma_wait3A_108] : memref<10240x128xf32, #tpu.memory_space<vmem_shared>> -> memref<128x128xf32, #tpu.memory_space<vmem_shared>>
        %dma_wait3A_110 = arith.constant 0 : i32
        %dma_wait3A_111 = arith.constant 0 : i32
        %dma_wait3A_112 = tpu.memref_slice %arg7[%run_scoped3A_69, %dma_wait3A_110, %dma_wait3A_111] : memref<2x128x128xf32, #tpu.memory_space<vmem>> -> memref<1x128x128xf32, #tpu.memory_space<vmem>>
        %dma_wait3A_113 = tpu.memref_squeeze %dma_wait3A_112 : memref<1x128x128xf32, #tpu.memory_space<vmem>> -> memref<128x128xf32, #tpu.memory_space<vmem>>
        tpu.wait_dma2 semaphore(%run_scoped3A_90 : memref<!tpu.dma_semaphore, #tpu.memory_space<semaphore_mem>>) src(%dma_wait3A_113 : memref<128x128xf32, #tpu.memory_space<vmem>>) dst(%dma_wait3A_109 : memref<128x128xf32, #tpu.memory_space<vmem_shared>>)
        tpu.yield
      }) : () -> ()
      %mul3A_70 = arith.constant 640 : i32
      %mul3A_71 = arith.muli %arg1, %mul3A_70 : i32
      %add3A_72 = arith.constant 128 : i32
      %add3A_73 = arith.addi %mul3A_71, %add3A_72 : i32
      %run_scoped3A_74 = arith.constant 0 : i32
      "tpu.region"() ({
        %run_scoped3A_90 = tpu.sem_alloc : memref<!tpu.dma_semaphore, #tpu.memory_space<semaphore_mem>>
        %dma_start3A_91 = arith.constant 0 : i32
        %dma_start3A_92 = arith.constant 0 : i32
        %dma_start3A_93 = tpu.memref_slice %arg7[%run_scoped3A_74, %dma_start3A_91, %dma_start3A_92] : memref<2x128x128xf32, #tpu.memory_space<vmem>> -> memref<1x128x128xf32, #tpu.memory_space<vmem>>
        %dma_start3A_94 = tpu.memref_squeeze %dma_start3A_93 : memref<1x128x128xf32, #tpu.memory_space<vmem>> -> memref<128x128xf32, #tpu.memory_space<vmem>>
        %dma_start3A_95 = arith.constant 0 : i32
        %dma_start3A_96 = tpu.memref_slice %arg8[%add3A_73, %dma_start3A_95] : memref<10240x128xf32, #tpu.memory_space<vmem_shared>> -> memref<128x128xf32, #tpu.memory_space<vmem_shared>>
        %dma_start3A_97 = arith.constant 0 : i32
        %dma_start3A_98 = tpu.memref_slice %arg8[%add3A_73, %dma_start3A_97] : memref<10240x128xf32, #tpu.memory_space<vmem_shared>> -> memref<128x128xf32, #tpu.memory_space<vmem_shared>>
        %dma_start3A_99 = arith.constant 0 : i32
        %dma_start3A_100 = arith.constant 0 : i32
        %dma_start3A_101 = tpu.memref_slice %arg7[%run_scoped3A_74, %dma_start3A_99, %dma_start3A_100] : memref<2x128x128xf32, #tpu.memory_space<vmem>> -> memref<1x128x128xf32, #tpu.memory_space<vmem>>
        %dma_start3A_102 = tpu.memref_squeeze %dma_start3A_101 : memref<1x128x128xf32, #tpu.memory_space<vmem>> -> memref<128x128xf32, #tpu.memory_space<vmem>>
        tpu.enqueue_dma source(%dma_start3A_102 : memref<128x128xf32, #tpu.memory_space<vmem>>) target(%dma_start3A_98 : memref<128x128xf32, #tpu.memory_space<vmem_shared>>) target_semaphore(%run_scoped3A_90 : memref<!tpu.dma_semaphore, #tpu.memory_space<semaphore_mem>>)
        %dma_wait3A = arith.constant 0 : i32
        %dma_wait3A_103 = arith.constant 0 : i32
        %dma_wait3A_104 = tpu.memref_slice %arg7[%run_scoped3A_74, %dma_wait3A, %dma_wait3A_103] : memref<2x128x128xf32, #tpu.memory_space<vmem>> -> memref<1x128x128xf32, #tpu.memory_space<vmem>>
        %dma_wait3A_105 = tpu.memref_squeeze %dma_wait3A_104 : memref<1x128x128xf32, #tpu.memory_space<vmem>> -> memref<128x128xf32, #tpu.memory_space<vmem>>
        %dma_wait3A_106 = arith.constant 0 : i32
        %dma_wait3A_107 = tpu.memref_slice %arg8[%add3A_73, %dma_wait3A_106] : memref<10240x128xf32, #tpu.memory_space<vmem_shared>> -> memref<128x128xf32, #tpu.memory_space<vmem_shared>>
        %dma_wait3A_108 = arith.constant 0 : i32
        %dma_wait3A_109 = tpu.memref_slice %arg8[%add3A_73, %dma_wait3A_108] : memref<10240x128xf32, #tpu.memory_space<vmem_shared>> -> memref<128x128xf32, #tpu.memory_space<vmem_shared>>
        %dma_wait3A_110 = arith.constant 0 : i32
        %dma_wait3A_111 = arith.constant 0 : i32
        %dma_wait3A_112 = tpu.memref_slice %arg7[%run_scoped3A_74, %dma_wait3A_110, %dma_wait3A_111] : memref<2x128x128xf32, #tpu.memory_space<vmem>> -> memref<1x128x128xf32, #tpu.memory_space<vmem>>
        %dma_wait3A_113 = tpu.memref_squeeze %dma_wait3A_112 : memref<1x128x128xf32, #tpu.memory_space<vmem>> -> memref<128x128xf32, #tpu.memory_space<vmem>>
        tpu.wait_dma2 semaphore(%run_scoped3A_90 : memref<!tpu.dma_semaphore, #tpu.memory_space<semaphore_mem>>) src(%dma_wait3A_113 : memref<128x128xf32, #tpu.memory_space<vmem>>) dst(%dma_wait3A_109 : memref<128x128xf32, #tpu.memory_space<vmem_shared>>)
        tpu.yield
      }) : () -> ()
      %mul3A_75 = arith.constant 640 : i32
      %mul3A_76 = arith.muli %arg1, %mul3A_75 : i32
      %add3A_77 = arith.constant 256 : i32
      %add3A_78 = arith.addi %mul3A_76, %add3A_77 : i32
      %run_scoped3A_79 = arith.constant 0 : i32
      "tpu.region"() ({
        %run_scoped3A_90 = tpu.sem_alloc : memref<!tpu.dma_semaphore, #tpu.memory_space<semaphore_mem>>
        %dma_start3A_91 = arith.constant 0 : i32
        %dma_start3A_92 = arith.constant 0 : i32
        %dma_start3A_93 = tpu.memref_slice %arg7[%run_scoped3A_79, %dma_start3A_91, %dma_start3A_92] : memref<2x128x128xf32, #tpu.memory_space<vmem>> -> memref<1x128x128xf32, #tpu.memory_space<vmem>>
        %dma_start3A_94 = tpu.memref_squeeze %dma_start3A_93 : memref<1x128x128xf32, #tpu.memory_space<vmem>> -> memref<128x128xf32, #tpu.memory_space<vmem>>
        %dma_start3A_95 = arith.constant 0 : i32
        %dma_start3A_96 = tpu.memref_slice %arg8[%add3A_78, %dma_start3A_95] : memref<10240x128xf32, #tpu.memory_space<vmem_shared>> -> memref<128x128xf32, #tpu.memory_space<vmem_shared>>
        %dma_start3A_97 = arith.constant 0 : i32
        %dma_start3A_98 = tpu.memref_slice %arg8[%add3A_78, %dma_start3A_97] : memref<10240x128xf32, #tpu.memory_space<vmem_shared>> -> memref<128x128xf32, #tpu.memory_space<vmem_shared>>
        %dma_start3A_99 = arith.constant 0 : i32
        %dma_start3A_100 = arith.constant 0 : i32
        %dma_start3A_101 = tpu.memref_slice %arg7[%run_scoped3A_79, %dma_start3A_99, %dma_start3A_100] : memref<2x128x128xf32, #tpu.memory_space<vmem>> -> memref<1x128x128xf32, #tpu.memory_space<vmem>>
        %dma_start3A_102 = tpu.memref_squeeze %dma_start3A_101 : memref<1x128x128xf32, #tpu.memory_space<vmem>> -> memref<128x128xf32, #tpu.memory_space<vmem>>
        tpu.enqueue_dma source(%dma_start3A_102 : memref<128x128xf32, #tpu.memory_space<vmem>>) target(%dma_start3A_98 : memref<128x128xf32, #tpu.memory_space<vmem_shared>>) target_semaphore(%run_scoped3A_90 : memref<!tpu.dma_semaphore, #tpu.memory_space<semaphore_mem>>)
        %dma_wait3A = arith.constant 0 : i32
        %dma_wait3A_103 = arith.constant 0 : i32
        %dma_wait3A_104 = tpu.memref_slice %arg7[%run_scoped3A_79, %dma_wait3A, %dma_wait3A_103] : memref<2x128x128xf32, #tpu.memory_space<vmem>> -> memref<1x128x128xf32, #tpu.memory_space<vmem>>
        %dma_wait3A_105 = tpu.memref_squeeze %dma_wait3A_104 : memref<1x128x128xf32, #tpu.memory_space<vmem>> -> memref<128x128xf32, #tpu.memory_space<vmem>>
        %dma_wait3A_106 = arith.constant 0 : i32
        %dma_wait3A_107 = tpu.memref_slice %arg8[%add3A_78, %dma_wait3A_106] : memref<10240x128xf32, #tpu.memory_space<vmem_shared>> -> memref<128x128xf32, #tpu.memory_space<vmem_shared>>
        %dma_wait3A_108 = arith.constant 0 : i32
        %dma_wait3A_109 = tpu.memref_slice %arg8[%add3A_78, %dma_wait3A_108] : memref<10240x128xf32, #tpu.memory_space<vmem_shared>> -> memref<128x128xf32, #tpu.memory_space<vmem_shared>>
        %dma_wait3A_110 = arith.constant 0 : i32
        %dma_wait3A_111 = arith.constant 0 : i32
        %dma_wait3A_112 = tpu.memref_slice %arg7[%run_scoped3A_79, %dma_wait3A_110, %dma_wait3A_111] : memref<2x128x128xf32, #tpu.memory_space<vmem>> -> memref<1x128x128xf32, #tpu.memory_space<vmem>>
        %dma_wait3A_113 = tpu.memref_squeeze %dma_wait3A_112 : memref<1x128x128xf32, #tpu.memory_space<vmem>> -> memref<128x128xf32, #tpu.memory_space<vmem>>
        tpu.wait_dma2 semaphore(%run_scoped3A_90 : memref<!tpu.dma_semaphore, #tpu.memory_space<semaphore_mem>>) src(%dma_wait3A_113 : memref<128x128xf32, #tpu.memory_space<vmem>>) dst(%dma_wait3A_109 : memref<128x128xf32, #tpu.memory_space<vmem_shared>>)
        tpu.yield
      }) : () -> ()
      %mul3A_80 = arith.constant 640 : i32
      %mul3A_81 = arith.muli %arg1, %mul3A_80 : i32
      %add3A_82 = arith.constant 384 : i32
      %add3A_83 = arith.addi %mul3A_81, %add3A_82 : i32
      %run_scoped3A_84 = arith.constant 0 : i32
      "tpu.region"() ({
        %run_scoped3A_90 = tpu.sem_alloc : memref<!tpu.dma_semaphore, #tpu.memory_space<semaphore_mem>>
        %dma_start3A_91 = arith.constant 0 : i32
        %dma_start3A_92 = arith.constant 0 : i32
        %dma_start3A_93 = tpu.memref_slice %arg7[%run_scoped3A_84, %dma_start3A_91, %dma_start3A_92] : memref<2x128x128xf32, #tpu.memory_space<vmem>> -> memref<1x128x128xf32, #tpu.memory_space<vmem>>
        %dma_start3A_94 = tpu.memref_squeeze %dma_start3A_93 : memref<1x128x128xf32, #tpu.memory_space<vmem>> -> memref<128x128xf32, #tpu.memory_space<vmem>>
        %dma_start3A_95 = arith.constant 0 : i32
        %dma_start3A_96 = tpu.memref_slice %arg8[%add3A_83, %dma_start3A_95] : memref<10240x128xf32, #tpu.memory_space<vmem_shared>> -> memref<128x128xf32, #tpu.memory_space<vmem_shared>>
        %dma_start3A_97 = arith.constant 0 : i32
        %dma_start3A_98 = tpu.memref_slice %arg8[%add3A_83, %dma_start3A_97] : memref<10240x128xf32, #tpu.memory_space<vmem_shared>> -> memref<128x128xf32, #tpu.memory_space<vmem_shared>>
        %dma_start3A_99 = arith.constant 0 : i32
        %dma_start3A_100 = arith.constant 0 : i32
        %dma_start3A_101 = tpu.memref_slice %arg7[%run_scoped3A_84, %dma_start3A_99, %dma_start3A_100] : memref<2x128x128xf32, #tpu.memory_space<vmem>> -> memref<1x128x128xf32, #tpu.memory_space<vmem>>
        %dma_start3A_102 = tpu.memref_squeeze %dma_start3A_101 : memref<1x128x128xf32, #tpu.memory_space<vmem>> -> memref<128x128xf32, #tpu.memory_space<vmem>>
        tpu.enqueue_dma source(%dma_start3A_102 : memref<128x128xf32, #tpu.memory_space<vmem>>) target(%dma_start3A_98 : memref<128x128xf32, #tpu.memory_space<vmem_shared>>) target_semaphore(%run_scoped3A_90 : memref<!tpu.dma_semaphore, #tpu.memory_space<semaphore_mem>>)
        %dma_wait3A = arith.constant 0 : i32
        %dma_wait3A_103 = arith.constant 0 : i32
        %dma_wait3A_104 = tpu.memref_slice %arg7[%run_scoped3A_84, %dma_wait3A, %dma_wait3A_103] : memref<2x128x128xf32, #tpu.memory_space<vmem>> -> memref<1x128x128xf32, #tpu.memory_space<vmem>>
        %dma_wait3A_105 = tpu.memref_squeeze %dma_wait3A_104 : memref<1x128x128xf32, #tpu.memory_space<vmem>> -> memref<128x128xf32, #tpu.memory_space<vmem>>
        %dma_wait3A_106 = arith.constant 0 : i32
        %dma_wait3A_107 = tpu.memref_slice %arg8[%add3A_83, %dma_wait3A_106] : memref<10240x128xf32, #tpu.memory_space<vmem_shared>> -> memref<128x128xf32, #tpu.memory_space<vmem_shared>>
        %dma_wait3A_108 = arith.constant 0 : i32
        %dma_wait3A_109 = tpu.memref_slice %arg8[%add3A_83, %dma_wait3A_108] : memref<10240x128xf32, #tpu.memory_space<vmem_shared>> -> memref<128x128xf32, #tpu.memory_space<vmem_shared>>
        %dma_wait3A_110 = arith.constant 0 : i32
        %dma_wait3A_111 = arith.constant 0 : i32
        %dma_wait3A_112 = tpu.memref_slice %arg7[%run_scoped3A_84, %dma_wait3A_110, %dma_wait3A_111] : memref<2x128x128xf32, #tpu.memory_space<vmem>> -> memref<1x128x128xf32, #tpu.memory_space<vmem>>
        %dma_wait3A_113 = tpu.memref_squeeze %dma_wait3A_112 : memref<1x128x128xf32, #tpu.memory_space<vmem>> -> memref<128x128xf32, #tpu.memory_space<vmem>>
        tpu.wait_dma2 semaphore(%run_scoped3A_90 : memref<!tpu.dma_semaphore, #tpu.memory_space<semaphore_mem>>) src(%dma_wait3A_113 : memref<128x128xf32, #tpu.memory_space<vmem>>) dst(%dma_wait3A_109 : memref<128x128xf32, #tpu.memory_space<vmem_shared>>)
        tpu.yield
      }) : () -> ()
      %mul3A_85 = arith.constant 640 : i32
      %mul3A_86 = arith.muli %arg1, %mul3A_85 : i32
      %add3A_87 = arith.constant 512 : i32
      %add3A_88 = arith.addi %mul3A_86, %add3A_87 : i32
      %run_scoped3A_89 = arith.constant 0 : i32
      "tpu.region"() ({
        %run_scoped3A_90 = tpu.sem_alloc : memref<!tpu.dma_semaphore, #tpu.memory_space<semaphore_mem>>
        %dma_start3A_91 = arith.constant 0 : i32
        %dma_start3A_92 = arith.constant 0 : i32
        %dma_start3A_93 = tpu.memref_slice %arg7[%run_scoped3A_89, %dma_start3A_91, %dma_start3A_92] : memref<2x128x128xf32, #tpu.memory_space<vmem>> -> memref<1x128x128xf32, #tpu.memory_space<vmem>>
        %dma_start3A_94 = tpu.memref_squeeze %dma_start3A_93 : memref<1x128x128xf32, #tpu.memory_space<vmem>> -> memref<128x128xf32, #tpu.memory_space<vmem>>
        %dma_start3A_95 = arith.constant 0 : i32
        %dma_start3A_96 = tpu.memref_slice %arg8[%add3A_88, %dma_start3A_95] : memref<10240x128xf32, #tpu.memory_space<vmem_shared>> -> memref<128x128xf32, #tpu.memory_space<vmem_shared>>
        %dma_start3A_97 = arith.constant 0 : i32
        %dma_start3A_98 = tpu.memref_slice %arg8[%add3A_88, %dma_start3A_97] : memref<10240x128xf32, #tpu.memory_space<vmem_shared>> -> memref<128x128xf32, #tpu.memory_space<vmem_shared>>
        %dma_start3A_99 = arith.constant 0 : i32
        %dma_start3A_100 = arith.constant 0 : i32
        %dma_start3A_101 = tpu.memref_slice %arg7[%run_scoped3A_89, %dma_start3A_99, %dma_start3A_100] : memref<2x128x128xf32, #tpu.memory_space<vmem>> -> memref<1x128x128xf32, #tpu.memory_space<vmem>>
        %dma_start3A_102 = tpu.memref_squeeze %dma_start3A_101 : memref<1x128x128xf32, #tpu.memory_space<vmem>> -> memref<128x128xf32, #tpu.memory_space<vmem>>
        tpu.enqueue_dma source(%dma_start3A_102 : memref<128x128xf32, #tpu.memory_space<vmem>>) target(%dma_start3A_98 : memref<128x128xf32, #tpu.memory_space<vmem_shared>>) target_semaphore(%run_scoped3A_90 : memref<!tpu.dma_semaphore, #tpu.memory_space<semaphore_mem>>)
        %dma_wait3A = arith.constant 0 : i32
        %dma_wait3A_103 = arith.constant 0 : i32
        %dma_wait3A_104 = tpu.memref_slice %arg7[%run_scoped3A_89, %dma_wait3A, %dma_wait3A_103] : memref<2x128x128xf32, #tpu.memory_space<vmem>> -> memref<1x128x128xf32, #tpu.memory_space<vmem>>
        %dma_wait3A_105 = tpu.memref_squeeze %dma_wait3A_104 : memref<1x128x128xf32, #tpu.memory_space<vmem>> -> memref<128x128xf32, #tpu.memory_space<vmem>>
        %dma_wait3A_106 = arith.constant 0 : i32
        %dma_wait3A_107 = tpu.memref_slice %arg8[%add3A_88, %dma_wait3A_106] : memref<10240x128xf32, #tpu.memory_space<vmem_shared>> -> memref<128x128xf32, #tpu.memory_space<vmem_shared>>
        %dma_wait3A_108 = arith.constant 0 : i32
        %dma_wait3A_109 = tpu.memref_slice %arg8[%add3A_88, %dma_wait3A_108] : memref<10240x128xf32, #tpu.memory_space<vmem_shared>> -> memref<128x128xf32, #tpu.memory_space<vmem_shared>>
        %dma_wait3A_110 = arith.constant 0 : i32
        %dma_wait3A_111 = arith.constant 0 : i32
        %dma_wait3A_112 = tpu.memref_slice %arg7[%run_scoped3A_89, %dma_wait3A_110, %dma_wait3A_111] : memref<2x128x128xf32, #tpu.memory_space<vmem>> -> memref<1x128x128xf32, #tpu.memory_space<vmem>>
        %dma_wait3A_113 = tpu.memref_squeeze %dma_wait3A_112 : memref<1x128x128xf32, #tpu.memory_space<vmem>> -> memref<128x128xf32, #tpu.memory_space<vmem>>
        tpu.wait_dma2 semaphore(%run_scoped3A_90 : memref<!tpu.dma_semaphore, #tpu.memory_space<semaphore_mem>>) src(%dma_wait3A_113 : memref<128x128xf32, #tpu.memory_space<vmem>>) dst(%dma_wait3A_109 : memref<128x128xf32, #tpu.memory_space<vmem_shared>>)
        tpu.yield
      }) : () -> ()
    } else {
    }
    %barrier3A = arith.constant 0 : index
    tpu.barrier barrier_id(%barrier3A)
    %dma_start3A = arith.constant 0 : i32
    %dma_start3A_14 = arith.constant 0 : i32
    %dma_start3A_15 = arith.constant 0 : i32
    %dma_start3A_16 = arith.constant 0 : i32
    %dma_start3A_17 = arith.constant 0 : i32
    %dma_start3A_18 = tpu.memref_slice %arg7[%dma_start3A_15, %dma_start3A_16, %dma_start3A_17] : memref<2x128x128xf32, #tpu.memory_space<vmem>> -> memref<1x64x128xf32, #tpu.memory_space<vmem>>
    %dma_start3A_19 = tpu.memref_squeeze %dma_start3A_18 : memref<1x64x128xf32, #tpu.memory_space<vmem>> -> memref<64x128xf32, #tpu.memory_space<vmem>>
    %dma_start3A_20 = arith.constant 0 : i32
    %dma_start3A_21 = tpu.memref_slice %arg5[%dma_start3A, %dma_start3A_14, %dma_start3A_20] : memref<2x16x128xi32, #tpu.memory_space<vmem>> -> memref<1x1x64xi32, #tpu.memory_space<vmem>>
    %dma_start3A_22 = tpu.memref_squeeze %dma_start3A_21 : memref<1x1x64xi32, #tpu.memory_space<vmem>> -> memref<64xi32, #tpu.memory_space<vmem>>
    %dma_start3A_23 = arith.constant 0 : i32
    %dma_start3A_24 = arith.constant 0 : i32
    %dma_start3A_25 = tpu.memref_slice %arg2[%dma_start3A_23, %dma_start3A_24] : memref<10240x128xf32, #tpu.memory_space<hbm>> -> memref<10240x128xf32, #tpu.memory_space<hbm>>
    tpu.enqueue_indirect_dma source(%dma_start3A_25 : memref<10240x128xf32, #tpu.memory_space<hbm>>) target(%dma_start3A_19 : memref<64x128xf32, #tpu.memory_space<vmem>>) offsets(%dma_start3A_22 : memref<64xi32, #tpu.memory_space<vmem>>) semaphore(%arg9 : memref<!tpu.dma_semaphore, #tpu.memory_space<semaphore_mem>>)
    %dma_start3A_26 = arith.constant 0 : i32
    %dma_start3A_27 = arith.constant 0 : i32
    %dma_start3A_28 = arith.constant 0 : i32
    %dma_start3A_29 = arith.constant 64 : i32
    %dma_start3A_30 = arith.constant 0 : i32
    %dma_start3A_31 = tpu.memref_slice %arg7[%dma_start3A_28, %dma_start3A_29, %dma_start3A_30] : memref<2x128x128xf32, #tpu.memory_space<vmem>> -> memref<1x64x128xf32, #tpu.memory_space<vmem>>
    %dma_start3A_32 = tpu.memref_squeeze %dma_start3A_31 : memref<1x64x128xf32, #tpu.memory_space<vmem>> -> memref<64x128xf32, #tpu.memory_space<vmem>>
    %dma_start3A_33 = arith.constant 64 : i32
    %dma_start3A_34 = tpu.memref_slice %arg5[%dma_start3A_26, %dma_start3A_27, %dma_start3A_33] : memref<2x16x128xi32, #tpu.memory_space<vmem>> -> memref<1x1x64xi32, #tpu.memory_space<vmem>>
    %dma_start3A_35 = tpu.memref_squeeze %dma_start3A_34 : memref<1x1x64xi32, #tpu.memory_space<vmem>> -> memref<64xi32, #tpu.memory_space<vmem>>
    %dma_start3A_36 = arith.constant 0 : i32
    %dma_start3A_37 = arith.constant 0 : i32
    %dma_start3A_38 = tpu.memref_slice %arg2[%dma_start3A_36, %dma_start3A_37] : memref<10240x128xf32, #tpu.memory_space<hbm>> -> memref<10240x128xf32, #tpu.memory_space<hbm>>
    tpu.enqueue_indirect_dma source(%dma_start3A_38 : memref<10240x128xf32, #tpu.memory_space<hbm>>) target(%dma_start3A_32 : memref<64x128xf32, #tpu.memory_space<vmem>>) offsets(%dma_start3A_35 : memref<64xi32, #tpu.memory_space<vmem>>) semaphore(%arg9 : memref<!tpu.dma_semaphore, #tpu.memory_space<semaphore_mem>>)
    %dma_start3A_39 = arith.constant 0 : i32
    %dma_start3A_40 = arith.constant 1 : i32
    %dma_start3A_41 = arith.constant 1 : i32
    %dma_start3A_42 = arith.constant 0 : i32
    %dma_start3A_43 = arith.constant 0 : i32
    %dma_start3A_44 = tpu.memref_slice %arg7[%dma_start3A_41, %dma_start3A_42, %dma_start3A_43] : memref<2x128x128xf32, #tpu.memory_space<vmem>> -> memref<1x64x128xf32, #tpu.memory_space<vmem>>
    %dma_start3A_45 = tpu.memref_squeeze %dma_start3A_44 : memref<1x64x128xf32, #tpu.memory_space<vmem>> -> memref<64x128xf32, #tpu.memory_space<vmem>>
    %dma_start3A_46 = arith.constant 0 : i32
    %dma_start3A_47 = tpu.memref_slice %arg5[%dma_start3A_39, %dma_start3A_40, %dma_start3A_46] : memref<2x16x128xi32, #tpu.memory_space<vmem>> -> memref<1x1x64xi32, #tpu.memory_space<vmem>>
    %dma_start3A_48 = tpu.memref_squeeze %dma_start3A_47 : memref<1x1x64xi32, #tpu.memory_space<vmem>> -> memref<64xi32, #tpu.memory_space<vmem>>
    %dma_start3A_49 = arith.constant 0 : i32
    %dma_start3A_50 = arith.constant 0 : i32
    %dma_start3A_51 = tpu.memref_slice %arg2[%dma_start3A_49, %dma_start3A_50] : memref<10240x128xf32, #tpu.memory_space<hbm>> -> memref<10240x128xf32, #tpu.memory_space<hbm>>
    tpu.enqueue_indirect_dma source(%dma_start3A_51 : memref<10240x128xf32, #tpu.memory_space<hbm>>) target(%dma_start3A_45 : memref<64x128xf32, #tpu.memory_space<vmem>>) offsets(%dma_start3A_48 : memref<64xi32, #tpu.memory_space<vmem>>) semaphore(%arg9 : memref<!tpu.dma_semaphore, #tpu.memory_space<semaphore_mem>>)
    %scan3A = arith.constant 0 : i32
    %scan3A_52 = arith.constant 0 : i32
    %scan3A_53 = arith.constant 5 : i32
    %scan3A_54 = arith.addi %scan3A_52, %scan3A_53 : i32
    %scan3A_55 = arith.constant 1 : i32
    scf.for %scan3A_58 = %scan3A_52 to %scan3A_54 step %scan3A_55  : i32 {
      %rem3A = arith.constant 2 : i32
      %rem3A_59 = arith.remsi %scan3A_58, %rem3A : i32
      %sub3A = arith.constant 1 : i32
      %sub3A_60 = arith.subi %sub3A, %rem3A_59 : i32
      %add3A_61 = arith.constant 1 : i32
      %add3A_62 = arith.addi %scan3A_58, %add3A_61 : i32
      %lt3A = arith.constant 5 : i32
      %lt3A_63 = arith.cmpi slt, %add3A_62, %lt3A : i32
      %convert_element_type3A_64 = arith.extui %lt3A_63 : i1 to i32
      %cond3A_65 = arith.constant 0 : i32
      %cond3A_66 = arith.cmpi ne, %convert_element_type3A_64, %cond3A_65 : i32
      scf.if %cond3A_66 {
        %add3A_899 = arith.constant 1 : i32
        %add3A_900 = arith.addi %scan3A_58, %add3A_899 : i32
        %mul3A_901 = arith.constant 16 : i32
        %mul3A_902 = arith.muli %add3A_900, %mul3A_901 : i32
        %add3A_903 = arith.addi %mul3A_2, %mul3A_902 : i32
        %dma_start3A_904 = arith.constant 0 : i32
        %dma_start3A_905 = arith.constant 0 : i32
        %dma_start3A_906 = arith.constant 0 : i32
        %dma_start3A_907 = tpu.memref_slice %arg5[%sub3A_60, %dma_start3A_905, %dma_start3A_906] : memref<2x16x128xi32, #tpu.memory_space<vmem>> -> memref<1x16x128xi32, #tpu.memory_space<vmem>>
        %dma_start3A_908 = tpu.memref_squeeze %dma_start3A_907 : memref<1x16x128xi32, #tpu.memory_space<vmem>> -> memref<16x128xi32, #tpu.memory_space<vmem>>
        %dma_start3A_909 = arith.constant 0 : i32
        %dma_start3A_910 = tpu.memref_slice %arg3[%dma_start3A_904, %add3A_903, %dma_start3A_909] : memref<2x2560x128xi32, #tpu.memory_space<hbm>> -> memref<1x16x128xi32, #tpu.memory_space<hbm>>
        %dma_start3A_911 = tpu.memref_squeeze %dma_start3A_910 : memref<1x16x128xi32, #tpu.memory_space<hbm>> -> memref<16x128xi32, #tpu.memory_space<hbm>>
        %dma_start3A_912 = arith.constant 0 : i32
        %dma_start3A_913 = arith.constant 0 : i32
        %dma_start3A_914 = tpu.memref_slice %arg5[%sub3A_60, %dma_start3A_912, %dma_start3A_913] : memref<2x16x128xi32, #tpu.memory_space<vmem>> -> memref<1x16x128xi32, #tpu.memory_space<vmem>>
        %dma_start3A_915 = tpu.memref_squeeze %dma_start3A_914 : memref<1x16x128xi32, #tpu.memory_space<vmem>> -> memref<16x128xi32, #tpu.memory_space<vmem>>
        %dma_start3A_916 = arith.constant 0 : i32
        %dma_start3A_917 = tpu.memref_slice %arg3[%dma_start3A_904, %add3A_903, %dma_start3A_916] : memref<2x2560x128xi32, #tpu.memory_space<hbm>> -> memref<1x16x128xi32, #tpu.memory_space<hbm>>
        %dma_start3A_918 = tpu.memref_squeeze %dma_start3A_917 : memref<1x16x128xi32, #tpu.memory_space<hbm>> -> memref<16x128xi32, #tpu.memory_space<hbm>>
        tpu.enqueue_dma source(%dma_start3A_918 : memref<16x128xi32, #tpu.memory_space<hbm>>) target(%dma_start3A_915 : memref<16x128xi32, #tpu.memory_space<vmem>>) target_semaphore(%arg10 : memref<!tpu.dma_semaphore, #tpu.memory_space<semaphore_mem>>)
      } else {
      }
      %dma_wait3A = arith.constant 0 : i32
      %dma_wait3A_67 = arith.constant 0 : i32
      %dma_wait3A_68 = arith.constant 0 : i32
      %dma_wait3A_69 = arith.constant 0 : i32
      %dma_wait3A_70 = tpu.memref_slice %arg7[%dma_wait3A_67, %dma_wait3A_68, %dma_wait3A_69] : memref<2x128x128xf32, #tpu.memory_space<vmem>> -> memref<1x64x128xf32, #tpu.memory_space<vmem>>
      %dma_wait3A_71 = tpu.memref_squeeze %dma_wait3A_70 : memref<1x64x128xf32, #tpu.memory_space<vmem>> -> memref<64x128xf32, #tpu.memory_space<vmem>>
      %dma_wait3A_72 = arith.constant 0 : i32
      %dma_wait3A_73 = tpu.memref_slice %arg5[%rem3A_59, %dma_wait3A, %dma_wait3A_72] : memref<2x16x128xi32, #tpu.memory_space<vmem>> -> memref<1x1x64xi32, #tpu.memory_space<vmem>>
      %dma_wait3A_74 = tpu.memref_squeeze %dma_wait3A_73 : memref<1x1x64xi32, #tpu.memory_space<vmem>> -> memref<64xi32, #tpu.memory_space<vmem>>
      %dma_wait3A_75 = arith.constant 0 : i32
      %dma_wait3A_76 = arith.constant 0 : i32
      %dma_wait3A_77 = tpu.memref_slice %arg2[%dma_wait3A_75, %dma_wait3A_76] : memref<10240x128xf32, #tpu.memory_space<hbm>> -> memref<10240x128xf32, #tpu.memory_space<hbm>>
      tpu.wait_indirect_dma semaphore(%arg9 : memref<!tpu.dma_semaphore, #tpu.memory_space<semaphore_mem>>) src(%dma_wait3A_77 : memref<10240x128xf32, #tpu.memory_space<hbm>>) dst(%dma_wait3A_71 : memref<64x128xf32, #tpu.memory_space<vmem>>)
      %dma_wait3A_78 = arith.constant 0 : i32
      %dma_wait3A_79 = arith.constant 0 : i32
      %dma_wait3A_80 = arith.constant 64 : i32
      %dma_wait3A_81 = arith.constant 0 : i32
      %dma_wait3A_82 = tpu.memref_slice %arg7[%dma_wait3A_79, %dma_wait3A_80, %dma_wait3A_81] : memref<2x128x128xf32, #tpu.memory_space<vmem>> -> memref<1x64x128xf32, #tpu.memory_space<vmem>>
      %dma_wait3A_83 = tpu.memref_squeeze %dma_wait3A_82 : memref<1x64x128xf32, #tpu.memory_space<vmem>> -> memref<64x128xf32, #tpu.memory_space<vmem>>
      %dma_wait3A_84 = arith.constant 64 : i32
      %dma_wait3A_85 = tpu.memref_slice %arg5[%rem3A_59, %dma_wait3A_78, %dma_wait3A_84] : memref<2x16x128xi32, #tpu.memory_space<vmem>> -> memref<1x1x64xi32, #tpu.memory_space<vmem>>
      %dma_wait3A_86 = tpu.memref_squeeze %dma_wait3A_85 : memref<1x1x64xi32, #tpu.memory_space<vmem>> -> memref<64xi32, #tpu.memory_space<vmem>>
      %dma_wait3A_87 = arith.constant 0 : i32
      %dma_wait3A_88 = arith.constant 0 : i32
      %dma_wait3A_89 = tpu.memref_slice %arg2[%dma_wait3A_87, %dma_wait3A_88] : memref<10240x128xf32, #tpu.memory_space<hbm>> -> memref<10240x128xf32, #tpu.memory_space<hbm>>
      tpu.wait_indirect_dma semaphore(%arg9 : memref<!tpu.dma_semaphore, #tpu.memory_space<semaphore_mem>>) src(%dma_wait3A_89 : memref<10240x128xf32, #tpu.memory_space<hbm>>) dst(%dma_wait3A_83 : memref<64x128xf32, #tpu.memory_space<vmem>>)
      %dma_start3A_90 = arith.constant 1 : i32
      %dma_start3A_91 = arith.constant 1 : i32
      %dma_start3A_92 = arith.constant 64 : i32
      %dma_start3A_93 = arith.constant 0 : i32
      %dma_start3A_94 = tpu.memref_slice %arg7[%dma_start3A_91, %dma_start3A_92, %dma_start3A_93] : memref<2x128x128xf32, #tpu.memory_space<vmem>> -> memref<1x64x128xf32, #tpu.memory_space<vmem>>
      %dma_start3A_95 = tpu.memref_squeeze %dma_start3A_94 : memref<1x64x128xf32, #tpu.memory_space<vmem>> -> memref<64x128xf32, #tpu.memory_space<vmem>>
      %dma_start3A_96 = arith.constant 64 : i32
      %dma_start3A_97 = tpu.memref_slice %arg5[%rem3A_59, %dma_start3A_90, %dma_start3A_96] : memref<2x16x128xi32, #tpu.memory_space<vmem>> -> memref<1x1x64xi32, #tpu.memory_space<vmem>>
      %dma_start3A_98 = tpu.memref_squeeze %dma_start3A_97 : memref<1x1x64xi32, #tpu.memory_space<vmem>> -> memref<64xi32, #tpu.memory_space<vmem>>
      %dma_start3A_99 = arith.constant 0 : i32
      %dma_start3A_100 = arith.constant 0 : i32
      %dma_start3A_101 = tpu.memref_slice %arg2[%dma_start3A_99, %dma_start3A_100] : memref<10240x128xf32, #tpu.memory_space<hbm>> -> memref<10240x128xf32, #tpu.memory_space<hbm>>
      tpu.enqueue_indirect_dma source(%dma_start3A_101 : memref<10240x128xf32, #tpu.memory_space<hbm>>) target(%dma_start3A_95 : memref<64x128xf32, #tpu.memory_space<vmem>>) offsets(%dma_start3A_98 : memref<64xi32, #tpu.memory_space<vmem>>) semaphore(%arg9 : memref<!tpu.dma_semaphore, #tpu.memory_space<semaphore_mem>>)
      %mul3A_102 = arith.constant 16 : i32
      %mul3A_103 = arith.muli %scan3A_58, %mul3A_102 : i32
      %add3A_104 = arith.constant 0 : i32
      %add3A_105 = arith.addi %mul3A_103, %add3A_104 : i32
      %run_scoped3A_106 = arith.constant 0 : i32
      "tpu.region"() ({
        %run_scoped3A_899 = tpu.sem_alloc : memref<!tpu.dma_semaphore, #tpu.memory_space<semaphore_mem>>
        %dma_start3A_900 = arith.constant 0 : i32
        %dma_start3A_901 = arith.constant 0 : i32
        %dma_start3A_902 = tpu.memref_slice %arg7[%run_scoped3A_106, %dma_start3A_900, %dma_start3A_901] : memref<2x128x128xf32, #tpu.memory_space<vmem>> -> memref<1x128x128xf32, #tpu.memory_space<vmem>>
        %dma_start3A_903 = tpu.memref_squeeze %dma_start3A_902 : memref<1x128x128xf32, #tpu.memory_space<vmem>> -> memref<128x128xf32, #tpu.memory_space<vmem>>
        %dma_start3A_904 = arith.constant 0 : i32
        %dma_start3A_905 = tpu.memref_slice %arg6[%add3A_105, %dma_start3A_904] : memref<80x128xi32, #tpu.memory_space<vmem>> -> memref<1x128xi32, #tpu.memory_space<vmem>>
        %dma_start3A_906 = tpu.memref_squeeze %dma_start3A_905 : memref<1x128xi32, #tpu.memory_space<vmem>> -> memref<128xi32, #tpu.memory_space<vmem>>
        %dma_start3A_907 = arith.constant 0 : i32
        %dma_start3A_908 = arith.constant 0 : i32
        %dma_start3A_909 = tpu.memref_slice %arg8[%dma_start3A_907, %dma_start3A_908] : memref<10240x128xf32, #tpu.memory_space<vmem_shared>> -> memref<10240x128xf32, #tpu.memory_space<vmem_shared>>
        tpu.enqueue_indirect_dma source(%dma_start3A_903 : memref<128x128xf32, #tpu.memory_space<vmem>>) target(%dma_start3A_909 : memref<10240x128xf32, #tpu.memory_space<vmem_shared>>) offsets(%dma_start3A_906 : memref<128xi32, #tpu.memory_space<vmem>>) semaphore(%run_scoped3A_899 : memref<!tpu.dma_semaphore, #tpu.memory_space<semaphore_mem>>) {add = true}
        %dma_wait3A_910 = arith.constant 0 : i32
        %dma_wait3A_911 = arith.constant 0 : i32
        %dma_wait3A_912 = tpu.memref_slice %arg7[%run_scoped3A_106, %dma_wait3A_910, %dma_wait3A_911] : memref<2x128x128xf32, #tpu.memory_space<vmem>> -> memref<1x128x128xf32, #tpu.memory_space<vmem>>
        %dma_wait3A_913 = tpu.memref_squeeze %dma_wait3A_912 : memref<1x128x128xf32, #tpu.memory_space<vmem>> -> memref<128x128xf32, #tpu.memory_space<vmem>>
        %dma_wait3A_914 = arith.constant 0 : i32
        %dma_wait3A_915 = tpu.memref_slice %arg6[%add3A_105, %dma_wait3A_914] : memref<80x128xi32, #tpu.memory_space<vmem>> -> memref<1x128xi32, #tpu.memory_space<vmem>>
        %dma_wait3A_916 = tpu.memref_squeeze %dma_wait3A_915 : memref<1x128xi32, #tpu.memory_space<vmem>> -> memref<128xi32, #tpu.memory_space<vmem>>
        %dma_wait3A_917 = arith.constant 0 : i32
        %dma_wait3A_918 = arith.constant 0 : i32
        %dma_wait3A_919 = tpu.memref_slice %arg8[%dma_wait3A_917, %dma_wait3A_918] : memref<10240x128xf32, #tpu.memory_space<vmem_shared>> -> memref<10240x128xf32, #tpu.memory_space<vmem_shared>>
        tpu.wait_indirect_dma semaphore(%run_scoped3A_899 : memref<!tpu.dma_semaphore, #tpu.memory_space<semaphore_mem>>) src(%dma_wait3A_913 : memref<128x128xf32, #tpu.memory_space<vmem>>) dst(%dma_wait3A_919 : memref<10240x128xf32, #tpu.memory_space<vmem_shared>>)
        tpu.yield
      }) : () -> ()
      %dma_start3A_107 = arith.constant 2 : i32
      %dma_start3A_108 = arith.constant 0 : i32
      %dma_start3A_109 = arith.constant 0 : i32
      %dma_start3A_110 = arith.constant 0 : i32
      %dma_start3A_111 = tpu.memref_slice %arg7[%dma_start3A_108, %dma_start3A_109, %dma_start3A_110] : memref<2x128x128xf32, #tpu.memory_space<vmem>> -> memref<1x64x128xf32, #tpu.memory_space<vmem>>
      %dma_start3A_112 = tpu.memref_squeeze %dma_start3A_111 : memref<1x64x128xf32, #tpu.memory_space<vmem>> -> memref<64x128xf32, #tpu.memory_space<vmem>>
      %dma_start3A_113 = arith.constant 0 : i32
      %dma_start3A_114 = tpu.memref_slice %arg5[%rem3A_59, %dma_start3A_107, %dma_start3A_113] : memref<2x16x128xi32, #tpu.memory_space<vmem>> -> memref<1x1x64xi32, #tpu.memory_space<vmem>>
      %dma_start3A_115 = tpu.memref_squeeze %dma_start3A_114 : memref<1x1x64xi32, #tpu.memory_space<vmem>> -> memref<64xi32, #tpu.memory_space<vmem>>
      %dma_start3A_116 = arith.constant 0 : i32
      %dma_start3A_117 = arith.constant 0 : i32
      %dma_start3A_118 = tpu.memref_slice %arg2[%dma_start3A_116, %dma_start3A_117] : memref<10240x128xf32, #tpu.memory_space<hbm>> -> memref<10240x128xf32, #tpu.memory_space<hbm>>
      tpu.enqueue_indirect_dma source(%dma_start3A_118 : memref<10240x128xf32, #tpu.memory_space<hbm>>) target(%dma_start3A_112 : memref<64x128xf32, #tpu.memory_space<vmem>>) offsets(%dma_start3A_115 : memref<64xi32, #tpu.memory_space<vmem>>) semaphore(%arg9 : memref<!tpu.dma_semaphore, #tpu.memory_space<semaphore_mem>>)
      %dma_wait3A_119 = arith.constant 1 : i32
      %dma_wait3A_120 = arith.constant 1 : i32
      %dma_wait3A_121 = arith.constant 0 : i32
      %dma_wait3A_122 = arith.constant 0 : i32
      %dma_wait3A_123 = tpu.memref_slice %arg7[%dma_wait3A_120, %dma_wait3A_121, %dma_wait3A_122] : memref<2x128x128xf32, #tpu.memory_space<vmem>> -> memref<1x64x128xf32, #tpu.memory_space<vmem>>
      %dma_wait3A_124 = tpu.memref_squeeze %dma_wait3A_123 : memref<1x64x128xf32, #tpu.memory_space<vmem>> -> memref<64x128xf32, #tpu.memory_space<vmem>>
      %dma_wait3A_125 = arith.constant 0 : i32
      %dma_wait3A_126 = tpu.memref_slice %arg5[%rem3A_59, %dma_wait3A_119, %dma_wait3A_125] : memref<2x16x128xi32, #tpu.memory_space<vmem>> -> memref<1x1x64xi32, #tpu.memory_space<vmem>>
      %dma_wait3A_127 = tpu.memref_squeeze %dma_wait3A_126 : memref<1x1x64xi32, #tpu.memory_space<vmem>> -> memref<64xi32, #tpu.memory_space<vmem>>
      %dma_wait3A_128 = arith.constant 0 : i32
      %dma_wait3A_129 = arith.constant 0 : i32
      %dma_wait3A_130 = tpu.memref_slice %arg2[%dma_wait3A_128, %dma_wait3A_129] : memref<10240x128xf32, #tpu.memory_space<hbm>> -> memref<10240x128xf32, #tpu.memory_space<hbm>>
      tpu.wait_indirect_dma semaphore(%arg9 : memref<!tpu.dma_semaphore, #tpu.memory_space<semaphore_mem>>) src(%dma_wait3A_130 : memref<10240x128xf32, #tpu.memory_space<hbm>>) dst(%dma_wait3A_124 : memref<64x128xf32, #tpu.memory_space<vmem>>)
      %dma_wait3A_131 = arith.constant 1 : i32
      %dma_wait3A_132 = arith.constant 1 : i32
      %dma_wait3A_133 = arith.constant 64 : i32
      %dma_wait3A_134 = arith.constant 0 : i32
      %dma_wait3A_135 = tpu.memref_slice %arg7[%dma_wait3A_132, %dma_wait3A_133, %dma_wait3A_134] : memref<2x128x128xf32, #tpu.memory_space<vmem>> -> memref<1x64x128xf32, #tpu.memory_space<vmem>>
      %dma_wait3A_136 = tpu.memref_squeeze %dma_wait3A_135 : memref<1x64x128xf32, #tpu.memory_space<vmem>> -> memref<64x128xf32, #tpu.memory_space<vmem>>
      %dma_wait3A_137 = arith.constant 64 : i32
      %dma_wait3A_138 = tpu.memref_slice %arg5[%rem3A_59, %dma_wait3A_131, %dma_wait3A_137] : memref<2x16x128xi32, #tpu.memory_space<vmem>> -> memref<1x1x64xi32, #tpu.memory_space<vmem>>
      %dma_wait3A_139 = tpu.memref_squeeze %dma_wait3A_138 : memref<1x1x64xi32, #tpu.memory_space<vmem>> -> memref<64xi32, #tpu.memory_space<vmem>>
      %dma_wait3A_140 = arith.constant 0 : i32
      %dma_wait3A_141 = arith.constant 0 : i32
      %dma_wait3A_142 = tpu.memref_slice %arg2[%dma_wait3A_140, %dma_wait3A_141] : memref<10240x128xf32, #tpu.memory_space<hbm>> -> memref<10240x128xf32, #tpu.memory_space<hbm>>
      tpu.wait_indirect_dma semaphore(%arg9 : memref<!tpu.dma_semaphore, #tpu.memory_space<semaphore_mem>>) src(%dma_wait3A_142 : memref<10240x128xf32, #tpu.memory_space<hbm>>) dst(%dma_wait3A_136 : memref<64x128xf32, #tpu.memory_space<vmem>>)
      %dma_start3A_143 = arith.constant 2 : i32
      %dma_start3A_144 = arith.constant 0 : i32
      %dma_start3A_145 = arith.constant 64 : i32
      %dma_start3A_146 = arith.constant 0 : i32
      %dma_start3A_147 = tpu.memref_slice %arg7[%dma_start3A_144, %dma_start3A_145, %dma_start3A_146] : memref<2x128x128xf32, #tpu.memory_space<vmem>> -> memref<1x64x128xf32, #tpu.memory_space<vmem>>
      %dma_start3A_148 = tpu.memref_squeeze %dma_start3A_147 : memref<1x64x128xf32, #tpu.memory_space<vmem>> -> memref<64x128xf32, #tpu.memory_space<vmem>>
      %dma_start3A_149 = arith.constant 64 : i32
      %dma_start3A_150 = tpu.memref_slice %arg5[%rem3A_59, %dma_start3A_143, %dma_start3A_149] : memref<2x16x128xi32, #tpu.memory_space<vmem>> -> memref<1x1x64xi32, #tpu.memory_space<vmem>>
      %dma_start3A_151 = tpu.memref_squeeze %dma_start3A_150 : memref<1x1x64xi32, #tpu.memory_space<vmem>> -> memref<64xi32, #tpu.memory_space<vmem>>
      %dma_start3A_152 = arith.constant 0 : i32
      %dma_start3A_153 = arith.constant 0 : i32
      %dma_start3A_154 = tpu.memref_slice %arg2[%dma_start3A_152, %dma_start3A_153] : memref<10240x128xf32, #tpu.memory_space<hbm>> -> memref<10240x128xf32, #tpu.memory_space<hbm>>
      tpu.enqueue_indirect_dma source(%dma_start3A_154 : memref<10240x128xf32, #tpu.memory_space<hbm>>) target(%dma_start3A_148 : memref<64x128xf32, #tpu.memory_space<vmem>>) offsets(%dma_start3A_151 : memref<64xi32, #tpu.memory_space<vmem>>) semaphore(%arg9 : memref<!tpu.dma_semaphore, #tpu.memory_space<semaphore_mem>>)
      %mul3A_155 = arith.constant 16 : i32
      %mul3A_156 = arith.muli %scan3A_58, %mul3A_155 : i32
      %add3A_157 = arith.constant 1 : i32
      %add3A_158 = arith.addi %mul3A_156, %add3A_157 : i32
      %run_scoped3A_159 = arith.constant 1 : i32
      "tpu.region"() ({
        %run_scoped3A_899 = tpu.sem_alloc : memref<!tpu.dma_semaphore, #tpu.memory_space<semaphore_mem>>
        %dma_start3A_900 = arith.constant 0 : i32
        %dma_start3A_901 = arith.constant 0 : i32
        %dma_start3A_902 = tpu.memref_slice %arg7[%run_scoped3A_159, %dma_start3A_900, %dma_start3A_901] : memref<2x128x128xf32, #tpu.memory_space<vmem>> -> memref<1x128x128xf32, #tpu.memory_space<vmem>>
        %dma_start3A_903 = tpu.memref_squeeze %dma_start3A_902 : memref<1x128x128xf32, #tpu.memory_space<vmem>> -> memref<128x128xf32, #tpu.memory_space<vmem>>
        %dma_start3A_904 = arith.constant 0 : i32
        %dma_start3A_905 = tpu.memref_slice %arg6[%add3A_158, %dma_start3A_904] : memref<80x128xi32, #tpu.memory_space<vmem>> -> memref<1x128xi32, #tpu.memory_space<vmem>>
        %dma_start3A_906 = tpu.memref_squeeze %dma_start3A_905 : memref<1x128xi32, #tpu.memory_space<vmem>> -> memref<128xi32, #tpu.memory_space<vmem>>
        %dma_start3A_907 = arith.constant 0 : i32
        %dma_start3A_908 = arith.constant 0 : i32
        %dma_start3A_909 = tpu.memref_slice %arg8[%dma_start3A_907, %dma_start3A_908] : memref<10240x128xf32, #tpu.memory_space<vmem_shared>> -> memref<10240x128xf32, #tpu.memory_space<vmem_shared>>
        tpu.enqueue_indirect_dma source(%dma_start3A_903 : memref<128x128xf32, #tpu.memory_space<vmem>>) target(%dma_start3A_909 : memref<10240x128xf32, #tpu.memory_space<vmem_shared>>) offsets(%dma_start3A_906 : memref<128xi32, #tpu.memory_space<vmem>>) semaphore(%run_scoped3A_899 : memref<!tpu.dma_semaphore, #tpu.memory_space<semaphore_mem>>) {add = true}
        %dma_wait3A_910 = arith.constant 0 : i32
        %dma_wait3A_911 = arith.constant 0 : i32
        %dma_wait3A_912 = tpu.memref_slice %arg7[%run_scoped3A_159, %dma_wait3A_910, %dma_wait3A_911] : memref<2x128x128xf32, #tpu.memory_space<vmem>> -> memref<1x128x128xf32, #tpu.memory_space<vmem>>
        %dma_wait3A_913 = tpu.memref_squeeze %dma_wait3A_912 : memref<1x128x128xf32, #tpu.memory_space<vmem>> -> memref<128x128xf32, #tpu.memory_space<vmem>>
        %dma_wait3A_914 = arith.constant 0 : i32
        %dma_wait3A_915 = tpu.memref_slice %arg6[%add3A_158, %dma_wait3A_914] : memref<80x128xi32, #tpu.memory_space<vmem>> -> memref<1x128xi32, #tpu.memory_space<vmem>>
        %dma_wait3A_916 = tpu.memref_squeeze %dma_wait3A_915 : memref<1x128xi32, #tpu.memory_space<vmem>> -> memref<128xi32, #tpu.memory_space<vmem>>
        %dma_wait3A_917 = arith.constant 0 : i32
        %dma_wait3A_918 = arith.constant 0 : i32
        %dma_wait3A_919 = tpu.memref_slice %arg8[%dma_wait3A_917, %dma_wait3A_918] : memref<10240x128xf32, #tpu.memory_space<vmem_shared>> -> memref<10240x128xf32, #tpu.memory_space<vmem_shared>>
        tpu.wait_indirect_dma semaphore(%run_scoped3A_899 : memref<!tpu.dma_semaphore, #tpu.memory_space<semaphore_mem>>) src(%dma_wait3A_913 : memref<128x128xf32, #tpu.memory_space<vmem>>) dst(%dma_wait3A_919 : memref<10240x128xf32, #tpu.memory_space<vmem_shared>>)
        tpu.yield
      }) : () -> ()
      %dma_start3A_160 = arith.constant 3 : i32
      %dma_start3A_161 = arith.constant 1 : i32
      %dma_start3A_162 = arith.constant 0 : i32
      %dma_start3A_163 = arith.constant 0 : i32
      %dma_start3A_164 = tpu.memref_slice %arg7[%dma_start3A_161, %dma_start3A_162, %dma_start3A_163] : memref<2x128x128xf32, #tpu.memory_space<vmem>> -> memref<1x64x128xf32, #tpu.memory_space<vmem>>
      %dma_start3A_165 = tpu.memref_squeeze %dma_start3A_164 : memref<1x64x128xf32, #tpu.memory_space<vmem>> -> memref<64x128xf32, #tpu.memory_space<vmem>>
      %dma_start3A_166 = arith.constant 0 : i32
      %dma_start3A_167 = tpu.memref_slice %arg5[%rem3A_59, %dma_start3A_160, %dma_start3A_166] : memref<2x16x128xi32, #tpu.memory_space<vmem>> -> memref<1x1x64xi32, #tpu.memory_space<vmem>>
      %dma_start3A_168 = tpu.memref_squeeze %dma_start3A_167 : memref<1x1x64xi32, #tpu.memory_space<vmem>> -> memref<64xi32, #tpu.memory_space<vmem>>
      %dma_start3A_169 = arith.constant 0 : i32
      %dma_start3A_170 = arith.constant 0 : i32
      %dma_start3A_171 = tpu.memref_slice %arg2[%dma_start3A_169, %dma_start3A_170] : memref<10240x128xf32, #tpu.memory_space<hbm>> -> memref<10240x128xf32, #tpu.memory_space<hbm>>
      tpu.enqueue_indirect_dma source(%dma_start3A_171 : memref<10240x128xf32, #tpu.memory_space<hbm>>) target(%dma_start3A_165 : memref<64x128xf32, #tpu.memory_space<vmem>>) offsets(%dma_start3A_168 : memref<64xi32, #tpu.memory_space<vmem>>) semaphore(%arg9 : memref<!tpu.dma_semaphore, #tpu.memory_space<semaphore_mem>>)
      %dma_wait3A_172 = arith.constant 2 : i32
      %dma_wait3A_173 = arith.constant 0 : i32
      %dma_wait3A_174 = arith.constant 0 : i32
      %dma_wait3A_175 = arith.constant 0 : i32
      %dma_wait3A_176 = tpu.memref_slice %arg7[%dma_wait3A_173, %dma_wait3A_174, %dma_wait3A_175] : memref<2x128x128xf32, #tpu.memory_space<vmem>> -> memref<1x64x128xf32, #tpu.memory_space<vmem>>
      %dma_wait3A_177 = tpu.memref_squeeze %dma_wait3A_176 : memref<1x64x128xf32, #tpu.memory_space<vmem>> -> memref<64x128xf32, #tpu.memory_space<vmem>>
      %dma_wait3A_178 = arith.constant 0 : i32
      %dma_wait3A_179 = tpu.memref_slice %arg5[%rem3A_59, %dma_wait3A_172, %dma_wait3A_178] : memref<2x16x128xi32, #tpu.memory_space<vmem>> -> memref<1x1x64xi32, #tpu.memory_space<vmem>>
      %dma_wait3A_180 = tpu.memref_squeeze %dma_wait3A_179 : memref<1x1x64xi32, #tpu.memory_space<vmem>> -> memref<64xi32, #tpu.memory_space<vmem>>
      %dma_wait3A_181 = arith.constant 0 : i32
      %dma_wait3A_182 = arith.constant 0 : i32
      %dma_wait3A_183 = tpu.memref_slice %arg2[%dma_wait3A_181, %dma_wait3A_182] : memref<10240x128xf32, #tpu.memory_space<hbm>> -> memref<10240x128xf32, #tpu.memory_space<hbm>>
      tpu.wait_indirect_dma semaphore(%arg9 : memref<!tpu.dma_semaphore, #tpu.memory_space<semaphore_mem>>) src(%dma_wait3A_183 : memref<10240x128xf32, #tpu.memory_space<hbm>>) dst(%dma_wait3A_177 : memref<64x128xf32, #tpu.memory_space<vmem>>)
      %dma_wait3A_184 = arith.constant 2 : i32
      %dma_wait3A_185 = arith.constant 0 : i32
      %dma_wait3A_186 = arith.constant 64 : i32
      %dma_wait3A_187 = arith.constant 0 : i32
      %dma_wait3A_188 = tpu.memref_slice %arg7[%dma_wait3A_185, %dma_wait3A_186, %dma_wait3A_187] : memref<2x128x128xf32, #tpu.memory_space<vmem>> -> memref<1x64x128xf32, #tpu.memory_space<vmem>>
      %dma_wait3A_189 = tpu.memref_squeeze %dma_wait3A_188 : memref<1x64x128xf32, #tpu.memory_space<vmem>> -> memref<64x128xf32, #tpu.memory_space<vmem>>
      %dma_wait3A_190 = arith.constant 64 : i32
      %dma_wait3A_191 = tpu.memref_slice %arg5[%rem3A_59, %dma_wait3A_184, %dma_wait3A_190] : memref<2x16x128xi32, #tpu.memory_space<vmem>> -> memref<1x1x64xi32, #tpu.memory_space<vmem>>
      %dma_wait3A_192 = tpu.memref_squeeze %dma_wait3A_191 : memref<1x1x64xi32, #tpu.memory_space<vmem>> -> memref<64xi32, #tpu.memory_space<vmem>>
      %dma_wait3A_193 = arith.constant 0 : i32
      %dma_wait3A_194 = arith.constant 0 : i32
      %dma_wait3A_195 = tpu.memref_slice %arg2[%dma_wait3A_193, %dma_wait3A_194] : memref<10240x128xf32, #tpu.memory_space<hbm>> -> memref<10240x128xf32, #tpu.memory_space<hbm>>
      tpu.wait_indirect_dma semaphore(%arg9 : memref<!tpu.dma_semaphore, #tpu.memory_space<semaphore_mem>>) src(%dma_wait3A_195 : memref<10240x128xf32, #tpu.memory_space<hbm>>) dst(%dma_wait3A_189 : memref<64x128xf32, #tpu.memory_space<vmem>>)
      %dma_start3A_196 = arith.constant 3 : i32
      %dma_start3A_197 = arith.constant 1 : i32
      %dma_start3A_198 = arith.constant 64 : i32
      %dma_start3A_199 = arith.constant 0 : i32
      %dma_start3A_200 = tpu.memref_slice %arg7[%dma_start3A_197, %dma_start3A_198, %dma_start3A_199] : memref<2x128x128xf32, #tpu.memory_space<vmem>> -> memref<1x64x128xf32, #tpu.memory_space<vmem>>
      %dma_start3A_201 = tpu.memref_squeeze %dma_start3A_200 : memref<1x64x128xf32, #tpu.memory_space<vmem>> -> memref<64x128xf32, #tpu.memory_space<vmem>>
      %dma_start3A_202 = arith.constant 64 : i32
      %dma_start3A_203 = tpu.memref_slice %arg5[%rem3A_59, %dma_start3A_196, %dma_start3A_202] : memref<2x16x128xi32, #tpu.memory_space<vmem>> -> memref<1x1x64xi32, #tpu.memory_space<vmem>>
      %dma_start3A_204 = tpu.memref_squeeze %dma_start3A_203 : memref<1x1x64xi32, #tpu.memory_space<vmem>> -> memref<64xi32, #tpu.memory_space<vmem>>
      %dma_start3A_205 = arith.constant 0 : i32
      %dma_start3A_206 = arith.constant 0 : i32
      %dma_start3A_207 = tpu.memref_slice %arg2[%dma_start3A_205, %dma_start3A_206] : memref<10240x128xf32, #tpu.memory_space<hbm>> -> memref<10240x128xf32, #tpu.memory_space<hbm>>
      tpu.enqueue_indirect_dma source(%dma_start3A_207 : memref<10240x128xf32, #tpu.memory_space<hbm>>) target(%dma_start3A_201 : memref<64x128xf32, #tpu.memory_space<vmem>>) offsets(%dma_start3A_204 : memref<64xi32, #tpu.memory_space<vmem>>) semaphore(%arg9 : memref<!tpu.dma_semaphore, #tpu.memory_space<semaphore_mem>>)
      %mul3A_208 = arith.constant 16 : i32
      %mul3A_209 = arith.muli %scan3A_58, %mul3A_208 : i32
      %add3A_210 = arith.constant 2 : i32
      %add3A_211 = arith.addi %mul3A_209, %add3A_210 : i32
      %run_scoped3A_212 = arith.constant 0 : i32
      "tpu.region"() ({
        %run_scoped3A_899 = tpu.sem_alloc : memref<!tpu.dma_semaphore, #tpu.memory_space<semaphore_mem>>
        %dma_start3A_900 = arith.constant 0 : i32
        %dma_start3A_901 = arith.constant 0 : i32
        %dma_start3A_902 = tpu.memref_slice %arg7[%run_scoped3A_212, %dma_start3A_900, %dma_start3A_901] : memref<2x128x128xf32, #tpu.memory_space<vmem>> -> memref<1x128x128xf32, #tpu.memory_space<vmem>>
        %dma_start3A_903 = tpu.memref_squeeze %dma_start3A_902 : memref<1x128x128xf32, #tpu.memory_space<vmem>> -> memref<128x128xf32, #tpu.memory_space<vmem>>
        %dma_start3A_904 = arith.constant 0 : i32
        %dma_start3A_905 = tpu.memref_slice %arg6[%add3A_211, %dma_start3A_904] : memref<80x128xi32, #tpu.memory_space<vmem>> -> memref<1x128xi32, #tpu.memory_space<vmem>>
        %dma_start3A_906 = tpu.memref_squeeze %dma_start3A_905 : memref<1x128xi32, #tpu.memory_space<vmem>> -> memref<128xi32, #tpu.memory_space<vmem>>
        %dma_start3A_907 = arith.constant 0 : i32
        %dma_start3A_908 = arith.constant 0 : i32
        %dma_start3A_909 = tpu.memref_slice %arg8[%dma_start3A_907, %dma_start3A_908] : memref<10240x128xf32, #tpu.memory_space<vmem_shared>> -> memref<10240x128xf32, #tpu.memory_space<vmem_shared>>
        tpu.enqueue_indirect_dma source(%dma_start3A_903 : memref<128x128xf32, #tpu.memory_space<vmem>>) target(%dma_start3A_909 : memref<10240x128xf32, #tpu.memory_space<vmem_shared>>) offsets(%dma_start3A_906 : memref<128xi32, #tpu.memory_space<vmem>>) semaphore(%run_scoped3A_899 : memref<!tpu.dma_semaphore, #tpu.memory_space<semaphore_mem>>) {add = true}
        %dma_wait3A_910 = arith.constant 0 : i32
        %dma_wait3A_911 = arith.constant 0 : i32
        %dma_wait3A_912 = tpu.memref_slice %arg7[%run_scoped3A_212, %dma_wait3A_910, %dma_wait3A_911] : memref<2x128x128xf32, #tpu.memory_space<vmem>> -> memref<1x128x128xf32, #tpu.memory_space<vmem>>
        %dma_wait3A_913 = tpu.memref_squeeze %dma_wait3A_912 : memref<1x128x128xf32, #tpu.memory_space<vmem>> -> memref<128x128xf32, #tpu.memory_space<vmem>>
        %dma_wait3A_914 = arith.constant 0 : i32
        %dma_wait3A_915 = tpu.memref_slice %arg6[%add3A_211, %dma_wait3A_914] : memref<80x128xi32, #tpu.memory_space<vmem>> -> memref<1x128xi32, #tpu.memory_space<vmem>>
        %dma_wait3A_916 = tpu.memref_squeeze %dma_wait3A_915 : memref<1x128xi32, #tpu.memory_space<vmem>> -> memref<128xi32, #tpu.memory_space<vmem>>
        %dma_wait3A_917 = arith.constant 0 : i32
        %dma_wait3A_918 = arith.constant 0 : i32
        %dma_wait3A_919 = tpu.memref_slice %arg8[%dma_wait3A_917, %dma_wait3A_918] : memref<10240x128xf32, #tpu.memory_space<vmem_shared>> -> memref<10240x128xf32, #tpu.memory_space<vmem_shared>>
        tpu.wait_indirect_dma semaphore(%run_scoped3A_899 : memref<!tpu.dma_semaphore, #tpu.memory_space<semaphore_mem>>) src(%dma_wait3A_913 : memref<128x128xf32, #tpu.memory_space<vmem>>) dst(%dma_wait3A_919 : memref<10240x128xf32, #tpu.memory_space<vmem_shared>>)
        tpu.yield
      }) : () -> ()
      %dma_start3A_213 = arith.constant 4 : i32
      %dma_start3A_214 = arith.constant 0 : i32
      %dma_start3A_215 = arith.constant 0 : i32
      %dma_start3A_216 = arith.constant 0 : i32
      %dma_start3A_217 = tpu.memref_slice %arg7[%dma_start3A_214, %dma_start3A_215, %dma_start3A_216] : memref<2x128x128xf32, #tpu.memory_space<vmem>> -> memref<1x64x128xf32, #tpu.memory_space<vmem>>
      %dma_start3A_218 = tpu.memref_squeeze %dma_start3A_217 : memref<1x64x128xf32, #tpu.memory_space<vmem>> -> memref<64x128xf32, #tpu.memory_space<vmem>>
      %dma_start3A_219 = arith.constant 0 : i32
      %dma_start3A_220 = tpu.memref_slice %arg5[%rem3A_59, %dma_start3A_213, %dma_start3A_219] : memref<2x16x128xi32, #tpu.memory_space<vmem>> -> memref<1x1x64xi32, #tpu.memory_space<vmem>>
      %dma_start3A_221 = tpu.memref_squeeze %dma_start3A_220 : memref<1x1x64xi32, #tpu.memory_space<vmem>> -> memref<64xi32, #tpu.memory_space<vmem>>
      %dma_start3A_222 = arith.constant 0 : i32
      %dma_start3A_223 = arith.constant 0 : i32
      %dma_start3A_224 = tpu.memref_slice %arg2[%dma_start3A_222, %dma_start3A_223] : memref<10240x128xf32, #tpu.memory_space<hbm>> -> memref<10240x128xf32, #tpu.memory_space<hbm>>
      tpu.enqueue_indirect_dma source(%dma_start3A_224 : memref<10240x128xf32, #tpu.memory_space<hbm>>) target(%dma_start3A_218 : memref<64x128xf32, #tpu.memory_space<vmem>>) offsets(%dma_start3A_221 : memref<64xi32, #tpu.memory_space<vmem>>) semaphore(%arg9 : memref<!tpu.dma_semaphore, #tpu.memory_space<semaphore_mem>>)
      %dma_wait3A_225 = arith.constant 3 : i32
      %dma_wait3A_226 = arith.constant 1 : i32
      %dma_wait3A_227 = arith.constant 0 : i32
      %dma_wait3A_228 = arith.constant 0 : i32
      %dma_wait3A_229 = tpu.memref_slice %arg7[%dma_wait3A_226, %dma_wait3A_227, %dma_wait3A_228] : memref<2x128x128xf32, #tpu.memory_space<vmem>> -> memref<1x64x128xf32, #tpu.memory_space<vmem>>
      %dma_wait3A_230 = tpu.memref_squeeze %dma_wait3A_229 : memref<1x64x128xf32, #tpu.memory_space<vmem>> -> memref<64x128xf32, #tpu.memory_space<vmem>>
      %dma_wait3A_231 = arith.constant 0 : i32
      %dma_wait3A_232 = tpu.memref_slice %arg5[%rem3A_59, %dma_wait3A_225, %dma_wait3A_231] : memref<2x16x128xi32, #tpu.memory_space<vmem>> -> memref<1x1x64xi32, #tpu.memory_space<vmem>>
      %dma_wait3A_233 = tpu.memref_squeeze %dma_wait3A_232 : memref<1x1x64xi32, #tpu.memory_space<vmem>> -> memref<64xi32, #tpu.memory_space<vmem>>
      %dma_wait3A_234 = arith.constant 0 : i32
      %dma_wait3A_235 = arith.constant 0 : i32
      %dma_wait3A_236 = tpu.memref_slice %arg2[%dma_wait3A_234, %dma_wait3A_235] : memref<10240x128xf32, #tpu.memory_space<hbm>> -> memref<10240x128xf32, #tpu.memory_space<hbm>>
      tpu.wait_indirect_dma semaphore(%arg9 : memref<!tpu.dma_semaphore, #tpu.memory_space<semaphore_mem>>) src(%dma_wait3A_236 : memref<10240x128xf32, #tpu.memory_space<hbm>>) dst(%dma_wait3A_230 : memref<64x128xf32, #tpu.memory_space<vmem>>)
      %dma_wait3A_237 = arith.constant 3 : i32
      %dma_wait3A_238 = arith.constant 1 : i32
      %dma_wait3A_239 = arith.constant 64 : i32
      %dma_wait3A_240 = arith.constant 0 : i32
      %dma_wait3A_241 = tpu.memref_slice %arg7[%dma_wait3A_238, %dma_wait3A_239, %dma_wait3A_240] : memref<2x128x128xf32, #tpu.memory_space<vmem>> -> memref<1x64x128xf32, #tpu.memory_space<vmem>>
      %dma_wait3A_242 = tpu.memref_squeeze %dma_wait3A_241 : memref<1x64x128xf32, #tpu.memory_space<vmem>> -> memref<64x128xf32, #tpu.memory_space<vmem>>
      %dma_wait3A_243 = arith.constant 64 : i32
      %dma_wait3A_244 = tpu.memref_slice %arg5[%rem3A_59, %dma_wait3A_237, %dma_wait3A_243] : memref<2x16x128xi32, #tpu.memory_space<vmem>> -> memref<1x1x64xi32, #tpu.memory_space<vmem>>
      %dma_wait3A_245 = tpu.memref_squeeze %dma_wait3A_244 : memref<1x1x64xi32, #tpu.memory_space<vmem>> -> memref<64xi32, #tpu.memory_space<vmem>>
      %dma_wait3A_246 = arith.constant 0 : i32
      %dma_wait3A_247 = arith.constant 0 : i32
      %dma_wait3A_248 = tpu.memref_slice %arg2[%dma_wait3A_246, %dma_wait3A_247] : memref<10240x128xf32, #tpu.memory_space<hbm>> -> memref<10240x128xf32, #tpu.memory_space<hbm>>
      tpu.wait_indirect_dma semaphore(%arg9 : memref<!tpu.dma_semaphore, #tpu.memory_space<semaphore_mem>>) src(%dma_wait3A_248 : memref<10240x128xf32, #tpu.memory_space<hbm>>) dst(%dma_wait3A_242 : memref<64x128xf32, #tpu.memory_space<vmem>>)
      %dma_start3A_249 = arith.constant 4 : i32
      %dma_start3A_250 = arith.constant 0 : i32
      %dma_start3A_251 = arith.constant 64 : i32
      %dma_start3A_252 = arith.constant 0 : i32
      %dma_start3A_253 = tpu.memref_slice %arg7[%dma_start3A_250, %dma_start3A_251, %dma_start3A_252] : memref<2x128x128xf32, #tpu.memory_space<vmem>> -> memref<1x64x128xf32, #tpu.memory_space<vmem>>
      %dma_start3A_254 = tpu.memref_squeeze %dma_start3A_253 : memref<1x64x128xf32, #tpu.memory_space<vmem>> -> memref<64x128xf32, #tpu.memory_space<vmem>>
      %dma_start3A_255 = arith.constant 64 : i32
      %dma_start3A_256 = tpu.memref_slice %arg5[%rem3A_59, %dma_start3A_249, %dma_start3A_255] : memref<2x16x128xi32, #tpu.memory_space<vmem>> -> memref<1x1x64xi32, #tpu.memory_space<vmem>>
      %dma_start3A_257 = tpu.memref_squeeze %dma_start3A_256 : memref<1x1x64xi32, #tpu.memory_space<vmem>> -> memref<64xi32, #tpu.memory_space<vmem>>
      %dma_start3A_258 = arith.constant 0 : i32
      %dma_start3A_259 = arith.constant 0 : i32
      %dma_start3A_260 = tpu.memref_slice %arg2[%dma_start3A_258, %dma_start3A_259] : memref<10240x128xf32, #tpu.memory_space<hbm>> -> memref<10240x128xf32, #tpu.memory_space<hbm>>
      tpu.enqueue_indirect_dma source(%dma_start3A_260 : memref<10240x128xf32, #tpu.memory_space<hbm>>) target(%dma_start3A_254 : memref<64x128xf32, #tpu.memory_space<vmem>>) offsets(%dma_start3A_257 : memref<64xi32, #tpu.memory_space<vmem>>) semaphore(%arg9 : memref<!tpu.dma_semaphore, #tpu.memory_space<semaphore_mem>>)
      %mul3A_261 = arith.constant 16 : i32
      %mul3A_262 = arith.muli %scan3A_58, %mul3A_261 : i32
      %add3A_263 = arith.constant 3 : i32
      %add3A_264 = arith.addi %mul3A_262, %add3A_263 : i32
      %run_scoped3A_265 = arith.constant 1 : i32
      "tpu.region"() ({
        %run_scoped3A_899 = tpu.sem_alloc : memref<!tpu.dma_semaphore, #tpu.memory_space<semaphore_mem>>
        %dma_start3A_900 = arith.constant 0 : i32
        %dma_start3A_901 = arith.constant 0 : i32
        %dma_start3A_902 = tpu.memref_slice %arg7[%run_scoped3A_265, %dma_start3A_900, %dma_start3A_901] : memref<2x128x128xf32, #tpu.memory_space<vmem>> -> memref<1x128x128xf32, #tpu.memory_space<vmem>>
        %dma_start3A_903 = tpu.memref_squeeze %dma_start3A_902 : memref<1x128x128xf32, #tpu.memory_space<vmem>> -> memref<128x128xf32, #tpu.memory_space<vmem>>
        %dma_start3A_904 = arith.constant 0 : i32
        %dma_start3A_905 = tpu.memref_slice %arg6[%add3A_264, %dma_start3A_904] : memref<80x128xi32, #tpu.memory_space<vmem>> -> memref<1x128xi32, #tpu.memory_space<vmem>>
        %dma_start3A_906 = tpu.memref_squeeze %dma_start3A_905 : memref<1x128xi32, #tpu.memory_space<vmem>> -> memref<128xi32, #tpu.memory_space<vmem>>
        %dma_start3A_907 = arith.constant 0 : i32
        %dma_start3A_908 = arith.constant 0 : i32
        %dma_start3A_909 = tpu.memref_slice %arg8[%dma_start3A_907, %dma_start3A_908] : memref<10240x128xf32, #tpu.memory_space<vmem_shared>> -> memref<10240x128xf32, #tpu.memory_space<vmem_shared>>
        tpu.enqueue_indirect_dma source(%dma_start3A_903 : memref<128x128xf32, #tpu.memory_space<vmem>>) target(%dma_start3A_909 : memref<10240x128xf32, #tpu.memory_space<vmem_shared>>) offsets(%dma_start3A_906 : memref<128xi32, #tpu.memory_space<vmem>>) semaphore(%run_scoped3A_899 : memref<!tpu.dma_semaphore, #tpu.memory_space<semaphore_mem>>) {add = true}
        %dma_wait3A_910 = arith.constant 0 : i32
        %dma_wait3A_911 = arith.constant 0 : i32
        %dma_wait3A_912 = tpu.memref_slice %arg7[%run_scoped3A_265, %dma_wait3A_910, %dma_wait3A_911] : memref<2x128x128xf32, #tpu.memory_space<vmem>> -> memref<1x128x128xf32, #tpu.memory_space<vmem>>
        %dma_wait3A_913 = tpu.memref_squeeze %dma_wait3A_912 : memref<1x128x128xf32, #tpu.memory_space<vmem>> -> memref<128x128xf32, #tpu.memory_space<vmem>>
        %dma_wait3A_914 = arith.constant 0 : i32
        %dma_wait3A_915 = tpu.memref_slice %arg6[%add3A_264, %dma_wait3A_914] : memref<80x128xi32, #tpu.memory_space<vmem>> -> memref<1x128xi32, #tpu.memory_space<vmem>>
        %dma_wait3A_916 = tpu.memref_squeeze %dma_wait3A_915 : memref<1x128xi32, #tpu.memory_space<vmem>> -> memref<128xi32, #tpu.memory_space<vmem>>
        %dma_wait3A_917 = arith.constant 0 : i32
        %dma_wait3A_918 = arith.constant 0 : i32
        %dma_wait3A_919 = tpu.memref_slice %arg8[%dma_wait3A_917, %dma_wait3A_918] : memref<10240x128xf32, #tpu.memory_space<vmem_shared>> -> memref<10240x128xf32, #tpu.memory_space<vmem_shared>>
        tpu.wait_indirect_dma semaphore(%run_scoped3A_899 : memref<!tpu.dma_semaphore, #tpu.memory_space<semaphore_mem>>) src(%dma_wait3A_913 : memref<128x128xf32, #tpu.memory_space<vmem>>) dst(%dma_wait3A_919 : memref<10240x128xf32, #tpu.memory_space<vmem_shared>>)
        tpu.yield
      }) : () -> ()
      %dma_start3A_266 = arith.constant 5 : i32
      %dma_start3A_267 = arith.constant 1 : i32
      %dma_start3A_268 = arith.constant 0 : i32
      %dma_start3A_269 = arith.constant 0 : i32
      %dma_start3A_270 = tpu.memref_slice %arg7[%dma_start3A_267, %dma_start3A_268, %dma_start3A_269] : memref<2x128x128xf32, #tpu.memory_space<vmem>> -> memref<1x64x128xf32, #tpu.memory_space<vmem>>
      %dma_start3A_271 = tpu.memref_squeeze %dma_start3A_270 : memref<1x64x128xf32, #tpu.memory_space<vmem>> -> memref<64x128xf32, #tpu.memory_space<vmem>>
      %dma_start3A_272 = arith.constant 0 : i32
      %dma_start3A_273 = tpu.memref_slice %arg5[%rem3A_59, %dma_start3A_266, %dma_start3A_272] : memref<2x16x128xi32, #tpu.memory_space<vmem>> -> memref<1x1x64xi32, #tpu.memory_space<vmem>>
      %dma_start3A_274 = tpu.memref_squeeze %dma_start3A_273 : memref<1x1x64xi32, #tpu.memory_space<vmem>> -> memref<64xi32, #tpu.memory_space<vmem>>
      %dma_start3A_275 = arith.constant 0 : i32
      %dma_start3A_276 = arith.constant 0 : i32
      %dma_start3A_277 = tpu.memref_slice %arg2[%dma_start3A_275, %dma_start3A_276] : memref<10240x128xf32, #tpu.memory_space<hbm>> -> memref<10240x128xf32, #tpu.memory_space<hbm>>
      tpu.enqueue_indirect_dma source(%dma_start3A_277 : memref<10240x128xf32, #tpu.memory_space<hbm>>) target(%dma_start3A_271 : memref<64x128xf32, #tpu.memory_space<vmem>>) offsets(%dma_start3A_274 : memref<64xi32, #tpu.memory_space<vmem>>) semaphore(%arg9 : memref<!tpu.dma_semaphore, #tpu.memory_space<semaphore_mem>>)
      %dma_wait3A_278 = arith.constant 4 : i32
      %dma_wait3A_279 = arith.constant 0 : i32
      %dma_wait3A_280 = arith.constant 0 : i32
      %dma_wait3A_281 = arith.constant 0 : i32
      %dma_wait3A_282 = tpu.memref_slice %arg7[%dma_wait3A_279, %dma_wait3A_280, %dma_wait3A_281] : memref<2x128x128xf32, #tpu.memory_space<vmem>> -> memref<1x64x128xf32, #tpu.memory_space<vmem>>
      %dma_wait3A_283 = tpu.memref_squeeze %dma_wait3A_282 : memref<1x64x128xf32, #tpu.memory_space<vmem>> -> memref<64x128xf32, #tpu.memory_space<vmem>>
      %dma_wait3A_284 = arith.constant 0 : i32
      %dma_wait3A_285 = tpu.memref_slice %arg5[%rem3A_59, %dma_wait3A_278, %dma_wait3A_284] : memref<2x16x128xi32, #tpu.memory_space<vmem>> -> memref<1x1x64xi32, #tpu.memory_space<vmem>>
      %dma_wait3A_286 = tpu.memref_squeeze %dma_wait3A_285 : memref<1x1x64xi32, #tpu.memory_space<vmem>> -> memref<64xi32, #tpu.memory_space<vmem>>
      %dma_wait3A_287 = arith.constant 0 : i32
      %dma_wait3A_288 = arith.constant 0 : i32
      %dma_wait3A_289 = tpu.memref_slice %arg2[%dma_wait3A_287, %dma_wait3A_288] : memref<10240x128xf32, #tpu.memory_space<hbm>> -> memref<10240x128xf32, #tpu.memory_space<hbm>>
      tpu.wait_indirect_dma semaphore(%arg9 : memref<!tpu.dma_semaphore, #tpu.memory_space<semaphore_mem>>) src(%dma_wait3A_289 : memref<10240x128xf32, #tpu.memory_space<hbm>>) dst(%dma_wait3A_283 : memref<64x128xf32, #tpu.memory_space<vmem>>)
      %dma_wait3A_290 = arith.constant 4 : i32
      %dma_wait3A_291 = arith.constant 0 : i32
      %dma_wait3A_292 = arith.constant 64 : i32
      %dma_wait3A_293 = arith.constant 0 : i32
      %dma_wait3A_294 = tpu.memref_slice %arg7[%dma_wait3A_291, %dma_wait3A_292, %dma_wait3A_293] : memref<2x128x128xf32, #tpu.memory_space<vmem>> -> memref<1x64x128xf32, #tpu.memory_space<vmem>>
      %dma_wait3A_295 = tpu.memref_squeeze %dma_wait3A_294 : memref<1x64x128xf32, #tpu.memory_space<vmem>> -> memref<64x128xf32, #tpu.memory_space<vmem>>
      %dma_wait3A_296 = arith.constant 64 : i32
      %dma_wait3A_297 = tpu.memref_slice %arg5[%rem3A_59, %dma_wait3A_290, %dma_wait3A_296] : memref<2x16x128xi32, #tpu.memory_space<vmem>> -> memref<1x1x64xi32, #tpu.memory_space<vmem>>
      %dma_wait3A_298 = tpu.memref_squeeze %dma_wait3A_297 : memref<1x1x64xi32, #tpu.memory_space<vmem>> -> memref<64xi32, #tpu.memory_space<vmem>>
      %dma_wait3A_299 = arith.constant 0 : i32
      %dma_wait3A_300 = arith.constant 0 : i32
      %dma_wait3A_301 = tpu.memref_slice %arg2[%dma_wait3A_299, %dma_wait3A_300] : memref<10240x128xf32, #tpu.memory_space<hbm>> -> memref<10240x128xf32, #tpu.memory_space<hbm>>
      tpu.wait_indirect_dma semaphore(%arg9 : memref<!tpu.dma_semaphore, #tpu.memory_space<semaphore_mem>>) src(%dma_wait3A_301 : memref<10240x128xf32, #tpu.memory_space<hbm>>) dst(%dma_wait3A_295 : memref<64x128xf32, #tpu.memory_space<vmem>>)
      %dma_start3A_302 = arith.constant 5 : i32
      %dma_start3A_303 = arith.constant 1 : i32
      %dma_start3A_304 = arith.constant 64 : i32
      %dma_start3A_305 = arith.constant 0 : i32
      %dma_start3A_306 = tpu.memref_slice %arg7[%dma_start3A_303, %dma_start3A_304, %dma_start3A_305] : memref<2x128x128xf32, #tpu.memory_space<vmem>> -> memref<1x64x128xf32, #tpu.memory_space<vmem>>
      %dma_start3A_307 = tpu.memref_squeeze %dma_start3A_306 : memref<1x64x128xf32, #tpu.memory_space<vmem>> -> memref<64x128xf32, #tpu.memory_space<vmem>>
      %dma_start3A_308 = arith.constant 64 : i32
      %dma_start3A_309 = tpu.memref_slice %arg5[%rem3A_59, %dma_start3A_302, %dma_start3A_308] : memref<2x16x128xi32, #tpu.memory_space<vmem>> -> memref<1x1x64xi32, #tpu.memory_space<vmem>>
      %dma_start3A_310 = tpu.memref_squeeze %dma_start3A_309 : memref<1x1x64xi32, #tpu.memory_space<vmem>> -> memref<64xi32, #tpu.memory_space<vmem>>
      %dma_start3A_311 = arith.constant 0 : i32
      %dma_start3A_312 = arith.constant 0 : i32
      %dma_start3A_313 = tpu.memref_slice %arg2[%dma_start3A_311, %dma_start3A_312] : memref<10240x128xf32, #tpu.memory_space<hbm>> -> memref<10240x128xf32, #tpu.memory_space<hbm>>
      tpu.enqueue_indirect_dma source(%dma_start3A_313 : memref<10240x128xf32, #tpu.memory_space<hbm>>) target(%dma_start3A_307 : memref<64x128xf32, #tpu.memory_space<vmem>>) offsets(%dma_start3A_310 : memref<64xi32, #tpu.memory_space<vmem>>) semaphore(%arg9 : memref<!tpu.dma_semaphore, #tpu.memory_space<semaphore_mem>>)
      %mul3A_314 = arith.constant 16 : i32
      %mul3A_315 = arith.muli %scan3A_58, %mul3A_314 : i32
      %add3A_316 = arith.constant 4 : i32
      %add3A_317 = arith.addi %mul3A_315, %add3A_316 : i32
      %run_scoped3A_318 = arith.constant 0 : i32
      "tpu.region"() ({
        %run_scoped3A_899 = tpu.sem_alloc : memref<!tpu.dma_semaphore, #tpu.memory_space<semaphore_mem>>
        %dma_start3A_900 = arith.constant 0 : i32
        %dma_start3A_901 = arith.constant 0 : i32
        %dma_start3A_902 = tpu.memref_slice %arg7[%run_scoped3A_318, %dma_start3A_900, %dma_start3A_901] : memref<2x128x128xf32, #tpu.memory_space<vmem>> -> memref<1x128x128xf32, #tpu.memory_space<vmem>>
        %dma_start3A_903 = tpu.memref_squeeze %dma_start3A_902 : memref<1x128x128xf32, #tpu.memory_space<vmem>> -> memref<128x128xf32, #tpu.memory_space<vmem>>
        %dma_start3A_904 = arith.constant 0 : i32
        %dma_start3A_905 = tpu.memref_slice %arg6[%add3A_317, %dma_start3A_904] : memref<80x128xi32, #tpu.memory_space<vmem>> -> memref<1x128xi32, #tpu.memory_space<vmem>>
        %dma_start3A_906 = tpu.memref_squeeze %dma_start3A_905 : memref<1x128xi32, #tpu.memory_space<vmem>> -> memref<128xi32, #tpu.memory_space<vmem>>
        %dma_start3A_907 = arith.constant 0 : i32
        %dma_start3A_908 = arith.constant 0 : i32
        %dma_start3A_909 = tpu.memref_slice %arg8[%dma_start3A_907, %dma_start3A_908] : memref<10240x128xf32, #tpu.memory_space<vmem_shared>> -> memref<10240x128xf32, #tpu.memory_space<vmem_shared>>
        tpu.enqueue_indirect_dma source(%dma_start3A_903 : memref<128x128xf32, #tpu.memory_space<vmem>>) target(%dma_start3A_909 : memref<10240x128xf32, #tpu.memory_space<vmem_shared>>) offsets(%dma_start3A_906 : memref<128xi32, #tpu.memory_space<vmem>>) semaphore(%run_scoped3A_899 : memref<!tpu.dma_semaphore, #tpu.memory_space<semaphore_mem>>) {add = true}
        %dma_wait3A_910 = arith.constant 0 : i32
        %dma_wait3A_911 = arith.constant 0 : i32
        %dma_wait3A_912 = tpu.memref_slice %arg7[%run_scoped3A_318, %dma_wait3A_910, %dma_wait3A_911] : memref<2x128x128xf32, #tpu.memory_space<vmem>> -> memref<1x128x128xf32, #tpu.memory_space<vmem>>
        %dma_wait3A_913 = tpu.memref_squeeze %dma_wait3A_912 : memref<1x128x128xf32, #tpu.memory_space<vmem>> -> memref<128x128xf32, #tpu.memory_space<vmem>>
        %dma_wait3A_914 = arith.constant 0 : i32
        %dma_wait3A_915 = tpu.memref_slice %arg6[%add3A_317, %dma_wait3A_914] : memref<80x128xi32, #tpu.memory_space<vmem>> -> memref<1x128xi32, #tpu.memory_space<vmem>>
        %dma_wait3A_916 = tpu.memref_squeeze %dma_wait3A_915 : memref<1x128xi32, #tpu.memory_space<vmem>> -> memref<128xi32, #tpu.memory_space<vmem>>
        %dma_wait3A_917 = arith.constant 0 : i32
        %dma_wait3A_918 = arith.constant 0 : i32
        %dma_wait3A_919 = tpu.memref_slice %arg8[%dma_wait3A_917, %dma_wait3A_918] : memref<10240x128xf32, #tpu.memory_space<vmem_shared>> -> memref<10240x128xf32, #tpu.memory_space<vmem_shared>>
        tpu.wait_indirect_dma semaphore(%run_scoped3A_899 : memref<!tpu.dma_semaphore, #tpu.memory_space<semaphore_mem>>) src(%dma_wait3A_913 : memref<128x128xf32, #tpu.memory_space<vmem>>) dst(%dma_wait3A_919 : memref<10240x128xf32, #tpu.memory_space<vmem_shared>>)
        tpu.yield
      }) : () -> ()
      %dma_start3A_319 = arith.constant 6 : i32
      %dma_start3A_320 = arith.constant 0 : i32
      %dma_start3A_321 = arith.constant 0 : i32
      %dma_start3A_322 = arith.constant 0 : i32
      %dma_start3A_323 = tpu.memref_slice %arg7[%dma_start3A_320, %dma_start3A_321, %dma_start3A_322] : memref<2x128x128xf32, #tpu.memory_space<vmem>> -> memref<1x64x128xf32, #tpu.memory_space<vmem>>
      %dma_start3A_324 = tpu.memref_squeeze %dma_start3A_323 : memref<1x64x128xf32, #tpu.memory_space<vmem>> -> memref<64x128xf32, #tpu.memory_space<vmem>>
      %dma_start3A_325 = arith.constant 0 : i32
      %dma_start3A_326 = tpu.memref_slice %arg5[%rem3A_59, %dma_start3A_319, %dma_start3A_325] : memref<2x16x128xi32, #tpu.memory_space<vmem>> -> memref<1x1x64xi32, #tpu.memory_space<vmem>>
      %dma_start3A_327 = tpu.memref_squeeze %dma_start3A_326 : memref<1x1x64xi32, #tpu.memory_space<vmem>> -> memref<64xi32, #tpu.memory_space<vmem>>
      %dma_start3A_328 = arith.constant 0 : i32
      %dma_start3A_329 = arith.constant 0 : i32
      %dma_start3A_330 = tpu.memref_slice %arg2[%dma_start3A_328, %dma_start3A_329] : memref<10240x128xf32, #tpu.memory_space<hbm>> -> memref<10240x128xf32, #tpu.memory_space<hbm>>
      tpu.enqueue_indirect_dma source(%dma_start3A_330 : memref<10240x128xf32, #tpu.memory_space<hbm>>) target(%dma_start3A_324 : memref<64x128xf32, #tpu.memory_space<vmem>>) offsets(%dma_start3A_327 : memref<64xi32, #tpu.memory_space<vmem>>) semaphore(%arg9 : memref<!tpu.dma_semaphore, #tpu.memory_space<semaphore_mem>>)
      %dma_wait3A_331 = arith.constant 5 : i32
      %dma_wait3A_332 = arith.constant 1 : i32
      %dma_wait3A_333 = arith.constant 0 : i32
      %dma_wait3A_334 = arith.constant 0 : i32
      %dma_wait3A_335 = tpu.memref_slice %arg7[%dma_wait3A_332, %dma_wait3A_333, %dma_wait3A_334] : memref<2x128x128xf32, #tpu.memory_space<vmem>> -> memref<1x64x128xf32, #tpu.memory_space<vmem>>
      %dma_wait3A_336 = tpu.memref_squeeze %dma_wait3A_335 : memref<1x64x128xf32, #tpu.memory_space<vmem>> -> memref<64x128xf32, #tpu.memory_space<vmem>>
      %dma_wait3A_337 = arith.constant 0 : i32
      %dma_wait3A_338 = tpu.memref_slice %arg5[%rem3A_59, %dma_wait3A_331, %dma_wait3A_337] : memref<2x16x128xi32, #tpu.memory_space<vmem>> -> memref<1x1x64xi32, #tpu.memory_space<vmem>>
      %dma_wait3A_339 = tpu.memref_squeeze %dma_wait3A_338 : memref<1x1x64xi32, #tpu.memory_space<vmem>> -> memref<64xi32, #tpu.memory_space<vmem>>
      %dma_wait3A_340 = arith.constant 0 : i32
      %dma_wait3A_341 = arith.constant 0 : i32
      %dma_wait3A_342 = tpu.memref_slice %arg2[%dma_wait3A_340, %dma_wait3A_341] : memref<10240x128xf32, #tpu.memory_space<hbm>> -> memref<10240x128xf32, #tpu.memory_space<hbm>>
      tpu.wait_indirect_dma semaphore(%arg9 : memref<!tpu.dma_semaphore, #tpu.memory_space<semaphore_mem>>) src(%dma_wait3A_342 : memref<10240x128xf32, #tpu.memory_space<hbm>>) dst(%dma_wait3A_336 : memref<64x128xf32, #tpu.memory_space<vmem>>)
      %dma_wait3A_343 = arith.constant 5 : i32
      %dma_wait3A_344 = arith.constant 1 : i32
      %dma_wait3A_345 = arith.constant 64 : i32
      %dma_wait3A_346 = arith.constant 0 : i32
      %dma_wait3A_347 = tpu.memref_slice %arg7[%dma_wait3A_344, %dma_wait3A_345, %dma_wait3A_346] : memref<2x128x128xf32, #tpu.memory_space<vmem>> -> memref<1x64x128xf32, #tpu.memory_space<vmem>>
      %dma_wait3A_348 = tpu.memref_squeeze %dma_wait3A_347 : memref<1x64x128xf32, #tpu.memory_space<vmem>> -> memref<64x128xf32, #tpu.memory_space<vmem>>
      %dma_wait3A_349 = arith.constant 64 : i32
      %dma_wait3A_350 = tpu.memref_slice %arg5[%rem3A_59, %dma_wait3A_343, %dma_wait3A_349] : memref<2x16x128xi32, #tpu.memory_space<vmem>> -> memref<1x1x64xi32, #tpu.memory_space<vmem>>
      %dma_wait3A_351 = tpu.memref_squeeze %dma_wait3A_350 : memref<1x1x64xi32, #tpu.memory_space<vmem>> -> memref<64xi32, #tpu.memory_space<vmem>>
      %dma_wait3A_352 = arith.constant 0 : i32
      %dma_wait3A_353 = arith.constant 0 : i32
      %dma_wait3A_354 = tpu.memref_slice %arg2[%dma_wait3A_352, %dma_wait3A_353] : memref<10240x128xf32, #tpu.memory_space<hbm>> -> memref<10240x128xf32, #tpu.memory_space<hbm>>
      tpu.wait_indirect_dma semaphore(%arg9 : memref<!tpu.dma_semaphore, #tpu.memory_space<semaphore_mem>>) src(%dma_wait3A_354 : memref<10240x128xf32, #tpu.memory_space<hbm>>) dst(%dma_wait3A_348 : memref<64x128xf32, #tpu.memory_space<vmem>>)
      %dma_start3A_355 = arith.constant 6 : i32
      %dma_start3A_356 = arith.constant 0 : i32
      %dma_start3A_357 = arith.constant 64 : i32
      %dma_start3A_358 = arith.constant 0 : i32
      %dma_start3A_359 = tpu.memref_slice %arg7[%dma_start3A_356, %dma_start3A_357, %dma_start3A_358] : memref<2x128x128xf32, #tpu.memory_space<vmem>> -> memref<1x64x128xf32, #tpu.memory_space<vmem>>
      %dma_start3A_360 = tpu.memref_squeeze %dma_start3A_359 : memref<1x64x128xf32, #tpu.memory_space<vmem>> -> memref<64x128xf32, #tpu.memory_space<vmem>>
      %dma_start3A_361 = arith.constant 64 : i32
      %dma_start3A_362 = tpu.memref_slice %arg5[%rem3A_59, %dma_start3A_355, %dma_start3A_361] : memref<2x16x128xi32, #tpu.memory_space<vmem>> -> memref<1x1x64xi32, #tpu.memory_space<vmem>>
      %dma_start3A_363 = tpu.memref_squeeze %dma_start3A_362 : memref<1x1x64xi32, #tpu.memory_space<vmem>> -> memref<64xi32, #tpu.memory_space<vmem>>
      %dma_start3A_364 = arith.constant 0 : i32
      %dma_start3A_365 = arith.constant 0 : i32
      %dma_start3A_366 = tpu.memref_slice %arg2[%dma_start3A_364, %dma_start3A_365] : memref<10240x128xf32, #tpu.memory_space<hbm>> -> memref<10240x128xf32, #tpu.memory_space<hbm>>
      tpu.enqueue_indirect_dma source(%dma_start3A_366 : memref<10240x128xf32, #tpu.memory_space<hbm>>) target(%dma_start3A_360 : memref<64x128xf32, #tpu.memory_space<vmem>>) offsets(%dma_start3A_363 : memref<64xi32, #tpu.memory_space<vmem>>) semaphore(%arg9 : memref<!tpu.dma_semaphore, #tpu.memory_space<semaphore_mem>>)
      %mul3A_367 = arith.constant 16 : i32
      %mul3A_368 = arith.muli %scan3A_58, %mul3A_367 : i32
      %add3A_369 = arith.constant 5 : i32
      %add3A_370 = arith.addi %mul3A_368, %add3A_369 : i32
      %run_scoped3A_371 = arith.constant 1 : i32
      "tpu.region"() ({
        %run_scoped3A_899 = tpu.sem_alloc : memref<!tpu.dma_semaphore, #tpu.memory_space<semaphore_mem>>
        %dma_start3A_900 = arith.constant 0 : i32
        %dma_start3A_901 = arith.constant 0 : i32
        %dma_start3A_902 = tpu.memref_slice %arg7[%run_scoped3A_371, %dma_start3A_900, %dma_start3A_901] : memref<2x128x128xf32, #tpu.memory_space<vmem>> -> memref<1x128x128xf32, #tpu.memory_space<vmem>>
        %dma_start3A_903 = tpu.memref_squeeze %dma_start3A_902 : memref<1x128x128xf32, #tpu.memory_space<vmem>> -> memref<128x128xf32, #tpu.memory_space<vmem>>
        %dma_start3A_904 = arith.constant 0 : i32
        %dma_start3A_905 = tpu.memref_slice %arg6[%add3A_370, %dma_start3A_904] : memref<80x128xi32, #tpu.memory_space<vmem>> -> memref<1x128xi32, #tpu.memory_space<vmem>>
        %dma_start3A_906 = tpu.memref_squeeze %dma_start3A_905 : memref<1x128xi32, #tpu.memory_space<vmem>> -> memref<128xi32, #tpu.memory_space<vmem>>
        %dma_start3A_907 = arith.constant 0 : i32
        %dma_start3A_908 = arith.constant 0 : i32
        %dma_start3A_909 = tpu.memref_slice %arg8[%dma_start3A_907, %dma_start3A_908] : memref<10240x128xf32, #tpu.memory_space<vmem_shared>> -> memref<10240x128xf32, #tpu.memory_space<vmem_shared>>
        tpu.enqueue_indirect_dma source(%dma_start3A_903 : memref<128x128xf32, #tpu.memory_space<vmem>>) target(%dma_start3A_909 : memref<10240x128xf32, #tpu.memory_space<vmem_shared>>) offsets(%dma_start3A_906 : memref<128xi32, #tpu.memory_space<vmem>>) semaphore(%run_scoped3A_899 : memref<!tpu.dma_semaphore, #tpu.memory_space<semaphore_mem>>) {add = true}
        %dma_wait3A_910 = arith.constant 0 : i32
        %dma_wait3A_911 = arith.constant 0 : i32
        %dma_wait3A_912 = tpu.memref_slice %arg7[%run_scoped3A_371, %dma_wait3A_910, %dma_wait3A_911] : memref<2x128x128xf32, #tpu.memory_space<vmem>> -> memref<1x128x128xf32, #tpu.memory_space<vmem>>
        %dma_wait3A_913 = tpu.memref_squeeze %dma_wait3A_912 : memref<1x128x128xf32, #tpu.memory_space<vmem>> -> memref<128x128xf32, #tpu.memory_space<vmem>>
        %dma_wait3A_914 = arith.constant 0 : i32
        %dma_wait3A_915 = tpu.memref_slice %arg6[%add3A_370, %dma_wait3A_914] : memref<80x128xi32, #tpu.memory_space<vmem>> -> memref<1x128xi32, #tpu.memory_space<vmem>>
        %dma_wait3A_916 = tpu.memref_squeeze %dma_wait3A_915 : memref<1x128xi32, #tpu.memory_space<vmem>> -> memref<128xi32, #tpu.memory_space<vmem>>
        %dma_wait3A_917 = arith.constant 0 : i32
        %dma_wait3A_918 = arith.constant 0 : i32
        %dma_wait3A_919 = tpu.memref_slice %arg8[%dma_wait3A_917, %dma_wait3A_918] : memref<10240x128xf32, #tpu.memory_space<vmem_shared>> -> memref<10240x128xf32, #tpu.memory_space<vmem_shared>>
        tpu.wait_indirect_dma semaphore(%run_scoped3A_899 : memref<!tpu.dma_semaphore, #tpu.memory_space<semaphore_mem>>) src(%dma_wait3A_913 : memref<128x128xf32, #tpu.memory_space<vmem>>) dst(%dma_wait3A_919 : memref<10240x128xf32, #tpu.memory_space<vmem_shared>>)
        tpu.yield
      }) : () -> ()
      %dma_start3A_372 = arith.constant 7 : i32
      %dma_start3A_373 = arith.constant 1 : i32
      %dma_start3A_374 = arith.constant 0 : i32
      %dma_start3A_375 = arith.constant 0 : i32
      %dma_start3A_376 = tpu.memref_slice %arg7[%dma_start3A_373, %dma_start3A_374, %dma_start3A_375] : memref<2x128x128xf32, #tpu.memory_space<vmem>> -> memref<1x64x128xf32, #tpu.memory_space<vmem>>
      %dma_start3A_377 = tpu.memref_squeeze %dma_start3A_376 : memref<1x64x128xf32, #tpu.memory_space<vmem>> -> memref<64x128xf32, #tpu.memory_space<vmem>>
      %dma_start3A_378 = arith.constant 0 : i32
      %dma_start3A_379 = tpu.memref_slice %arg5[%rem3A_59, %dma_start3A_372, %dma_start3A_378] : memref<2x16x128xi32, #tpu.memory_space<vmem>> -> memref<1x1x64xi32, #tpu.memory_space<vmem>>
      %dma_start3A_380 = tpu.memref_squeeze %dma_start3A_379 : memref<1x1x64xi32, #tpu.memory_space<vmem>> -> memref<64xi32, #tpu.memory_space<vmem>>
      %dma_start3A_381 = arith.constant 0 : i32
      %dma_start3A_382 = arith.constant 0 : i32
      %dma_start3A_383 = tpu.memref_slice %arg2[%dma_start3A_381, %dma_start3A_382] : memref<10240x128xf32, #tpu.memory_space<hbm>> -> memref<10240x128xf32, #tpu.memory_space<hbm>>
      tpu.enqueue_indirect_dma source(%dma_start3A_383 : memref<10240x128xf32, #tpu.memory_space<hbm>>) target(%dma_start3A_377 : memref<64x128xf32, #tpu.memory_space<vmem>>) offsets(%dma_start3A_380 : memref<64xi32, #tpu.memory_space<vmem>>) semaphore(%arg9 : memref<!tpu.dma_semaphore, #tpu.memory_space<semaphore_mem>>)
      %dma_wait3A_384 = arith.constant 6 : i32
      %dma_wait3A_385 = arith.constant 0 : i32
      %dma_wait3A_386 = arith.constant 0 : i32
      %dma_wait3A_387 = arith.constant 0 : i32
      %dma_wait3A_388 = tpu.memref_slice %arg7[%dma_wait3A_385, %dma_wait3A_386, %dma_wait3A_387] : memref<2x128x128xf32, #tpu.memory_space<vmem>> -> memref<1x64x128xf32, #tpu.memory_space<vmem>>
      %dma_wait3A_389 = tpu.memref_squeeze %dma_wait3A_388 : memref<1x64x128xf32, #tpu.memory_space<vmem>> -> memref<64x128xf32, #tpu.memory_space<vmem>>
      %dma_wait3A_390 = arith.constant 0 : i32
      %dma_wait3A_391 = tpu.memref_slice %arg5[%rem3A_59, %dma_wait3A_384, %dma_wait3A_390] : memref<2x16x128xi32, #tpu.memory_space<vmem>> -> memref<1x1x64xi32, #tpu.memory_space<vmem>>
      %dma_wait3A_392 = tpu.memref_squeeze %dma_wait3A_391 : memref<1x1x64xi32, #tpu.memory_space<vmem>> -> memref<64xi32, #tpu.memory_space<vmem>>
      %dma_wait3A_393 = arith.constant 0 : i32
      %dma_wait3A_394 = arith.constant 0 : i32
      %dma_wait3A_395 = tpu.memref_slice %arg2[%dma_wait3A_393, %dma_wait3A_394] : memref<10240x128xf32, #tpu.memory_space<hbm>> -> memref<10240x128xf32, #tpu.memory_space<hbm>>
      tpu.wait_indirect_dma semaphore(%arg9 : memref<!tpu.dma_semaphore, #tpu.memory_space<semaphore_mem>>) src(%dma_wait3A_395 : memref<10240x128xf32, #tpu.memory_space<hbm>>) dst(%dma_wait3A_389 : memref<64x128xf32, #tpu.memory_space<vmem>>)
      %dma_wait3A_396 = arith.constant 6 : i32
      %dma_wait3A_397 = arith.constant 0 : i32
      %dma_wait3A_398 = arith.constant 64 : i32
      %dma_wait3A_399 = arith.constant 0 : i32
      %dma_wait3A_400 = tpu.memref_slice %arg7[%dma_wait3A_397, %dma_wait3A_398, %dma_wait3A_399] : memref<2x128x128xf32, #tpu.memory_space<vmem>> -> memref<1x64x128xf32, #tpu.memory_space<vmem>>
      %dma_wait3A_401 = tpu.memref_squeeze %dma_wait3A_400 : memref<1x64x128xf32, #tpu.memory_space<vmem>> -> memref<64x128xf32, #tpu.memory_space<vmem>>
      %dma_wait3A_402 = arith.constant 64 : i32
      %dma_wait3A_403 = tpu.memref_slice %arg5[%rem3A_59, %dma_wait3A_396, %dma_wait3A_402] : memref<2x16x128xi32, #tpu.memory_space<vmem>> -> memref<1x1x64xi32, #tpu.memory_space<vmem>>
      %dma_wait3A_404 = tpu.memref_squeeze %dma_wait3A_403 : memref<1x1x64xi32, #tpu.memory_space<vmem>> -> memref<64xi32, #tpu.memory_space<vmem>>
      %dma_wait3A_405 = arith.constant 0 : i32
      %dma_wait3A_406 = arith.constant 0 : i32
      %dma_wait3A_407 = tpu.memref_slice %arg2[%dma_wait3A_405, %dma_wait3A_406] : memref<10240x128xf32, #tpu.memory_space<hbm>> -> memref<10240x128xf32, #tpu.memory_space<hbm>>
      tpu.wait_indirect_dma semaphore(%arg9 : memref<!tpu.dma_semaphore, #tpu.memory_space<semaphore_mem>>) src(%dma_wait3A_407 : memref<10240x128xf32, #tpu.memory_space<hbm>>) dst(%dma_wait3A_401 : memref<64x128xf32, #tpu.memory_space<vmem>>)
      %dma_start3A_408 = arith.constant 7 : i32
      %dma_start3A_409 = arith.constant 1 : i32
      %dma_start3A_410 = arith.constant 64 : i32
      %dma_start3A_411 = arith.constant 0 : i32
      %dma_start3A_412 = tpu.memref_slice %arg7[%dma_start3A_409, %dma_start3A_410, %dma_start3A_411] : memref<2x128x128xf32, #tpu.memory_space<vmem>> -> memref<1x64x128xf32, #tpu.memory_space<vmem>>
      %dma_start3A_413 = tpu.memref_squeeze %dma_start3A_412 : memref<1x64x128xf32, #tpu.memory_space<vmem>> -> memref<64x128xf32, #tpu.memory_space<vmem>>
      %dma_start3A_414 = arith.constant 64 : i32
      %dma_start3A_415 = tpu.memref_slice %arg5[%rem3A_59, %dma_start3A_408, %dma_start3A_414] : memref<2x16x128xi32, #tpu.memory_space<vmem>> -> memref<1x1x64xi32, #tpu.memory_space<vmem>>
      %dma_start3A_416 = tpu.memref_squeeze %dma_start3A_415 : memref<1x1x64xi32, #tpu.memory_space<vmem>> -> memref<64xi32, #tpu.memory_space<vmem>>
      %dma_start3A_417 = arith.constant 0 : i32
      %dma_start3A_418 = arith.constant 0 : i32
      %dma_start3A_419 = tpu.memref_slice %arg2[%dma_start3A_417, %dma_start3A_418] : memref<10240x128xf32, #tpu.memory_space<hbm>> -> memref<10240x128xf32, #tpu.memory_space<hbm>>
      tpu.enqueue_indirect_dma source(%dma_start3A_419 : memref<10240x128xf32, #tpu.memory_space<hbm>>) target(%dma_start3A_413 : memref<64x128xf32, #tpu.memory_space<vmem>>) offsets(%dma_start3A_416 : memref<64xi32, #tpu.memory_space<vmem>>) semaphore(%arg9 : memref<!tpu.dma_semaphore, #tpu.memory_space<semaphore_mem>>)
      %mul3A_420 = arith.constant 16 : i32
      %mul3A_421 = arith.muli %scan3A_58, %mul3A_420 : i32
      %add3A_422 = arith.constant 6 : i32
      %add3A_423 = arith.addi %mul3A_421, %add3A_422 : i32
      %run_scoped3A_424 = arith.constant 0 : i32
      "tpu.region"() ({
        %run_scoped3A_899 = tpu.sem_alloc : memref<!tpu.dma_semaphore, #tpu.memory_space<semaphore_mem>>
        %dma_start3A_900 = arith.constant 0 : i32
        %dma_start3A_901 = arith.constant 0 : i32
        %dma_start3A_902 = tpu.memref_slice %arg7[%run_scoped3A_424, %dma_start3A_900, %dma_start3A_901] : memref<2x128x128xf32, #tpu.memory_space<vmem>> -> memref<1x128x128xf32, #tpu.memory_space<vmem>>
        %dma_start3A_903 = tpu.memref_squeeze %dma_start3A_902 : memref<1x128x128xf32, #tpu.memory_space<vmem>> -> memref<128x128xf32, #tpu.memory_space<vmem>>
        %dma_start3A_904 = arith.constant 0 : i32
        %dma_start3A_905 = tpu.memref_slice %arg6[%add3A_423, %dma_start3A_904] : memref<80x128xi32, #tpu.memory_space<vmem>> -> memref<1x128xi32, #tpu.memory_space<vmem>>
        %dma_start3A_906 = tpu.memref_squeeze %dma_start3A_905 : memref<1x128xi32, #tpu.memory_space<vmem>> -> memref<128xi32, #tpu.memory_space<vmem>>
        %dma_start3A_907 = arith.constant 0 : i32
        %dma_start3A_908 = arith.constant 0 : i32
        %dma_start3A_909 = tpu.memref_slice %arg8[%dma_start3A_907, %dma_start3A_908] : memref<10240x128xf32, #tpu.memory_space<vmem_shared>> -> memref<10240x128xf32, #tpu.memory_space<vmem_shared>>
        tpu.enqueue_indirect_dma source(%dma_start3A_903 : memref<128x128xf32, #tpu.memory_space<vmem>>) target(%dma_start3A_909 : memref<10240x128xf32, #tpu.memory_space<vmem_shared>>) offsets(%dma_start3A_906 : memref<128xi32, #tpu.memory_space<vmem>>) semaphore(%run_scoped3A_899 : memref<!tpu.dma_semaphore, #tpu.memory_space<semaphore_mem>>) {add = true}
        %dma_wait3A_910 = arith.constant 0 : i32
        %dma_wait3A_911 = arith.constant 0 : i32
        %dma_wait3A_912 = tpu.memref_slice %arg7[%run_scoped3A_424, %dma_wait3A_910, %dma_wait3A_911] : memref<2x128x128xf32, #tpu.memory_space<vmem>> -> memref<1x128x128xf32, #tpu.memory_space<vmem>>
        %dma_wait3A_913 = tpu.memref_squeeze %dma_wait3A_912 : memref<1x128x128xf32, #tpu.memory_space<vmem>> -> memref<128x128xf32, #tpu.memory_space<vmem>>
        %dma_wait3A_914 = arith.constant 0 : i32
        %dma_wait3A_915 = tpu.memref_slice %arg6[%add3A_423, %dma_wait3A_914] : memref<80x128xi32, #tpu.memory_space<vmem>> -> memref<1x128xi32, #tpu.memory_space<vmem>>
        %dma_wait3A_916 = tpu.memref_squeeze %dma_wait3A_915 : memref<1x128xi32, #tpu.memory_space<vmem>> -> memref<128xi32, #tpu.memory_space<vmem>>
        %dma_wait3A_917 = arith.constant 0 : i32
        %dma_wait3A_918 = arith.constant 0 : i32
        %dma_wait3A_919 = tpu.memref_slice %arg8[%dma_wait3A_917, %dma_wait3A_918] : memref<10240x128xf32, #tpu.memory_space<vmem_shared>> -> memref<10240x128xf32, #tpu.memory_space<vmem_shared>>
        tpu.wait_indirect_dma semaphore(%run_scoped3A_899 : memref<!tpu.dma_semaphore, #tpu.memory_space<semaphore_mem>>) src(%dma_wait3A_913 : memref<128x128xf32, #tpu.memory_space<vmem>>) dst(%dma_wait3A_919 : memref<10240x128xf32, #tpu.memory_space<vmem_shared>>)
        tpu.yield
      }) : () -> ()
      %dma_start3A_425 = arith.constant 8 : i32
      %dma_start3A_426 = arith.constant 0 : i32
      %dma_start3A_427 = arith.constant 0 : i32
      %dma_start3A_428 = arith.constant 0 : i32
      %dma_start3A_429 = tpu.memref_slice %arg7[%dma_start3A_426, %dma_start3A_427, %dma_start3A_428] : memref<2x128x128xf32, #tpu.memory_space<vmem>> -> memref<1x64x128xf32, #tpu.memory_space<vmem>>
      %dma_start3A_430 = tpu.memref_squeeze %dma_start3A_429 : memref<1x64x128xf32, #tpu.memory_space<vmem>> -> memref<64x128xf32, #tpu.memory_space<vmem>>
      %dma_start3A_431 = arith.constant 0 : i32
      %dma_start3A_432 = tpu.memref_slice %arg5[%rem3A_59, %dma_start3A_425, %dma_start3A_431] : memref<2x16x128xi32, #tpu.memory_space<vmem>> -> memref<1x1x64xi32, #tpu.memory_space<vmem>>
      %dma_start3A_433 = tpu.memref_squeeze %dma_start3A_432 : memref<1x1x64xi32, #tpu.memory_space<vmem>> -> memref<64xi32, #tpu.memory_space<vmem>>
      %dma_start3A_434 = arith.constant 0 : i32
      %dma_start3A_435 = arith.constant 0 : i32
      %dma_start3A_436 = tpu.memref_slice %arg2[%dma_start3A_434, %dma_start3A_435] : memref<10240x128xf32, #tpu.memory_space<hbm>> -> memref<10240x128xf32, #tpu.memory_space<hbm>>
      tpu.enqueue_indirect_dma source(%dma_start3A_436 : memref<10240x128xf32, #tpu.memory_space<hbm>>) target(%dma_start3A_430 : memref<64x128xf32, #tpu.memory_space<vmem>>) offsets(%dma_start3A_433 : memref<64xi32, #tpu.memory_space<vmem>>) semaphore(%arg9 : memref<!tpu.dma_semaphore, #tpu.memory_space<semaphore_mem>>)
      %dma_wait3A_437 = arith.constant 7 : i32
      %dma_wait3A_438 = arith.constant 1 : i32
      %dma_wait3A_439 = arith.constant 0 : i32
      %dma_wait3A_440 = arith.constant 0 : i32
      %dma_wait3A_441 = tpu.memref_slice %arg7[%dma_wait3A_438, %dma_wait3A_439, %dma_wait3A_440] : memref<2x128x128xf32, #tpu.memory_space<vmem>> -> memref<1x64x128xf32, #tpu.memory_space<vmem>>
      %dma_wait3A_442 = tpu.memref_squeeze %dma_wait3A_441 : memref<1x64x128xf32, #tpu.memory_space<vmem>> -> memref<64x128xf32, #tpu.memory_space<vmem>>
      %dma_wait3A_443 = arith.constant 0 : i32
      %dma_wait3A_444 = tpu.memref_slice %arg5[%rem3A_59, %dma_wait3A_437, %dma_wait3A_443] : memref<2x16x128xi32, #tpu.memory_space<vmem>> -> memref<1x1x64xi32, #tpu.memory_space<vmem>>
      %dma_wait3A_445 = tpu.memref_squeeze %dma_wait3A_444 : memref<1x1x64xi32, #tpu.memory_space<vmem>> -> memref<64xi32, #tpu.memory_space<vmem>>
      %dma_wait3A_446 = arith.constant 0 : i32
      %dma_wait3A_447 = arith.constant 0 : i32
      %dma_wait3A_448 = tpu.memref_slice %arg2[%dma_wait3A_446, %dma_wait3A_447] : memref<10240x128xf32, #tpu.memory_space<hbm>> -> memref<10240x128xf32, #tpu.memory_space<hbm>>
      tpu.wait_indirect_dma semaphore(%arg9 : memref<!tpu.dma_semaphore, #tpu.memory_space<semaphore_mem>>) src(%dma_wait3A_448 : memref<10240x128xf32, #tpu.memory_space<hbm>>) dst(%dma_wait3A_442 : memref<64x128xf32, #tpu.memory_space<vmem>>)
      %dma_wait3A_449 = arith.constant 7 : i32
      %dma_wait3A_450 = arith.constant 1 : i32
      %dma_wait3A_451 = arith.constant 64 : i32
      %dma_wait3A_452 = arith.constant 0 : i32
      %dma_wait3A_453 = tpu.memref_slice %arg7[%dma_wait3A_450, %dma_wait3A_451, %dma_wait3A_452] : memref<2x128x128xf32, #tpu.memory_space<vmem>> -> memref<1x64x128xf32, #tpu.memory_space<vmem>>
      %dma_wait3A_454 = tpu.memref_squeeze %dma_wait3A_453 : memref<1x64x128xf32, #tpu.memory_space<vmem>> -> memref<64x128xf32, #tpu.memory_space<vmem>>
      %dma_wait3A_455 = arith.constant 64 : i32
      %dma_wait3A_456 = tpu.memref_slice %arg5[%rem3A_59, %dma_wait3A_449, %dma_wait3A_455] : memref<2x16x128xi32, #tpu.memory_space<vmem>> -> memref<1x1x64xi32, #tpu.memory_space<vmem>>
      %dma_wait3A_457 = tpu.memref_squeeze %dma_wait3A_456 : memref<1x1x64xi32, #tpu.memory_space<vmem>> -> memref<64xi32, #tpu.memory_space<vmem>>
      %dma_wait3A_458 = arith.constant 0 : i32
      %dma_wait3A_459 = arith.constant 0 : i32
      %dma_wait3A_460 = tpu.memref_slice %arg2[%dma_wait3A_458, %dma_wait3A_459] : memref<10240x128xf32, #tpu.memory_space<hbm>> -> memref<10240x128xf32, #tpu.memory_space<hbm>>
      tpu.wait_indirect_dma semaphore(%arg9 : memref<!tpu.dma_semaphore, #tpu.memory_space<semaphore_mem>>) src(%dma_wait3A_460 : memref<10240x128xf32, #tpu.memory_space<hbm>>) dst(%dma_wait3A_454 : memref<64x128xf32, #tpu.memory_space<vmem>>)
      %dma_start3A_461 = arith.constant 8 : i32
      %dma_start3A_462 = arith.constant 0 : i32
      %dma_start3A_463 = arith.constant 64 : i32
      %dma_start3A_464 = arith.constant 0 : i32
      %dma_start3A_465 = tpu.memref_slice %arg7[%dma_start3A_462, %dma_start3A_463, %dma_start3A_464] : memref<2x128x128xf32, #tpu.memory_space<vmem>> -> memref<1x64x128xf32, #tpu.memory_space<vmem>>
      %dma_start3A_466 = tpu.memref_squeeze %dma_start3A_465 : memref<1x64x128xf32, #tpu.memory_space<vmem>> -> memref<64x128xf32, #tpu.memory_space<vmem>>
      %dma_start3A_467 = arith.constant 64 : i32
      %dma_start3A_468 = tpu.memref_slice %arg5[%rem3A_59, %dma_start3A_461, %dma_start3A_467] : memref<2x16x128xi32, #tpu.memory_space<vmem>> -> memref<1x1x64xi32, #tpu.memory_space<vmem>>
      %dma_start3A_469 = tpu.memref_squeeze %dma_start3A_468 : memref<1x1x64xi32, #tpu.memory_space<vmem>> -> memref<64xi32, #tpu.memory_space<vmem>>
      %dma_start3A_470 = arith.constant 0 : i32
      %dma_start3A_471 = arith.constant 0 : i32
      %dma_start3A_472 = tpu.memref_slice %arg2[%dma_start3A_470, %dma_start3A_471] : memref<10240x128xf32, #tpu.memory_space<hbm>> -> memref<10240x128xf32, #tpu.memory_space<hbm>>
      tpu.enqueue_indirect_dma source(%dma_start3A_472 : memref<10240x128xf32, #tpu.memory_space<hbm>>) target(%dma_start3A_466 : memref<64x128xf32, #tpu.memory_space<vmem>>) offsets(%dma_start3A_469 : memref<64xi32, #tpu.memory_space<vmem>>) semaphore(%arg9 : memref<!tpu.dma_semaphore, #tpu.memory_space<semaphore_mem>>)
      %mul3A_473 = arith.constant 16 : i32
      %mul3A_474 = arith.muli %scan3A_58, %mul3A_473 : i32
      %add3A_475 = arith.constant 7 : i32
      %add3A_476 = arith.addi %mul3A_474, %add3A_475 : i32
      %run_scoped3A_477 = arith.constant 1 : i32
      "tpu.region"() ({
        %run_scoped3A_899 = tpu.sem_alloc : memref<!tpu.dma_semaphore, #tpu.memory_space<semaphore_mem>>
        %dma_start3A_900 = arith.constant 0 : i32
        %dma_start3A_901 = arith.constant 0 : i32
        %dma_start3A_902 = tpu.memref_slice %arg7[%run_scoped3A_477, %dma_start3A_900, %dma_start3A_901] : memref<2x128x128xf32, #tpu.memory_space<vmem>> -> memref<1x128x128xf32, #tpu.memory_space<vmem>>
        %dma_start3A_903 = tpu.memref_squeeze %dma_start3A_902 : memref<1x128x128xf32, #tpu.memory_space<vmem>> -> memref<128x128xf32, #tpu.memory_space<vmem>>
        %dma_start3A_904 = arith.constant 0 : i32
        %dma_start3A_905 = tpu.memref_slice %arg6[%add3A_476, %dma_start3A_904] : memref<80x128xi32, #tpu.memory_space<vmem>> -> memref<1x128xi32, #tpu.memory_space<vmem>>
        %dma_start3A_906 = tpu.memref_squeeze %dma_start3A_905 : memref<1x128xi32, #tpu.memory_space<vmem>> -> memref<128xi32, #tpu.memory_space<vmem>>
        %dma_start3A_907 = arith.constant 0 : i32
        %dma_start3A_908 = arith.constant 0 : i32
        %dma_start3A_909 = tpu.memref_slice %arg8[%dma_start3A_907, %dma_start3A_908] : memref<10240x128xf32, #tpu.memory_space<vmem_shared>> -> memref<10240x128xf32, #tpu.memory_space<vmem_shared>>
        tpu.enqueue_indirect_dma source(%dma_start3A_903 : memref<128x128xf32, #tpu.memory_space<vmem>>) target(%dma_start3A_909 : memref<10240x128xf32, #tpu.memory_space<vmem_shared>>) offsets(%dma_start3A_906 : memref<128xi32, #tpu.memory_space<vmem>>) semaphore(%run_scoped3A_899 : memref<!tpu.dma_semaphore, #tpu.memory_space<semaphore_mem>>) {add = true}
        %dma_wait3A_910 = arith.constant 0 : i32
        %dma_wait3A_911 = arith.constant 0 : i32
        %dma_wait3A_912 = tpu.memref_slice %arg7[%run_scoped3A_477, %dma_wait3A_910, %dma_wait3A_911] : memref<2x128x128xf32, #tpu.memory_space<vmem>> -> memref<1x128x128xf32, #tpu.memory_space<vmem>>
        %dma_wait3A_913 = tpu.memref_squeeze %dma_wait3A_912 : memref<1x128x128xf32, #tpu.memory_space<vmem>> -> memref<128x128xf32, #tpu.memory_space<vmem>>
        %dma_wait3A_914 = arith.constant 0 : i32
        %dma_wait3A_915 = tpu.memref_slice %arg6[%add3A_476, %dma_wait3A_914] : memref<80x128xi32, #tpu.memory_space<vmem>> -> memref<1x128xi32, #tpu.memory_space<vmem>>
        %dma_wait3A_916 = tpu.memref_squeeze %dma_wait3A_915 : memref<1x128xi32, #tpu.memory_space<vmem>> -> memref<128xi32, #tpu.memory_space<vmem>>
        %dma_wait3A_917 = arith.constant 0 : i32
        %dma_wait3A_918 = arith.constant 0 : i32
        %dma_wait3A_919 = tpu.memref_slice %arg8[%dma_wait3A_917, %dma_wait3A_918] : memref<10240x128xf32, #tpu.memory_space<vmem_shared>> -> memref<10240x128xf32, #tpu.memory_space<vmem_shared>>
        tpu.wait_indirect_dma semaphore(%run_scoped3A_899 : memref<!tpu.dma_semaphore, #tpu.memory_space<semaphore_mem>>) src(%dma_wait3A_913 : memref<128x128xf32, #tpu.memory_space<vmem>>) dst(%dma_wait3A_919 : memref<10240x128xf32, #tpu.memory_space<vmem_shared>>)
        tpu.yield
      }) : () -> ()
      %dma_start3A_478 = arith.constant 9 : i32
      %dma_start3A_479 = arith.constant 1 : i32
      %dma_start3A_480 = arith.constant 0 : i32
      %dma_start3A_481 = arith.constant 0 : i32
      %dma_start3A_482 = tpu.memref_slice %arg7[%dma_start3A_479, %dma_start3A_480, %dma_start3A_481] : memref<2x128x128xf32, #tpu.memory_space<vmem>> -> memref<1x64x128xf32, #tpu.memory_space<vmem>>
      %dma_start3A_483 = tpu.memref_squeeze %dma_start3A_482 : memref<1x64x128xf32, #tpu.memory_space<vmem>> -> memref<64x128xf32, #tpu.memory_space<vmem>>
      %dma_start3A_484 = arith.constant 0 : i32
      %dma_start3A_485 = tpu.memref_slice %arg5[%rem3A_59, %dma_start3A_478, %dma_start3A_484] : memref<2x16x128xi32, #tpu.memory_space<vmem>> -> memref<1x1x64xi32, #tpu.memory_space<vmem>>
      %dma_start3A_486 = tpu.memref_squeeze %dma_start3A_485 : memref<1x1x64xi32, #tpu.memory_space<vmem>> -> memref<64xi32, #tpu.memory_space<vmem>>
      %dma_start3A_487 = arith.constant 0 : i32
      %dma_start3A_488 = arith.constant 0 : i32
      %dma_start3A_489 = tpu.memref_slice %arg2[%dma_start3A_487, %dma_start3A_488] : memref<10240x128xf32, #tpu.memory_space<hbm>> -> memref<10240x128xf32, #tpu.memory_space<hbm>>
      tpu.enqueue_indirect_dma source(%dma_start3A_489 : memref<10240x128xf32, #tpu.memory_space<hbm>>) target(%dma_start3A_483 : memref<64x128xf32, #tpu.memory_space<vmem>>) offsets(%dma_start3A_486 : memref<64xi32, #tpu.memory_space<vmem>>) semaphore(%arg9 : memref<!tpu.dma_semaphore, #tpu.memory_space<semaphore_mem>>)
      %dma_wait3A_490 = arith.constant 8 : i32
      %dma_wait3A_491 = arith.constant 0 : i32
      %dma_wait3A_492 = arith.constant 0 : i32
      %dma_wait3A_493 = arith.constant 0 : i32
      %dma_wait3A_494 = tpu.memref_slice %arg7[%dma_wait3A_491, %dma_wait3A_492, %dma_wait3A_493] : memref<2x128x128xf32, #tpu.memory_space<vmem>> -> memref<1x64x128xf32, #tpu.memory_space<vmem>>
      %dma_wait3A_495 = tpu.memref_squeeze %dma_wait3A_494 : memref<1x64x128xf32, #tpu.memory_space<vmem>> -> memref<64x128xf32, #tpu.memory_space<vmem>>
      %dma_wait3A_496 = arith.constant 0 : i32
      %dma_wait3A_497 = tpu.memref_slice %arg5[%rem3A_59, %dma_wait3A_490, %dma_wait3A_496] : memref<2x16x128xi32, #tpu.memory_space<vmem>> -> memref<1x1x64xi32, #tpu.memory_space<vmem>>
      %dma_wait3A_498 = tpu.memref_squeeze %dma_wait3A_497 : memref<1x1x64xi32, #tpu.memory_space<vmem>> -> memref<64xi32, #tpu.memory_space<vmem>>
      %dma_wait3A_499 = arith.constant 0 : i32
      %dma_wait3A_500 = arith.constant 0 : i32
      %dma_wait3A_501 = tpu.memref_slice %arg2[%dma_wait3A_499, %dma_wait3A_500] : memref<10240x128xf32, #tpu.memory_space<hbm>> -> memref<10240x128xf32, #tpu.memory_space<hbm>>
      tpu.wait_indirect_dma semaphore(%arg9 : memref<!tpu.dma_semaphore, #tpu.memory_space<semaphore_mem>>) src(%dma_wait3A_501 : memref<10240x128xf32, #tpu.memory_space<hbm>>) dst(%dma_wait3A_495 : memref<64x128xf32, #tpu.memory_space<vmem>>)
      %dma_wait3A_502 = arith.constant 8 : i32
      %dma_wait3A_503 = arith.constant 0 : i32
      %dma_wait3A_504 = arith.constant 64 : i32
      %dma_wait3A_505 = arith.constant 0 : i32
      %dma_wait3A_506 = tpu.memref_slice %arg7[%dma_wait3A_503, %dma_wait3A_504, %dma_wait3A_505] : memref<2x128x128xf32, #tpu.memory_space<vmem>> -> memref<1x64x128xf32, #tpu.memory_space<vmem>>
      %dma_wait3A_507 = tpu.memref_squeeze %dma_wait3A_506 : memref<1x64x128xf32, #tpu.memory_space<vmem>> -> memref<64x128xf32, #tpu.memory_space<vmem>>
      %dma_wait3A_508 = arith.constant 64 : i32
      %dma_wait3A_509 = tpu.memref_slice %arg5[%rem3A_59, %dma_wait3A_502, %dma_wait3A_508] : memref<2x16x128xi32, #tpu.memory_space<vmem>> -> memref<1x1x64xi32, #tpu.memory_space<vmem>>
      %dma_wait3A_510 = tpu.memref_squeeze %dma_wait3A_509 : memref<1x1x64xi32, #tpu.memory_space<vmem>> -> memref<64xi32, #tpu.memory_space<vmem>>
      %dma_wait3A_511 = arith.constant 0 : i32
      %dma_wait3A_512 = arith.constant 0 : i32
      %dma_wait3A_513 = tpu.memref_slice %arg2[%dma_wait3A_511, %dma_wait3A_512] : memref<10240x128xf32, #tpu.memory_space<hbm>> -> memref<10240x128xf32, #tpu.memory_space<hbm>>
      tpu.wait_indirect_dma semaphore(%arg9 : memref<!tpu.dma_semaphore, #tpu.memory_space<semaphore_mem>>) src(%dma_wait3A_513 : memref<10240x128xf32, #tpu.memory_space<hbm>>) dst(%dma_wait3A_507 : memref<64x128xf32, #tpu.memory_space<vmem>>)
      %dma_start3A_514 = arith.constant 9 : i32
      %dma_start3A_515 = arith.constant 1 : i32
      %dma_start3A_516 = arith.constant 64 : i32
      %dma_start3A_517 = arith.constant 0 : i32
      %dma_start3A_518 = tpu.memref_slice %arg7[%dma_start3A_515, %dma_start3A_516, %dma_start3A_517] : memref<2x128x128xf32, #tpu.memory_space<vmem>> -> memref<1x64x128xf32, #tpu.memory_space<vmem>>
      %dma_start3A_519 = tpu.memref_squeeze %dma_start3A_518 : memref<1x64x128xf32, #tpu.memory_space<vmem>> -> memref<64x128xf32, #tpu.memory_space<vmem>>
      %dma_start3A_520 = arith.constant 64 : i32
      %dma_start3A_521 = tpu.memref_slice %arg5[%rem3A_59, %dma_start3A_514, %dma_start3A_520] : memref<2x16x128xi32, #tpu.memory_space<vmem>> -> memref<1x1x64xi32, #tpu.memory_space<vmem>>
      %dma_start3A_522 = tpu.memref_squeeze %dma_start3A_521 : memref<1x1x64xi32, #tpu.memory_space<vmem>> -> memref<64xi32, #tpu.memory_space<vmem>>
      %dma_start3A_523 = arith.constant 0 : i32
      %dma_start3A_524 = arith.constant 0 : i32
      %dma_start3A_525 = tpu.memref_slice %arg2[%dma_start3A_523, %dma_start3A_524] : memref<10240x128xf32, #tpu.memory_space<hbm>> -> memref<10240x128xf32, #tpu.memory_space<hbm>>
      tpu.enqueue_indirect_dma source(%dma_start3A_525 : memref<10240x128xf32, #tpu.memory_space<hbm>>) target(%dma_start3A_519 : memref<64x128xf32, #tpu.memory_space<vmem>>) offsets(%dma_start3A_522 : memref<64xi32, #tpu.memory_space<vmem>>) semaphore(%arg9 : memref<!tpu.dma_semaphore, #tpu.memory_space<semaphore_mem>>)
      %mul3A_526 = arith.constant 16 : i32
      %mul3A_527 = arith.muli %scan3A_58, %mul3A_526 : i32
      %add3A_528 = arith.constant 8 : i32
      %add3A_529 = arith.addi %mul3A_527, %add3A_528 : i32
      %run_scoped3A_530 = arith.constant 0 : i32
      "tpu.region"() ({
        %run_scoped3A_899 = tpu.sem_alloc : memref<!tpu.dma_semaphore, #tpu.memory_space<semaphore_mem>>
        %dma_start3A_900 = arith.constant 0 : i32
        %dma_start3A_901 = arith.constant 0 : i32
        %dma_start3A_902 = tpu.memref_slice %arg7[%run_scoped3A_530, %dma_start3A_900, %dma_start3A_901] : memref<2x128x128xf32, #tpu.memory_space<vmem>> -> memref<1x128x128xf32, #tpu.memory_space<vmem>>
        %dma_start3A_903 = tpu.memref_squeeze %dma_start3A_902 : memref<1x128x128xf32, #tpu.memory_space<vmem>> -> memref<128x128xf32, #tpu.memory_space<vmem>>
        %dma_start3A_904 = arith.constant 0 : i32
        %dma_start3A_905 = tpu.memref_slice %arg6[%add3A_529, %dma_start3A_904] : memref<80x128xi32, #tpu.memory_space<vmem>> -> memref<1x128xi32, #tpu.memory_space<vmem>>
        %dma_start3A_906 = tpu.memref_squeeze %dma_start3A_905 : memref<1x128xi32, #tpu.memory_space<vmem>> -> memref<128xi32, #tpu.memory_space<vmem>>
        %dma_start3A_907 = arith.constant 0 : i32
        %dma_start3A_908 = arith.constant 0 : i32
        %dma_start3A_909 = tpu.memref_slice %arg8[%dma_start3A_907, %dma_start3A_908] : memref<10240x128xf32, #tpu.memory_space<vmem_shared>> -> memref<10240x128xf32, #tpu.memory_space<vmem_shared>>
        tpu.enqueue_indirect_dma source(%dma_start3A_903 : memref<128x128xf32, #tpu.memory_space<vmem>>) target(%dma_start3A_909 : memref<10240x128xf32, #tpu.memory_space<vmem_shared>>) offsets(%dma_start3A_906 : memref<128xi32, #tpu.memory_space<vmem>>) semaphore(%run_scoped3A_899 : memref<!tpu.dma_semaphore, #tpu.memory_space<semaphore_mem>>) {add = true}
        %dma_wait3A_910 = arith.constant 0 : i32
        %dma_wait3A_911 = arith.constant 0 : i32
        %dma_wait3A_912 = tpu.memref_slice %arg7[%run_scoped3A_530, %dma_wait3A_910, %dma_wait3A_911] : memref<2x128x128xf32, #tpu.memory_space<vmem>> -> memref<1x128x128xf32, #tpu.memory_space<vmem>>
        %dma_wait3A_913 = tpu.memref_squeeze %dma_wait3A_912 : memref<1x128x128xf32, #tpu.memory_space<vmem>> -> memref<128x128xf32, #tpu.memory_space<vmem>>
        %dma_wait3A_914 = arith.constant 0 : i32
        %dma_wait3A_915 = tpu.memref_slice %arg6[%add3A_529, %dma_wait3A_914] : memref<80x128xi32, #tpu.memory_space<vmem>> -> memref<1x128xi32, #tpu.memory_space<vmem>>
        %dma_wait3A_916 = tpu.memref_squeeze %dma_wait3A_915 : memref<1x128xi32, #tpu.memory_space<vmem>> -> memref<128xi32, #tpu.memory_space<vmem>>
        %dma_wait3A_917 = arith.constant 0 : i32
        %dma_wait3A_918 = arith.constant 0 : i32
        %dma_wait3A_919 = tpu.memref_slice %arg8[%dma_wait3A_917, %dma_wait3A_918] : memref<10240x128xf32, #tpu.memory_space<vmem_shared>> -> memref<10240x128xf32, #tpu.memory_space<vmem_shared>>
        tpu.wait_indirect_dma semaphore(%run_scoped3A_899 : memref<!tpu.dma_semaphore, #tpu.memory_space<semaphore_mem>>) src(%dma_wait3A_913 : memref<128x128xf32, #tpu.memory_space<vmem>>) dst(%dma_wait3A_919 : memref<10240x128xf32, #tpu.memory_space<vmem_shared>>)
        tpu.yield
      }) : () -> ()
      %dma_start3A_531 = arith.constant 10 : i32
      %dma_start3A_532 = arith.constant 0 : i32
      %dma_start3A_533 = arith.constant 0 : i32
      %dma_start3A_534 = arith.constant 0 : i32
      %dma_start3A_535 = tpu.memref_slice %arg7[%dma_start3A_532, %dma_start3A_533, %dma_start3A_534] : memref<2x128x128xf32, #tpu.memory_space<vmem>> -> memref<1x64x128xf32, #tpu.memory_space<vmem>>
      %dma_start3A_536 = tpu.memref_squeeze %dma_start3A_535 : memref<1x64x128xf32, #tpu.memory_space<vmem>> -> memref<64x128xf32, #tpu.memory_space<vmem>>
      %dma_start3A_537 = arith.constant 0 : i32
      %dma_start3A_538 = tpu.memref_slice %arg5[%rem3A_59, %dma_start3A_531, %dma_start3A_537] : memref<2x16x128xi32, #tpu.memory_space<vmem>> -> memref<1x1x64xi32, #tpu.memory_space<vmem>>
      %dma_start3A_539 = tpu.memref_squeeze %dma_start3A_538 : memref<1x1x64xi32, #tpu.memory_space<vmem>> -> memref<64xi32, #tpu.memory_space<vmem>>
      %dma_start3A_540 = arith.constant 0 : i32
      %dma_start3A_541 = arith.constant 0 : i32
      %dma_start3A_542 = tpu.memref_slice %arg2[%dma_start3A_540, %dma_start3A_541] : memref<10240x128xf32, #tpu.memory_space<hbm>> -> memref<10240x128xf32, #tpu.memory_space<hbm>>
      tpu.enqueue_indirect_dma source(%dma_start3A_542 : memref<10240x128xf32, #tpu.memory_space<hbm>>) target(%dma_start3A_536 : memref<64x128xf32, #tpu.memory_space<vmem>>) offsets(%dma_start3A_539 : memref<64xi32, #tpu.memory_space<vmem>>) semaphore(%arg9 : memref<!tpu.dma_semaphore, #tpu.memory_space<semaphore_mem>>)
      %dma_wait3A_543 = arith.constant 9 : i32
      %dma_wait3A_544 = arith.constant 1 : i32
      %dma_wait3A_545 = arith.constant 0 : i32
      %dma_wait3A_546 = arith.constant 0 : i32
      %dma_wait3A_547 = tpu.memref_slice %arg7[%dma_wait3A_544, %dma_wait3A_545, %dma_wait3A_546] : memref<2x128x128xf32, #tpu.memory_space<vmem>> -> memref<1x64x128xf32, #tpu.memory_space<vmem>>
      %dma_wait3A_548 = tpu.memref_squeeze %dma_wait3A_547 : memref<1x64x128xf32, #tpu.memory_space<vmem>> -> memref<64x128xf32, #tpu.memory_space<vmem>>
      %dma_wait3A_549 = arith.constant 0 : i32
      %dma_wait3A_550 = tpu.memref_slice %arg5[%rem3A_59, %dma_wait3A_543, %dma_wait3A_549] : memref<2x16x128xi32, #tpu.memory_space<vmem>> -> memref<1x1x64xi32, #tpu.memory_space<vmem>>
      %dma_wait3A_551 = tpu.memref_squeeze %dma_wait3A_550 : memref<1x1x64xi32, #tpu.memory_space<vmem>> -> memref<64xi32, #tpu.memory_space<vmem>>
      %dma_wait3A_552 = arith.constant 0 : i32
      %dma_wait3A_553 = arith.constant 0 : i32
      %dma_wait3A_554 = tpu.memref_slice %arg2[%dma_wait3A_552, %dma_wait3A_553] : memref<10240x128xf32, #tpu.memory_space<hbm>> -> memref<10240x128xf32, #tpu.memory_space<hbm>>
      tpu.wait_indirect_dma semaphore(%arg9 : memref<!tpu.dma_semaphore, #tpu.memory_space<semaphore_mem>>) src(%dma_wait3A_554 : memref<10240x128xf32, #tpu.memory_space<hbm>>) dst(%dma_wait3A_548 : memref<64x128xf32, #tpu.memory_space<vmem>>)
      %dma_wait3A_555 = arith.constant 9 : i32
      %dma_wait3A_556 = arith.constant 1 : i32
      %dma_wait3A_557 = arith.constant 64 : i32
      %dma_wait3A_558 = arith.constant 0 : i32
      %dma_wait3A_559 = tpu.memref_slice %arg7[%dma_wait3A_556, %dma_wait3A_557, %dma_wait3A_558] : memref<2x128x128xf32, #tpu.memory_space<vmem>> -> memref<1x64x128xf32, #tpu.memory_space<vmem>>
      %dma_wait3A_560 = tpu.memref_squeeze %dma_wait3A_559 : memref<1x64x128xf32, #tpu.memory_space<vmem>> -> memref<64x128xf32, #tpu.memory_space<vmem>>
      %dma_wait3A_561 = arith.constant 64 : i32
      %dma_wait3A_562 = tpu.memref_slice %arg5[%rem3A_59, %dma_wait3A_555, %dma_wait3A_561] : memref<2x16x128xi32, #tpu.memory_space<vmem>> -> memref<1x1x64xi32, #tpu.memory_space<vmem>>
      %dma_wait3A_563 = tpu.memref_squeeze %dma_wait3A_562 : memref<1x1x64xi32, #tpu.memory_space<vmem>> -> memref<64xi32, #tpu.memory_space<vmem>>
      %dma_wait3A_564 = arith.constant 0 : i32
      %dma_wait3A_565 = arith.constant 0 : i32
      %dma_wait3A_566 = tpu.memref_slice %arg2[%dma_wait3A_564, %dma_wait3A_565] : memref<10240x128xf32, #tpu.memory_space<hbm>> -> memref<10240x128xf32, #tpu.memory_space<hbm>>
      tpu.wait_indirect_dma semaphore(%arg9 : memref<!tpu.dma_semaphore, #tpu.memory_space<semaphore_mem>>) src(%dma_wait3A_566 : memref<10240x128xf32, #tpu.memory_space<hbm>>) dst(%dma_wait3A_560 : memref<64x128xf32, #tpu.memory_space<vmem>>)
      %dma_start3A_567 = arith.constant 10 : i32
      %dma_start3A_568 = arith.constant 0 : i32
      %dma_start3A_569 = arith.constant 64 : i32
      %dma_start3A_570 = arith.constant 0 : i32
      %dma_start3A_571 = tpu.memref_slice %arg7[%dma_start3A_568, %dma_start3A_569, %dma_start3A_570] : memref<2x128x128xf32, #tpu.memory_space<vmem>> -> memref<1x64x128xf32, #tpu.memory_space<vmem>>
      %dma_start3A_572 = tpu.memref_squeeze %dma_start3A_571 : memref<1x64x128xf32, #tpu.memory_space<vmem>> -> memref<64x128xf32, #tpu.memory_space<vmem>>
      %dma_start3A_573 = arith.constant 64 : i32
      %dma_start3A_574 = tpu.memref_slice %arg5[%rem3A_59, %dma_start3A_567, %dma_start3A_573] : memref<2x16x128xi32, #tpu.memory_space<vmem>> -> memref<1x1x64xi32, #tpu.memory_space<vmem>>
      %dma_start3A_575 = tpu.memref_squeeze %dma_start3A_574 : memref<1x1x64xi32, #tpu.memory_space<vmem>> -> memref<64xi32, #tpu.memory_space<vmem>>
      %dma_start3A_576 = arith.constant 0 : i32
      %dma_start3A_577 = arith.constant 0 : i32
      %dma_start3A_578 = tpu.memref_slice %arg2[%dma_start3A_576, %dma_start3A_577] : memref<10240x128xf32, #tpu.memory_space<hbm>> -> memref<10240x128xf32, #tpu.memory_space<hbm>>
      tpu.enqueue_indirect_dma source(%dma_start3A_578 : memref<10240x128xf32, #tpu.memory_space<hbm>>) target(%dma_start3A_572 : memref<64x128xf32, #tpu.memory_space<vmem>>) offsets(%dma_start3A_575 : memref<64xi32, #tpu.memory_space<vmem>>) semaphore(%arg9 : memref<!tpu.dma_semaphore, #tpu.memory_space<semaphore_mem>>)
      %mul3A_579 = arith.constant 16 : i32
      %mul3A_580 = arith.muli %scan3A_58, %mul3A_579 : i32
      %add3A_581 = arith.constant 9 : i32
      %add3A_582 = arith.addi %mul3A_580, %add3A_581 : i32
      %run_scoped3A_583 = arith.constant 1 : i32
      "tpu.region"() ({
        %run_scoped3A_899 = tpu.sem_alloc : memref<!tpu.dma_semaphore, #tpu.memory_space<semaphore_mem>>
        %dma_start3A_900 = arith.constant 0 : i32
        %dma_start3A_901 = arith.constant 0 : i32
        %dma_start3A_902 = tpu.memref_slice %arg7[%run_scoped3A_583, %dma_start3A_900, %dma_start3A_901] : memref<2x128x128xf32, #tpu.memory_space<vmem>> -> memref<1x128x128xf32, #tpu.memory_space<vmem>>
        %dma_start3A_903 = tpu.memref_squeeze %dma_start3A_902 : memref<1x128x128xf32, #tpu.memory_space<vmem>> -> memref<128x128xf32, #tpu.memory_space<vmem>>
        %dma_start3A_904 = arith.constant 0 : i32
        %dma_start3A_905 = tpu.memref_slice %arg6[%add3A_582, %dma_start3A_904] : memref<80x128xi32, #tpu.memory_space<vmem>> -> memref<1x128xi32, #tpu.memory_space<vmem>>
        %dma_start3A_906 = tpu.memref_squeeze %dma_start3A_905 : memref<1x128xi32, #tpu.memory_space<vmem>> -> memref<128xi32, #tpu.memory_space<vmem>>
        %dma_start3A_907 = arith.constant 0 : i32
        %dma_start3A_908 = arith.constant 0 : i32
        %dma_start3A_909 = tpu.memref_slice %arg8[%dma_start3A_907, %dma_start3A_908] : memref<10240x128xf32, #tpu.memory_space<vmem_shared>> -> memref<10240x128xf32, #tpu.memory_space<vmem_shared>>
        tpu.enqueue_indirect_dma source(%dma_start3A_903 : memref<128x128xf32, #tpu.memory_space<vmem>>) target(%dma_start3A_909 : memref<10240x128xf32, #tpu.memory_space<vmem_shared>>) offsets(%dma_start3A_906 : memref<128xi32, #tpu.memory_space<vmem>>) semaphore(%run_scoped3A_899 : memref<!tpu.dma_semaphore, #tpu.memory_space<semaphore_mem>>) {add = true}
        %dma_wait3A_910 = arith.constant 0 : i32
        %dma_wait3A_911 = arith.constant 0 : i32
        %dma_wait3A_912 = tpu.memref_slice %arg7[%run_scoped3A_583, %dma_wait3A_910, %dma_wait3A_911] : memref<2x128x128xf32, #tpu.memory_space<vmem>> -> memref<1x128x128xf32, #tpu.memory_space<vmem>>
        %dma_wait3A_913 = tpu.memref_squeeze %dma_wait3A_912 : memref<1x128x128xf32, #tpu.memory_space<vmem>> -> memref<128x128xf32, #tpu.memory_space<vmem>>
        %dma_wait3A_914 = arith.constant 0 : i32
        %dma_wait3A_915 = tpu.memref_slice %arg6[%add3A_582, %dma_wait3A_914] : memref<80x128xi32, #tpu.memory_space<vmem>> -> memref<1x128xi32, #tpu.memory_space<vmem>>
        %dma_wait3A_916 = tpu.memref_squeeze %dma_wait3A_915 : memref<1x128xi32, #tpu.memory_space<vmem>> -> memref<128xi32, #tpu.memory_space<vmem>>
        %dma_wait3A_917 = arith.constant 0 : i32
        %dma_wait3A_918 = arith.constant 0 : i32
        %dma_wait3A_919 = tpu.memref_slice %arg8[%dma_wait3A_917, %dma_wait3A_918] : memref<10240x128xf32, #tpu.memory_space<vmem_shared>> -> memref<10240x128xf32, #tpu.memory_space<vmem_shared>>
        tpu.wait_indirect_dma semaphore(%run_scoped3A_899 : memref<!tpu.dma_semaphore, #tpu.memory_space<semaphore_mem>>) src(%dma_wait3A_913 : memref<128x128xf32, #tpu.memory_space<vmem>>) dst(%dma_wait3A_919 : memref<10240x128xf32, #tpu.memory_space<vmem_shared>>)
        tpu.yield
      }) : () -> ()
      %dma_start3A_584 = arith.constant 11 : i32
      %dma_start3A_585 = arith.constant 1 : i32
      %dma_start3A_586 = arith.constant 0 : i32
      %dma_start3A_587 = arith.constant 0 : i32
      %dma_start3A_588 = tpu.memref_slice %arg7[%dma_start3A_585, %dma_start3A_586, %dma_start3A_587] : memref<2x128x128xf32, #tpu.memory_space<vmem>> -> memref<1x64x128xf32, #tpu.memory_space<vmem>>
      %dma_start3A_589 = tpu.memref_squeeze %dma_start3A_588 : memref<1x64x128xf32, #tpu.memory_space<vmem>> -> memref<64x128xf32, #tpu.memory_space<vmem>>
      %dma_start3A_590 = arith.constant 0 : i32
      %dma_start3A_591 = tpu.memref_slice %arg5[%rem3A_59, %dma_start3A_584, %dma_start3A_590] : memref<2x16x128xi32, #tpu.memory_space<vmem>> -> memref<1x1x64xi32, #tpu.memory_space<vmem>>
      %dma_start3A_592 = tpu.memref_squeeze %dma_start3A_591 : memref<1x1x64xi32, #tpu.memory_space<vmem>> -> memref<64xi32, #tpu.memory_space<vmem>>
      %dma_start3A_593 = arith.constant 0 : i32
      %dma_start3A_594 = arith.constant 0 : i32
      %dma_start3A_595 = tpu.memref_slice %arg2[%dma_start3A_593, %dma_start3A_594] : memref<10240x128xf32, #tpu.memory_space<hbm>> -> memref<10240x128xf32, #tpu.memory_space<hbm>>
      tpu.enqueue_indirect_dma source(%dma_start3A_595 : memref<10240x128xf32, #tpu.memory_space<hbm>>) target(%dma_start3A_589 : memref<64x128xf32, #tpu.memory_space<vmem>>) offsets(%dma_start3A_592 : memref<64xi32, #tpu.memory_space<vmem>>) semaphore(%arg9 : memref<!tpu.dma_semaphore, #tpu.memory_space<semaphore_mem>>)
      %dma_wait3A_596 = arith.constant 10 : i32
      %dma_wait3A_597 = arith.constant 0 : i32
      %dma_wait3A_598 = arith.constant 0 : i32
      %dma_wait3A_599 = arith.constant 0 : i32
      %dma_wait3A_600 = tpu.memref_slice %arg7[%dma_wait3A_597, %dma_wait3A_598, %dma_wait3A_599] : memref<2x128x128xf32, #tpu.memory_space<vmem>> -> memref<1x64x128xf32, #tpu.memory_space<vmem>>
      %dma_wait3A_601 = tpu.memref_squeeze %dma_wait3A_600 : memref<1x64x128xf32, #tpu.memory_space<vmem>> -> memref<64x128xf32, #tpu.memory_space<vmem>>
      %dma_wait3A_602 = arith.constant 0 : i32
      %dma_wait3A_603 = tpu.memref_slice %arg5[%rem3A_59, %dma_wait3A_596, %dma_wait3A_602] : memref<2x16x128xi32, #tpu.memory_space<vmem>> -> memref<1x1x64xi32, #tpu.memory_space<vmem>>
      %dma_wait3A_604 = tpu.memref_squeeze %dma_wait3A_603 : memref<1x1x64xi32, #tpu.memory_space<vmem>> -> memref<64xi32, #tpu.memory_space<vmem>>
      %dma_wait3A_605 = arith.constant 0 : i32
      %dma_wait3A_606 = arith.constant 0 : i32
      %dma_wait3A_607 = tpu.memref_slice %arg2[%dma_wait3A_605, %dma_wait3A_606] : memref<10240x128xf32, #tpu.memory_space<hbm>> -> memref<10240x128xf32, #tpu.memory_space<hbm>>
      tpu.wait_indirect_dma semaphore(%arg9 : memref<!tpu.dma_semaphore, #tpu.memory_space<semaphore_mem>>) src(%dma_wait3A_607 : memref<10240x128xf32, #tpu.memory_space<hbm>>) dst(%dma_wait3A_601 : memref<64x128xf32, #tpu.memory_space<vmem>>)
      %dma_wait3A_608 = arith.constant 10 : i32
      %dma_wait3A_609 = arith.constant 0 : i32
      %dma_wait3A_610 = arith.constant 64 : i32
      %dma_wait3A_611 = arith.constant 0 : i32
      %dma_wait3A_612 = tpu.memref_slice %arg7[%dma_wait3A_609, %dma_wait3A_610, %dma_wait3A_611] : memref<2x128x128xf32, #tpu.memory_space<vmem>> -> memref<1x64x128xf32, #tpu.memory_space<vmem>>
      %dma_wait3A_613 = tpu.memref_squeeze %dma_wait3A_612 : memref<1x64x128xf32, #tpu.memory_space<vmem>> -> memref<64x128xf32, #tpu.memory_space<vmem>>
      %dma_wait3A_614 = arith.constant 64 : i32
      %dma_wait3A_615 = tpu.memref_slice %arg5[%rem3A_59, %dma_wait3A_608, %dma_wait3A_614] : memref<2x16x128xi32, #tpu.memory_space<vmem>> -> memref<1x1x64xi32, #tpu.memory_space<vmem>>
      %dma_wait3A_616 = tpu.memref_squeeze %dma_wait3A_615 : memref<1x1x64xi32, #tpu.memory_space<vmem>> -> memref<64xi32, #tpu.memory_space<vmem>>
      %dma_wait3A_617 = arith.constant 0 : i32
      %dma_wait3A_618 = arith.constant 0 : i32
      %dma_wait3A_619 = tpu.memref_slice %arg2[%dma_wait3A_617, %dma_wait3A_618] : memref<10240x128xf32, #tpu.memory_space<hbm>> -> memref<10240x128xf32, #tpu.memory_space<hbm>>
      tpu.wait_indirect_dma semaphore(%arg9 : memref<!tpu.dma_semaphore, #tpu.memory_space<semaphore_mem>>) src(%dma_wait3A_619 : memref<10240x128xf32, #tpu.memory_space<hbm>>) dst(%dma_wait3A_613 : memref<64x128xf32, #tpu.memory_space<vmem>>)
      %dma_start3A_620 = arith.constant 11 : i32
      %dma_start3A_621 = arith.constant 1 : i32
      %dma_start3A_622 = arith.constant 64 : i32
      %dma_start3A_623 = arith.constant 0 : i32
      %dma_start3A_624 = tpu.memref_slice %arg7[%dma_start3A_621, %dma_start3A_622, %dma_start3A_623] : memref<2x128x128xf32, #tpu.memory_space<vmem>> -> memref<1x64x128xf32, #tpu.memory_space<vmem>>
      %dma_start3A_625 = tpu.memref_squeeze %dma_start3A_624 : memref<1x64x128xf32, #tpu.memory_space<vmem>> -> memref<64x128xf32, #tpu.memory_space<vmem>>
      %dma_start3A_626 = arith.constant 64 : i32
      %dma_start3A_627 = tpu.memref_slice %arg5[%rem3A_59, %dma_start3A_620, %dma_start3A_626] : memref<2x16x128xi32, #tpu.memory_space<vmem>> -> memref<1x1x64xi32, #tpu.memory_space<vmem>>
      %dma_start3A_628 = tpu.memref_squeeze %dma_start3A_627 : memref<1x1x64xi32, #tpu.memory_space<vmem>> -> memref<64xi32, #tpu.memory_space<vmem>>
      %dma_start3A_629 = arith.constant 0 : i32
      %dma_start3A_630 = arith.constant 0 : i32
      %dma_start3A_631 = tpu.memref_slice %arg2[%dma_start3A_629, %dma_start3A_630] : memref<10240x128xf32, #tpu.memory_space<hbm>> -> memref<10240x128xf32, #tpu.memory_space<hbm>>
      tpu.enqueue_indirect_dma source(%dma_start3A_631 : memref<10240x128xf32, #tpu.memory_space<hbm>>) target(%dma_start3A_625 : memref<64x128xf32, #tpu.memory_space<vmem>>) offsets(%dma_start3A_628 : memref<64xi32, #tpu.memory_space<vmem>>) semaphore(%arg9 : memref<!tpu.dma_semaphore, #tpu.memory_space<semaphore_mem>>)
      %mul3A_632 = arith.constant 16 : i32
      %mul3A_633 = arith.muli %scan3A_58, %mul3A_632 : i32
      %add3A_634 = arith.constant 10 : i32
      %add3A_635 = arith.addi %mul3A_633, %add3A_634 : i32
      %run_scoped3A_636 = arith.constant 0 : i32
      "tpu.region"() ({
        %run_scoped3A_899 = tpu.sem_alloc : memref<!tpu.dma_semaphore, #tpu.memory_space<semaphore_mem>>
        %dma_start3A_900 = arith.constant 0 : i32
        %dma_start3A_901 = arith.constant 0 : i32
        %dma_start3A_902 = tpu.memref_slice %arg7[%run_scoped3A_636, %dma_start3A_900, %dma_start3A_901] : memref<2x128x128xf32, #tpu.memory_space<vmem>> -> memref<1x128x128xf32, #tpu.memory_space<vmem>>
        %dma_start3A_903 = tpu.memref_squeeze %dma_start3A_902 : memref<1x128x128xf32, #tpu.memory_space<vmem>> -> memref<128x128xf32, #tpu.memory_space<vmem>>
        %dma_start3A_904 = arith.constant 0 : i32
        %dma_start3A_905 = tpu.memref_slice %arg6[%add3A_635, %dma_start3A_904] : memref<80x128xi32, #tpu.memory_space<vmem>> -> memref<1x128xi32, #tpu.memory_space<vmem>>
        %dma_start3A_906 = tpu.memref_squeeze %dma_start3A_905 : memref<1x128xi32, #tpu.memory_space<vmem>> -> memref<128xi32, #tpu.memory_space<vmem>>
        %dma_start3A_907 = arith.constant 0 : i32
        %dma_start3A_908 = arith.constant 0 : i32
        %dma_start3A_909 = tpu.memref_slice %arg8[%dma_start3A_907, %dma_start3A_908] : memref<10240x128xf32, #tpu.memory_space<vmem_shared>> -> memref<10240x128xf32, #tpu.memory_space<vmem_shared>>
        tpu.enqueue_indirect_dma source(%dma_start3A_903 : memref<128x128xf32, #tpu.memory_space<vmem>>) target(%dma_start3A_909 : memref<10240x128xf32, #tpu.memory_space<vmem_shared>>) offsets(%dma_start3A_906 : memref<128xi32, #tpu.memory_space<vmem>>) semaphore(%run_scoped3A_899 : memref<!tpu.dma_semaphore, #tpu.memory_space<semaphore_mem>>) {add = true}
        %dma_wait3A_910 = arith.constant 0 : i32
        %dma_wait3A_911 = arith.constant 0 : i32
        %dma_wait3A_912 = tpu.memref_slice %arg7[%run_scoped3A_636, %dma_wait3A_910, %dma_wait3A_911] : memref<2x128x128xf32, #tpu.memory_space<vmem>> -> memref<1x128x128xf32, #tpu.memory_space<vmem>>
        %dma_wait3A_913 = tpu.memref_squeeze %dma_wait3A_912 : memref<1x128x128xf32, #tpu.memory_space<vmem>> -> memref<128x128xf32, #tpu.memory_space<vmem>>
        %dma_wait3A_914 = arith.constant 0 : i32
        %dma_wait3A_915 = tpu.memref_slice %arg6[%add3A_635, %dma_wait3A_914] : memref<80x128xi32, #tpu.memory_space<vmem>> -> memref<1x128xi32, #tpu.memory_space<vmem>>
        %dma_wait3A_916 = tpu.memref_squeeze %dma_wait3A_915 : memref<1x128xi32, #tpu.memory_space<vmem>> -> memref<128xi32, #tpu.memory_space<vmem>>
        %dma_wait3A_917 = arith.constant 0 : i32
        %dma_wait3A_918 = arith.constant 0 : i32
        %dma_wait3A_919 = tpu.memref_slice %arg8[%dma_wait3A_917, %dma_wait3A_918] : memref<10240x128xf32, #tpu.memory_space<vmem_shared>> -> memref<10240x128xf32, #tpu.memory_space<vmem_shared>>
        tpu.wait_indirect_dma semaphore(%run_scoped3A_899 : memref<!tpu.dma_semaphore, #tpu.memory_space<semaphore_mem>>) src(%dma_wait3A_913 : memref<128x128xf32, #tpu.memory_space<vmem>>) dst(%dma_wait3A_919 : memref<10240x128xf32, #tpu.memory_space<vmem_shared>>)
        tpu.yield
      }) : () -> ()
      %dma_start3A_637 = arith.constant 12 : i32
      %dma_start3A_638 = arith.constant 0 : i32
      %dma_start3A_639 = arith.constant 0 : i32
      %dma_start3A_640 = arith.constant 0 : i32
      %dma_start3A_641 = tpu.memref_slice %arg7[%dma_start3A_638, %dma_start3A_639, %dma_start3A_640] : memref<2x128x128xf32, #tpu.memory_space<vmem>> -> memref<1x64x128xf32, #tpu.memory_space<vmem>>
      %dma_start3A_642 = tpu.memref_squeeze %dma_start3A_641 : memref<1x64x128xf32, #tpu.memory_space<vmem>> -> memref<64x128xf32, #tpu.memory_space<vmem>>
      %dma_start3A_643 = arith.constant 0 : i32
      %dma_start3A_644 = tpu.memref_slice %arg5[%rem3A_59, %dma_start3A_637, %dma_start3A_643] : memref<2x16x128xi32, #tpu.memory_space<vmem>> -> memref<1x1x64xi32, #tpu.memory_space<vmem>>
      %dma_start3A_645 = tpu.memref_squeeze %dma_start3A_644 : memref<1x1x64xi32, #tpu.memory_space<vmem>> -> memref<64xi32, #tpu.memory_space<vmem>>
      %dma_start3A_646 = arith.constant 0 : i32
      %dma_start3A_647 = arith.constant 0 : i32
      %dma_start3A_648 = tpu.memref_slice %arg2[%dma_start3A_646, %dma_start3A_647] : memref<10240x128xf32, #tpu.memory_space<hbm>> -> memref<10240x128xf32, #tpu.memory_space<hbm>>
      tpu.enqueue_indirect_dma source(%dma_start3A_648 : memref<10240x128xf32, #tpu.memory_space<hbm>>) target(%dma_start3A_642 : memref<64x128xf32, #tpu.memory_space<vmem>>) offsets(%dma_start3A_645 : memref<64xi32, #tpu.memory_space<vmem>>) semaphore(%arg9 : memref<!tpu.dma_semaphore, #tpu.memory_space<semaphore_mem>>)
      %dma_wait3A_649 = arith.constant 11 : i32
      %dma_wait3A_650 = arith.constant 1 : i32
      %dma_wait3A_651 = arith.constant 0 : i32
      %dma_wait3A_652 = arith.constant 0 : i32
      %dma_wait3A_653 = tpu.memref_slice %arg7[%dma_wait3A_650, %dma_wait3A_651, %dma_wait3A_652] : memref<2x128x128xf32, #tpu.memory_space<vmem>> -> memref<1x64x128xf32, #tpu.memory_space<vmem>>
      %dma_wait3A_654 = tpu.memref_squeeze %dma_wait3A_653 : memref<1x64x128xf32, #tpu.memory_space<vmem>> -> memref<64x128xf32, #tpu.memory_space<vmem>>
      %dma_wait3A_655 = arith.constant 0 : i32
      %dma_wait3A_656 = tpu.memref_slice %arg5[%rem3A_59, %dma_wait3A_649, %dma_wait3A_655] : memref<2x16x128xi32, #tpu.memory_space<vmem>> -> memref<1x1x64xi32, #tpu.memory_space<vmem>>
      %dma_wait3A_657 = tpu.memref_squeeze %dma_wait3A_656 : memref<1x1x64xi32, #tpu.memory_space<vmem>> -> memref<64xi32, #tpu.memory_space<vmem>>
      %dma_wait3A_658 = arith.constant 0 : i32
      %dma_wait3A_659 = arith.constant 0 : i32
      %dma_wait3A_660 = tpu.memref_slice %arg2[%dma_wait3A_658, %dma_wait3A_659] : memref<10240x128xf32, #tpu.memory_space<hbm>> -> memref<10240x128xf32, #tpu.memory_space<hbm>>
      tpu.wait_indirect_dma semaphore(%arg9 : memref<!tpu.dma_semaphore, #tpu.memory_space<semaphore_mem>>) src(%dma_wait3A_660 : memref<10240x128xf32, #tpu.memory_space<hbm>>) dst(%dma_wait3A_654 : memref<64x128xf32, #tpu.memory_space<vmem>>)
      %dma_wait3A_661 = arith.constant 11 : i32
      %dma_wait3A_662 = arith.constant 1 : i32
      %dma_wait3A_663 = arith.constant 64 : i32
      %dma_wait3A_664 = arith.constant 0 : i32
      %dma_wait3A_665 = tpu.memref_slice %arg7[%dma_wait3A_662, %dma_wait3A_663, %dma_wait3A_664] : memref<2x128x128xf32, #tpu.memory_space<vmem>> -> memref<1x64x128xf32, #tpu.memory_space<vmem>>
      %dma_wait3A_666 = tpu.memref_squeeze %dma_wait3A_665 : memref<1x64x128xf32, #tpu.memory_space<vmem>> -> memref<64x128xf32, #tpu.memory_space<vmem>>
      %dma_wait3A_667 = arith.constant 64 : i32
      %dma_wait3A_668 = tpu.memref_slice %arg5[%rem3A_59, %dma_wait3A_661, %dma_wait3A_667] : memref<2x16x128xi32, #tpu.memory_space<vmem>> -> memref<1x1x64xi32, #tpu.memory_space<vmem>>
      %dma_wait3A_669 = tpu.memref_squeeze %dma_wait3A_668 : memref<1x1x64xi32, #tpu.memory_space<vmem>> -> memref<64xi32, #tpu.memory_space<vmem>>
      %dma_wait3A_670 = arith.constant 0 : i32
      %dma_wait3A_671 = arith.constant 0 : i32
      %dma_wait3A_672 = tpu.memref_slice %arg2[%dma_wait3A_670, %dma_wait3A_671] : memref<10240x128xf32, #tpu.memory_space<hbm>> -> memref<10240x128xf32, #tpu.memory_space<hbm>>
      tpu.wait_indirect_dma semaphore(%arg9 : memref<!tpu.dma_semaphore, #tpu.memory_space<semaphore_mem>>) src(%dma_wait3A_672 : memref<10240x128xf32, #tpu.memory_space<hbm>>) dst(%dma_wait3A_666 : memref<64x128xf32, #tpu.memory_space<vmem>>)
      %dma_start3A_673 = arith.constant 12 : i32
      %dma_start3A_674 = arith.constant 0 : i32
      %dma_start3A_675 = arith.constant 64 : i32
      %dma_start3A_676 = arith.constant 0 : i32
      %dma_start3A_677 = tpu.memref_slice %arg7[%dma_start3A_674, %dma_start3A_675, %dma_start3A_676] : memref<2x128x128xf32, #tpu.memory_space<vmem>> -> memref<1x64x128xf32, #tpu.memory_space<vmem>>
      %dma_start3A_678 = tpu.memref_squeeze %dma_start3A_677 : memref<1x64x128xf32, #tpu.memory_space<vmem>> -> memref<64x128xf32, #tpu.memory_space<vmem>>
      %dma_start3A_679 = arith.constant 64 : i32
      %dma_start3A_680 = tpu.memref_slice %arg5[%rem3A_59, %dma_start3A_673, %dma_start3A_679] : memref<2x16x128xi32, #tpu.memory_space<vmem>> -> memref<1x1x64xi32, #tpu.memory_space<vmem>>
      %dma_start3A_681 = tpu.memref_squeeze %dma_start3A_680 : memref<1x1x64xi32, #tpu.memory_space<vmem>> -> memref<64xi32, #tpu.memory_space<vmem>>
      %dma_start3A_682 = arith.constant 0 : i32
      %dma_start3A_683 = arith.constant 0 : i32
      %dma_start3A_684 = tpu.memref_slice %arg2[%dma_start3A_682, %dma_start3A_683] : memref<10240x128xf32, #tpu.memory_space<hbm>> -> memref<10240x128xf32, #tpu.memory_space<hbm>>
      tpu.enqueue_indirect_dma source(%dma_start3A_684 : memref<10240x128xf32, #tpu.memory_space<hbm>>) target(%dma_start3A_678 : memref<64x128xf32, #tpu.memory_space<vmem>>) offsets(%dma_start3A_681 : memref<64xi32, #tpu.memory_space<vmem>>) semaphore(%arg9 : memref<!tpu.dma_semaphore, #tpu.memory_space<semaphore_mem>>)
      %mul3A_685 = arith.constant 16 : i32
      %mul3A_686 = arith.muli %scan3A_58, %mul3A_685 : i32
      %add3A_687 = arith.constant 11 : i32
      %add3A_688 = arith.addi %mul3A_686, %add3A_687 : i32
      %run_scoped3A_689 = arith.constant 1 : i32
      "tpu.region"() ({
        %run_scoped3A_899 = tpu.sem_alloc : memref<!tpu.dma_semaphore, #tpu.memory_space<semaphore_mem>>
        %dma_start3A_900 = arith.constant 0 : i32
        %dma_start3A_901 = arith.constant 0 : i32
        %dma_start3A_902 = tpu.memref_slice %arg7[%run_scoped3A_689, %dma_start3A_900, %dma_start3A_901] : memref<2x128x128xf32, #tpu.memory_space<vmem>> -> memref<1x128x128xf32, #tpu.memory_space<vmem>>
        %dma_start3A_903 = tpu.memref_squeeze %dma_start3A_902 : memref<1x128x128xf32, #tpu.memory_space<vmem>> -> memref<128x128xf32, #tpu.memory_space<vmem>>
        %dma_start3A_904 = arith.constant 0 : i32
        %dma_start3A_905 = tpu.memref_slice %arg6[%add3A_688, %dma_start3A_904] : memref<80x128xi32, #tpu.memory_space<vmem>> -> memref<1x128xi32, #tpu.memory_space<vmem>>
        %dma_start3A_906 = tpu.memref_squeeze %dma_start3A_905 : memref<1x128xi32, #tpu.memory_space<vmem>> -> memref<128xi32, #tpu.memory_space<vmem>>
        %dma_start3A_907 = arith.constant 0 : i32
        %dma_start3A_908 = arith.constant 0 : i32
        %dma_start3A_909 = tpu.memref_slice %arg8[%dma_start3A_907, %dma_start3A_908] : memref<10240x128xf32, #tpu.memory_space<vmem_shared>> -> memref<10240x128xf32, #tpu.memory_space<vmem_shared>>
        tpu.enqueue_indirect_dma source(%dma_start3A_903 : memref<128x128xf32, #tpu.memory_space<vmem>>) target(%dma_start3A_909 : memref<10240x128xf32, #tpu.memory_space<vmem_shared>>) offsets(%dma_start3A_906 : memref<128xi32, #tpu.memory_space<vmem>>) semaphore(%run_scoped3A_899 : memref<!tpu.dma_semaphore, #tpu.memory_space<semaphore_mem>>) {add = true}
        %dma_wait3A_910 = arith.constant 0 : i32
        %dma_wait3A_911 = arith.constant 0 : i32
        %dma_wait3A_912 = tpu.memref_slice %arg7[%run_scoped3A_689, %dma_wait3A_910, %dma_wait3A_911] : memref<2x128x128xf32, #tpu.memory_space<vmem>> -> memref<1x128x128xf32, #tpu.memory_space<vmem>>
        %dma_wait3A_913 = tpu.memref_squeeze %dma_wait3A_912 : memref<1x128x128xf32, #tpu.memory_space<vmem>> -> memref<128x128xf32, #tpu.memory_space<vmem>>
        %dma_wait3A_914 = arith.constant 0 : i32
        %dma_wait3A_915 = tpu.memref_slice %arg6[%add3A_688, %dma_wait3A_914] : memref<80x128xi32, #tpu.memory_space<vmem>> -> memref<1x128xi32, #tpu.memory_space<vmem>>
        %dma_wait3A_916 = tpu.memref_squeeze %dma_wait3A_915 : memref<1x128xi32, #tpu.memory_space<vmem>> -> memref<128xi32, #tpu.memory_space<vmem>>
        %dma_wait3A_917 = arith.constant 0 : i32
        %dma_wait3A_918 = arith.constant 0 : i32
        %dma_wait3A_919 = tpu.memref_slice %arg8[%dma_wait3A_917, %dma_wait3A_918] : memref<10240x128xf32, #tpu.memory_space<vmem_shared>> -> memref<10240x128xf32, #tpu.memory_space<vmem_shared>>
        tpu.wait_indirect_dma semaphore(%run_scoped3A_899 : memref<!tpu.dma_semaphore, #tpu.memory_space<semaphore_mem>>) src(%dma_wait3A_913 : memref<128x128xf32, #tpu.memory_space<vmem>>) dst(%dma_wait3A_919 : memref<10240x128xf32, #tpu.memory_space<vmem_shared>>)
        tpu.yield
      }) : () -> ()
      %dma_start3A_690 = arith.constant 13 : i32
      %dma_start3A_691 = arith.constant 1 : i32
      %dma_start3A_692 = arith.constant 0 : i32
      %dma_start3A_693 = arith.constant 0 : i32
      %dma_start3A_694 = tpu.memref_slice %arg7[%dma_start3A_691, %dma_start3A_692, %dma_start3A_693] : memref<2x128x128xf32, #tpu.memory_space<vmem>> -> memref<1x64x128xf32, #tpu.memory_space<vmem>>
      %dma_start3A_695 = tpu.memref_squeeze %dma_start3A_694 : memref<1x64x128xf32, #tpu.memory_space<vmem>> -> memref<64x128xf32, #tpu.memory_space<vmem>>
      %dma_start3A_696 = arith.constant 0 : i32
      %dma_start3A_697 = tpu.memref_slice %arg5[%rem3A_59, %dma_start3A_690, %dma_start3A_696] : memref<2x16x128xi32, #tpu.memory_space<vmem>> -> memref<1x1x64xi32, #tpu.memory_space<vmem>>
      %dma_start3A_698 = tpu.memref_squeeze %dma_start3A_697 : memref<1x1x64xi32, #tpu.memory_space<vmem>> -> memref<64xi32, #tpu.memory_space<vmem>>
      %dma_start3A_699 = arith.constant 0 : i32
      %dma_start3A_700 = arith.constant 0 : i32
      %dma_start3A_701 = tpu.memref_slice %arg2[%dma_start3A_699, %dma_start3A_700] : memref<10240x128xf32, #tpu.memory_space<hbm>> -> memref<10240x128xf32, #tpu.memory_space<hbm>>
      tpu.enqueue_indirect_dma source(%dma_start3A_701 : memref<10240x128xf32, #tpu.memory_space<hbm>>) target(%dma_start3A_695 : memref<64x128xf32, #tpu.memory_space<vmem>>) offsets(%dma_start3A_698 : memref<64xi32, #tpu.memory_space<vmem>>) semaphore(%arg9 : memref<!tpu.dma_semaphore, #tpu.memory_space<semaphore_mem>>)
      %dma_wait3A_702 = arith.constant 12 : i32
      %dma_wait3A_703 = arith.constant 0 : i32
      %dma_wait3A_704 = arith.constant 0 : i32
      %dma_wait3A_705 = arith.constant 0 : i32
      %dma_wait3A_706 = tpu.memref_slice %arg7[%dma_wait3A_703, %dma_wait3A_704, %dma_wait3A_705] : memref<2x128x128xf32, #tpu.memory_space<vmem>> -> memref<1x64x128xf32, #tpu.memory_space<vmem>>
      %dma_wait3A_707 = tpu.memref_squeeze %dma_wait3A_706 : memref<1x64x128xf32, #tpu.memory_space<vmem>> -> memref<64x128xf32, #tpu.memory_space<vmem>>
      %dma_wait3A_708 = arith.constant 0 : i32
      %dma_wait3A_709 = tpu.memref_slice %arg5[%rem3A_59, %dma_wait3A_702, %dma_wait3A_708] : memref<2x16x128xi32, #tpu.memory_space<vmem>> -> memref<1x1x64xi32, #tpu.memory_space<vmem>>
      %dma_wait3A_710 = tpu.memref_squeeze %dma_wait3A_709 : memref<1x1x64xi32, #tpu.memory_space<vmem>> -> memref<64xi32, #tpu.memory_space<vmem>>
      %dma_wait3A_711 = arith.constant 0 : i32
      %dma_wait3A_712 = arith.constant 0 : i32
      %dma_wait3A_713 = tpu.memref_slice %arg2[%dma_wait3A_711, %dma_wait3A_712] : memref<10240x128xf32, #tpu.memory_space<hbm>> -> memref<10240x128xf32, #tpu.memory_space<hbm>>
      tpu.wait_indirect_dma semaphore(%arg9 : memref<!tpu.dma_semaphore, #tpu.memory_space<semaphore_mem>>) src(%dma_wait3A_713 : memref<10240x128xf32, #tpu.memory_space<hbm>>) dst(%dma_wait3A_707 : memref<64x128xf32, #tpu.memory_space<vmem>>)
      %dma_wait3A_714 = arith.constant 12 : i32
      %dma_wait3A_715 = arith.constant 0 : i32
      %dma_wait3A_716 = arith.constant 64 : i32
      %dma_wait3A_717 = arith.constant 0 : i32
      %dma_wait3A_718 = tpu.memref_slice %arg7[%dma_wait3A_715, %dma_wait3A_716, %dma_wait3A_717] : memref<2x128x128xf32, #tpu.memory_space<vmem>> -> memref<1x64x128xf32, #tpu.memory_space<vmem>>
      %dma_wait3A_719 = tpu.memref_squeeze %dma_wait3A_718 : memref<1x64x128xf32, #tpu.memory_space<vmem>> -> memref<64x128xf32, #tpu.memory_space<vmem>>
      %dma_wait3A_720 = arith.constant 64 : i32
      %dma_wait3A_721 = tpu.memref_slice %arg5[%rem3A_59, %dma_wait3A_714, %dma_wait3A_720] : memref<2x16x128xi32, #tpu.memory_space<vmem>> -> memref<1x1x64xi32, #tpu.memory_space<vmem>>
      %dma_wait3A_722 = tpu.memref_squeeze %dma_wait3A_721 : memref<1x1x64xi32, #tpu.memory_space<vmem>> -> memref<64xi32, #tpu.memory_space<vmem>>
      %dma_wait3A_723 = arith.constant 0 : i32
      %dma_wait3A_724 = arith.constant 0 : i32
      %dma_wait3A_725 = tpu.memref_slice %arg2[%dma_wait3A_723, %dma_wait3A_724] : memref<10240x128xf32, #tpu.memory_space<hbm>> -> memref<10240x128xf32, #tpu.memory_space<hbm>>
      tpu.wait_indirect_dma semaphore(%arg9 : memref<!tpu.dma_semaphore, #tpu.memory_space<semaphore_mem>>) src(%dma_wait3A_725 : memref<10240x128xf32, #tpu.memory_space<hbm>>) dst(%dma_wait3A_719 : memref<64x128xf32, #tpu.memory_space<vmem>>)
      %dma_start3A_726 = arith.constant 13 : i32
      %dma_start3A_727 = arith.constant 1 : i32
      %dma_start3A_728 = arith.constant 64 : i32
      %dma_start3A_729 = arith.constant 0 : i32
      %dma_start3A_730 = tpu.memref_slice %arg7[%dma_start3A_727, %dma_start3A_728, %dma_start3A_729] : memref<2x128x128xf32, #tpu.memory_space<vmem>> -> memref<1x64x128xf32, #tpu.memory_space<vmem>>
      %dma_start3A_731 = tpu.memref_squeeze %dma_start3A_730 : memref<1x64x128xf32, #tpu.memory_space<vmem>> -> memref<64x128xf32, #tpu.memory_space<vmem>>
      %dma_start3A_732 = arith.constant 64 : i32
      %dma_start3A_733 = tpu.memref_slice %arg5[%rem3A_59, %dma_start3A_726, %dma_start3A_732] : memref<2x16x128xi32, #tpu.memory_space<vmem>> -> memref<1x1x64xi32, #tpu.memory_space<vmem>>
      %dma_start3A_734 = tpu.memref_squeeze %dma_start3A_733 : memref<1x1x64xi32, #tpu.memory_space<vmem>> -> memref<64xi32, #tpu.memory_space<vmem>>
      %dma_start3A_735 = arith.constant 0 : i32
      %dma_start3A_736 = arith.constant 0 : i32
      %dma_start3A_737 = tpu.memref_slice %arg2[%dma_start3A_735, %dma_start3A_736] : memref<10240x128xf32, #tpu.memory_space<hbm>> -> memref<10240x128xf32, #tpu.memory_space<hbm>>
      tpu.enqueue_indirect_dma source(%dma_start3A_737 : memref<10240x128xf32, #tpu.memory_space<hbm>>) target(%dma_start3A_731 : memref<64x128xf32, #tpu.memory_space<vmem>>) offsets(%dma_start3A_734 : memref<64xi32, #tpu.memory_space<vmem>>) semaphore(%arg9 : memref<!tpu.dma_semaphore, #tpu.memory_space<semaphore_mem>>)
      %mul3A_738 = arith.constant 16 : i32
      %mul3A_739 = arith.muli %scan3A_58, %mul3A_738 : i32
      %add3A_740 = arith.constant 12 : i32
      %add3A_741 = arith.addi %mul3A_739, %add3A_740 : i32
      %run_scoped3A_742 = arith.constant 0 : i32
      "tpu.region"() ({
        %run_scoped3A_899 = tpu.sem_alloc : memref<!tpu.dma_semaphore, #tpu.memory_space<semaphore_mem>>
        %dma_start3A_900 = arith.constant 0 : i32
        %dma_start3A_901 = arith.constant 0 : i32
        %dma_start3A_902 = tpu.memref_slice %arg7[%run_scoped3A_742, %dma_start3A_900, %dma_start3A_901] : memref<2x128x128xf32, #tpu.memory_space<vmem>> -> memref<1x128x128xf32, #tpu.memory_space<vmem>>
        %dma_start3A_903 = tpu.memref_squeeze %dma_start3A_902 : memref<1x128x128xf32, #tpu.memory_space<vmem>> -> memref<128x128xf32, #tpu.memory_space<vmem>>
        %dma_start3A_904 = arith.constant 0 : i32
        %dma_start3A_905 = tpu.memref_slice %arg6[%add3A_741, %dma_start3A_904] : memref<80x128xi32, #tpu.memory_space<vmem>> -> memref<1x128xi32, #tpu.memory_space<vmem>>
        %dma_start3A_906 = tpu.memref_squeeze %dma_start3A_905 : memref<1x128xi32, #tpu.memory_space<vmem>> -> memref<128xi32, #tpu.memory_space<vmem>>
        %dma_start3A_907 = arith.constant 0 : i32
        %dma_start3A_908 = arith.constant 0 : i32
        %dma_start3A_909 = tpu.memref_slice %arg8[%dma_start3A_907, %dma_start3A_908] : memref<10240x128xf32, #tpu.memory_space<vmem_shared>> -> memref<10240x128xf32, #tpu.memory_space<vmem_shared>>
        tpu.enqueue_indirect_dma source(%dma_start3A_903 : memref<128x128xf32, #tpu.memory_space<vmem>>) target(%dma_start3A_909 : memref<10240x128xf32, #tpu.memory_space<vmem_shared>>) offsets(%dma_start3A_906 : memref<128xi32, #tpu.memory_space<vmem>>) semaphore(%run_scoped3A_899 : memref<!tpu.dma_semaphore, #tpu.memory_space<semaphore_mem>>) {add = true}
        %dma_wait3A_910 = arith.constant 0 : i32
        %dma_wait3A_911 = arith.constant 0 : i32
        %dma_wait3A_912 = tpu.memref_slice %arg7[%run_scoped3A_742, %dma_wait3A_910, %dma_wait3A_911] : memref<2x128x128xf32, #tpu.memory_space<vmem>> -> memref<1x128x128xf32, #tpu.memory_space<vmem>>
        %dma_wait3A_913 = tpu.memref_squeeze %dma_wait3A_912 : memref<1x128x128xf32, #tpu.memory_space<vmem>> -> memref<128x128xf32, #tpu.memory_space<vmem>>
        %dma_wait3A_914 = arith.constant 0 : i32
        %dma_wait3A_915 = tpu.memref_slice %arg6[%add3A_741, %dma_wait3A_914] : memref<80x128xi32, #tpu.memory_space<vmem>> -> memref<1x128xi32, #tpu.memory_space<vmem>>
        %dma_wait3A_916 = tpu.memref_squeeze %dma_wait3A_915 : memref<1x128xi32, #tpu.memory_space<vmem>> -> memref<128xi32, #tpu.memory_space<vmem>>
        %dma_wait3A_917 = arith.constant 0 : i32
        %dma_wait3A_918 = arith.constant 0 : i32
        %dma_wait3A_919 = tpu.memref_slice %arg8[%dma_wait3A_917, %dma_wait3A_918] : memref<10240x128xf32, #tpu.memory_space<vmem_shared>> -> memref<10240x128xf32, #tpu.memory_space<vmem_shared>>
        tpu.wait_indirect_dma semaphore(%run_scoped3A_899 : memref<!tpu.dma_semaphore, #tpu.memory_space<semaphore_mem>>) src(%dma_wait3A_913 : memref<128x128xf32, #tpu.memory_space<vmem>>) dst(%dma_wait3A_919 : memref<10240x128xf32, #tpu.memory_space<vmem_shared>>)
        tpu.yield
      }) : () -> ()
      %dma_start3A_743 = arith.constant 14 : i32
      %dma_start3A_744 = arith.constant 0 : i32
      %dma_start3A_745 = arith.constant 0 : i32
      %dma_start3A_746 = arith.constant 0 : i32
      %dma_start3A_747 = tpu.memref_slice %arg7[%dma_start3A_744, %dma_start3A_745, %dma_start3A_746] : memref<2x128x128xf32, #tpu.memory_space<vmem>> -> memref<1x64x128xf32, #tpu.memory_space<vmem>>
      %dma_start3A_748 = tpu.memref_squeeze %dma_start3A_747 : memref<1x64x128xf32, #tpu.memory_space<vmem>> -> memref<64x128xf32, #tpu.memory_space<vmem>>
      %dma_start3A_749 = arith.constant 0 : i32
      %dma_start3A_750 = tpu.memref_slice %arg5[%rem3A_59, %dma_start3A_743, %dma_start3A_749] : memref<2x16x128xi32, #tpu.memory_space<vmem>> -> memref<1x1x64xi32, #tpu.memory_space<vmem>>
      %dma_start3A_751 = tpu.memref_squeeze %dma_start3A_750 : memref<1x1x64xi32, #tpu.memory_space<vmem>> -> memref<64xi32, #tpu.memory_space<vmem>>
      %dma_start3A_752 = arith.constant 0 : i32
      %dma_start3A_753 = arith.constant 0 : i32
      %dma_start3A_754 = tpu.memref_slice %arg2[%dma_start3A_752, %dma_start3A_753] : memref<10240x128xf32, #tpu.memory_space<hbm>> -> memref<10240x128xf32, #tpu.memory_space<hbm>>
      tpu.enqueue_indirect_dma source(%dma_start3A_754 : memref<10240x128xf32, #tpu.memory_space<hbm>>) target(%dma_start3A_748 : memref<64x128xf32, #tpu.memory_space<vmem>>) offsets(%dma_start3A_751 : memref<64xi32, #tpu.memory_space<vmem>>) semaphore(%arg9 : memref<!tpu.dma_semaphore, #tpu.memory_space<semaphore_mem>>)
      %dma_wait3A_755 = arith.constant 13 : i32
      %dma_wait3A_756 = arith.constant 1 : i32
      %dma_wait3A_757 = arith.constant 0 : i32
      %dma_wait3A_758 = arith.constant 0 : i32
      %dma_wait3A_759 = tpu.memref_slice %arg7[%dma_wait3A_756, %dma_wait3A_757, %dma_wait3A_758] : memref<2x128x128xf32, #tpu.memory_space<vmem>> -> memref<1x64x128xf32, #tpu.memory_space<vmem>>
      %dma_wait3A_760 = tpu.memref_squeeze %dma_wait3A_759 : memref<1x64x128xf32, #tpu.memory_space<vmem>> -> memref<64x128xf32, #tpu.memory_space<vmem>>
      %dma_wait3A_761 = arith.constant 0 : i32
      %dma_wait3A_762 = tpu.memref_slice %arg5[%rem3A_59, %dma_wait3A_755, %dma_wait3A_761] : memref<2x16x128xi32, #tpu.memory_space<vmem>> -> memref<1x1x64xi32, #tpu.memory_space<vmem>>
      %dma_wait3A_763 = tpu.memref_squeeze %dma_wait3A_762 : memref<1x1x64xi32, #tpu.memory_space<vmem>> -> memref<64xi32, #tpu.memory_space<vmem>>
      %dma_wait3A_764 = arith.constant 0 : i32
      %dma_wait3A_765 = arith.constant 0 : i32
      %dma_wait3A_766 = tpu.memref_slice %arg2[%dma_wait3A_764, %dma_wait3A_765] : memref<10240x128xf32, #tpu.memory_space<hbm>> -> memref<10240x128xf32, #tpu.memory_space<hbm>>
      tpu.wait_indirect_dma semaphore(%arg9 : memref<!tpu.dma_semaphore, #tpu.memory_space<semaphore_mem>>) src(%dma_wait3A_766 : memref<10240x128xf32, #tpu.memory_space<hbm>>) dst(%dma_wait3A_760 : memref<64x128xf32, #tpu.memory_space<vmem>>)
      %dma_wait3A_767 = arith.constant 13 : i32
      %dma_wait3A_768 = arith.constant 1 : i32
      %dma_wait3A_769 = arith.constant 64 : i32
      %dma_wait3A_770 = arith.constant 0 : i32
      %dma_wait3A_771 = tpu.memref_slice %arg7[%dma_wait3A_768, %dma_wait3A_769, %dma_wait3A_770] : memref<2x128x128xf32, #tpu.memory_space<vmem>> -> memref<1x64x128xf32, #tpu.memory_space<vmem>>
      %dma_wait3A_772 = tpu.memref_squeeze %dma_wait3A_771 : memref<1x64x128xf32, #tpu.memory_space<vmem>> -> memref<64x128xf32, #tpu.memory_space<vmem>>
      %dma_wait3A_773 = arith.constant 64 : i32
      %dma_wait3A_774 = tpu.memref_slice %arg5[%rem3A_59, %dma_wait3A_767, %dma_wait3A_773] : memref<2x16x128xi32, #tpu.memory_space<vmem>> -> memref<1x1x64xi32, #tpu.memory_space<vmem>>
      %dma_wait3A_775 = tpu.memref_squeeze %dma_wait3A_774 : memref<1x1x64xi32, #tpu.memory_space<vmem>> -> memref<64xi32, #tpu.memory_space<vmem>>
      %dma_wait3A_776 = arith.constant 0 : i32
      %dma_wait3A_777 = arith.constant 0 : i32
      %dma_wait3A_778 = tpu.memref_slice %arg2[%dma_wait3A_776, %dma_wait3A_777] : memref<10240x128xf32, #tpu.memory_space<hbm>> -> memref<10240x128xf32, #tpu.memory_space<hbm>>
      tpu.wait_indirect_dma semaphore(%arg9 : memref<!tpu.dma_semaphore, #tpu.memory_space<semaphore_mem>>) src(%dma_wait3A_778 : memref<10240x128xf32, #tpu.memory_space<hbm>>) dst(%dma_wait3A_772 : memref<64x128xf32, #tpu.memory_space<vmem>>)
      %dma_start3A_779 = arith.constant 14 : i32
      %dma_start3A_780 = arith.constant 0 : i32
      %dma_start3A_781 = arith.constant 64 : i32
      %dma_start3A_782 = arith.constant 0 : i32
      %dma_start3A_783 = tpu.memref_slice %arg7[%dma_start3A_780, %dma_start3A_781, %dma_start3A_782] : memref<2x128x128xf32, #tpu.memory_space<vmem>> -> memref<1x64x128xf32, #tpu.memory_space<vmem>>
      %dma_start3A_784 = tpu.memref_squeeze %dma_start3A_783 : memref<1x64x128xf32, #tpu.memory_space<vmem>> -> memref<64x128xf32, #tpu.memory_space<vmem>>
      %dma_start3A_785 = arith.constant 64 : i32
      %dma_start3A_786 = tpu.memref_slice %arg5[%rem3A_59, %dma_start3A_779, %dma_start3A_785] : memref<2x16x128xi32, #tpu.memory_space<vmem>> -> memref<1x1x64xi32, #tpu.memory_space<vmem>>
      %dma_start3A_787 = tpu.memref_squeeze %dma_start3A_786 : memref<1x1x64xi32, #tpu.memory_space<vmem>> -> memref<64xi32, #tpu.memory_space<vmem>>
      %dma_start3A_788 = arith.constant 0 : i32
      %dma_start3A_789 = arith.constant 0 : i32
      %dma_start3A_790 = tpu.memref_slice %arg2[%dma_start3A_788, %dma_start3A_789] : memref<10240x128xf32, #tpu.memory_space<hbm>> -> memref<10240x128xf32, #tpu.memory_space<hbm>>
      tpu.enqueue_indirect_dma source(%dma_start3A_790 : memref<10240x128xf32, #tpu.memory_space<hbm>>) target(%dma_start3A_784 : memref<64x128xf32, #tpu.memory_space<vmem>>) offsets(%dma_start3A_787 : memref<64xi32, #tpu.memory_space<vmem>>) semaphore(%arg9 : memref<!tpu.dma_semaphore, #tpu.memory_space<semaphore_mem>>)
      %mul3A_791 = arith.constant 16 : i32
      %mul3A_792 = arith.muli %scan3A_58, %mul3A_791 : i32
      %add3A_793 = arith.constant 13 : i32
      %add3A_794 = arith.addi %mul3A_792, %add3A_793 : i32
      %run_scoped3A_795 = arith.constant 1 : i32
      "tpu.region"() ({
        %run_scoped3A_899 = tpu.sem_alloc : memref<!tpu.dma_semaphore, #tpu.memory_space<semaphore_mem>>
        %dma_start3A_900 = arith.constant 0 : i32
        %dma_start3A_901 = arith.constant 0 : i32
        %dma_start3A_902 = tpu.memref_slice %arg7[%run_scoped3A_795, %dma_start3A_900, %dma_start3A_901] : memref<2x128x128xf32, #tpu.memory_space<vmem>> -> memref<1x128x128xf32, #tpu.memory_space<vmem>>
        %dma_start3A_903 = tpu.memref_squeeze %dma_start3A_902 : memref<1x128x128xf32, #tpu.memory_space<vmem>> -> memref<128x128xf32, #tpu.memory_space<vmem>>
        %dma_start3A_904 = arith.constant 0 : i32
        %dma_start3A_905 = tpu.memref_slice %arg6[%add3A_794, %dma_start3A_904] : memref<80x128xi32, #tpu.memory_space<vmem>> -> memref<1x128xi32, #tpu.memory_space<vmem>>
        %dma_start3A_906 = tpu.memref_squeeze %dma_start3A_905 : memref<1x128xi32, #tpu.memory_space<vmem>> -> memref<128xi32, #tpu.memory_space<vmem>>
        %dma_start3A_907 = arith.constant 0 : i32
        %dma_start3A_908 = arith.constant 0 : i32
        %dma_start3A_909 = tpu.memref_slice %arg8[%dma_start3A_907, %dma_start3A_908] : memref<10240x128xf32, #tpu.memory_space<vmem_shared>> -> memref<10240x128xf32, #tpu.memory_space<vmem_shared>>
        tpu.enqueue_indirect_dma source(%dma_start3A_903 : memref<128x128xf32, #tpu.memory_space<vmem>>) target(%dma_start3A_909 : memref<10240x128xf32, #tpu.memory_space<vmem_shared>>) offsets(%dma_start3A_906 : memref<128xi32, #tpu.memory_space<vmem>>) semaphore(%run_scoped3A_899 : memref<!tpu.dma_semaphore, #tpu.memory_space<semaphore_mem>>) {add = true}
        %dma_wait3A_910 = arith.constant 0 : i32
        %dma_wait3A_911 = arith.constant 0 : i32
        %dma_wait3A_912 = tpu.memref_slice %arg7[%run_scoped3A_795, %dma_wait3A_910, %dma_wait3A_911] : memref<2x128x128xf32, #tpu.memory_space<vmem>> -> memref<1x128x128xf32, #tpu.memory_space<vmem>>
        %dma_wait3A_913 = tpu.memref_squeeze %dma_wait3A_912 : memref<1x128x128xf32, #tpu.memory_space<vmem>> -> memref<128x128xf32, #tpu.memory_space<vmem>>
        %dma_wait3A_914 = arith.constant 0 : i32
        %dma_wait3A_915 = tpu.memref_slice %arg6[%add3A_794, %dma_wait3A_914] : memref<80x128xi32, #tpu.memory_space<vmem>> -> memref<1x128xi32, #tpu.memory_space<vmem>>
        %dma_wait3A_916 = tpu.memref_squeeze %dma_wait3A_915 : memref<1x128xi32, #tpu.memory_space<vmem>> -> memref<128xi32, #tpu.memory_space<vmem>>
        %dma_wait3A_917 = arith.constant 0 : i32
        %dma_wait3A_918 = arith.constant 0 : i32
        %dma_wait3A_919 = tpu.memref_slice %arg8[%dma_wait3A_917, %dma_wait3A_918] : memref<10240x128xf32, #tpu.memory_space<vmem_shared>> -> memref<10240x128xf32, #tpu.memory_space<vmem_shared>>
        tpu.wait_indirect_dma semaphore(%run_scoped3A_899 : memref<!tpu.dma_semaphore, #tpu.memory_space<semaphore_mem>>) src(%dma_wait3A_913 : memref<128x128xf32, #tpu.memory_space<vmem>>) dst(%dma_wait3A_919 : memref<10240x128xf32, #tpu.memory_space<vmem_shared>>)
        tpu.yield
      }) : () -> ()
      %dma_start3A_796 = arith.constant 15 : i32
      %dma_start3A_797 = arith.constant 1 : i32
      %dma_start3A_798 = arith.constant 0 : i32
      %dma_start3A_799 = arith.constant 0 : i32
      %dma_start3A_800 = tpu.memref_slice %arg7[%dma_start3A_797, %dma_start3A_798, %dma_start3A_799] : memref<2x128x128xf32, #tpu.memory_space<vmem>> -> memref<1x64x128xf32, #tpu.memory_space<vmem>>
      %dma_start3A_801 = tpu.memref_squeeze %dma_start3A_800 : memref<1x64x128xf32, #tpu.memory_space<vmem>> -> memref<64x128xf32, #tpu.memory_space<vmem>>
      %dma_start3A_802 = arith.constant 0 : i32
      %dma_start3A_803 = tpu.memref_slice %arg5[%rem3A_59, %dma_start3A_796, %dma_start3A_802] : memref<2x16x128xi32, #tpu.memory_space<vmem>> -> memref<1x1x64xi32, #tpu.memory_space<vmem>>
      %dma_start3A_804 = tpu.memref_squeeze %dma_start3A_803 : memref<1x1x64xi32, #tpu.memory_space<vmem>> -> memref<64xi32, #tpu.memory_space<vmem>>
      %dma_start3A_805 = arith.constant 0 : i32
      %dma_start3A_806 = arith.constant 0 : i32
      %dma_start3A_807 = tpu.memref_slice %arg2[%dma_start3A_805, %dma_start3A_806] : memref<10240x128xf32, #tpu.memory_space<hbm>> -> memref<10240x128xf32, #tpu.memory_space<hbm>>
      tpu.enqueue_indirect_dma source(%dma_start3A_807 : memref<10240x128xf32, #tpu.memory_space<hbm>>) target(%dma_start3A_801 : memref<64x128xf32, #tpu.memory_space<vmem>>) offsets(%dma_start3A_804 : memref<64xi32, #tpu.memory_space<vmem>>) semaphore(%arg9 : memref<!tpu.dma_semaphore, #tpu.memory_space<semaphore_mem>>)
      %dma_wait3A_808 = arith.constant 14 : i32
      %dma_wait3A_809 = arith.constant 0 : i32
      %dma_wait3A_810 = arith.constant 0 : i32
      %dma_wait3A_811 = arith.constant 0 : i32
      %dma_wait3A_812 = tpu.memref_slice %arg7[%dma_wait3A_809, %dma_wait3A_810, %dma_wait3A_811] : memref<2x128x128xf32, #tpu.memory_space<vmem>> -> memref<1x64x128xf32, #tpu.memory_space<vmem>>
      %dma_wait3A_813 = tpu.memref_squeeze %dma_wait3A_812 : memref<1x64x128xf32, #tpu.memory_space<vmem>> -> memref<64x128xf32, #tpu.memory_space<vmem>>
      %dma_wait3A_814 = arith.constant 0 : i32
      %dma_wait3A_815 = tpu.memref_slice %arg5[%rem3A_59, %dma_wait3A_808, %dma_wait3A_814] : memref<2x16x128xi32, #tpu.memory_space<vmem>> -> memref<1x1x64xi32, #tpu.memory_space<vmem>>
      %dma_wait3A_816 = tpu.memref_squeeze %dma_wait3A_815 : memref<1x1x64xi32, #tpu.memory_space<vmem>> -> memref<64xi32, #tpu.memory_space<vmem>>
      %dma_wait3A_817 = arith.constant 0 : i32
      %dma_wait3A_818 = arith.constant 0 : i32
      %dma_wait3A_819 = tpu.memref_slice %arg2[%dma_wait3A_817, %dma_wait3A_818] : memref<10240x128xf32, #tpu.memory_space<hbm>> -> memref<10240x128xf32, #tpu.memory_space<hbm>>
      tpu.wait_indirect_dma semaphore(%arg9 : memref<!tpu.dma_semaphore, #tpu.memory_space<semaphore_mem>>) src(%dma_wait3A_819 : memref<10240x128xf32, #tpu.memory_space<hbm>>) dst(%dma_wait3A_813 : memref<64x128xf32, #tpu.memory_space<vmem>>)
      %dma_wait3A_820 = arith.constant 14 : i32
      %dma_wait3A_821 = arith.constant 0 : i32
      %dma_wait3A_822 = arith.constant 64 : i32
      %dma_wait3A_823 = arith.constant 0 : i32
      %dma_wait3A_824 = tpu.memref_slice %arg7[%dma_wait3A_821, %dma_wait3A_822, %dma_wait3A_823] : memref<2x128x128xf32, #tpu.memory_space<vmem>> -> memref<1x64x128xf32, #tpu.memory_space<vmem>>
      %dma_wait3A_825 = tpu.memref_squeeze %dma_wait3A_824 : memref<1x64x128xf32, #tpu.memory_space<vmem>> -> memref<64x128xf32, #tpu.memory_space<vmem>>
      %dma_wait3A_826 = arith.constant 64 : i32
      %dma_wait3A_827 = tpu.memref_slice %arg5[%rem3A_59, %dma_wait3A_820, %dma_wait3A_826] : memref<2x16x128xi32, #tpu.memory_space<vmem>> -> memref<1x1x64xi32, #tpu.memory_space<vmem>>
      %dma_wait3A_828 = tpu.memref_squeeze %dma_wait3A_827 : memref<1x1x64xi32, #tpu.memory_space<vmem>> -> memref<64xi32, #tpu.memory_space<vmem>>
      %dma_wait3A_829 = arith.constant 0 : i32
      %dma_wait3A_830 = arith.constant 0 : i32
      %dma_wait3A_831 = tpu.memref_slice %arg2[%dma_wait3A_829, %dma_wait3A_830] : memref<10240x128xf32, #tpu.memory_space<hbm>> -> memref<10240x128xf32, #tpu.memory_space<hbm>>
      tpu.wait_indirect_dma semaphore(%arg9 : memref<!tpu.dma_semaphore, #tpu.memory_space<semaphore_mem>>) src(%dma_wait3A_831 : memref<10240x128xf32, #tpu.memory_space<hbm>>) dst(%dma_wait3A_825 : memref<64x128xf32, #tpu.memory_space<vmem>>)
      %dma_start3A_832 = arith.constant 15 : i32
      %dma_start3A_833 = arith.constant 1 : i32
      %dma_start3A_834 = arith.constant 64 : i32
      %dma_start3A_835 = arith.constant 0 : i32
      %dma_start3A_836 = tpu.memref_slice %arg7[%dma_start3A_833, %dma_start3A_834, %dma_start3A_835] : memref<2x128x128xf32, #tpu.memory_space<vmem>> -> memref<1x64x128xf32, #tpu.memory_space<vmem>>
      %dma_start3A_837 = tpu.memref_squeeze %dma_start3A_836 : memref<1x64x128xf32, #tpu.memory_space<vmem>> -> memref<64x128xf32, #tpu.memory_space<vmem>>
      %dma_start3A_838 = arith.constant 64 : i32
      %dma_start3A_839 = tpu.memref_slice %arg5[%rem3A_59, %dma_start3A_832, %dma_start3A_838] : memref<2x16x128xi32, #tpu.memory_space<vmem>> -> memref<1x1x64xi32, #tpu.memory_space<vmem>>
      %dma_start3A_840 = tpu.memref_squeeze %dma_start3A_839 : memref<1x1x64xi32, #tpu.memory_space<vmem>> -> memref<64xi32, #tpu.memory_space<vmem>>
      %dma_start3A_841 = arith.constant 0 : i32
      %dma_start3A_842 = arith.constant 0 : i32
      %dma_start3A_843 = tpu.memref_slice %arg2[%dma_start3A_841, %dma_start3A_842] : memref<10240x128xf32, #tpu.memory_space<hbm>> -> memref<10240x128xf32, #tpu.memory_space<hbm>>
      tpu.enqueue_indirect_dma source(%dma_start3A_843 : memref<10240x128xf32, #tpu.memory_space<hbm>>) target(%dma_start3A_837 : memref<64x128xf32, #tpu.memory_space<vmem>>) offsets(%dma_start3A_840 : memref<64xi32, #tpu.memory_space<vmem>>) semaphore(%arg9 : memref<!tpu.dma_semaphore, #tpu.memory_space<semaphore_mem>>)
      %mul3A_844 = arith.constant 16 : i32
      %mul3A_845 = arith.muli %scan3A_58, %mul3A_844 : i32
      %add3A_846 = arith.constant 14 : i32
      %add3A_847 = arith.addi %mul3A_845, %add3A_846 : i32
      %run_scoped3A_848 = arith.constant 0 : i32
      "tpu.region"() ({
        %run_scoped3A_899 = tpu.sem_alloc : memref<!tpu.dma_semaphore, #tpu.memory_space<semaphore_mem>>
        %dma_start3A_900 = arith.constant 0 : i32
        %dma_start3A_901 = arith.constant 0 : i32
        %dma_start3A_902 = tpu.memref_slice %arg7[%run_scoped3A_848, %dma_start3A_900, %dma_start3A_901] : memref<2x128x128xf32, #tpu.memory_space<vmem>> -> memref<1x128x128xf32, #tpu.memory_space<vmem>>
        %dma_start3A_903 = tpu.memref_squeeze %dma_start3A_902 : memref<1x128x128xf32, #tpu.memory_space<vmem>> -> memref<128x128xf32, #tpu.memory_space<vmem>>
        %dma_start3A_904 = arith.constant 0 : i32
        %dma_start3A_905 = tpu.memref_slice %arg6[%add3A_847, %dma_start3A_904] : memref<80x128xi32, #tpu.memory_space<vmem>> -> memref<1x128xi32, #tpu.memory_space<vmem>>
        %dma_start3A_906 = tpu.memref_squeeze %dma_start3A_905 : memref<1x128xi32, #tpu.memory_space<vmem>> -> memref<128xi32, #tpu.memory_space<vmem>>
        %dma_start3A_907 = arith.constant 0 : i32
        %dma_start3A_908 = arith.constant 0 : i32
        %dma_start3A_909 = tpu.memref_slice %arg8[%dma_start3A_907, %dma_start3A_908] : memref<10240x128xf32, #tpu.memory_space<vmem_shared>> -> memref<10240x128xf32, #tpu.memory_space<vmem_shared>>
        tpu.enqueue_indirect_dma source(%dma_start3A_903 : memref<128x128xf32, #tpu.memory_space<vmem>>) target(%dma_start3A_909 : memref<10240x128xf32, #tpu.memory_space<vmem_shared>>) offsets(%dma_start3A_906 : memref<128xi32, #tpu.memory_space<vmem>>) semaphore(%run_scoped3A_899 : memref<!tpu.dma_semaphore, #tpu.memory_space<semaphore_mem>>) {add = true}
        %dma_wait3A_910 = arith.constant 0 : i32
        %dma_wait3A_911 = arith.constant 0 : i32
        %dma_wait3A_912 = tpu.memref_slice %arg7[%run_scoped3A_848, %dma_wait3A_910, %dma_wait3A_911] : memref<2x128x128xf32, #tpu.memory_space<vmem>> -> memref<1x128x128xf32, #tpu.memory_space<vmem>>
        %dma_wait3A_913 = tpu.memref_squeeze %dma_wait3A_912 : memref<1x128x128xf32, #tpu.memory_space<vmem>> -> memref<128x128xf32, #tpu.memory_space<vmem>>
        %dma_wait3A_914 = arith.constant 0 : i32
        %dma_wait3A_915 = tpu.memref_slice %arg6[%add3A_847, %dma_wait3A_914] : memref<80x128xi32, #tpu.memory_space<vmem>> -> memref<1x128xi32, #tpu.memory_space<vmem>>
        %dma_wait3A_916 = tpu.memref_squeeze %dma_wait3A_915 : memref<1x128xi32, #tpu.memory_space<vmem>> -> memref<128xi32, #tpu.memory_space<vmem>>
        %dma_wait3A_917 = arith.constant 0 : i32
        %dma_wait3A_918 = arith.constant 0 : i32
        %dma_wait3A_919 = tpu.memref_slice %arg8[%dma_wait3A_917, %dma_wait3A_918] : memref<10240x128xf32, #tpu.memory_space<vmem_shared>> -> memref<10240x128xf32, #tpu.memory_space<vmem_shared>>
        tpu.wait_indirect_dma semaphore(%run_scoped3A_899 : memref<!tpu.dma_semaphore, #tpu.memory_space<semaphore_mem>>) src(%dma_wait3A_913 : memref<128x128xf32, #tpu.memory_space<vmem>>) dst(%dma_wait3A_919 : memref<10240x128xf32, #tpu.memory_space<vmem_shared>>)
        tpu.yield
      }) : () -> ()
      %add3A_849 = arith.constant 1 : i32
      %add3A_850 = arith.addi %scan3A_58, %add3A_849 : i32
      %lt3A_851 = arith.constant 5 : i32
      %lt3A_852 = arith.cmpi slt, %add3A_850, %lt3A_851 : i32
      %convert_element_type3A_853 = arith.extui %lt3A_852 : i1 to i32
      %cond3A_854 = arith.constant 0 : i32
      %cond3A_855 = arith.cmpi ne, %convert_element_type3A_853, %cond3A_854 : i32
      scf.if %cond3A_855 {
        %add3A_899 = arith.constant 1 : i32
        %add3A_900 = arith.addi %scan3A_58, %add3A_899 : i32
        %mul3A_901 = arith.constant 16 : i32
        %mul3A_902 = arith.muli %add3A_900, %mul3A_901 : i32
        %add3A_903 = arith.addi %mul3A_2, %mul3A_902 : i32
        %dma_wait3A_904 = arith.constant 0 : i32
        %dma_wait3A_905 = arith.constant 0 : i32
        %dma_wait3A_906 = arith.constant 0 : i32
        %dma_wait3A_907 = tpu.memref_slice %arg5[%sub3A_60, %dma_wait3A_905, %dma_wait3A_906] : memref<2x16x128xi32, #tpu.memory_space<vmem>> -> memref<1x16x128xi32, #tpu.memory_space<vmem>>
        %dma_wait3A_908 = tpu.memref_squeeze %dma_wait3A_907 : memref<1x16x128xi32, #tpu.memory_space<vmem>> -> memref<16x128xi32, #tpu.memory_space<vmem>>
        %dma_wait3A_909 = arith.constant 0 : i32
        %dma_wait3A_910 = tpu.memref_slice %arg3[%dma_wait3A_904, %add3A_903, %dma_wait3A_909] : memref<2x2560x128xi32, #tpu.memory_space<hbm>> -> memref<1x16x128xi32, #tpu.memory_space<hbm>>
        %dma_wait3A_911 = tpu.memref_squeeze %dma_wait3A_910 : memref<1x16x128xi32, #tpu.memory_space<hbm>> -> memref<16x128xi32, #tpu.memory_space<hbm>>
        %dma_wait3A_912 = arith.constant 0 : i32
        %dma_wait3A_913 = arith.constant 0 : i32
        %dma_wait3A_914 = tpu.memref_slice %arg5[%sub3A_60, %dma_wait3A_912, %dma_wait3A_913] : memref<2x16x128xi32, #tpu.memory_space<vmem>> -> memref<1x16x128xi32, #tpu.memory_space<vmem>>
        %dma_wait3A_915 = tpu.memref_squeeze %dma_wait3A_914 : memref<1x16x128xi32, #tpu.memory_space<vmem>> -> memref<16x128xi32, #tpu.memory_space<vmem>>
        %dma_wait3A_916 = arith.constant 0 : i32
        %dma_wait3A_917 = tpu.memref_slice %arg3[%dma_wait3A_904, %add3A_903, %dma_wait3A_916] : memref<2x2560x128xi32, #tpu.memory_space<hbm>> -> memref<1x16x128xi32, #tpu.memory_space<hbm>>
        %dma_wait3A_918 = tpu.memref_squeeze %dma_wait3A_917 : memref<1x16x128xi32, #tpu.memory_space<hbm>> -> memref<16x128xi32, #tpu.memory_space<hbm>>
        tpu.wait_dma2 semaphore(%arg10 : memref<!tpu.dma_semaphore, #tpu.memory_space<semaphore_mem>>) src(%dma_wait3A_918 : memref<16x128xi32, #tpu.memory_space<hbm>>) dst(%dma_wait3A_915 : memref<16x128xi32, #tpu.memory_space<vmem>>)
        %dma_start3A_919 = arith.constant 0 : i32
        %dma_start3A_920 = arith.constant 0 : i32
        %dma_start3A_921 = arith.constant 0 : i32
        %dma_start3A_922 = arith.constant 0 : i32
        %dma_start3A_923 = tpu.memref_slice %arg7[%dma_start3A_920, %dma_start3A_921, %dma_start3A_922] : memref<2x128x128xf32, #tpu.memory_space<vmem>> -> memref<1x64x128xf32, #tpu.memory_space<vmem>>
        %dma_start3A_924 = tpu.memref_squeeze %dma_start3A_923 : memref<1x64x128xf32, #tpu.memory_space<vmem>> -> memref<64x128xf32, #tpu.memory_space<vmem>>
        %dma_start3A_925 = arith.constant 0 : i32
        %dma_start3A_926 = tpu.memref_slice %arg5[%sub3A_60, %dma_start3A_919, %dma_start3A_925] : memref<2x16x128xi32, #tpu.memory_space<vmem>> -> memref<1x1x64xi32, #tpu.memory_space<vmem>>
        %dma_start3A_927 = tpu.memref_squeeze %dma_start3A_926 : memref<1x1x64xi32, #tpu.memory_space<vmem>> -> memref<64xi32, #tpu.memory_space<vmem>>
        %dma_start3A_928 = arith.constant 0 : i32
        %dma_start3A_929 = arith.constant 0 : i32
        %dma_start3A_930 = tpu.memref_slice %arg2[%dma_start3A_928, %dma_start3A_929] : memref<10240x128xf32, #tpu.memory_space<hbm>> -> memref<10240x128xf32, #tpu.memory_space<hbm>>
        tpu.enqueue_indirect_dma source(%dma_start3A_930 : memref<10240x128xf32, #tpu.memory_space<hbm>>) target(%dma_start3A_924 : memref<64x128xf32, #tpu.memory_space<vmem>>) offsets(%dma_start3A_927 : memref<64xi32, #tpu.memory_space<vmem>>) semaphore(%arg9 : memref<!tpu.dma_semaphore, #tpu.memory_space<semaphore_mem>>)
      } else {
      }
      %dma_wait3A_856 = arith.constant 15 : i32
      %dma_wait3A_857 = arith.constant 1 : i32
      %dma_wait3A_858 = arith.constant 0 : i32
      %dma_wait3A_859 = arith.constant 0 : i32
      %dma_wait3A_860 = tpu.memref_slice %arg7[%dma_wait3A_857, %dma_wait3A_858, %dma_wait3A_859] : memref<2x128x128xf32, #tpu.memory_space<vmem>> -> memref<1x64x128xf32, #tpu.memory_space<vmem>>
      %dma_wait3A_861 = tpu.memref_squeeze %dma_wait3A_860 : memref<1x64x128xf32, #tpu.memory_space<vmem>> -> memref<64x128xf32, #tpu.memory_space<vmem>>
      %dma_wait3A_862 = arith.constant 0 : i32
      %dma_wait3A_863 = tpu.memref_slice %arg5[%rem3A_59, %dma_wait3A_856, %dma_wait3A_862] : memref<2x16x128xi32, #tpu.memory_space<vmem>> -> memref<1x1x64xi32, #tpu.memory_space<vmem>>
      %dma_wait3A_864 = tpu.memref_squeeze %dma_wait3A_863 : memref<1x1x64xi32, #tpu.memory_space<vmem>> -> memref<64xi32, #tpu.memory_space<vmem>>
      %dma_wait3A_865 = arith.constant 0 : i32
      %dma_wait3A_866 = arith.constant 0 : i32
      %dma_wait3A_867 = tpu.memref_slice %arg2[%dma_wait3A_865, %dma_wait3A_866] : memref<10240x128xf32, #tpu.memory_space<hbm>> -> memref<10240x128xf32, #tpu.memory_space<hbm>>
      tpu.wait_indirect_dma semaphore(%arg9 : memref<!tpu.dma_semaphore, #tpu.memory_space<semaphore_mem>>) src(%dma_wait3A_867 : memref<10240x128xf32, #tpu.memory_space<hbm>>) dst(%dma_wait3A_861 : memref<64x128xf32, #tpu.memory_space<vmem>>)
      %dma_wait3A_868 = arith.constant 15 : i32
      %dma_wait3A_869 = arith.constant 1 : i32
      %dma_wait3A_870 = arith.constant 64 : i32
      %dma_wait3A_871 = arith.constant 0 : i32
      %dma_wait3A_872 = tpu.memref_slice %arg7[%dma_wait3A_869, %dma_wait3A_870, %dma_wait3A_871] : memref<2x128x128xf32, #tpu.memory_space<vmem>> -> memref<1x64x128xf32, #tpu.memory_space<vmem>>
      %dma_wait3A_873 = tpu.memref_squeeze %dma_wait3A_872 : memref<1x64x128xf32, #tpu.memory_space<vmem>> -> memref<64x128xf32, #tpu.memory_space<vmem>>
      %dma_wait3A_874 = arith.constant 64 : i32
      %dma_wait3A_875 = tpu.memref_slice %arg5[%rem3A_59, %dma_wait3A_868, %dma_wait3A_874] : memref<2x16x128xi32, #tpu.memory_space<vmem>> -> memref<1x1x64xi32, #tpu.memory_space<vmem>>
      %dma_wait3A_876 = tpu.memref_squeeze %dma_wait3A_875 : memref<1x1x64xi32, #tpu.memory_space<vmem>> -> memref<64xi32, #tpu.memory_space<vmem>>
      %dma_wait3A_877 = arith.constant 0 : i32
      %dma_wait3A_878 = arith.constant 0 : i32
      %dma_wait3A_879 = tpu.memref_slice %arg2[%dma_wait3A_877, %dma_wait3A_878] : memref<10240x128xf32, #tpu.memory_space<hbm>> -> memref<10240x128xf32, #tpu.memory_space<hbm>>
      tpu.wait_indirect_dma semaphore(%arg9 : memref<!tpu.dma_semaphore, #tpu.memory_space<semaphore_mem>>) src(%dma_wait3A_879 : memref<10240x128xf32, #tpu.memory_space<hbm>>) dst(%dma_wait3A_873 : memref<64x128xf32, #tpu.memory_space<vmem>>)
      %add3A_880 = arith.constant 1 : i32
      %add3A_881 = arith.addi %scan3A_58, %add3A_880 : i32
      %lt3A_882 = arith.constant 5 : i32
      %lt3A_883 = arith.cmpi slt, %add3A_881, %lt3A_882 : i32
      %convert_element_type3A_884 = arith.extui %lt3A_883 : i1 to i32
      %cond3A_885 = arith.constant 0 : i32
      %cond3A_886 = arith.cmpi ne, %convert_element_type3A_884, %cond3A_885 : i32
      scf.if %cond3A_886 {
        %dma_start3A_899 = arith.constant 0 : i32
        %dma_start3A_900 = arith.constant 0 : i32
        %dma_start3A_901 = arith.constant 64 : i32
        %dma_start3A_902 = arith.constant 0 : i32
        %dma_start3A_903 = tpu.memref_slice %arg7[%dma_start3A_900, %dma_start3A_901, %dma_start3A_902] : memref<2x128x128xf32, #tpu.memory_space<vmem>> -> memref<1x64x128xf32, #tpu.memory_space<vmem>>
        %dma_start3A_904 = tpu.memref_squeeze %dma_start3A_903 : memref<1x64x128xf32, #tpu.memory_space<vmem>> -> memref<64x128xf32, #tpu.memory_space<vmem>>
        %dma_start3A_905 = arith.constant 64 : i32
        %dma_start3A_906 = tpu.memref_slice %arg5[%sub3A_60, %dma_start3A_899, %dma_start3A_905] : memref<2x16x128xi32, #tpu.memory_space<vmem>> -> memref<1x1x64xi32, #tpu.memory_space<vmem>>
        %dma_start3A_907 = tpu.memref_squeeze %dma_start3A_906 : memref<1x1x64xi32, #tpu.memory_space<vmem>> -> memref<64xi32, #tpu.memory_space<vmem>>
        %dma_start3A_908 = arith.constant 0 : i32
        %dma_start3A_909 = arith.constant 0 : i32
        %dma_start3A_910 = tpu.memref_slice %arg2[%dma_start3A_908, %dma_start3A_909] : memref<10240x128xf32, #tpu.memory_space<hbm>> -> memref<10240x128xf32, #tpu.memory_space<hbm>>
        tpu.enqueue_indirect_dma source(%dma_start3A_910 : memref<10240x128xf32, #tpu.memory_space<hbm>>) target(%dma_start3A_904 : memref<64x128xf32, #tpu.memory_space<vmem>>) offsets(%dma_start3A_907 : memref<64xi32, #tpu.memory_space<vmem>>) semaphore(%arg9 : memref<!tpu.dma_semaphore, #tpu.memory_space<semaphore_mem>>)
      } else {
      }
      %mul3A_887 = arith.constant 16 : i32
      %mul3A_888 = arith.muli %scan3A_58, %mul3A_887 : i32
      %add3A_889 = arith.constant 15 : i32
      %add3A_890 = arith.addi %mul3A_888, %add3A_889 : i32
      %run_scoped3A_891 = arith.constant 1 : i32
      "tpu.region"() ({
        %run_scoped3A_899 = tpu.sem_alloc : memref<!tpu.dma_semaphore, #tpu.memory_space<semaphore_mem>>
        %dma_start3A_900 = arith.constant 0 : i32
        %dma_start3A_901 = arith.constant 0 : i32
        %dma_start3A_902 = tpu.memref_slice %arg7[%run_scoped3A_891, %dma_start3A_900, %dma_start3A_901] : memref<2x128x128xf32, #tpu.memory_space<vmem>> -> memref<1x128x128xf32, #tpu.memory_space<vmem>>
        %dma_start3A_903 = tpu.memref_squeeze %dma_start3A_902 : memref<1x128x128xf32, #tpu.memory_space<vmem>> -> memref<128x128xf32, #tpu.memory_space<vmem>>
        %dma_start3A_904 = arith.constant 0 : i32
        %dma_start3A_905 = tpu.memref_slice %arg6[%add3A_890, %dma_start3A_904] : memref<80x128xi32, #tpu.memory_space<vmem>> -> memref<1x128xi32, #tpu.memory_space<vmem>>
        %dma_start3A_906 = tpu.memref_squeeze %dma_start3A_905 : memref<1x128xi32, #tpu.memory_space<vmem>> -> memref<128xi32, #tpu.memory_space<vmem>>
        %dma_start3A_907 = arith.constant 0 : i32
        %dma_start3A_908 = arith.constant 0 : i32
        %dma_start3A_909 = tpu.memref_slice %arg8[%dma_start3A_907, %dma_start3A_908] : memref<10240x128xf32, #tpu.memory_space<vmem_shared>> -> memref<10240x128xf32, #tpu.memory_space<vmem_shared>>
        tpu.enqueue_indirect_dma source(%dma_start3A_903 : memref<128x128xf32, #tpu.memory_space<vmem>>) target(%dma_start3A_909 : memref<10240x128xf32, #tpu.memory_space<vmem_shared>>) offsets(%dma_start3A_906 : memref<128xi32, #tpu.memory_space<vmem>>) semaphore(%run_scoped3A_899 : memref<!tpu.dma_semaphore, #tpu.memory_space<semaphore_mem>>) {add = true}
        %dma_wait3A_910 = arith.constant 0 : i32
        %dma_wait3A_911 = arith.constant 0 : i32
        %dma_wait3A_912 = tpu.memref_slice %arg7[%run_scoped3A_891, %dma_wait3A_910, %dma_wait3A_911] : memref<2x128x128xf32, #tpu.memory_space<vmem>> -> memref<1x128x128xf32, #tpu.memory_space<vmem>>
        %dma_wait3A_913 = tpu.memref_squeeze %dma_wait3A_912 : memref<1x128x128xf32, #tpu.memory_space<vmem>> -> memref<128x128xf32, #tpu.memory_space<vmem>>
        %dma_wait3A_914 = arith.constant 0 : i32
        %dma_wait3A_915 = tpu.memref_slice %arg6[%add3A_890, %dma_wait3A_914] : memref<80x128xi32, #tpu.memory_space<vmem>> -> memref<1x128xi32, #tpu.memory_space<vmem>>
        %dma_wait3A_916 = tpu.memref_squeeze %dma_wait3A_915 : memref<1x128xi32, #tpu.memory_space<vmem>> -> memref<128xi32, #tpu.memory_space<vmem>>
        %dma_wait3A_917 = arith.constant 0 : i32
        %dma_wait3A_918 = arith.constant 0 : i32
        %dma_wait3A_919 = tpu.memref_slice %arg8[%dma_wait3A_917, %dma_wait3A_918] : memref<10240x128xf32, #tpu.memory_space<vmem_shared>> -> memref<10240x128xf32, #tpu.memory_space<vmem_shared>>
        tpu.wait_indirect_dma semaphore(%run_scoped3A_899 : memref<!tpu.dma_semaphore, #tpu.memory_space<semaphore_mem>>) src(%dma_wait3A_913 : memref<128x128xf32, #tpu.memory_space<vmem>>) dst(%dma_wait3A_919 : memref<10240x128xf32, #tpu.memory_space<vmem_shared>>)
        tpu.yield
      }) : () -> ()
      %add3A_892 = arith.constant 1 : i32
      %add3A_893 = arith.addi %scan3A_58, %add3A_892 : i32
      %lt3A_894 = arith.constant 5 : i32
      %lt3A_895 = arith.cmpi slt, %add3A_893, %lt3A_894 : i32
      %convert_element_type3A_896 = arith.extui %lt3A_895 : i1 to i32
      %cond3A_897 = arith.constant 0 : i32
      %cond3A_898 = arith.cmpi ne, %convert_element_type3A_896, %cond3A_897 : i32
      scf.if %cond3A_898 {
        %dma_start3A_899 = arith.constant 1 : i32
        %dma_start3A_900 = arith.constant 1 : i32
        %dma_start3A_901 = arith.constant 0 : i32
        %dma_start3A_902 = arith.constant 0 : i32
        %dma_start3A_903 = tpu.memref_slice %arg7[%dma_start3A_900, %dma_start3A_901, %dma_start3A_902] : memref<2x128x128xf32, #tpu.memory_space<vmem>> -> memref<1x64x128xf32, #tpu.memory_space<vmem>>
        %dma_start3A_904 = tpu.memref_squeeze %dma_start3A_903 : memref<1x64x128xf32, #tpu.memory_space<vmem>> -> memref<64x128xf32, #tpu.memory_space<vmem>>
        %dma_start3A_905 = arith.constant 0 : i32
        %dma_start3A_906 = tpu.memref_slice %arg5[%sub3A_60, %dma_start3A_899, %dma_start3A_905] : memref<2x16x128xi32, #tpu.memory_space<vmem>> -> memref<1x1x64xi32, #tpu.memory_space<vmem>>
        %dma_start3A_907 = tpu.memref_squeeze %dma_start3A_906 : memref<1x1x64xi32, #tpu.memory_space<vmem>> -> memref<64xi32, #tpu.memory_space<vmem>>
        %dma_start3A_908 = arith.constant 0 : i32
        %dma_start3A_909 = arith.constant 0 : i32
        %dma_start3A_910 = tpu.memref_slice %arg2[%dma_start3A_908, %dma_start3A_909] : memref<10240x128xf32, #tpu.memory_space<hbm>> -> memref<10240x128xf32, #tpu.memory_space<hbm>>
        tpu.enqueue_indirect_dma source(%dma_start3A_910 : memref<10240x128xf32, #tpu.memory_space<hbm>>) target(%dma_start3A_904 : memref<64x128xf32, #tpu.memory_space<vmem>>) offsets(%dma_start3A_907 : memref<64xi32, #tpu.memory_space<vmem>>) semaphore(%arg9 : memref<!tpu.dma_semaphore, #tpu.memory_space<semaphore_mem>>)
      } else {
      }
    }
    %scan3A_56 = arith.constant 5 : i32
    %barrier3A_57 = arith.constant 0 : index
    tpu.barrier barrier_id(%barrier3A_57)
    "tpu.region"() ({
      %run_scoped3A_58 = tpu.sem_alloc : memref<!tpu.dma_semaphore, #tpu.memory_space<semaphore_mem>>
      %dma_start3A_59 = arith.constant 0 : i32
      %dma_start3A_60 = tpu.memref_slice %arg4[%arg0, %mul3A_6, %dma_start3A_59] : memref<2x10240x128xf32, #tpu.memory_space<hbm>> -> memref<1x640x128xf32, #tpu.memory_space<hbm>>
      %dma_start3A_61 = tpu.memref_squeeze %dma_start3A_60 : memref<1x640x128xf32, #tpu.memory_space<hbm>> -> memref<640x128xf32, #tpu.memory_space<hbm>>
      %dma_start3A_62 = arith.constant 0 : i32
      %dma_start3A_63 = tpu.memref_slice %arg8[%mul3A_6, %dma_start3A_62] : memref<10240x128xf32, #tpu.memory_space<vmem_shared>> -> memref<640x128xf32, #tpu.memory_space<vmem_shared>>
      tpu.enqueue_dma source(%dma_start3A_63 : memref<640x128xf32, #tpu.memory_space<vmem_shared>>) target(%dma_start3A_61 : memref<640x128xf32, #tpu.memory_space<hbm>>) target_semaphore(%run_scoped3A_58 : memref<!tpu.dma_semaphore, #tpu.memory_space<semaphore_mem>>)
      %dma_wait3A = arith.constant 0 : i32
      %dma_wait3A_64 = tpu.memref_slice %arg4[%arg0, %mul3A_6, %dma_wait3A] : memref<2x10240x128xf32, #tpu.memory_space<hbm>> -> memref<1x640x128xf32, #tpu.memory_space<hbm>>
      %dma_wait3A_65 = tpu.memref_squeeze %dma_wait3A_64 : memref<1x640x128xf32, #tpu.memory_space<hbm>> -> memref<640x128xf32, #tpu.memory_space<hbm>>
      %dma_wait3A_66 = arith.constant 0 : i32
      %dma_wait3A_67 = tpu.memref_slice %arg8[%mul3A_6, %dma_wait3A_66] : memref<10240x128xf32, #tpu.memory_space<vmem_shared>> -> memref<640x128xf32, #tpu.memory_space<vmem_shared>>
      tpu.wait_dma2 semaphore(%run_scoped3A_58 : memref<!tpu.dma_semaphore, #tpu.memory_space<semaphore_mem>>) src(%dma_wait3A_67 : memref<640x128xf32, #tpu.memory_space<vmem_shared>>) dst(%dma_wait3A_65 : memref<640x128xf32, #tpu.memory_space<hbm>>)
      tpu.yield
    }) : () -> ()
    return
  }
}

module attributes {stable_mosaic.version = 14 : i64} {
  func.func @_tc1_body(%arg0: i32, %arg1: memref<5000x128xf32, #tpu.memory_space<vmem>>, %arg2: memref<128x128xf32, #tpu.memory_space<vmem>>, %arg3: memref<5000x1xf32, #tpu.memory_space<vmem>>, %arg4: memref<5000x128xf32, #tpu.memory_space<vmem>>) attributes {dimension_semantics = [#tpu.dimension_semantics<arbitrary>], iteration_bounds = array<i64: 2>, scalar_prefetch = 0 : i64, scratch_operands = 0 : i64, tpu.core_type = #tpu.core_type<tc>, window_params = [{transform_indices = @transform_0, window_bounds = array<i64: 5000, 128>}, {pipeline_mode = #tpu.pipeline_mode<synchronous>, transform_indices = @transform_1, window_bounds = array<i64: 128, 128>}, {transform_indices = @transform_2, window_bounds = array<i64: 5000, 1>}, {transform_indices = @transform_3, window_bounds = array<i64: 5000, 128>}]} {
    %get3A = arith.constant 0 : index
    %get3A_0 = arith.constant 0 : index
    %get3A_1 = vector.load %arg3[%get3A, %get3A_0] : memref<5000x1xf32, #tpu.memory_space<vmem>>, vector<5000x1xf32>
    %rsqrt3A = math.rsqrt %get3A_1 : vector<5000x1xf32>
    %get3A_2 = arith.constant 0 : index
    %get3A_3 = arith.constant 0 : index
    %get3A_4 = vector.load %arg1[%get3A_2, %get3A_3] : memref<5000x128xf32, #tpu.memory_space<vmem>>, vector<5000x128xf32>
    %get3A_5 = arith.constant 0 : index
    %get3A_6 = arith.constant 0 : index
    %get3A_7 = vector.load %arg2[%get3A_5, %get3A_6] : memref<128x128xf32, #tpu.memory_space<vmem>>, vector<128x128xf32>
    %dot_general3A = arith.constant dense<0.000000e+00> : vector<5000x128xf32>
    %dot_general3A_8 = tpu.matmul %get3A_4, %get3A_7, %dot_general3A {dimension_numbers = #tpu.dot_dimension_numbers<[1], [0], [0], [1], [0, 0, 1, 1], [], []>, transpose_lhs_hint = false} : vector<5000x128xf32>, vector<128x128xf32>, vector<5000x128xf32> -> vector<5000x128xf32>
    %mul3A = vector.broadcast %rsqrt3A : vector<5000x1xf32> to vector<5000x128xf32>
    %mul3A_9 = arith.mulf %dot_general3A_8, %mul3A : vector<5000x128xf32>
    %swap3A = arith.constant 0 : index
    %swap3A_10 = arith.constant 0 : index
    %swap3A_11 = vector.load %arg4[%swap3A, %swap3A_10] : memref<5000x128xf32, #tpu.memory_space<vmem>>, vector<5000x128xf32>
    tpu.vector_store %arg4[%swap3A, %swap3A_10], %mul3A_9 {strides = array<i32>} : memref<5000x128xf32, #tpu.memory_space<vmem>>, vector<5000x128xf32>,
    return
  }
  func.func @transform_0(%arg0: i32) -> (i32, i32) {
    %c0_i32 = arith.constant 0 : i32
    %c0_i32_0 = arith.constant 0 : i32
    return %arg0, %c0_i32 : i32, i32
  }
  func.func @transform_1(%arg0: i32) -> (i32, i32) {
    %c0_i32 = arith.constant 0 : i32
    %c0_i32_0 = arith.constant 0 : i32
    %c0_i32_1 = arith.constant 0 : i32
    return %c0_i32, %c0_i32_0 : i32, i32
  }
  func.func @transform_2(%arg0: i32) -> (i32, i32) {
    %c0_i32 = arith.constant 0 : i32
    %c0_i32_0 = arith.constant 0 : i32
    return %arg0, %c0_i32 : i32, i32
  }
  func.func @transform_3(%arg0: i32) -> (i32, i32) {
    %c0_i32 = arith.constant 0 : i32
    %c0_i32_0 = arith.constant 0 : i32
    return %arg0, %c0_i32 : i32, i32
  }
}

module attributes {stable_mosaic.version = 14 : i64} {
  func.func @_tc2_body(%arg0: i32, %arg1: memref<2x5000x128xf32, #tpu.memory_space<vmem>>, %arg2: memref<5000x1xf32, #tpu.memory_space<vmem>>, %arg3: memref<1x128xf32, #tpu.memory_space<vmem>>, %arg4: memref<128x128xf32, #tpu.memory_space<vmem>>, %arg5: memref<5000x128xf32, #tpu.memory_space<vmem>>) attributes {dimension_semantics = [#tpu.dimension_semantics<arbitrary>], iteration_bounds = array<i64: 2>, scalar_prefetch = 0 : i64, scratch_operands = 0 : i64, tpu.core_type = #tpu.core_type<tc>, window_params = [{transform_indices = @transform_0, window_bounds = array<i64: 2, 5000, 128>}, {transform_indices = @transform_1, window_bounds = array<i64: 5000, 1>}, {pipeline_mode = #tpu.pipeline_mode<synchronous>, transform_indices = @transform_2, window_bounds = array<i64: 1, 128>}, {pipeline_mode = #tpu.pipeline_mode<synchronous>, transform_indices = @transform_3, window_bounds = array<i64: 128, 128>}, {transform_indices = @transform_4, window_bounds = array<i64: 5000, 128>}]} {
    %get3A = arith.constant 0 : index
    %get3A_0 = arith.constant 0 : index
    %get3A_1 = vector.load %arg2[%get3A, %get3A_0] : memref<5000x1xf32, #tpu.memory_space<vmem>>, vector<5000x1xf32>
    %rsqrt3A = math.rsqrt %get3A_1 : vector<5000x1xf32>
    %get3A_2 = arith.constant 0 : index
    %get3A_3 = arith.constant 0 : index
    %get3A_4 = arith.constant 0 : index
    %get3A_5 = vector.load %arg1[%get3A_2, %get3A_3, %get3A_4] : memref<2x5000x128xf32, #tpu.memory_space<vmem>>, vector<1x5000x128xf32>
    %get3A_6 = vector.shape_cast %get3A_5 : vector<1x5000x128xf32> to vector<5000x128xf32>
    %get3A_7 = arith.constant 1 : index
    %get3A_8 = arith.constant 0 : index
    %get3A_9 = arith.constant 0 : index
    %get3A_10 = vector.load %arg1[%get3A_7, %get3A_8, %get3A_9] : memref<2x5000x128xf32, #tpu.memory_space<vmem>>, vector<1x5000x128xf32>
    %get3A_11 = vector.shape_cast %get3A_10 : vector<1x5000x128xf32> to vector<5000x128xf32>
    %add3A = arith.addf %get3A_6, %get3A_11 : vector<5000x128xf32>
    %mul3A = vector.broadcast %rsqrt3A : vector<5000x1xf32> to vector<5000x128xf32>
    %mul3A_12 = arith.mulf %mul3A, %add3A : vector<5000x128xf32>
    %get3A_13 = arith.constant 0 : index
    %get3A_14 = arith.constant 0 : index
    %get3A_15 = vector.load %arg3[%get3A_13, %get3A_14] : memref<1x128xf32, #tpu.memory_space<vmem>>, vector<1x128xf32>
    %add3A_16 = vector.broadcast %get3A_15 : vector<1x128xf32> to vector<5000x128xf32>
    %add3A_17 = arith.addf %mul3A_12, %add3A_16 : vector<5000x128xf32>
    %max3A = arith.constant 0.000000e+00 : f32
    %max3A_18 = vector.broadcast %max3A : f32 to vector<5000x128xf32>
    %max3A_19 = arith.maximumf %add3A_17, %max3A_18 : vector<5000x128xf32>
    %get3A_20 = arith.constant 0 : index
    %get3A_21 = arith.constant 0 : index
    %get3A_22 = vector.load %arg4[%get3A_20, %get3A_21] : memref<128x128xf32, #tpu.memory_space<vmem>>, vector<128x128xf32>
    %dot_general3A = arith.constant dense<0.000000e+00> : vector<5000x128xf32>
    %dot_general3A_23 = tpu.matmul %max3A_19, %get3A_22, %dot_general3A {dimension_numbers = #tpu.dot_dimension_numbers<[1], [0], [0], [1], [0, 0, 1, 1], [], []>, transpose_lhs_hint = false} : vector<5000x128xf32>, vector<128x128xf32>, vector<5000x128xf32> -> vector<5000x128xf32>
    %mul3A_24 = vector.broadcast %rsqrt3A : vector<5000x1xf32> to vector<5000x128xf32>
    %mul3A_25 = arith.mulf %dot_general3A_23, %mul3A_24 : vector<5000x128xf32>
    %swap3A = arith.constant 0 : index
    %swap3A_26 = arith.constant 0 : index
    %swap3A_27 = vector.load %arg5[%swap3A, %swap3A_26] : memref<5000x128xf32, #tpu.memory_space<vmem>>, vector<5000x128xf32>
    tpu.vector_store %arg5[%swap3A, %swap3A_26], %mul3A_25 {strides = array<i32>} : memref<5000x128xf32, #tpu.memory_space<vmem>>, vector<5000x128xf32>,
    return
  }
  func.func @transform_0(%arg0: i32) -> (i32, i32, i32) {
    %c0_i32 = arith.constant 0 : i32
    %c0_i32_0 = arith.constant 0 : i32
    %c0_i32_1 = arith.constant 0 : i32
    return %c0_i32, %arg0, %c0_i32_0 : i32, i32, i32
  }
  func.func @transform_1(%arg0: i32) -> (i32, i32) {
    %c0_i32 = arith.constant 0 : i32
    %c0_i32_0 = arith.constant 0 : i32
    return %arg0, %c0_i32 : i32, i32
  }
  func.func @transform_2(%arg0: i32) -> (i32, i32) {
    %c0_i32 = arith.constant 0 : i32
    %c0_i32_0 = arith.constant 0 : i32
    %c0_i32_1 = arith.constant 0 : i32
    return %c0_i32, %c0_i32_0 : i32, i32
  }
  func.func @transform_3(%arg0: i32) -> (i32, i32) {
    %c0_i32 = arith.constant 0 : i32
    %c0_i32_0 = arith.constant 0 : i32
    %c0_i32_1 = arith.constant 0 : i32
    return %c0_i32, %c0_i32_0 : i32, i32
  }
  func.func @transform_4(%arg0: i32) -> (i32, i32) {
    %c0_i32 = arith.constant 0 : i32
    %c0_i32_0 = arith.constant 0 : i32
    return %arg0, %c0_i32 : i32, i32
  }
}

module attributes {stable_mosaic.version = 14 : i64} {
  func.func @_tc3_body(%arg0: i32, %arg1: memref<2x5000x128xf32, #tpu.memory_space<vmem>>, %arg2: memref<5000x1xf32, #tpu.memory_space<vmem>>, %arg3: memref<1x128xf32, #tpu.memory_space<vmem>>, %arg4: memref<1x1x5000xi32, #tpu.memory_space<vmem>>, %arg5: memref<128x20xf32, #tpu.memory_space<vmem>>, %arg6: memref<1x20xf32, #tpu.memory_space<vmem>>, %arg7: memref<64x20xf32, #tpu.memory_space<vmem>>, %arg8: memref<64x128xf32, #tpu.memory_space<vmem>>, %arg9: memref<64x1xf32, #tpu.memory_space<vmem>>) attributes {dimension_semantics = [#tpu.dimension_semantics<arbitrary>], iteration_bounds = array<i64: 2>, scalar_prefetch = 0 : i64, scratch_operands = 2 : i64, tpu.core_type = #tpu.core_type<tc>, window_params = [{transform_indices = @transform_0, window_bounds = array<i64: 2, 5000, 128>}, {transform_indices = @transform_1, window_bounds = array<i64: 5000, 1>}, {pipeline_mode = #tpu.pipeline_mode<synchronous>, transform_indices = @transform_2, window_bounds = array<i64: 1, 128>}, {transform_indices = @transform_3, window_bounds = array<i64: 1, 1, 5000>}, {pipeline_mode = #tpu.pipeline_mode<synchronous>, transform_indices = @transform_4, window_bounds = array<i64: 128, 20>}, {pipeline_mode = #tpu.pipeline_mode<synchronous>, transform_indices = @transform_5, window_bounds = array<i64: 1, 20>}, {pipeline_mode = #tpu.pipeline_mode<synchronous>, transform_indices = @transform_6, window_bounds = array<i64: 64, 20>}]} {
    %get3A = arith.constant 0 : index
    %get3A_0 = arith.constant 0 : index
    %get3A_1 = vector.load %arg2[%get3A, %get3A_0] : memref<5000x1xf32, #tpu.memory_space<vmem>>, vector<5000x1xf32>
    %rsqrt3A = math.rsqrt %get3A_1 : vector<5000x1xf32>
    %get3A_2 = arith.constant 0 : index
    %get3A_3 = arith.constant 0 : index
    %get3A_4 = arith.constant 0 : index
    %get3A_5 = vector.load %arg1[%get3A_2, %get3A_3, %get3A_4] : memref<2x5000x128xf32, #tpu.memory_space<vmem>>, vector<1x5000x128xf32>
    %get3A_6 = vector.shape_cast %get3A_5 : vector<1x5000x128xf32> to vector<5000x128xf32>
    %get3A_7 = arith.constant 1 : index
    %get3A_8 = arith.constant 0 : index
    %get3A_9 = arith.constant 0 : index
    %get3A_10 = vector.load %arg1[%get3A_7, %get3A_8, %get3A_9] : memref<2x5000x128xf32, #tpu.memory_space<vmem>>, vector<1x5000x128xf32>
    %get3A_11 = vector.shape_cast %get3A_10 : vector<1x5000x128xf32> to vector<5000x128xf32>
    %add3A = arith.addf %get3A_6, %get3A_11 : vector<5000x128xf32>
    %mul3A = vector.broadcast %rsqrt3A : vector<5000x1xf32> to vector<5000x128xf32>
    %mul3A_12 = arith.mulf %mul3A, %add3A : vector<5000x128xf32>
    %get3A_13 = arith.constant 0 : index
    %get3A_14 = arith.constant 0 : index
    %get3A_15 = vector.load %arg3[%get3A_13, %get3A_14] : memref<1x128xf32, #tpu.memory_space<vmem>>, vector<1x128xf32>
    %add3A_16 = vector.broadcast %get3A_15 : vector<1x128xf32> to vector<5000x128xf32>
    %add3A_17 = arith.addf %mul3A_12, %add3A_16 : vector<5000x128xf32>
    %max3A = arith.constant 0.000000e+00 : f32
    %max3A_18 = vector.broadcast %max3A : f32 to vector<5000x128xf32>
    %max3A_19 = arith.maximumf %add3A_17, %max3A_18 : vector<5000x128xf32>
    %iota3A = tpu.iota {dimensions = array<i32: 0>} : vector<64x5000xi32>
    %get3A_20 = arith.constant 0 : index
    %get3A_21 = arith.constant 0 : index
    %get3A_22 = arith.constant 0 : index
    %get3A_23 = vector.load %arg4[%get3A_20, %get3A_21, %get3A_22] : memref<1x1x5000xi32, #tpu.memory_space<vmem>>, vector<1x1x5000xi32>
    %get3A_24 = vector.shape_cast %get3A_23 : vector<1x1x5000xi32> to vector<1x5000xi32>
    %eq3A = vector.broadcast %get3A_24 : vector<1x5000xi32> to vector<64x5000xi32>
    %eq3A_25 = arith.cmpi eq, %eq3A, %iota3A : vector<64x5000xi32>
    %convert_element_type3A = arith.extui %eq3A_25 : vector<64x5000xi1> to vector<64x5000xi32>
    %convert_element_type3A_26 = arith.sitofp %convert_element_type3A : vector<64x5000xi32> to vector<64x5000xf32>
    %dot_general3A = arith.constant dense<0.000000e+00> : vector<64x128xf32>
    %dot_general3A_27 = tpu.matmul %convert_element_type3A_26, %max3A_19, %dot_general3A {dimension_numbers = #tpu.dot_dimension_numbers<[1], [0], [0], [1], [0, 0, 1, 1], [], []>, transpose_lhs_hint = false} : vector<64x5000xf32>, vector<5000x128xf32>, vector<64x128xf32> -> vector<64x128xf32>
    %reduce_sum3A = arith.constant dense<0.000000e+00> : vector<64xf32>
    %reduce_sum3A_28 = vector.multi_reduction <add>, %convert_element_type3A_26, %reduce_sum3A [1] : vector<64x5000xf32> to vector<64xf32>
    %broadcast_in_dim3A = vector.shape_cast %reduce_sum3A_28 : vector<64xf32> to vector<64x1xf32>
    %eq3A_29 = arith.constant 0 : i32
    %eq3A_30 = arith.cmpi eq, %arg0, %eq3A_29 : i32
    %convert_element_type3A_31 = arith.extui %eq3A_30 : i1 to i32
    %cond3A = arith.constant 0 : i32
    %cond3A_32 = arith.cmpi ne, %convert_element_type3A_31, %cond3A : i32
    scf.if %cond3A_32 {
      %swap3A = arith.constant 0 : index
      %swap3A_42 = arith.constant 0 : index
      %swap3A_43 = vector.load %arg8[%swap3A, %swap3A_42] : memref<64x128xf32, #tpu.memory_space<vmem>>, vector<64x128xf32>
      tpu.vector_store %arg8[%swap3A, %swap3A_42], %dot_general3A_27 {strides = array<i32>} : memref<64x128xf32, #tpu.memory_space<vmem>>, vector<64x128xf32>,
      %swap3A_44 = arith.constant 0 : index
      %swap3A_45 = arith.constant 0 : index
      %swap3A_46 = vector.load %arg9[%swap3A_44, %swap3A_45] : memref<64x1xf32, #tpu.memory_space<vmem>>, vector<64x1xf32>
      tpu.vector_store %arg9[%swap3A_44, %swap3A_45], %broadcast_in_dim3A {strides = array<i32>} : memref<64x1xf32, #tpu.memory_space<vmem>>, vector<64x1xf32>,
    } else {
    }
    %gt3A = arith.constant 0 : i32
    %gt3A_33 = arith.cmpi sgt, %arg0, %gt3A : i32
    %convert_element_type3A_34 = arith.extui %gt3A_33 : i1 to i32
    %cond3A_35 = arith.constant 0 : i32
    %cond3A_36 = arith.cmpi ne, %convert_element_type3A_34, %cond3A_35 : i32
    scf.if %cond3A_36 {
      %get3A_42 = arith.constant 0 : index
      %get3A_43 = arith.constant 0 : index
      %get3A_44 = vector.load %arg8[%get3A_42, %get3A_43] : memref<64x128xf32, #tpu.memory_space<vmem>>, vector<64x128xf32>
      %add3A_45 = arith.addf %get3A_44, %dot_general3A_27 : vector<64x128xf32>
      %swap3A = arith.constant 0 : index
      %swap3A_46 = arith.constant 0 : index
      %swap3A_47 = vector.load %arg8[%swap3A, %swap3A_46] : memref<64x128xf32, #tpu.memory_space<vmem>>, vector<64x128xf32>
      tpu.vector_store %arg8[%swap3A, %swap3A_46], %add3A_45 {strides = array<i32>} : memref<64x128xf32, #tpu.memory_space<vmem>>, vector<64x128xf32>,
      %get3A_48 = arith.constant 0 : index
      %get3A_49 = arith.constant 0 : index
      %get3A_50 = vector.load %arg9[%get3A_48, %get3A_49] : memref<64x1xf32, #tpu.memory_space<vmem>>, vector<64x1xf32>
      %add3A_51 = arith.addf %get3A_50, %broadcast_in_dim3A : vector<64x1xf32>
      %swap3A_52 = arith.constant 0 : index
      %swap3A_53 = arith.constant 0 : index
      %swap3A_54 = vector.load %arg9[%swap3A_52, %swap3A_53] : memref<64x1xf32, #tpu.memory_space<vmem>>, vector<64x1xf32>
      tpu.vector_store %arg9[%swap3A_52, %swap3A_53], %add3A_51 {strides = array<i32>} : memref<64x1xf32, #tpu.memory_space<vmem>>, vector<64x1xf32>,
    } else {
    }
    %eq3A_37 = arith.constant 1 : i32
    %eq3A_38 = arith.cmpi eq, %arg0, %eq3A_37 : i32
    %convert_element_type3A_39 = arith.extui %eq3A_38 : i1 to i32
    %cond3A_40 = arith.constant 0 : i32
    %cond3A_41 = arith.cmpi ne, %convert_element_type3A_39, %cond3A_40 : i32
    scf.if %cond3A_41 {
      %get3A_42 = arith.constant 0 : index
      %get3A_43 = arith.constant 0 : index
      %get3A_44 = vector.load %arg8[%get3A_42, %get3A_43] : memref<64x128xf32, #tpu.memory_space<vmem>>, vector<64x128xf32>
      %get3A_45 = arith.constant 0 : index
      %get3A_46 = arith.constant 0 : index
      %get3A_47 = vector.load %arg9[%get3A_45, %get3A_46] : memref<64x1xf32, #tpu.memory_space<vmem>>, vector<64x1xf32>
      %max3A_48 = arith.constant 1.000000e+00 : f32
      %max3A_49 = vector.broadcast %max3A_48 : f32 to vector<64x1xf32>
      %max3A_50 = arith.maximumf %get3A_47, %max3A_49 : vector<64x1xf32>
      %div3A = vector.broadcast %max3A_50 : vector<64x1xf32> to vector<64x128xf32>
      %div3A_51 = arith.divf %get3A_44, %div3A : vector<64x128xf32>
      %get3A_52 = arith.constant 0 : index
      %get3A_53 = arith.constant 0 : index
      %get3A_54 = vector.load %arg5[%get3A_52, %get3A_53] : memref<128x20xf32, #tpu.memory_space<vmem>>, vector<128x20xf32>
      %dot_general3A_55 = arith.constant dense<0.000000e+00> : vector<64x20xf32>
      %dot_general3A_56 = tpu.matmul %div3A_51, %get3A_54, %dot_general3A_55 {dimension_numbers = #tpu.dot_dimension_numbers<[1], [0], [0], [1], [0, 0, 1, 1], [], []>, transpose_lhs_hint = false} : vector<64x128xf32>, vector<128x20xf32>, vector<64x20xf32> -> vector<64x20xf32>
      %get3A_57 = arith.constant 0 : index
      %get3A_58 = arith.constant 0 : index
      %get3A_59 = vector.load %arg6[%get3A_57, %get3A_58] : memref<1x20xf32, #tpu.memory_space<vmem>>, vector<1x20xf32>
      %add3A_60 = vector.broadcast %get3A_59 : vector<1x20xf32> to vector<64x20xf32>
      %add3A_61 = arith.addf %dot_general3A_56, %add3A_60 : vector<64x20xf32>
      %swap3A = arith.constant 0 : index
      %swap3A_62 = arith.constant 0 : index
      %swap3A_63 = vector.load %arg7[%swap3A, %swap3A_62] : memref<64x20xf32, #tpu.memory_space<vmem>>, vector<64x20xf32>
      tpu.vector_store %arg7[%swap3A, %swap3A_62], %add3A_61 {strides = array<i32>} : memref<64x20xf32, #tpu.memory_space<vmem>>, vector<64x20xf32>,
    } else {
    }
    return
  }
  func.func @transform_0(%arg0: i32) -> (i32, i32, i32) {
    %c0_i32 = arith.constant 0 : i32
    %c0_i32_0 = arith.constant 0 : i32
    %c0_i32_1 = arith.constant 0 : i32
    return %c0_i32, %arg0, %c0_i32_0 : i32, i32, i32
  }
  func.func @transform_1(%arg0: i32) -> (i32, i32) {
    %c0_i32 = arith.constant 0 : i32
    %c0_i32_0 = arith.constant 0 : i32
    return %arg0, %c0_i32 : i32, i32
  }
  func.func @transform_2(%arg0: i32) -> (i32, i32) {
    %c0_i32 = arith.constant 0 : i32
    %c0_i32_0 = arith.constant 0 : i32
    %c0_i32_1 = arith.constant 0 : i32
    return %c0_i32, %c0_i32_0 : i32, i32
  }
  func.func @transform_3(%arg0: i32) -> (i32, i32, i32) {
    %c0_i32 = arith.constant 0 : i32
    %c0_i32_0 = arith.constant 0 : i32
    %c0_i32_1 = arith.constant 0 : i32
    return %arg0, %c0_i32, %c0_i32_0 : i32, i32, i32
  }
  func.func @transform_4(%arg0: i32) -> (i32, i32) {
    %c0_i32 = arith.constant 0 : i32
    %c0_i32_0 = arith.constant 0 : i32
    %c0_i32_1 = arith.constant 0 : i32
    return %c0_i32, %c0_i32_0 : i32, i32
  }
  func.func @transform_5(%arg0: i32) -> (i32, i32) {
    %c0_i32 = arith.constant 0 : i32
    %c0_i32_0 = arith.constant 0 : i32
    %c0_i32_1 = arith.constant 0 : i32
    return %c0_i32, %c0_i32_0 : i32, i32
  }
  func.func @transform_6(%arg0: i32) -> (i32, i32) {
    %c0_i32 = arith.constant 0 : i32
    %c0_i32_0 = arith.constant 0 : i32
    %c0_i32_1 = arith.constant 0 : i32
    return %c0_i32, %c0_i32_0 : i32, i32
  }
}

</mosaic_0001>

<sc_bundles>
// kernel: kernel.11.cloned.1.call-start
scs
__scs_entry_jumppad:
0x0: {  	(pc) =	sbr.rel $0x88, $3  }
0x1: {  	(tag) =	ssettag $0x0;
	lr =	simm.s32 $0x1  }
0x2: {  	[smem:$0x3F98] =	sst lr;
	_ =	strace $0xD0000000  }
0x3: {  	_ = 	snop  }
0x4: {  	_ = 	snop  }
0x5: {  	_ = 	snop  }
0x6: {  	_ = 	snop  }
0x7: {  	_ = 	snop  }
__scs_overlays_trampoline_lowered:
0x8: {  	[smem:$0x3FA7] =	sst s0  }
0x9: {  	[smem:$0x3FA8] =	sst s1  }
0xa: {  	[smem:$0x3FA9] =	sst s2  }
0xb: {  	[smem:$0x3FAA] =	sst s3  }
0xc: {  	[smem:$0x3FAB] =	sst s4  }
0xd: {  	[smem:$0x3FAC] =	sst s5  }
0xe: {  	[smem:$0x3FAD] =	sst s6  }
0xf: {  	[smem:$0x3FAE] =	sst s7  }
0x10: {  	[smem:$0x3FAF] =	sst s8  }
0x11: {  	[smem:$0x3FB0] =	sst s9;
	s0 =	simm.s32 @!p0 $0x0  }
0x12: {  	s1 =	sld [smem:$0x3F96];
	s0 =	simm.s32 @p0 $0x1  }
0x13: {  	[smem:$0x3FB1] =	sst s0;
	s0 =	simm.s32 @!p1 $0x0  }
0x14: {  	s2 =	sld [smem:$0x3F95];
	s0 =	simm.s32 @p1 $0x1  }
0x15: {  	[smem:$0x3FB2] =	sst s0;
	s0 =	simm.s32 @!p2 $0x0  }
0x16: {  	s3 =	sld [smem:$0x3FDB];
	s0 =	simm.s32 @p2 $0x1  }
0x17: {  	s4 =	simm.s32 $0x1BF5;
	[smem:$0x3FB4] =	sst s0  }
0x18: {  	s0 =	sld [smem:$0x3F97];
	_ =	swait.ge [sflag:s4], $0x0  }
0x19: {  	s7 =	sld [smem:$0x3F98]  }
0x1a: {  	s8 =	sadd.s32 $0xFFFFE003, lr  }
0x1b: {  	s9 =	sadd.s32 $0xFFFFFEF7, lr;
	s5 =	simm.s32 $0xFFFFFFFF;
	p2 =	slt.u32 s8, $0xFFFFF086  }
0x1c: {  	p1 =	slt.u32 s9, $0xF7A;
	s5 =	simm.s32 @!p2 $0x0  }
0x1d: {  	s5 =	simm.s32 @p1 $0x1;
	p0 =	seq.s32 s7, s2  }
0x1e: {  	s7 =	smul.u32 @!p0 $0xF7A, s2;
	p2 =	seq.s32 @!p0 s5, $0x0  }
0x1f: {  	s9 =	smul.u32 $0xF7A, s1;
	s8 =	simm.s32 @!p0 $0x1BF5;
	p2 =	por !p2, p0  }
0x20: {  	[sflag:s8] =	ssyncset.s32 @!p0 $0xFFFFF086;
	s6 =	sadd.s32 @!p0 s3, s7;
	s7 =	simm.s32 @!p0 $0x108  }
0x21: {  	s3 =	sadd.s32 s3, s9;
	s6 =	sadd.s32 @!p0 $0x88, s6;
	s7 =	simm.s32 @p2 $0x1082  }
0x22: {  	[simem:s7], [sflag:s8] =	dma.local @!p0 [hbm:s6], $0xF7A  }
0x23: {  	s9 =	sor.u32 $0xD0000000, s2;
	s6 =	simm.s32 $0x108;
	_ =	swait.ge @!p0 [sflag:s8], $0x0  }
0x24: {  	s3 =	sadd.s32 $0x88, s3;
	s6 =	simm.s32 @!p1 $0x1082;
	[sflag:s4] =	ssyncset.s32 $0xFFFFF086  }
0x25: {  	[simem:s6], [sflag:s4] =	dma.local [hbm:s3], $0xF7A  }
0x26: {  	[smem:$0x3F98] =	sst s1;
	(tag) =	ssettag s2;
	_ =	strace s9  }
0x27: {  	s1 =	sld [smem:$0x3FA8]  }
0x28: {  	s2 =	sld [smem:$0x3FA9]  }
0x29: {  	s4 =	sld [smem:$0x3FAB]  }
0x2a: {  	p0 =	seq.s32 s5, $0x0;
	s5 =	sld [smem:$0x3FAC]  }
0x2b: {  	s6 =	sld [smem:$0x3FAD]  }
0x2c: {  	s7 =	sld [smem:$0x3FAE]  }
0x2d: {  	s3 =	simm.s32 $0x108;
	s8 =	sld [smem:$0x3FAF]  }
0x2e: {  	s3 =	simm.s32 @!p0 $0x1082;
	s9 =	sld [smem:$0x3FB0]  }
0x2f: {  	lr =	sadd.s32 s0, s3;
	s0 =	sld [smem:$0x3FA7]  }
0x30: {  	s3 =	sld [smem:$0x3FAA]  }
0x31: {  	[smem:$0x3FB3] =	sst s10  }
0x32: {  	s10 =	sld [smem:$0x3FB1];
	_ =	sdelay $0x3  }
0x33: {  	p0 =	seq.s32 s10, $0x1;
	s10 =	sld [smem:$0x3FB3];
	_ =	sdelay $0x3  }
0x34: {  	[smem:$0x3FB3] =	sst s10  }
0x35: {  	s10 =	sld [smem:$0x3FB2];
	_ =	sdelay $0x3  }
0x36: {  	p1 =	seq.s32 s10, $0x1;
	s10 =	sld [smem:$0x3FB3];
	_ =	sdelay $0x3  }
0x37: {  	[smem:$0x3FB3] =	sst s10  }
0x38: {  	s10 =	sld [smem:$0x3FB4]  }
0x39: {  	_ = 	snop;
	(pc) =	sbr.ind lr, $3  }
0x3a: {  	_ = 	snop  }
0x3b: {  	_ = 	snop  }
0x3c: {  	p2 =	seq.s32 s10, $0x1;
	s10 =	sld [smem:$0x3FB3]  }
0x3d: {  	_ =	shalt  }
0x3e: {  	_ =	shalt  }
0x3f: {  	_ =	shalt  }
0x40: {  	_ =	shalt  }
0x41: {  	_ =	shalt  }
0x42: {  	_ =	shalt  }
0x43: {  	_ =	shalt  }
0x44: {  	_ =	shalt  }
0x45: {  	_ =	shalt  }
0x46: {  	_ =	shalt  }
0x47: {  	_ =	shalt  }
0x48: {  	_ =	shalt  }
0x49: {  	_ =	shalt  }
0x4a: {  	_ =	shalt  }
0x4b: {  	_ =	shalt  }
0x4c: {  	_ =	shalt  }
0x4d: {  	_ =	shalt  }
0x4e: {  	_ =	shalt  }
0x4f: {  	_ =	shalt  }
0x50: {  	_ =	shalt  }
0x51: {  	_ =	shalt  }
0x52: {  	_ =	shalt  }
0x53: {  	_ =	shalt  }
0x54: {  	_ =	shalt  }
0x55: {  	_ =	shalt  }
0x56: {  	_ =	shalt  }
0x57: {  	_ =	shalt  }
0x58: {  	_ =	shalt  }
0x59: {  	_ =	shalt  }
0x5a: {  	_ =	shalt  }
0x5b: {  	_ =	shalt  }
0x5c: {  	_ =	shalt  }
0x5d: {  	_ =	shalt  }
0x5e: {  	_ =	shalt  }
0x5f: {  	_ =	shalt  }
0x60: {  	_ =	shalt  }
0x61: {  	_ =	shalt  }
0x62: {  	_ =	shalt  }
0x63: {  	_ =	shalt  }
0x64: {  	_ =	shalt  }
0x65: {  	_ =	shalt  }
0x66: {  	_ =	shalt  }
0x67: {  	_ =	shalt  }
0x68: {  	_ =	shalt  }
0x69: {  	_ =	shalt  }
0x6a: {  	_ =	shalt  }
0x6b: {  	_ =	shalt  }
0x6c: {  	_ =	shalt  }
0x6d: {  	_ =	shalt  }
0x6e: {  	_ =	shalt  }
0x6f: {  	_ =	shalt  }
0x70: {  	_ =	shalt  }
0x71: {  	_ =	shalt  }
0x72: {  	_ =	shalt  }
0x73: {  	_ =	shalt  }
0x74: {  	_ =	shalt  }
0x75: {  	_ =	shalt  }
0x76: {  	_ =	shalt  }
0x77: {  	_ =	shalt  }
0x78: {  	_ =	shalt  }
0x79: {  	_ =	shalt  }
0x7a: {  	_ =	shalt  }
0x7b: {  	_ =	shalt  }
0x7c: {  	_ =	shalt  }
0x7d: {  	_ =	shalt  }
0x7e: {  	_ =	shalt  }
0x7f: {  	_ =	shalt  }
0x80: {  	_ =	shalt  }
0x81: {  	_ =	shalt  }
0x82: {  	_ =	shalt  }
0x83: {  	_ =	shalt  }
0x84: {  	_ =	shalt  }
0x85: {  	_ =	shalt  }
0x86: {  	_ =	shalt  }
0x87: {  	_ =	shalt  }
.Lfunc_end0:
.L_simem_size_0:
called_computation.1_lowered:
.L_overlay_start_0:
0x88: {  	s2 =	sld [smem:$0x3FD9]  }
0x89: {  	s3 =	sld [smem:$0x3FFE];
	_ =	sdelay $0x1  }
0x8a: {  	s1 =	srdreg.scid  }
0x8b: {  	s0 =	sand.u32 $0x1, s1  }
0x8c: {  	s16 =	sshll.u32 s0, $0xA;
	s2 =	sadd.s32 s3, s2  }
0x8d: {  	s2 =	sadd.s32 s2, s16  }
0x8e: {  	[smem:$0x3FBF] =	sst s2  }
0x8f: {  	_ = 	snop  }
0x90: {  	(tm) =	ssettm $0x1  }
0x91: {  	s17 =	sld [smem:$0x3FFB];
	_ =	sdelay $0x3  }
0x92: {  	_ =	strace s17  }
0x93: {  	s2 =	sld [smem:$0x3FFC];
	_ =	sdelay $0x3  }
0x94: {  	_ =	strace s2  }
0x95: {  	s2 =	sld [smem:$0x3FFD];
	_ =	sdelay $0x3  }
0x96: {  	_ =	strace s2  }
0x97: {  	_ =	strace $0x8FFFFFFF  }
0x98: {  	s18 =	sld [smem:$0x3FDB];
	_ =	sdelay $0x1  }
0x99: {  	s19 =	simm.s32 $_scs_section_size  }
0x9a: {  	s4 =	simm.s32 $_size__tile_overlayer_lowered;
	s5 =	simm.s32 $_tile_overlayer_lowered  }
0x9b: {  	s22 =	simm.s32 $0x1BFF;
	s21 =	sshll.u32 s5, $0x1;
	s2 =	sadd.s32 s19, s18  }
0x9c: {  	s6 =	simm.s32 $0x0;
	s20 =	sshll.u32 s4, $0x1;
	s4 =	sadd.s32 s21, s2  }
0x9d: {  	[timem:s6], [sflag:s22] =	dma.local [hbm:s4], s20  }
0x9e: {  	_ =	swait.ge [sflag:s22], s20  }
0x9f: {  	s3 =	ssub.s32 $0x0, s20;
	[sflag:s22] =	ssyncset.done $0x0  }
0xa0: {  	[sflag:s22] =	ssyncadd.s32 s3;
	_ =	sdelay $0x1  }
0xa1: {  	s23 =	simm.s32 $0x1B8B  }
0xa2: {  	_ =	swait.ge [sflag:s23], $0x1  }
0xa3: {  	[sflag:s23] =	ssyncset.done $0x0  }
0xa4: {  	s25 =	simm.s32 $0x1B8E;
	s24 =	sld [smem:$0x3FFE];
	[sflag:s23] =	ssyncadd.s32 $0xFFFFFFFF  }
0xa5: {  	s26 =	simm.s32 $execute0_lowered;
	[smem:$0x3FD2] =	sst s25  }
0xa6: {  	s4 =	sshll.u32 s26, $0x1;
	_ =	strace $0x80000049;
	[dreg:$0x1] =	wrdreg $0xFFFFFFFF  }
0xa7: {  	s28 =	simm.s32 $_size_execute0_lowered;
	s2 =	sadd.s32 s2, s4;
	[dreg:$0x0] =	wrdreg $0x0  }
0xa8: {  	s4 =	sshll.u32 s28, $0x1;
	[dreg:$0x2] =	wrdreg s2  }
0xa9: {  	[dreg:$0x3] =	wrdreg s4  }
0xaa: {  	[dreg:$0x4] =	wrdreg $0xC0  }
0xab: {  	_ =	task [dreg:s6], $0x5FFFF  }
0xac: {  	[dreg:$0x1] =	wrdreg $0xFFFFFFFF  }
0xad: {  	[dreg:$0x0] =	wrdreg $0x60  }
0xae: {  	[dreg:$0x2] =	wrdreg s24  }
0xaf: {  	[dreg:$0x3] =	wrdreg $0xB8000  }
0xb0: {  	[dreg:$0x4] =	wrdreg $0x9  }
0xb1: {  	_ =	task.clear_ibuf [dreg:s6], $0x5FFFF;
	_ =	strace $0x90000049  }
0xb2: {  	s29 =	simm.s32 $0x9;
	_ =	strace $0x8000004B  }
0xb3: {  	_ =	swait.ge [sflag:s29], $0x1  }
0xb4: {  	[sflag:s29] =	ssyncadd.s32 $0xFFFFFFFF  }
0xb5: {  	_ =	strace $0x9000004B  }
0xb6: {  	_ =	sfence  }
0xb7: {  	s30 =	sld [smem:$0x0];
	_ =	sdelay $0x2  }
0xb8: {  	s31 =	sshll.u32 s1, $0xD;
	s1 =	sshrl.u32 s1, $0x2  }
0xb9: {  	s3 =	sand.u32 $0x4000, s31;
	s1 =	sadd.s32 s1, s30  }
0xba: {  	s0 =	sor.u32 s3, s0;
	s1 =	sshll.u32 s1, $0x11  }
0xbb: {  	s0 =	sor.u32 s1, s0  }
0xbc: {  	s0 =	sadd.s32 $0x8F2B, s0  }
0xbd: {  	[sflag:s0] =	ssyncadd.remote.s32 $0x1  }
0xbe: {  	_ =	sfence.sel $0xFFFF  }
0xbf: {  	[dreg:$0x0] =	wrdreg $0xFFFFFFFF;
	(pc) =	sbr.abs _section_cstart, $3  }
0xc0: {  	[dreg:$0x1] =	wrdreg $0xFFFFFFFF  }
0xc1: {  	_ =	task.clear_ibuf [dreg:s6], $0x2FFFF;
	_ =	strace $0x9FFFFFFF  }
0xc2: {  	(tm) =	ssettm $0x7FFFFFFF  }
0xc3: {  	_ =	shalt  }
tec
execute0_lowered:
.L_overlay_start_1:
0x0: {  	(tag) =	ssettag $0x1  }
0x1: {  	s0 =	rddreg [dreg:$0x0]  }
0x2: {  	s2 =	rddreg [dreg:$0x1];
	s1 =	srdreg.scid  }
0x3: {  	s3 =	simm.s32 $0x0;
	s18 =	simm.s32 $0x3;
	s19 =	simm.s32 $0x3800  }
0x4: {  	s20 =	simm.s32 $0x40;
	s21 =	simm.s32 $0x5800;
	s10 =	sand.u32 $0x1, s1  }
0x5: {  	s22 =	simm.s32 $0x80;
	s1 =	stileid.u32;
	s4 =	smul.u32 $0x140000, s10  }
0x6: {  	s23 =	simm.s32 $0x7800;
	s24 =	simm.s32 $0x1;
	s5 =	smul.u32 $0x14000, s1  }
0x7: {  	s25 =	simm.s32 $0x9800;
	[smem:$0x7FF] =	sst s3;
	s9 =	smul.u32 $0x50000, s1  }
0x8: {  	s6 =	sshll.u32 s1, $0x1;
	_ =	strace $0x8000004A;
	s11 =	smul.u32 $0x2800, s1  }
0x9: {  	s26 =	ssub.s32 $0x2, s10;
	p0 =	seq.s32 s10, $0x1;
	s16 =	smul.u32 $0x5000, s1  }
0xa: {  	s17 =	smul.u32 $0x2800, s10;
	s6 =	sor.u32 s10, s6;
	s8 =	sshrl.u32 s26, $0x1  }
0xb: {  	s7 =	sadd.s32 s5, s4;
	s6 =	smul.u32 $0x2800, s6;
	s4 =	sadd.s32 $0x16A00, s0  }
0xc: {  	s5 =	sadd.s32 $0x2A00, s0;
	s15 =	ssub.s32 s26, s8;
	s28 =	sshrl.u32 s9, $0x2  }
0xd: {  	s31 =	sadd.s32 s17, s16;
	s26 =	simm.s32 $0x0;
	s7 =	sshrl.u32 s7, $0x3  }
0xe: {  	s8 =	sadd.s32 s28, s2;
	s29 =	sadd.s32 s4, s11;
	s15 =	smax.u32 s15, $0x1  }
0xf: {  	s16 =	sadd.s32 $0x800, s31;
	s0 =	sadd.s32 s7, s0;
	s6 =	sshrl.u32 s6, $0x3  }
0x10: {  	[dreg:$0x3] =	wrdreg s29;
	s30 =	sadd.s32 $0x4000, s8;
	s11 =	sadd.s32 $0x8000, s8  }
0x11: {  	s12 =	sadd.s32 $0xC000, s8;
	s13 =	sadd.s32 $0x10000, s8;
	s6 =	sadd.s32 s5, s6  }
0x12: {  	v0 =	vimm.f32 $0.0e+00;
	[dreg:$0x4] =	wrdreg s30;
	s14 =	sadd.s32 $0x3EA00, s0;
	s7 =	sadd.s32 $0xA000, s6  }
.LBB2_1:
0x13: {  	s0 =	simm.s32 $0x1000  }
0x14: {  	[tilespmem:s0], [sflag:$0x3] =	stream.linear.gather [hbm4b:s7+s3], $0x2800, $0x38;
	[tilespmem:$0x1F800] =	vst v63  }
0x15: {  	_ =	swait.ge [sflag:s18], $0x2800  }
0x16: {  	[sflag:s18] =	ssyncset.done $0x0  }
.Ltmp0:
0x17: {  	[sflag:s18] =	ssyncadd.s32 $0xFFFFD800;
	(pc) =	sbr.rel @!p0 .LBB2_2-.Ltmp0, $4  }
0x18: {  	[tilespmem:s3], [sflag:$0x3] =	stream.linear.gather [hbm4b:s6+s3], $0x800, $0x38;
	[tilespmem:$0x1F800] =	vst v63  }
0x19: {  	_ =	swait.ge [sflag:s18], $0x800  }
0x1a: {  	[sflag:s18] =	ssyncset.done $0x0  }
0x1b: {  	[sflag:s18] =	ssyncadd.s32 $0xFFFFF800  }
0x1c: {  	s0 =	sshra.s32 s3, $0x2;
	s17 =	sadd.s32 $0x200, s3  }
.LBB2_4:
0x1d: {  	p1 =	sne.s32 s17, $0xFE00;
	[tilespmem:s0+$0x3870] =	vst v0  }
0x1e: {  	[tilespmem:s0+$0x3800] =	vst v0  }
0x1f: {  	[tilespmem:s0+$0x3810] =	vst v0  }
.Ltmp1:
0x20: {  	[tilespmem:s0+$0x3820] =	vst v0;
	(pc) =	sbr.rel @p1 .LBB2_4-.Ltmp1, $4  }
0x21: {  	[tilespmem:s0+$0x3830] =	vst v0  }
0x22: {  	[tilespmem:s0+$0x3840] =	vst v0  }
0x23: {  	[tilespmem:s0+$0x3850] =	vst v0  }
0x24: {  	[tilespmem:s0+$0x3860] =	vst v0;
	s0 =	sshra.s32 s17, $0x2;
	s17 =	sadd.s32 $0x200, s17  }
0x25: {  	[tilespmem:s0+$0x3870] =	vst v0  }
0x26: {  	[tilespmem:s0+$0x3800] =	vst v0  }
0x27: {  	[tilespmem:s0+$0x3810] =	vst v0  }
0x28: {  	[tilespmem:s0+$0x3820] =	vst v0  }
0x29: {  	[tilespmem:s0+$0x3830] =	vst v0  }
0x2a: {  	[tilespmem:s0+$0x3840] =	vst v0  }
0x2b: {  	[tilespmem:s0+$0x3850] =	vst v0  }
0x2c: {  	[tilespmem:s0+$0x3860] =	vst v0  }
0x2d: {  	[spmem:s8] =	stream.linear.scatter [tilespmem:s19], [sflag:$0x3], $0x4000, $0x38;
	[tilespmem:$0x1F800] =	vst v63  }
0x2e: {  	_ =	swait.ge [sflag:s18], $0x4000  }
0x2f: {  	[sflag:s18] =	ssyncset.done $0x0  }
0x30: {  	s31 =	rddreg [dreg:$0x4];
	[sflag:s18] =	ssyncadd.s32 $0xFFFFC000  }
0x31: {  	[spmem:s31] =	stream.linear.scatter [tilespmem:s19], [sflag:$0x3], $0x4000, $0x38;
	[tilespmem:$0x1F800] =	vst v63  }
0x32: {  	_ =	swait.ge [sflag:s18], $0x4000  }
0x33: {  	[sflag:s18] =	ssyncset.done $0x0  }
0x34: {  	[sflag:s18] =	ssyncadd.s32 $0xFFFFC000  }
0x35: {  	[spmem:s11] =	stream.linear.scatter [tilespmem:s19], [sflag:$0x3], $0x4000, $0x38;
	[tilespmem:$0x1F800] =	vst v63  }
0x36: {  	_ =	swait.ge [sflag:s18], $0x4000  }
0x37: {  	[sflag:s18] =	ssyncset.done $0x0  }
0x38: {  	[sflag:s18] =	ssyncadd.s32 $0xFFFFC000  }
0x39: {  	[spmem:s12] =	stream.linear.scatter [tilespmem:s19], [sflag:$0x3], $0x4000, $0x38;
	[tilespmem:$0x1F800] =	vst v63  }
0x3a: {  	_ =	swait.ge [sflag:s18], $0x4000  }
0x3b: {  	[sflag:s18] =	ssyncset.done $0x0  }
.Ltmp2:
0x3c: {  	[sflag:s18] =	ssyncadd.s32 $0xFFFFC000;
	(pc) =	sbr.rel .LBB2_6-.Ltmp2, $4  }
0x3d: {  	[spmem:s13] =	stream.linear.scatter [tilespmem:s19], [sflag:$0x3], $0x4000, $0x38;
	[tilespmem:$0x1F800] =	vst v63  }
0x3e: {  	_ =	swait.ge [sflag:s18], $0x4000  }
0x3f: {  	[sflag:s18] =	ssyncset.done $0x0  }
0x40: {  	[sflag:s18] =	ssyncadd.s32 $0xFFFFC000  }
.LBB2_2:
0x41: {  	s0 =	sshll.u32 s1, $0x6  }
0x42: {  	s17 =	sshrl.u32 s8, $0x3;
	s9 =	rddreg [dreg:$0x3];
	s0 =	sor.u32 $0x1C03, s0  }
0x43: {  	[spmem:s17], [sflag:s0] =	dma.local [hbm:s9], $0x2800  }
0x44: {  	_ =	swait.ge [sflag:s18], $0x2800  }
0x45: {  	[sflag:s18] =	ssyncset.done $0x0  }
0x46: {  	[sflag:s18] =	ssyncadd.s32 $0xFFFFD800  }
.LBB2_6:
0x47: {  	[bflag:$0x0] =	sbarrier.arrive $0xFFFF;
	s28 =	simm.s32 $0x0  }
0x48: {  	[tilespmem:s19], [sflag:$0x1] =	stream.indirect.gather [hbm4b:s4+s20], $0x80, s28, s20, $0xb8;
	[tilespmem:$0x1F800] =	vst v63  }
0x49: {  	_ = 	snop  }
0x4a: {  	[tilespmem:s21], [sflag:$0x1] =	stream.indirect.gather [hbm4b:s4+s20], $0x80, s20, s20, $0xb8;
	[tilespmem:$0x1F800] =	vst v63  }
0x4b: {  	s29 =	smov.u32 s16;
	s30 =	simm.s32 $0x0  }
0x4c: {  	[tilespmem:s23], [sflag:$0x1] =	stream.indirect.gather [hbm4b:s4+s20], $0x80, s22, s20, $0xb8;
	[tilespmem:$0x1F800] =	vst v63  }
.LBB2_7:
0x4d: {  	s0 =	sand.u32 $0x1, s30;
	p1 =	seq.s32 s28, $0x8000  }
0x4e: {  	s17 =	sxor.u32 $0x1, s0;
	s9 =	sshrl.u32 @!p1 s29, $0x3  }
0x4f: {  	s31 =	sshll.u32 @!p1 s17, $0xB;
	s9 =	sadd.s32 @!p1 s5, s9;
	s17 =	simm.s32 @!p1 $0x0  }
0x50: {  	[tilespmem:s31], [sflag:$0x2] =	stream.linear.gather @!p1 [hbm4b:s9+s17], $0x800, $0x38;
	[tilespmem:$0x1F800] =	vst v63  }
0x51: {  	_ =	swait.ge [sflag:s24], $0x2000  }
0x52: {  	[sflag:s24] =	ssyncset.done $0x0  }
0x53: {  	[sflag:s24] =	ssyncadd.s32 $0xFFFFE000  }
0x54: {  	_ =	swait.ge [sflag:s24], $0x2000  }
0x55: {  	s17 =	sshll.u32 s0, $0xB;
	[sflag:s24] =	ssyncset.done $0x0  }
0x56: {  	s0 =	sor.u32 $0xC0, s17;
	[sflag:s24] =	ssyncadd.s32 $0xFFFFE000  }
0x57: {  	[tilespmem:s25], [sflag:$0x1] =	stream.indirect.gather [hbm4b:s4+s20], $0x80, s0, s20, $0xb8;
	[tilespmem:$0x1F800] =	vst v63  }
0x58: {  	s0 =	sshra.s32 s28, $0x2  }
0x59: {  	s10 =	sadd.s32 $0x1000, s0  }
0x5a: {  	[spmem:s2] =	stream.indirect.scatter.add.f32 [tilespmem:s19], [sflag:$0x3], $0x80, s10, s22, $0xb8;
	[tilespmem:$0x1F800] =	vst v63  }
0x5b: {  	_ =	swait.ge [sflag:s18], $0x4000  }
0x5c: {  	[sflag:s18] =	ssyncset.done $0x0  }
0x5d: {  	s10 =	sor.u32 $0x100, s17;
	[sflag:s18] =	ssyncadd.s32 $0xFFFFC000  }
0x5e: {  	[tilespmem:s19], [sflag:$0x1] =	stream.indirect.gather [hbm4b:s4+s20], $0x80, s10, s20, $0xb8;
	[tilespmem:$0x1F800] =	vst v63  }
0x5f: {  	_ =	swait.ge [sflag:s24], $0x2000  }
0x60: {  	[sflag:s24] =	ssyncset.done $0x0  }
0x61: {  	[sflag:s24] =	ssyncadd.s32 $0xFFFFE000  }
0x62: {  	_ =	swait.ge [sflag:s24], $0x2000  }
0x63: {  	[sflag:s24] =	ssyncset.done $0x0  }
0x64: {  	s10 =	sor.u32 $0x140, s17;
	[sflag:s24] =	ssyncadd.s32 $0xFFFFE000  }
0x65: {  	[tilespmem:s21], [sflag:$0x1] =	stream.indirect.gather [hbm4b:s4+s20], $0x80, s10, s20, $0xb8;
	[tilespmem:$0x1F800] =	vst v63  }
0x66: {  	s10 =	sadd.s32 $0x1080, s0  }
0x67: {  	[spmem:s2] =	stream.indirect.scatter.add.f32 [tilespmem:s23], [sflag:$0x3], $0x80, s10, s22, $0xb8;
	[tilespmem:$0x1F800] =	vst v63  }
0x68: {  	_ =	swait.ge [sflag:s18], $0x4000  }
0x69: {  	[sflag:s18] =	ssyncset.done $0x0  }
0x6a: {  	s10 =	sor.u32 $0x180, s17;
	[sflag:s18] =	ssyncadd.s32 $0xFFFFC000  }
0x6b: {  	[tilespmem:s23], [sflag:$0x1] =	stream.indirect.gather [hbm4b:s4+s20], $0x80, s10, s20, $0xb8;
	[tilespmem:$0x1F800] =	vst v63  }
0x6c: {  	_ =	swait.ge [sflag:s24], $0x2000  }
0x6d: {  	[sflag:s24] =	ssyncset.done $0x0  }
0x6e: {  	[sflag:s24] =	ssyncadd.s32 $0xFFFFE000  }
0x6f: {  	_ =	swait.ge [sflag:s24], $0x2000  }
0x70: {  	[sflag:s24] =	ssyncset.done $0x0  }
0x71: {  	s10 =	sor.u32 $0x1C0, s17;
	[sflag:s24] =	ssyncadd.s32 $0xFFFFE000  }
0x72: {  	[tilespmem:s25], [sflag:$0x1] =	stream.indirect.gather [hbm4b:s4+s20], $0x80, s10, s20, $0xb8;
	[tilespmem:$0x1F800] =	vst v63  }
0x73: {  	s10 =	sadd.s32 $0x1100, s0  }
0x74: {  	[spmem:s2] =	stream.indirect.scatter.add.f32 [tilespmem:s19], [sflag:$0x3], $0x80, s10, s22, $0xb8;
	[tilespmem:$0x1F800] =	vst v63  }
0x75: {  	_ =	swait.ge [sflag:s18], $0x4000  }
0x76: {  	[sflag:s18] =	ssyncset.done $0x0  }
0x77: {  	s10 =	sor.u32 $0x200, s17;
	[sflag:s18] =	ssyncadd.s32 $0xFFFFC000  }
0x78: {  	[tilespmem:s19], [sflag:$0x1] =	stream.indirect.gather [hbm4b:s4+s20], $0x80, s10, s20, $0xb8;
	[tilespmem:$0x1F800] =	vst v63  }
0x79: {  	_ =	swait.ge [sflag:s24], $0x2000  }
0x7a: {  	[sflag:s24] =	ssyncset.done $0x0  }
0x7b: {  	[sflag:s24] =	ssyncadd.s32 $0xFFFFE000  }
0x7c: {  	_ =	swait.ge [sflag:s24], $0x2000  }
0x7d: {  	[sflag:s24] =	ssyncset.done $0x0  }
0x7e: {  	s10 =	sor.u32 $0x240, s17;
	[sflag:s24] =	ssyncadd.s32 $0xFFFFE000  }
0x7f: {  	[tilespmem:s21], [sflag:$0x1] =	stream.indirect.gather [hbm4b:s4+s20], $0x80, s10, s20, $0xb8;
	[tilespmem:$0x1F800] =	vst v63  }
0x80: {  	s10 =	sadd.s32 $0x1180, s0  }
0x81: {  	[spmem:s2] =	stream.indirect.scatter.add.f32 [tilespmem:s23], [sflag:$0x3], $0x80, s10, s22, $0xb8;
	[tilespmem:$0x1F800] =	vst v63  }
0x82: {  	_ =	swait.ge [sflag:s18], $0x4000  }
0x83: {  	[sflag:s18] =	ssyncset.done $0x0  }
0x84: {  	s10 =	sor.u32 $0x280, s17;
	[sflag:s18] =	ssyncadd.s32 $0xFFFFC000  }
0x85: {  	[tilespmem:s23], [sflag:$0x1] =	stream.indirect.gather [hbm4b:s4+s20], $0x80, s10, s20, $0xb8;
	[tilespmem:$0x1F800] =	vst v63  }
0x86: {  	_ =	swait.ge [sflag:s24], $0x2000  }
0x87: {  	[sflag:s24] =	ssyncset.done $0x0  }
0x88: {  	[sflag:s24] =	ssyncadd.s32 $0xFFFFE000  }
0x89: {  	_ =	swait.ge [sflag:s24], $0x2000  }
0x8a: {  	[sflag:s24] =	ssyncset.done $0x0  }
0x8b: {  	s10 =	sor.u32 $0x2C0, s17;
	[sflag:s24] =	ssyncadd.s32 $0xFFFFE000  }
0x8c: {  	[tilespmem:s25], [sflag:$0x1] =	stream.indirect.gather [hbm4b:s4+s20], $0x80, s10, s20, $0xb8;
	[tilespmem:$0x1F800] =	vst v63  }
0x8d: {  	s10 =	sadd.s32 $0x1200, s0  }
0x8e: {  	[spmem:s2] =	stream.indirect.scatter.add.f32 [tilespmem:s19], [sflag:$0x3], $0x80, s10, s22, $0xb8;
	[tilespmem:$0x1F800] =	vst v63  }
0x8f: {  	_ =	swait.ge [sflag:s18], $0x4000  }
0x90: {  	[sflag:s18] =	ssyncset.done $0x0  }
0x91: {  	s10 =	sor.u32 $0x300, s17;
	[sflag:s18] =	ssyncadd.s32 $0xFFFFC000  }
0x92: {  	[tilespmem:s19], [sflag:$0x1] =	stream.indirect.gather [hbm4b:s4+s20], $0x80, s10, s20, $0xb8;
	[tilespmem:$0x1F800] =	vst v63  }
0x93: {  	_ =	swait.ge [sflag:s24], $0x2000  }
0x94: {  	[sflag:s24] =	ssyncset.done $0x0  }
0x95: {  	[sflag:s24] =	ssyncadd.s32 $0xFFFFE000  }
0x96: {  	_ =	swait.ge [sflag:s24], $0x2000  }
0x97: {  	[sflag:s24] =	ssyncset.done $0x0  }
0x98: {  	s10 =	sor.u32 $0x340, s17;
	[sflag:s24] =	ssyncadd.s32 $0xFFFFE000  }
0x99: {  	[tilespmem:s21], [sflag:$0x1] =	stream.indirect.gather [hbm4b:s4+s20], $0x80, s10, s20, $0xb8;
	[tilespmem:$0x1F800] =	vst v63  }
0x9a: {  	s10 =	sadd.s32 $0x1280, s0  }
0x9b: {  	[spmem:s2] =	stream.indirect.scatter.add.f32 [tilespmem:s23], [sflag:$0x3], $0x80, s10, s22, $0xb8;
	[tilespmem:$0x1F800] =	vst v63  }
0x9c: {  	_ =	swait.ge [sflag:s18], $0x4000  }
0x9d: {  	[sflag:s18] =	ssyncset.done $0x0  }
0x9e: {  	s10 =	sor.u32 $0x380, s17;
	[sflag:s18] =	ssyncadd.s32 $0xFFFFC000  }
0x9f: {  	[tilespmem:s23], [sflag:$0x1] =	stream.indirect.gather [hbm4b:s4+s20], $0x80, s10, s20, $0xb8;
	[tilespmem:$0x1F800] =	vst v63  }
0xa0: {  	_ =	swait.ge [sflag:s24], $0x2000  }
0xa1: {  	[sflag:s24] =	ssyncset.done $0x0  }
0xa2: {  	[sflag:s24] =	ssyncadd.s32 $0xFFFFE000  }
0xa3: {  	_ =	swait.ge [sflag:s24], $0x2000  }
0xa4: {  	[sflag:s24] =	ssyncset.done $0x0  }
0xa5: {  	s10 =	sor.u32 $0x3C0, s17;
	[sflag:s24] =	ssyncadd.s32 $0xFFFFE000  }
0xa6: {  	[tilespmem:s25], [sflag:$0x1] =	stream.indirect.gather [hbm4b:s4+s20], $0x80, s10, s20, $0xb8;
	[tilespmem:$0x1F800] =	vst v63  }
0xa7: {  	s10 =	sadd.s32 $0x1300, s0  }
0xa8: {  	[spmem:s2] =	stream.indirect.scatter.add.f32 [tilespmem:s19], [sflag:$0x3], $0x80, s10, s22, $0xb8;
	[tilespmem:$0x1F800] =	vst v63  }
0xa9: {  	_ =	swait.ge [sflag:s18], $0x4000  }
0xaa: {  	[sflag:s18] =	ssyncset.done $0x0  }
0xab: {  	s10 =	sor.u32 $0x400, s17;
	[sflag:s18] =	ssyncadd.s32 $0xFFFFC000  }
0xac: {  	[tilespmem:s19], [sflag:$0x1] =	stream.indirect.gather [hbm4b:s4+s20], $0x80, s10, s20, $0xb8;
	[tilespmem:$0x1F800] =	vst v63  }
0xad: {  	_ =	swait.ge [sflag:s24], $0x2000  }
0xae: {  	[sflag:s24] =	ssyncset.done $0x0  }
0xaf: {  	[sflag:s24] =	ssyncadd.s32 $0xFFFFE000  }
0xb0: {  	_ =	swait.ge [sflag:s24], $0x2000  }
0xb1: {  	[sflag:s24] =	ssyncset.done $0x0  }
0xb2: {  	s10 =	sor.u32 $0x440, s17;
	[sflag:s24] =	ssyncadd.s32 $0xFFFFE000  }
0xb3: {  	[tilespmem:s21], [sflag:$0x1] =	stream.indirect.gather [hbm4b:s4+s20], $0x80, s10, s20, $0xb8;
	[tilespmem:$0x1F800] =	vst v63  }
0xb4: {  	s10 =	sadd.s32 $0x1380, s0  }
0xb5: {  	[spmem:s2] =	stream.indirect.scatter.add.f32 [tilespmem:s23], [sflag:$0x3], $0x80, s10, s22, $0xb8;
	[tilespmem:$0x1F800] =	vst v63  }
0xb6: {  	_ =	swait.ge [sflag:s18], $0x4000  }
0xb7: {  	[sflag:s18] =	ssyncset.done $0x0  }
0xb8: {  	s10 =	sor.u32 $0x480, s17;
	[sflag:s18] =	ssyncadd.s32 $0xFFFFC000  }
0xb9: {  	[tilespmem:s23], [sflag:$0x1] =	stream.indirect.gather [hbm4b:s4+s20], $0x80, s10, s20, $0xb8;
	[tilespmem:$0x1F800] =	vst v63  }
0xba: {  	_ =	swait.ge [sflag:s24], $0x2000  }
0xbb: {  	[sflag:s24] =	ssyncset.done $0x0  }
0xbc: {  	[sflag:s24] =	ssyncadd.s32 $0xFFFFE000  }
0xbd: {  	_ =	swait.ge [sflag:s24], $0x2000  }
0xbe: {  	[sflag:s24] =	ssyncset.done $0x0  }
0xbf: {  	s10 =	sor.u32 $0x4C0, s17;
	[sflag:s24] =	ssyncadd.s32 $0xFFFFE000  }
0xc0: {  	[tilespmem:s25], [sflag:$0x1] =	stream.indirect.gather [hbm4b:s4+s20], $0x80, s10, s20, $0xb8;
	[tilespmem:$0x1F800] =	vst v63  }
0xc1: {  	s10 =	sadd.s32 $0x1400, s0  }
0xc2: {  	[spmem:s2] =	stream.indirect.scatter.add.f32 [tilespmem:s19], [sflag:$0x3], $0x80, s10, s22, $0xb8;
	[tilespmem:$0x1F800] =	vst v63  }
0xc3: {  	_ =	swait.ge [sflag:s18], $0x4000  }
0xc4: {  	[sflag:s18] =	ssyncset.done $0x0  }
0xc5: {  	s10 =	sor.u32 $0x500, s17;
	[sflag:s18] =	ssyncadd.s32 $0xFFFFC000  }
0xc6: {  	[tilespmem:s19], [sflag:$0x1] =	stream.indirect.gather [hbm4b:s4+s20], $0x80, s10, s20, $0xb8;
	[tilespmem:$0x1F800] =	vst v63  }
0xc7: {  	_ =	swait.ge [sflag:s24], $0x2000  }
0xc8: {  	[sflag:s24] =	ssyncset.done $0x0  }
0xc9: {  	[sflag:s24] =	ssyncadd.s32 $0xFFFFE000  }
0xca: {  	_ =	swait.ge [sflag:s24], $0x2000  }
0xcb: {  	[sflag:s24] =	ssyncset.done $0x0  }
0xcc: {  	s10 =	sor.u32 $0x540, s17;
	[sflag:s24] =	ssyncadd.s32 $0xFFFFE000  }
0xcd: {  	[tilespmem:s21], [sflag:$0x1] =	stream.indirect.gather [hbm4b:s4+s20], $0x80, s10, s20, $0xb8;
	[tilespmem:$0x1F800] =	vst v63  }
0xce: {  	s10 =	sadd.s32 $0x1480, s0  }
0xcf: {  	[spmem:s2] =	stream.indirect.scatter.add.f32 [tilespmem:s23], [sflag:$0x3], $0x80, s10, s22, $0xb8;
	[tilespmem:$0x1F800] =	vst v63  }
0xd0: {  	_ =	swait.ge [sflag:s18], $0x4000  }
0xd1: {  	[sflag:s18] =	ssyncset.done $0x0  }
0xd2: {  	s10 =	sor.u32 $0x580, s17;
	[sflag:s18] =	ssyncadd.s32 $0xFFFFC000  }
0xd3: {  	[tilespmem:s23], [sflag:$0x1] =	stream.indirect.gather [hbm4b:s4+s20], $0x80, s10, s20, $0xb8;
	[tilespmem:$0x1F800] =	vst v63  }
0xd4: {  	_ =	swait.ge [sflag:s24], $0x2000  }
0xd5: {  	[sflag:s24] =	ssyncset.done $0x0  }
0xd6: {  	[sflag:s24] =	ssyncadd.s32 $0xFFFFE000  }
0xd7: {  	_ =	swait.ge [sflag:s24], $0x2000  }
0xd8: {  	[sflag:s24] =	ssyncset.done $0x0  }
0xd9: {  	s10 =	sor.u32 $0x5C0, s17;
	[sflag:s24] =	ssyncadd.s32 $0xFFFFE000  }
0xda: {  	[tilespmem:s25], [sflag:$0x1] =	stream.indirect.gather [hbm4b:s4+s20], $0x80, s10, s20, $0xb8;
	[tilespmem:$0x1F800] =	vst v63  }
0xdb: {  	s10 =	sadd.s32 $0x1500, s0  }
0xdc: {  	[spmem:s2] =	stream.indirect.scatter.add.f32 [tilespmem:s19], [sflag:$0x3], $0x80, s10, s22, $0xb8;
	[tilespmem:$0x1F800] =	vst v63  }
0xdd: {  	_ =	swait.ge [sflag:s18], $0x4000  }
0xde: {  	[sflag:s18] =	ssyncset.done $0x0  }
0xdf: {  	s10 =	sor.u32 $0x600, s17;
	[sflag:s18] =	ssyncadd.s32 $0xFFFFC000  }
0xe0: {  	[tilespmem:s19], [sflag:$0x1] =	stream.indirect.gather [hbm4b:s4+s20], $0x80, s10, s20, $0xb8;
	[tilespmem:$0x1F800] =	vst v63  }
0xe1: {  	_ =	swait.ge [sflag:s24], $0x2000  }
0xe2: {  	[sflag:s24] =	ssyncset.done $0x0  }
0xe3: {  	[sflag:s24] =	ssyncadd.s32 $0xFFFFE000  }
0xe4: {  	_ =	swait.ge [sflag:s24], $0x2000  }
0xe5: {  	[sflag:s24] =	ssyncset.done $0x0  }
0xe6: {  	s10 =	sor.u32 $0x640, s17;
	[sflag:s24] =	ssyncadd.s32 $0xFFFFE000  }
0xe7: {  	[tilespmem:s21], [sflag:$0x1] =	stream.indirect.gather [hbm4b:s4+s20], $0x80, s10, s20, $0xb8;
	[tilespmem:$0x1F800] =	vst v63  }
0xe8: {  	s10 =	sadd.s32 $0x1580, s0  }
0xe9: {  	[spmem:s2] =	stream.indirect.scatter.add.f32 [tilespmem:s23], [sflag:$0x3], $0x80, s10, s22, $0xb8;
	[tilespmem:$0x1F800] =	vst v63  }
0xea: {  	_ =	swait.ge [sflag:s18], $0x4000  }
0xeb: {  	[sflag:s18] =	ssyncset.done $0x0  }
0xec: {  	s10 =	sor.u32 $0x680, s17;
	[sflag:s18] =	ssyncadd.s32 $0xFFFFC000  }
0xed: {  	[tilespmem:s23], [sflag:$0x1] =	stream.indirect.gather [hbm4b:s4+s20], $0x80, s10, s20, $0xb8;
	[tilespmem:$0x1F800] =	vst v63  }
0xee: {  	_ =	swait.ge [sflag:s24], $0x2000  }
0xef: {  	[sflag:s24] =	ssyncset.done $0x0  }
0xf0: {  	[sflag:s24] =	ssyncadd.s32 $0xFFFFE000  }
0xf1: {  	_ =	swait.ge [sflag:s24], $0x2000  }
0xf2: {  	[sflag:s24] =	ssyncset.done $0x0  }
0xf3: {  	s10 =	sor.u32 $0x6C0, s17;
	[sflag:s24] =	ssyncadd.s32 $0xFFFFE000  }
0xf4: {  	[tilespmem:s25], [sflag:$0x1] =	stream.indirect.gather [hbm4b:s4+s20], $0x80, s10, s20, $0xb8;
	[tilespmem:$0x1F800] =	vst v63  }
0xf5: {  	s10 =	sadd.s32 $0x1600, s0  }
0xf6: {  	[spmem:s2] =	stream.indirect.scatter.add.f32 [tilespmem:s19], [sflag:$0x3], $0x80, s10, s22, $0xb8;
	[tilespmem:$0x1F800] =	vst v63  }
0xf7: {  	_ =	swait.ge [sflag:s18], $0x4000  }
0xf8: {  	[sflag:s18] =	ssyncset.done $0x0  }
0xf9: {  	s10 =	sor.u32 $0x700, s17;
	[sflag:s18] =	ssyncadd.s32 $0xFFFFC000  }
0xfa: {  	[tilespmem:s19], [sflag:$0x1] =	stream.indirect.gather [hbm4b:s4+s20], $0x80, s10, s20, $0xb8;
	[tilespmem:$0x1F800] =	vst v63  }
0xfb: {  	_ =	swait.ge [sflag:s24], $0x2000  }
0xfc: {  	[sflag:s24] =	ssyncset.done $0x0  }
0xfd: {  	[sflag:s24] =	ssyncadd.s32 $0xFFFFE000  }
0xfe: {  	_ =	swait.ge [sflag:s24], $0x2000  }
0xff: {  	[sflag:s24] =	ssyncset.done $0x0  }
0x100: {  	s10 =	sor.u32 $0x740, s17;
	[sflag:s24] =	ssyncadd.s32 $0xFFFFE000  }
0x101: {  	[tilespmem:s21], [sflag:$0x1] =	stream.indirect.gather [hbm4b:s4+s20], $0x80, s10, s20, $0xb8;
	[tilespmem:$0x1F800] =	vst v63  }
0x102: {  	s10 =	sadd.s32 $0x1680, s0  }
0x103: {  	[spmem:s2] =	stream.indirect.scatter.add.f32 [tilespmem:s23], [sflag:$0x3], $0x80, s10, s22, $0xb8;
	[tilespmem:$0x1F800] =	vst v63  }
0x104: {  	_ =	swait.ge [sflag:s18], $0x4000  }
0x105: {  	[sflag:s18] =	ssyncset.done $0x0  }
0x106: {  	s10 =	sor.u32 $0x780, s17;
	[sflag:s18] =	ssyncadd.s32 $0xFFFFC000  }
0x107: {  	[tilespmem:s23], [sflag:$0x1] =	stream.indirect.gather [hbm4b:s4+s20], $0x80, s10, s20, $0xb8;
	[tilespmem:$0x1F800] =	vst v63  }
0x108: {  	_ =	swait.ge [sflag:s24], $0x2000  }
0x109: {  	[sflag:s24] =	ssyncset.done $0x0  }
0x10a: {  	[sflag:s24] =	ssyncadd.s32 $0xFFFFE000  }
0x10b: {  	_ =	swait.ge [sflag:s24], $0x2000  }
0x10c: {  	[sflag:s24] =	ssyncset.done $0x0  }
0x10d: {  	s10 =	sor.u32 $0x7C0, s17;
	[sflag:s24] =	ssyncadd.s32 $0xFFFFE000  }
0x10e: {  	[tilespmem:s25], [sflag:$0x1] =	stream.indirect.gather [hbm4b:s4+s20], $0x80, s10, s20, $0xb8;
	[tilespmem:$0x1F800] =	vst v63  }
0x10f: {  	s17 =	sadd.s32 $0x1700, s0  }
0x110: {  	[spmem:s2] =	stream.indirect.scatter.add.f32 [tilespmem:s19], [sflag:$0x3], $0x80, s17, s22, $0xb8;
	[tilespmem:$0x1F800] =	vst v63  }
0x111: {  	_ =	swait.ge [sflag:s18], $0x4000  }
0x112: {  	[sflag:s18] =	ssyncset.done $0x0  }
0x113: {  	s9 =	simm.s32 @p1 $0x1;
	[sflag:s18] =	ssyncadd.s32 $0xFFFFC000  }
0x114: {  	_ =	swait.ge @p1 [sflag:s9], $0x2000  }
0x115: {  	[sflag:s9] =	ssyncset.done @p1 $0x0  }
0x116: {  	[sflag:s9] =	ssyncadd.s32 @p1 $0xFFFFE000  }
0x117: {  	_ =	swait.ge @p1 [sflag:s9], $0x2000  }
0x118: {  	[sflag:s9] =	ssyncset.done @p1 $0x0  }
0x119: {  	[sflag:s9] =	ssyncadd.s32 @p1 $0xFFFFE000;
	s9 =	simm.s32 @!p1 $0x2  }
0x11a: {  	_ =	swait.ge @!p1 [sflag:s9], $0x800  }
0x11b: {  	[sflag:s9] =	ssyncset.done @!p1 $0x0  }
0x11c: {  	s17 =	simm.s32 @!p1 $0x3800;
	[sflag:s9] =	ssyncadd.s32 @!p1 $0xFFFFF800;
	s9 =	simm.s32 @!p1 $0x40  }
0x11d: {  	[tilespmem:s17], [sflag:$0x1] =	stream.indirect.gather @!p1 [hbm4b:s4+s9], $0x80, s31, s9, $0xb8;
	[tilespmem:$0x1F800] =	vst v63  }
0x11e: {  	s17 =	simm.s32 @!p1 $0x1  }
0x11f: {  	_ =	swait.ge @!p1 [sflag:s17], $0x2000  }
0x120: {  	[sflag:s17] =	ssyncset.done @!p1 $0x0  }
0x121: {  	[sflag:s17] =	ssyncadd.s32 @!p1 $0xFFFFE000  }
0x122: {  	s28 =	sadd.s32 @!p1 $0x2000, s28;
	_ =	swait.ge @!p1 [sflag:s17], $0x2000  }
0x123: {  	p2 =	sne.s32 @!p1 s28, $0xA000;
	[sflag:s17] =	ssyncset.done @!p1 $0x0  }
0x124: {  	s10 =	simm.s32 @!p1 $0x5800;
	[sflag:s17] =	ssyncadd.s32 @!p1 $0xFFFFE000;
	s17 =	sor.u32 @!p1 $0x40, s31  }
0x125: {  	[tilespmem:s10], [sflag:$0x1] =	stream.indirect.gather @!p1 [hbm4b:s4+s9], $0x80, s17, s9, $0xb8;
	[tilespmem:$0x1F800] =	vst v63  }
0x126: {  	p2 =	por p1, !p2;
	s0 =	sadd.s32 $0x1780, s0  }
0x127: {  	[spmem:s2] =	stream.indirect.scatter.add.f32 [tilespmem:s23], [sflag:$0x3], $0x80, s0, s22, $0xb8;
	[tilespmem:$0x1F800] =	vst v63  }
.Ltmp3:
0x128: {  	_ = 	snop;
	(pc) =	sbr.rel @!p2 .LBB2_7-.Ltmp3, $4  }
0x129: {  	_ =	swait.ge [sflag:s18], $0x4000  }
0x12a: {  	s29 =	sadd.s32 @!p1 $0x800, s29;
	s30 =	sadd.s32 @!p1 $0x1, s30;
	[sflag:s18] =	ssyncset.done $0x0  }
0x12b: {  	s10 =	simm.s32 @!p1 $0x7800;
	s0 =	sor.u32 @!p1 $0x80, s31;
	[sflag:s18] =	ssyncadd.s32 $0xFFFFC000  }
0x12c: {  	[tilespmem:s10], [sflag:$0x1] =	stream.indirect.gather @!p1 [hbm4b:s4+s9], $0x80, s0, s9, $0xb8;
	[tilespmem:$0x1F800] =	vst v63  }
0x12d: {  	s26 =	sadd.s32 $0x1, s26  }
0x12e: {  	s0 =	sshll.u32 s1, $0x6;
	[bflag:$0x0] =	sbarrier.arrive $0xFFFF;
	p1 =	sne.s32 s26, s15  }
.Ltmp4:
0x12f: {  	s9 =	sshrl.u32 s8, $0x3;
	s0 =	sor.u32 $0x1C03, s0;
	(pc) =	sbr.rel @p1 .LBB2_1-.Ltmp4, $4  }
0x130: {  	[hbm:s14], [sflag:s0] =	dma.local [spmem:s9], $0x2800  }
0x131: {  	_ =	swait.ge [sflag:s18], $0x2800  }
0x132: {  	[sflag:s18] =	ssyncset.done $0x0  }
0x133: {  	[sflag:s18] =	ssyncadd.s32 $0xFFFFD800  }
0x134: {  	_ =	sfence.sel $0x180000  }
0x135: {  	[bflag:$0x0] =	sbarrier.arrive $0xFFFF  }
0x136: {  	_ =	strace $0x9000004A  }
0x137: {  	[bflag:$0x2] =	sbarrier.arrive $0xFFFF  }
0x138: {  	p0 =	sne.s32 s1, $0x0;
	s0 =	rddreg [dreg:$0x2]  }
0x139: {  	s0 =	sadd.s32 @!p0 $0x100000, s0  }
0x13a: {  	[sflag:s0] =	ssyncadd.tile.s32 @!p0 $0x1;
	_ =	shalt  }
.Lfunc_end2:
_tile_overlayer_lowered:
.L_overlay_start_2:
0x13b: {  	(tag) =	ssettag $0x2  }
0x13c: {  	s0 =	rddreg [dreg:$0x0];
	s2 =	stileid.u32  }
0x13d: {  	s1 =	rddreg [dreg:$0x1];
	p0 =	sne.s32 s2, $0x0  }
0x13e: {  	s3 =	rddreg [dreg:$0x2];
	[bflag:$0x3] =	sbarrier.arrive $0xFFFF;
	s2 =	simm.s32 @!p0 $0x1C03  }
0x13f: {  	[timem:s3], [sflag:s2] =	dma.local @!p0 [hbm:s0], s1  }
0x140: {  	s0 =	simm.s32 @!p0 $0x3  }
0x141: {  	_ =	swait.ge @!p0 [sflag:s0], s1  }
0x142: {  	s1 =	ssub.s32 @!p0 $0x0, s1;
	[sflag:s0] =	ssyncset.done @!p0 $0x0  }
0x143: {  	[sflag:s0] =	ssyncadd.s32 @!p0 s1  }
0x144: {  	[bflag:$0x3] =	sbarrier.arrive $0xFFFF  }
0x145: {  	_ =	shalt  }

// kernel: kernel.14.cloned.1.call-start
scs
__scs_entry_jumppad:
0x0: {  	(pc) =	sbr.rel $0x88, $3  }
0x1: {  	(tag) =	ssettag $0x0;
	lr =	simm.s32 $0x1  }
0x2: {  	[smem:$0x3F98] =	sst lr;
	_ =	strace $0xD0000000  }
0x3: {  	_ = 	snop  }
0x4: {  	_ = 	snop  }
0x5: {  	_ = 	snop  }
0x6: {  	_ = 	snop  }
0x7: {  	_ = 	snop  }
__scs_overlays_trampoline_lowered:
0x8: {  	[smem:$0x3FA7] =	sst s0  }
0x9: {  	[smem:$0x3FA8] =	sst s1  }
0xa: {  	[smem:$0x3FA9] =	sst s2  }
0xb: {  	[smem:$0x3FAA] =	sst s3  }
0xc: {  	[smem:$0x3FAB] =	sst s4  }
0xd: {  	[smem:$0x3FAC] =	sst s5  }
0xe: {  	[smem:$0x3FAD] =	sst s6  }
0xf: {  	[smem:$0x3FAE] =	sst s7  }
0x10: {  	[smem:$0x3FAF] =	sst s8  }
0x11: {  	[smem:$0x3FB0] =	sst s9;
	s0 =	simm.s32 @!p0 $0x0  }
0x12: {  	s1 =	sld [smem:$0x3F96];
	s0 =	simm.s32 @p0 $0x1  }
0x13: {  	[smem:$0x3FB1] =	sst s0;
	s0 =	simm.s32 @!p1 $0x0  }
0x14: {  	s2 =	sld [smem:$0x3F95];
	s0 =	simm.s32 @p1 $0x1  }
0x15: {  	[smem:$0x3FB2] =	sst s0;
	s0 =	simm.s32 @!p2 $0x0  }
0x16: {  	s3 =	sld [smem:$0x3FDB];
	s0 =	simm.s32 @p2 $0x1  }
0x17: {  	s4 =	simm.s32 $0x1BF5;
	[smem:$0x3FB4] =	sst s0  }
0x18: {  	s0 =	sld [smem:$0x3F97];
	_ =	swait.ge [sflag:s4], $0x0  }
0x19: {  	s7 =	sld [smem:$0x3F98]  }
0x1a: {  	s8 =	sadd.s32 $0xFFFFE003, lr  }
0x1b: {  	s9 =	sadd.s32 $0xFFFFFEF7, lr;
	s5 =	simm.s32 $0xFFFFFFFF;
	p2 =	slt.u32 s8, $0xFFFFF086  }
0x1c: {  	p1 =	slt.u32 s9, $0xF7A;
	s5 =	simm.s32 @!p2 $0x0  }
0x1d: {  	s5 =	simm.s32 @p1 $0x1;
	p0 =	seq.s32 s7, s2  }
0x1e: {  	s7 =	smul.u32 @!p0 $0xF7A, s2;
	p2 =	seq.s32 @!p0 s5, $0x0  }
0x1f: {  	s9 =	smul.u32 $0xF7A, s1;
	s8 =	simm.s32 @!p0 $0x1BF5;
	p2 =	por !p2, p0  }
0x20: {  	[sflag:s8] =	ssyncset.s32 @!p0 $0xFFFFF086;
	s6 =	sadd.s32 @!p0 s3, s7;
	s7 =	simm.s32 @!p0 $0x108  }
0x21: {  	s3 =	sadd.s32 s3, s9;
	s6 =	sadd.s32 @!p0 $0x88, s6;
	s7 =	simm.s32 @p2 $0x1082  }
0x22: {  	[simem:s7], [sflag:s8] =	dma.local @!p0 [hbm:s6], $0xF7A  }
0x23: {  	s9 =	sor.u32 $0xD0000000, s2;
	s6 =	simm.s32 $0x108;
	_ =	swait.ge @!p0 [sflag:s8], $0x0  }
0x24: {  	s3 =	sadd.s32 $0x88, s3;
	s6 =	simm.s32 @!p1 $0x1082;
	[sflag:s4] =	ssyncset.s32 $0xFFFFF086  }
0x25: {  	[simem:s6], [sflag:s4] =	dma.local [hbm:s3], $0xF7A  }
0x26: {  	[smem:$0x3F98] =	sst s1;
	(tag) =	ssettag s2;
	_ =	strace s9  }
0x27: {  	s1 =	sld [smem:$0x3FA8]  }
0x28: {  	s2 =	sld [smem:$0x3FA9]  }
0x29: {  	s4 =	sld [smem:$0x3FAB]  }
0x2a: {  	p0 =	seq.s32 s5, $0x0;
	s5 =	sld [smem:$0x3FAC]  }
0x2b: {  	s6 =	sld [smem:$0x3FAD]  }
0x2c: {  	s7 =	sld [smem:$0x3FAE]  }
0x2d: {  	s3 =	simm.s32 $0x108;
	s8 =	sld [smem:$0x3FAF]  }
0x2e: {  	s3 =	simm.s32 @!p0 $0x1082;
	s9 =	sld [smem:$0x3FB0]  }
0x2f: {  	lr =	sadd.s32 s0, s3;
	s0 =	sld [smem:$0x3FA7]  }
0x30: {  	s3 =	sld [smem:$0x3FAA]  }
0x31: {  	[smem:$0x3FB3] =	sst s10  }
0x32: {  	s10 =	sld [smem:$0x3FB1];
	_ =	sdelay $0x3  }
0x33: {  	p0 =	seq.s32 s10, $0x1;
	s10 =	sld [smem:$0x3FB3];
	_ =	sdelay $0x3  }
0x34: {  	[smem:$0x3FB3] =	sst s10  }
0x35: {  	s10 =	sld [smem:$0x3FB2];
	_ =	sdelay $0x3  }
0x36: {  	p1 =	seq.s32 s10, $0x1;
	s10 =	sld [smem:$0x3FB3];
	_ =	sdelay $0x3  }
0x37: {  	[smem:$0x3FB3] =	sst s10  }
0x38: {  	s10 =	sld [smem:$0x3FB4]  }
0x39: {  	_ = 	snop;
	(pc) =	sbr.ind lr, $3  }
0x3a: {  	_ = 	snop  }
0x3b: {  	_ = 	snop  }
0x3c: {  	p2 =	seq.s32 s10, $0x1;
	s10 =	sld [smem:$0x3FB3]  }
0x3d: {  	_ =	shalt  }
0x3e: {  	_ =	shalt  }
0x3f: {  	_ =	shalt  }
0x40: {  	_ =	shalt  }
0x41: {  	_ =	shalt  }
0x42: {  	_ =	shalt  }
0x43: {  	_ =	shalt  }
0x44: {  	_ =	shalt  }
0x45: {  	_ =	shalt  }
0x46: {  	_ =	shalt  }
0x47: {  	_ =	shalt  }
0x48: {  	_ =	shalt  }
0x49: {  	_ =	shalt  }
0x4a: {  	_ =	shalt  }
0x4b: {  	_ =	shalt  }
0x4c: {  	_ =	shalt  }
0x4d: {  	_ =	shalt  }
0x4e: {  	_ =	shalt  }
0x4f: {  	_ =	shalt  }
0x50: {  	_ =	shalt  }
0x51: {  	_ =	shalt  }
0x52: {  	_ =	shalt  }
0x53: {  	_ =	shalt  }
0x54: {  	_ =	shalt  }
0x55: {  	_ =	shalt  }
0x56: {  	_ =	shalt  }
0x57: {  	_ =	shalt  }
0x58: {  	_ =	shalt  }
0x59: {  	_ =	shalt  }
0x5a: {  	_ =	shalt  }
0x5b: {  	_ =	shalt  }
0x5c: {  	_ =	shalt  }
0x5d: {  	_ =	shalt  }
0x5e: {  	_ =	shalt  }
0x5f: {  	_ =	shalt  }
0x60: {  	_ =	shalt  }
0x61: {  	_ =	shalt  }
0x62: {  	_ =	shalt  }
0x63: {  	_ =	shalt  }
0x64: {  	_ =	shalt  }
0x65: {  	_ =	shalt  }
0x66: {  	_ =	shalt  }
0x67: {  	_ =	shalt  }
0x68: {  	_ =	shalt  }
0x69: {  	_ =	shalt  }
0x6a: {  	_ =	shalt  }
0x6b: {  	_ =	shalt  }
0x6c: {  	_ =	shalt  }
0x6d: {  	_ =	shalt  }
0x6e: {  	_ =	shalt  }
0x6f: {  	_ =	shalt  }
0x70: {  	_ =	shalt  }
0x71: {  	_ =	shalt  }
0x72: {  	_ =	shalt  }
0x73: {  	_ =	shalt  }
0x74: {  	_ =	shalt  }
0x75: {  	_ =	shalt  }
0x76: {  	_ =	shalt  }
0x77: {  	_ =	shalt  }
0x78: {  	_ =	shalt  }
0x79: {  	_ =	shalt  }
0x7a: {  	_ =	shalt  }
0x7b: {  	_ =	shalt  }
0x7c: {  	_ =	shalt  }
0x7d: {  	_ =	shalt  }
0x7e: {  	_ =	shalt  }
0x7f: {  	_ =	shalt  }
0x80: {  	_ =	shalt  }
0x81: {  	_ =	shalt  }
0x82: {  	_ =	shalt  }
0x83: {  	_ =	shalt  }
0x84: {  	_ =	shalt  }
0x85: {  	_ =	shalt  }
0x86: {  	_ =	shalt  }
0x87: {  	_ =	shalt  }
.Lfunc_end0:
.L_simem_size_0:
called_computation.2_lowered:
.L_overlay_start_0:
0x88: {  	s2 =	sld [smem:$0x3FD9]  }
0x89: {  	s3 =	sld [smem:$0x3FFE];
	_ =	sdelay $0x1  }
0x8a: {  	s1 =	srdreg.scid  }
0x8b: {  	s0 =	sand.u32 $0x1, s1  }
0x8c: {  	s16 =	sshll.u32 s0, $0xA;
	s2 =	sadd.s32 s3, s2  }
0x8d: {  	s2 =	sadd.s32 s2, s16  }
0x8e: {  	[smem:$0x3FBF] =	sst s2  }
0x8f: {  	_ = 	snop  }
0x90: {  	(tm) =	ssettm $0x1  }
0x91: {  	s17 =	sld [smem:$0x3FFB];
	_ =	sdelay $0x3  }
0x92: {  	_ =	strace s17  }
0x93: {  	s2 =	sld [smem:$0x3FFC];
	_ =	sdelay $0x3  }
0x94: {  	_ =	strace s2  }
0x95: {  	s2 =	sld [smem:$0x3FFD];
	_ =	sdelay $0x3  }
0x96: {  	_ =	strace s2  }
0x97: {  	_ =	strace $0x8FFFFFFF  }
0x98: {  	s18 =	sld [smem:$0x3FDB];
	_ =	sdelay $0x1  }
0x99: {  	s19 =	simm.s32 $_scs_section_size  }
0x9a: {  	s4 =	simm.s32 $_size__tile_overlayer_lowered;
	s5 =	simm.s32 $_tile_overlayer_lowered  }
0x9b: {  	s22 =	simm.s32 $0x1BFF;
	s21 =	sshll.u32 s5, $0x1;
	s2 =	sadd.s32 s19, s18  }
0x9c: {  	s6 =	simm.s32 $0x0;
	s20 =	sshll.u32 s4, $0x1;
	s4 =	sadd.s32 s21, s2  }
0x9d: {  	[timem:s6], [sflag:s22] =	dma.local [hbm:s4], s20  }
0x9e: {  	_ =	swait.ge [sflag:s22], s20  }
0x9f: {  	s3 =	ssub.s32 $0x0, s20;
	[sflag:s22] =	ssyncset.done $0x0  }
0xa0: {  	[sflag:s22] =	ssyncadd.s32 s3;
	_ =	sdelay $0x1  }
0xa1: {  	s23 =	simm.s32 $0x1B8B  }
0xa2: {  	_ =	swait.ge [sflag:s23], $0x1  }
0xa3: {  	[sflag:s23] =	ssyncset.done $0x0  }
0xa4: {  	s25 =	simm.s32 $0x1B8E;
	s24 =	sld [smem:$0x3FFE];
	[sflag:s23] =	ssyncadd.s32 $0xFFFFFFFF  }
0xa5: {  	s26 =	simm.s32 $execute0_lowered;
	[smem:$0x3FD2] =	sst s25  }
0xa6: {  	s4 =	sshll.u32 s26, $0x1;
	_ =	strace $0x8000004C;
	[dreg:$0x1] =	wrdreg $0xFFFFFFFF  }
0xa7: {  	s28 =	simm.s32 $_size_execute0_lowered;
	s2 =	sadd.s32 s2, s4;
	[dreg:$0x0] =	wrdreg $0x0  }
0xa8: {  	s4 =	sshll.u32 s28, $0x1;
	[dreg:$0x2] =	wrdreg s2  }
0xa9: {  	[dreg:$0x3] =	wrdreg s4  }
0xaa: {  	[dreg:$0x4] =	wrdreg $0xC0  }
0xab: {  	_ =	task [dreg:s6], $0x5FFFF  }
0xac: {  	[dreg:$0x1] =	wrdreg $0xFFFFFFFF  }
0xad: {  	[dreg:$0x0] =	wrdreg $0x60  }
0xae: {  	[dreg:$0x2] =	wrdreg s24  }
0xaf: {  	[dreg:$0x3] =	wrdreg $0xB8000  }
0xb0: {  	[dreg:$0x4] =	wrdreg $0x9  }
0xb1: {  	_ =	task.clear_ibuf [dreg:s6], $0x5FFFF;
	_ =	strace $0x9000004C  }
0xb2: {  	s29 =	simm.s32 $0x9;
	_ =	strace $0x8000004E  }
0xb3: {  	_ =	swait.ge [sflag:s29], $0x1  }
0xb4: {  	[sflag:s29] =	ssyncadd.s32 $0xFFFFFFFF  }
0xb5: {  	_ =	strace $0x9000004E  }
0xb6: {  	_ =	sfence  }
0xb7: {  	s30 =	sld [smem:$0x0];
	_ =	sdelay $0x2  }
0xb8: {  	s31 =	sshll.u32 s1, $0xD;
	s1 =	sshrl.u32 s1, $0x2  }
0xb9: {  	s3 =	sand.u32 $0x4000, s31;
	s1 =	sadd.s32 s1, s30  }
0xba: {  	s0 =	sor.u32 s3, s0;
	s1 =	sshll.u32 s1, $0x11  }
0xbb: {  	s0 =	sor.u32 s1, s0  }
0xbc: {  	s0 =	sadd.s32 $0x8F2B, s0  }
0xbd: {  	[sflag:s0] =	ssyncadd.remote.s32 $0x1  }
0xbe: {  	_ =	sfence.sel $0xFFFF  }
0xbf: {  	[dreg:$0x0] =	wrdreg $0xFFFFFFFF;
	(pc) =	sbr.abs _section_cstart, $3  }
0xc0: {  	[dreg:$0x1] =	wrdreg $0xFFFFFFFF  }
0xc1: {  	_ =	task.clear_ibuf [dreg:s6], $0x2FFFF;
	_ =	strace $0x9FFFFFFF  }
0xc2: {  	(tm) =	ssettm $0x7FFFFFFF  }
0xc3: {  	_ =	shalt  }
tec
execute0_lowered:
.L_overlay_start_1:
0x0: {  	(tag) =	ssettag $0x1  }
0x1: {  	s0 =	rddreg [dreg:$0x0]  }
0x2: {  	s2 =	rddreg [dreg:$0x1];
	s1 =	srdreg.scid  }
0x3: {  	s3 =	simm.s32 $0x0;
	s18 =	simm.s32 $0x3;
	s19 =	simm.s32 $0x3800  }
0x4: {  	s20 =	simm.s32 $0x40;
	s21 =	simm.s32 $0x5800;
	s10 =	sand.u32 $0x1, s1  }
0x5: {  	s22 =	simm.s32 $0x80;
	s1 =	stileid.u32;
	s4 =	smul.u32 $0x140000, s10  }
0x6: {  	s23 =	simm.s32 $0x7800;
	s24 =	simm.s32 $0x1;
	s5 =	smul.u32 $0x14000, s1  }
0x7: {  	s25 =	simm.s32 $0x9800;
	[smem:$0x7FF] =	sst s3;
	s9 =	smul.u32 $0x50000, s1  }
0x8: {  	s6 =	sshll.u32 s1, $0x1;
	_ =	strace $0x8000004D;
	s11 =	smul.u32 $0x2800, s1  }
0x9: {  	s26 =	ssub.s32 $0x2, s10;
	p0 =	seq.s32 s10, $0x1;
	s16 =	smul.u32 $0x5000, s1  }
0xa: {  	s17 =	smul.u32 $0x2800, s10;
	s6 =	sor.u32 s10, s6;
	s8 =	sshrl.u32 s26, $0x1  }
0xb: {  	s7 =	sadd.s32 s5, s4;
	s6 =	smul.u32 $0x2800, s6;
	s4 =	sadd.s32 $0x16A00, s0  }
0xc: {  	s5 =	sadd.s32 $0x2A00, s0;
	s15 =	ssub.s32 s26, s8;
	s28 =	sshrl.u32 s9, $0x2  }
0xd: {  	s31 =	sadd.s32 s17, s16;
	s26 =	simm.s32 $0x0;
	s7 =	sshrl.u32 s7, $0x3  }
0xe: {  	s8 =	sadd.s32 s28, s2;
	s29 =	sadd.s32 s4, s11;
	s15 =	smax.u32 s15, $0x1  }
0xf: {  	s16 =	sadd.s32 $0x800, s31;
	s0 =	sadd.s32 s7, s0;
	s6 =	sshrl.u32 s6, $0x3  }
0x10: {  	[dreg:$0x3] =	wrdreg s29;
	s30 =	sadd.s32 $0x4000, s8;
	s11 =	sadd.s32 $0x8000, s8  }
0x11: {  	s12 =	sadd.s32 $0xC000, s8;
	s13 =	sadd.s32 $0x10000, s8;
	s6 =	sadd.s32 s5, s6  }
0x12: {  	v0 =	vimm.f32 $0.0e+00;
	[dreg:$0x4] =	wrdreg s30;
	s14 =	sadd.s32 $0x3EA00, s0;
	s7 =	sadd.s32 $0xA000, s6  }
.LBB2_1:
0x13: {  	s0 =	simm.s32 $0x1000  }
0x14: {  	[tilespmem:s0], [sflag:$0x3] =	stream.linear.gather [hbm4b:s7+s3], $0x2800, $0x38;
	[tilespmem:$0x1F800] =	vst v63  }
0x15: {  	_ =	swait.ge [sflag:s18], $0x2800  }
0x16: {  	[sflag:s18] =	ssyncset.done $0x0  }
.Ltmp0:
0x17: {  	[sflag:s18] =	ssyncadd.s32 $0xFFFFD800;
	(pc) =	sbr.rel @!p0 .LBB2_2-.Ltmp0, $4  }
0x18: {  	[tilespmem:s3], [sflag:$0x3] =	stream.linear.gather [hbm4b:s6+s3], $0x800, $0x38;
	[tilespmem:$0x1F800] =	vst v63  }
0x19: {  	_ =	swait.ge [sflag:s18], $0x800  }
0x1a: {  	[sflag:s18] =	ssyncset.done $0x0  }
0x1b: {  	[sflag:s18] =	ssyncadd.s32 $0xFFFFF800  }
0x1c: {  	s0 =	sshra.s32 s3, $0x2;
	s17 =	sadd.s32 $0x200, s3  }
.LBB2_4:
0x1d: {  	p1 =	sne.s32 s17, $0xFE00;
	[tilespmem:s0+$0x3870] =	vst v0  }
0x1e: {  	[tilespmem:s0+$0x3800] =	vst v0  }
0x1f: {  	[tilespmem:s0+$0x3810] =	vst v0  }
.Ltmp1:
0x20: {  	[tilespmem:s0+$0x3820] =	vst v0;
	(pc) =	sbr.rel @p1 .LBB2_4-.Ltmp1, $4  }
0x21: {  	[tilespmem:s0+$0x3830] =	vst v0  }
0x22: {  	[tilespmem:s0+$0x3840] =	vst v0  }
0x23: {  	[tilespmem:s0+$0x3850] =	vst v0  }
0x24: {  	[tilespmem:s0+$0x3860] =	vst v0;
	s0 =	sshra.s32 s17, $0x2;
	s17 =	sadd.s32 $0x200, s17  }
0x25: {  	[tilespmem:s0+$0x3870] =	vst v0  }
0x26: {  	[tilespmem:s0+$0x3800] =	vst v0  }
0x27: {  	[tilespmem:s0+$0x3810] =	vst v0  }
0x28: {  	[tilespmem:s0+$0x3820] =	vst v0  }
0x29: {  	[tilespmem:s0+$0x3830] =	vst v0  }
0x2a: {  	[tilespmem:s0+$0x3840] =	vst v0  }
0x2b: {  	[tilespmem:s0+$0x3850] =	vst v0  }
0x2c: {  	[tilespmem:s0+$0x3860] =	vst v0  }
0x2d: {  	[spmem:s8] =	stream.linear.scatter [tilespmem:s19], [sflag:$0x3], $0x4000, $0x38;
	[tilespmem:$0x1F800] =	vst v63  }
0x2e: {  	_ =	swait.ge [sflag:s18], $0x4000  }
0x2f: {  	[sflag:s18] =	ssyncset.done $0x0  }
0x30: {  	s31 =	rddreg [dreg:$0x4];
	[sflag:s18] =	ssyncadd.s32 $0xFFFFC000  }
0x31: {  	[spmem:s31] =	stream.linear.scatter [tilespmem:s19], [sflag:$0x3], $0x4000, $0x38;
	[tilespmem:$0x1F800] =	vst v63  }
0x32: {  	_ =	swait.ge [sflag:s18], $0x4000  }
0x33: {  	[sflag:s18] =	ssyncset.done $0x0  }
0x34: {  	[sflag:s18] =	ssyncadd.s32 $0xFFFFC000  }
0x35: {  	[spmem:s11] =	stream.linear.scatter [tilespmem:s19], [sflag:$0x3], $0x4000, $0x38;
	[tilespmem:$0x1F800] =	vst v63  }
0x36: {  	_ =	swait.ge [sflag:s18], $0x4000  }
0x37: {  	[sflag:s18] =	ssyncset.done $0x0  }
0x38: {  	[sflag:s18] =	ssyncadd.s32 $0xFFFFC000  }
0x39: {  	[spmem:s12] =	stream.linear.scatter [tilespmem:s19], [sflag:$0x3], $0x4000, $0x38;
	[tilespmem:$0x1F800] =	vst v63  }
0x3a: {  	_ =	swait.ge [sflag:s18], $0x4000  }
0x3b: {  	[sflag:s18] =	ssyncset.done $0x0  }
.Ltmp2:
0x3c: {  	[sflag:s18] =	ssyncadd.s32 $0xFFFFC000;
	(pc) =	sbr.rel .LBB2_6-.Ltmp2, $4  }
0x3d: {  	[spmem:s13] =	stream.linear.scatter [tilespmem:s19], [sflag:$0x3], $0x4000, $0x38;
	[tilespmem:$0x1F800] =	vst v63  }
0x3e: {  	_ =	swait.ge [sflag:s18], $0x4000  }
0x3f: {  	[sflag:s18] =	ssyncset.done $0x0  }
0x40: {  	[sflag:s18] =	ssyncadd.s32 $0xFFFFC000  }
.LBB2_2:
0x41: {  	s0 =	sshll.u32 s1, $0x6  }
0x42: {  	s17 =	sshrl.u32 s8, $0x3;
	s9 =	rddreg [dreg:$0x3];
	s0 =	sor.u32 $0x1C03, s0  }
0x43: {  	[spmem:s17], [sflag:s0] =	dma.local [hbm:s9], $0x2800  }
0x44: {  	_ =	swait.ge [sflag:s18], $0x2800  }
0x45: {  	[sflag:s18] =	ssyncset.done $0x0  }
0x46: {  	[sflag:s18] =	ssyncadd.s32 $0xFFFFD800  }
.LBB2_6:
0x47: {  	[bflag:$0x0] =	sbarrier.arrive $0xFFFF;
	s28 =	simm.s32 $0x0  }
0x48: {  	[tilespmem:s19], [sflag:$0x1] =	stream.indirect.gather [hbm4b:s4+s20], $0x80, s28, s20, $0xb8;
	[tilespmem:$0x1F800] =	vst v63  }
0x49: {  	_ = 	snop  }
0x4a: {  	[tilespmem:s21], [sflag:$0x1] =	stream.indirect.gather [hbm4b:s4+s20], $0x80, s20, s20, $0xb8;
	[tilespmem:$0x1F800] =	vst v63  }
0x4b: {  	s29 =	smov.u32 s16;
	s30 =	simm.s32 $0x0  }
0x4c: {  	[tilespmem:s23], [sflag:$0x1] =	stream.indirect.gather [hbm4b:s4+s20], $0x80, s22, s20, $0xb8;
	[tilespmem:$0x1F800] =	vst v63  }
.LBB2_7:
0x4d: {  	s0 =	sand.u32 $0x1, s30;
	p1 =	seq.s32 s28, $0x8000  }
0x4e: {  	s17 =	sxor.u32 $0x1, s0;
	s9 =	sshrl.u32 @!p1 s29, $0x3  }
0x4f: {  	s31 =	sshll.u32 @!p1 s17, $0xB;
	s9 =	sadd.s32 @!p1 s5, s9;
	s17 =	simm.s32 @!p1 $0x0  }
0x50: {  	[tilespmem:s31], [sflag:$0x2] =	stream.linear.gather @!p1 [hbm4b:s9+s17], $0x800, $0x38;
	[tilespmem:$0x1F800] =	vst v63  }
0x51: {  	_ =	swait.ge [sflag:s24], $0x2000  }
0x52: {  	[sflag:s24] =	ssyncset.done $0x0  }
0x53: {  	[sflag:s24] =	ssyncadd.s32 $0xFFFFE000  }
0x54: {  	_ =	swait.ge [sflag:s24], $0x2000  }
0x55: {  	s17 =	sshll.u32 s0, $0xB;
	[sflag:s24] =	ssyncset.done $0x0  }
0x56: {  	s0 =	sor.u32 $0xC0, s17;
	[sflag:s24] =	ssyncadd.s32 $0xFFFFE000  }
0x57: {  	[tilespmem:s25], [sflag:$0x1] =	stream.indirect.gather [hbm4b:s4+s20], $0x80, s0, s20, $0xb8;
	[tilespmem:$0x1F800] =	vst v63  }
0x58: {  	s0 =	sshra.s32 s28, $0x2  }
0x59: {  	s10 =	sadd.s32 $0x1000, s0  }
0x5a: {  	[spmem:s2] =	stream.indirect.scatter.add.f32 [tilespmem:s19], [sflag:$0x3], $0x80, s10, s22, $0xb8;
	[tilespmem:$0x1F800] =	vst v63  }
0x5b: {  	_ =	swait.ge [sflag:s18], $0x4000  }
0x5c: {  	[sflag:s18] =	ssyncset.done $0x0  }
0x5d: {  	s10 =	sor.u32 $0x100, s17;
	[sflag:s18] =	ssyncadd.s32 $0xFFFFC000  }
0x5e: {  	[tilespmem:s19], [sflag:$0x1] =	stream.indirect.gather [hbm4b:s4+s20], $0x80, s10, s20, $0xb8;
	[tilespmem:$0x1F800] =	vst v63  }
0x5f: {  	_ =	swait.ge [sflag:s24], $0x2000  }
0x60: {  	[sflag:s24] =	ssyncset.done $0x0  }
0x61: {  	[sflag:s24] =	ssyncadd.s32 $0xFFFFE000  }
0x62: {  	_ =	swait.ge [sflag:s24], $0x2000  }
0x63: {  	[sflag:s24] =	ssyncset.done $0x0  }
0x64: {  	s10 =	sor.u32 $0x140, s17;
	[sflag:s24] =	ssyncadd.s32 $0xFFFFE000  }
0x65: {  	[tilespmem:s21], [sflag:$0x1] =	stream.indirect.gather [hbm4b:s4+s20], $0x80, s10, s20, $0xb8;
	[tilespmem:$0x1F800] =	vst v63  }
0x66: {  	s10 =	sadd.s32 $0x1080, s0  }
0x67: {  	[spmem:s2] =	stream.indirect.scatter.add.f32 [tilespmem:s23], [sflag:$0x3], $0x80, s10, s22, $0xb8;
	[tilespmem:$0x1F800] =	vst v63  }
0x68: {  	_ =	swait.ge [sflag:s18], $0x4000  }
0x69: {  	[sflag:s18] =	ssyncset.done $0x0  }
0x6a: {  	s10 =	sor.u32 $0x180, s17;
	[sflag:s18] =	ssyncadd.s32 $0xFFFFC000  }
0x6b: {  	[tilespmem:s23], [sflag:$0x1] =	stream.indirect.gather [hbm4b:s4+s20], $0x80, s10, s20, $0xb8;
	[tilespmem:$0x1F800] =	vst v63  }
0x6c: {  	_ =	swait.ge [sflag:s24], $0x2000  }
0x6d: {  	[sflag:s24] =	ssyncset.done $0x0  }
0x6e: {  	[sflag:s24] =	ssyncadd.s32 $0xFFFFE000  }
0x6f: {  	_ =	swait.ge [sflag:s24], $0x2000  }
0x70: {  	[sflag:s24] =	ssyncset.done $0x0  }
0x71: {  	s10 =	sor.u32 $0x1C0, s17;
	[sflag:s24] =	ssyncadd.s32 $0xFFFFE000  }
0x72: {  	[tilespmem:s25], [sflag:$0x1] =	stream.indirect.gather [hbm4b:s4+s20], $0x80, s10, s20, $0xb8;
	[tilespmem:$0x1F800] =	vst v63  }
0x73: {  	s10 =	sadd.s32 $0x1100, s0  }
0x74: {  	[spmem:s2] =	stream.indirect.scatter.add.f32 [tilespmem:s19], [sflag:$0x3], $0x80, s10, s22, $0xb8;
	[tilespmem:$0x1F800] =	vst v63  }
0x75: {  	_ =	swait.ge [sflag:s18], $0x4000  }
0x76: {  	[sflag:s18] =	ssyncset.done $0x0  }
0x77: {  	s10 =	sor.u32 $0x200, s17;
	[sflag:s18] =	ssyncadd.s32 $0xFFFFC000  }
0x78: {  	[tilespmem:s19], [sflag:$0x1] =	stream.indirect.gather [hbm4b:s4+s20], $0x80, s10, s20, $0xb8;
	[tilespmem:$0x1F800] =	vst v63  }
0x79: {  	_ =	swait.ge [sflag:s24], $0x2000  }
0x7a: {  	[sflag:s24] =	ssyncset.done $0x0  }
0x7b: {  	[sflag:s24] =	ssyncadd.s32 $0xFFFFE000  }
0x7c: {  	_ =	swait.ge [sflag:s24], $0x2000  }
0x7d: {  	[sflag:s24] =	ssyncset.done $0x0  }
0x7e: {  	s10 =	sor.u32 $0x240, s17;
	[sflag:s24] =	ssyncadd.s32 $0xFFFFE000  }
0x7f: {  	[tilespmem:s21], [sflag:$0x1] =	stream.indirect.gather [hbm4b:s4+s20], $0x80, s10, s20, $0xb8;
	[tilespmem:$0x1F800] =	vst v63  }
0x80: {  	s10 =	sadd.s32 $0x1180, s0  }
0x81: {  	[spmem:s2] =	stream.indirect.scatter.add.f32 [tilespmem:s23], [sflag:$0x3], $0x80, s10, s22, $0xb8;
	[tilespmem:$0x1F800] =	vst v63  }
0x82: {  	_ =	swait.ge [sflag:s18], $0x4000  }
0x83: {  	[sflag:s18] =	ssyncset.done $0x0  }
0x84: {  	s10 =	sor.u32 $0x280, s17;
	[sflag:s18] =	ssyncadd.s32 $0xFFFFC000  }
0x85: {  	[tilespmem:s23], [sflag:$0x1] =	stream.indirect.gather [hbm4b:s4+s20], $0x80, s10, s20, $0xb8;
	[tilespmem:$0x1F800] =	vst v63  }
0x86: {  	_ =	swait.ge [sflag:s24], $0x2000  }
0x87: {  	[sflag:s24] =	ssyncset.done $0x0  }
0x88: {  	[sflag:s24] =	ssyncadd.s32 $0xFFFFE000  }
0x89: {  	_ =	swait.ge [sflag:s24], $0x2000  }
0x8a: {  	[sflag:s24] =	ssyncset.done $0x0  }
0x8b: {  	s10 =	sor.u32 $0x2C0, s17;
	[sflag:s24] =	ssyncadd.s32 $0xFFFFE000  }
0x8c: {  	[tilespmem:s25], [sflag:$0x1] =	stream.indirect.gather [hbm4b:s4+s20], $0x80, s10, s20, $0xb8;
	[tilespmem:$0x1F800] =	vst v63  }
0x8d: {  	s10 =	sadd.s32 $0x1200, s0  }
0x8e: {  	[spmem:s2] =	stream.indirect.scatter.add.f32 [tilespmem:s19], [sflag:$0x3], $0x80, s10, s22, $0xb8;
	[tilespmem:$0x1F800] =	vst v63  }
0x8f: {  	_ =	swait.ge [sflag:s18], $0x4000  }
0x90: {  	[sflag:s18] =	ssyncset.done $0x0  }
0x91: {  	s10 =	sor.u32 $0x300, s17;
	[sflag:s18] =	ssyncadd.s32 $0xFFFFC000  }
0x92: {  	[tilespmem:s19], [sflag:$0x1] =	stream.indirect.gather [hbm4b:s4+s20], $0x80, s10, s20, $0xb8;
	[tilespmem:$0x1F800] =	vst v63  }
0x93: {  	_ =	swait.ge [sflag:s24], $0x2000  }
0x94: {  	[sflag:s24] =	ssyncset.done $0x0  }
0x95: {  	[sflag:s24] =	ssyncadd.s32 $0xFFFFE000  }
0x96: {  	_ =	swait.ge [sflag:s24], $0x2000  }
0x97: {  	[sflag:s24] =	ssyncset.done $0x0  }
0x98: {  	s10 =	sor.u32 $0x340, s17;
	[sflag:s24] =	ssyncadd.s32 $0xFFFFE000  }
0x99: {  	[tilespmem:s21], [sflag:$0x1] =	stream.indirect.gather [hbm4b:s4+s20], $0x80, s10, s20, $0xb8;
	[tilespmem:$0x1F800] =	vst v63  }
0x9a: {  	s10 =	sadd.s32 $0x1280, s0  }
0x9b: {  	[spmem:s2] =	stream.indirect.scatter.add.f32 [tilespmem:s23], [sflag:$0x3], $0x80, s10, s22, $0xb8;
	[tilespmem:$0x1F800] =	vst v63  }
0x9c: {  	_ =	swait.ge [sflag:s18], $0x4000  }
0x9d: {  	[sflag:s18] =	ssyncset.done $0x0  }
0x9e: {  	s10 =	sor.u32 $0x380, s17;
	[sflag:s18] =	ssyncadd.s32 $0xFFFFC000  }
0x9f: {  	[tilespmem:s23], [sflag:$0x1] =	stream.indirect.gather [hbm4b:s4+s20], $0x80, s10, s20, $0xb8;
	[tilespmem:$0x1F800] =	vst v63  }
0xa0: {  	_ =	swait.ge [sflag:s24], $0x2000  }
0xa1: {  	[sflag:s24] =	ssyncset.done $0x0  }
0xa2: {  	[sflag:s24] =	ssyncadd.s32 $0xFFFFE000  }
0xa3: {  	_ =	swait.ge [sflag:s24], $0x2000  }
0xa4: {  	[sflag:s24] =	ssyncset.done $0x0  }
0xa5: {  	s10 =	sor.u32 $0x3C0, s17;
	[sflag:s24] =	ssyncadd.s32 $0xFFFFE000  }
0xa6: {  	[tilespmem:s25], [sflag:$0x1] =	stream.indirect.gather [hbm4b:s4+s20], $0x80, s10, s20, $0xb8;
	[tilespmem:$0x1F800] =	vst v63  }
0xa7: {  	s10 =	sadd.s32 $0x1300, s0  }
0xa8: {  	[spmem:s2] =	stream.indirect.scatter.add.f32 [tilespmem:s19], [sflag:$0x3], $0x80, s10, s22, $0xb8;
	[tilespmem:$0x1F800] =	vst v63  }
0xa9: {  	_ =	swait.ge [sflag:s18], $0x4000  }
0xaa: {  	[sflag:s18] =	ssyncset.done $0x0  }
0xab: {  	s10 =	sor.u32 $0x400, s17;
	[sflag:s18] =	ssyncadd.s32 $0xFFFFC000  }
0xac: {  	[tilespmem:s19], [sflag:$0x1] =	stream.indirect.gather [hbm4b:s4+s20], $0x80, s10, s20, $0xb8;
	[tilespmem:$0x1F800] =	vst v63  }
0xad: {  	_ =	swait.ge [sflag:s24], $0x2000  }
0xae: {  	[sflag:s24] =	ssyncset.done $0x0  }
0xaf: {  	[sflag:s24] =	ssyncadd.s32 $0xFFFFE000  }
0xb0: {  	_ =	swait.ge [sflag:s24], $0x2000  }
0xb1: {  	[sflag:s24] =	ssyncset.done $0x0  }
0xb2: {  	s10 =	sor.u32 $0x440, s17;
	[sflag:s24] =	ssyncadd.s32 $0xFFFFE000  }
0xb3: {  	[tilespmem:s21], [sflag:$0x1] =	stream.indirect.gather [hbm4b:s4+s20], $0x80, s10, s20, $0xb8;
	[tilespmem:$0x1F800] =	vst v63  }
0xb4: {  	s10 =	sadd.s32 $0x1380, s0  }
0xb5: {  	[spmem:s2] =	stream.indirect.scatter.add.f32 [tilespmem:s23], [sflag:$0x3], $0x80, s10, s22, $0xb8;
	[tilespmem:$0x1F800] =	vst v63  }
0xb6: {  	_ =	swait.ge [sflag:s18], $0x4000  }
0xb7: {  	[sflag:s18] =	ssyncset.done $0x0  }
0xb8: {  	s10 =	sor.u32 $0x480, s17;
	[sflag:s18] =	ssyncadd.s32 $0xFFFFC000  }
0xb9: {  	[tilespmem:s23], [sflag:$0x1] =	stream.indirect.gather [hbm4b:s4+s20], $0x80, s10, s20, $0xb8;
	[tilespmem:$0x1F800] =	vst v63  }
0xba: {  	_ =	swait.ge [sflag:s24], $0x2000  }
0xbb: {  	[sflag:s24] =	ssyncset.done $0x0  }
0xbc: {  	[sflag:s24] =	ssyncadd.s32 $0xFFFFE000  }
0xbd: {  	_ =	swait.ge [sflag:s24], $0x2000  }
0xbe: {  	[sflag:s24] =	ssyncset.done $0x0  }
0xbf: {  	s10 =	sor.u32 $0x4C0, s17;
	[sflag:s24] =	ssyncadd.s32 $0xFFFFE000  }
0xc0: {  	[tilespmem:s25], [sflag:$0x1] =	stream.indirect.gather [hbm4b:s4+s20], $0x80, s10, s20, $0xb8;
	[tilespmem:$0x1F800] =	vst v63  }
0xc1: {  	s10 =	sadd.s32 $0x1400, s0  }
0xc2: {  	[spmem:s2] =	stream.indirect.scatter.add.f32 [tilespmem:s19], [sflag:$0x3], $0x80, s10, s22, $0xb8;
	[tilespmem:$0x1F800] =	vst v63  }
0xc3: {  	_ =	swait.ge [sflag:s18], $0x4000  }
0xc4: {  	[sflag:s18] =	ssyncset.done $0x0  }
0xc5: {  	s10 =	sor.u32 $0x500, s17;
	[sflag:s18] =	ssyncadd.s32 $0xFFFFC000  }
0xc6: {  	[tilespmem:s19], [sflag:$0x1] =	stream.indirect.gather [hbm4b:s4+s20], $0x80, s10, s20, $0xb8;
	[tilespmem:$0x1F800] =	vst v63  }
0xc7: {  	_ =	swait.ge [sflag:s24], $0x2000  }
0xc8: {  	[sflag:s24] =	ssyncset.done $0x0  }
0xc9: {  	[sflag:s24] =	ssyncadd.s32 $0xFFFFE000  }
0xca: {  	_ =	swait.ge [sflag:s24], $0x2000  }
0xcb: {  	[sflag:s24] =	ssyncset.done $0x0  }
0xcc: {  	s10 =	sor.u32 $0x540, s17;
	[sflag:s24] =	ssyncadd.s32 $0xFFFFE000  }
0xcd: {  	[tilespmem:s21], [sflag:$0x1] =	stream.indirect.gather [hbm4b:s4+s20], $0x80, s10, s20, $0xb8;
	[tilespmem:$0x1F800] =	vst v63  }
0xce: {  	s10 =	sadd.s32 $0x1480, s0  }
0xcf: {  	[spmem:s2] =	stream.indirect.scatter.add.f32 [tilespmem:s23], [sflag:$0x3], $0x80, s10, s22, $0xb8;
	[tilespmem:$0x1F800] =	vst v63  }
0xd0: {  	_ =	swait.ge [sflag:s18], $0x4000  }
0xd1: {  	[sflag:s18] =	ssyncset.done $0x0  }
0xd2: {  	s10 =	sor.u32 $0x580, s17;
	[sflag:s18] =	ssyncadd.s32 $0xFFFFC000  }
0xd3: {  	[tilespmem:s23], [sflag:$0x1] =	stream.indirect.gather [hbm4b:s4+s20], $0x80, s10, s20, $0xb8;
	[tilespmem:$0x1F800] =	vst v63  }
0xd4: {  	_ =	swait.ge [sflag:s24], $0x2000  }
0xd5: {  	[sflag:s24] =	ssyncset.done $0x0  }
0xd6: {  	[sflag:s24] =	ssyncadd.s32 $0xFFFFE000  }
0xd7: {  	_ =	swait.ge [sflag:s24], $0x2000  }
0xd8: {  	[sflag:s24] =	ssyncset.done $0x0  }
0xd9: {  	s10 =	sor.u32 $0x5C0, s17;
	[sflag:s24] =	ssyncadd.s32 $0xFFFFE000  }
0xda: {  	[tilespmem:s25], [sflag:$0x1] =	stream.indirect.gather [hbm4b:s4+s20], $0x80, s10, s20, $0xb8;
	[tilespmem:$0x1F800] =	vst v63  }
0xdb: {  	s10 =	sadd.s32 $0x1500, s0  }
0xdc: {  	[spmem:s2] =	stream.indirect.scatter.add.f32 [tilespmem:s19], [sflag:$0x3], $0x80, s10, s22, $0xb8;
	[tilespmem:$0x1F800] =	vst v63  }
0xdd: {  	_ =	swait.ge [sflag:s18], $0x4000  }
0xde: {  	[sflag:s18] =	ssyncset.done $0x0  }
0xdf: {  	s10 =	sor.u32 $0x600, s17;
	[sflag:s18] =	ssyncadd.s32 $0xFFFFC000  }
0xe0: {  	[tilespmem:s19], [sflag:$0x1] =	stream.indirect.gather [hbm4b:s4+s20], $0x80, s10, s20, $0xb8;
	[tilespmem:$0x1F800] =	vst v63  }
0xe1: {  	_ =	swait.ge [sflag:s24], $0x2000  }
0xe2: {  	[sflag:s24] =	ssyncset.done $0x0  }
0xe3: {  	[sflag:s24] =	ssyncadd.s32 $0xFFFFE000  }
0xe4: {  	_ =	swait.ge [sflag:s24], $0x2000  }
0xe5: {  	[sflag:s24] =	ssyncset.done $0x0  }
0xe6: {  	s10 =	sor.u32 $0x640, s17;
	[sflag:s24] =	ssyncadd.s32 $0xFFFFE000  }
0xe7: {  	[tilespmem:s21], [sflag:$0x1] =	stream.indirect.gather [hbm4b:s4+s20], $0x80, s10, s20, $0xb8;
	[tilespmem:$0x1F800] =	vst v63  }
0xe8: {  	s10 =	sadd.s32 $0x1580, s0  }
0xe9: {  	[spmem:s2] =	stream.indirect.scatter.add.f32 [tilespmem:s23], [sflag:$0x3], $0x80, s10, s22, $0xb8;
	[tilespmem:$0x1F800] =	vst v63  }
0xea: {  	_ =	swait.ge [sflag:s18], $0x4000  }
0xeb: {  	[sflag:s18] =	ssyncset.done $0x0  }
0xec: {  	s10 =	sor.u32 $0x680, s17;
	[sflag:s18] =	ssyncadd.s32 $0xFFFFC000  }
0xed: {  	[tilespmem:s23], [sflag:$0x1] =	stream.indirect.gather [hbm4b:s4+s20], $0x80, s10, s20, $0xb8;
	[tilespmem:$0x1F800] =	vst v63  }
0xee: {  	_ =	swait.ge [sflag:s24], $0x2000  }
0xef: {  	[sflag:s24] =	ssyncset.done $0x0  }
0xf0: {  	[sflag:s24] =	ssyncadd.s32 $0xFFFFE000  }
0xf1: {  	_ =	swait.ge [sflag:s24], $0x2000  }
0xf2: {  	[sflag:s24] =	ssyncset.done $0x0  }
0xf3: {  	s10 =	sor.u32 $0x6C0, s17;
	[sflag:s24] =	ssyncadd.s32 $0xFFFFE000  }
0xf4: {  	[tilespmem:s25], [sflag:$0x1] =	stream.indirect.gather [hbm4b:s4+s20], $0x80, s10, s20, $0xb8;
	[tilespmem:$0x1F800] =	vst v63  }
0xf5: {  	s10 =	sadd.s32 $0x1600, s0  }
0xf6: {  	[spmem:s2] =	stream.indirect.scatter.add.f32 [tilespmem:s19], [sflag:$0x3], $0x80, s10, s22, $0xb8;
	[tilespmem:$0x1F800] =	vst v63  }
0xf7: {  	_ =	swait.ge [sflag:s18], $0x4000  }
0xf8: {  	[sflag:s18] =	ssyncset.done $0x0  }
0xf9: {  	s10 =	sor.u32 $0x700, s17;
	[sflag:s18] =	ssyncadd.s32 $0xFFFFC000  }
0xfa: {  	[tilespmem:s19], [sflag:$0x1] =	stream.indirect.gather [hbm4b:s4+s20], $0x80, s10, s20, $0xb8;
	[tilespmem:$0x1F800] =	vst v63  }
0xfb: {  	_ =	swait.ge [sflag:s24], $0x2000  }
0xfc: {  	[sflag:s24] =	ssyncset.done $0x0  }
0xfd: {  	[sflag:s24] =	ssyncadd.s32 $0xFFFFE000  }
0xfe: {  	_ =	swait.ge [sflag:s24], $0x2000  }
0xff: {  	[sflag:s24] =	ssyncset.done $0x0  }
0x100: {  	s10 =	sor.u32 $0x740, s17;
	[sflag:s24] =	ssyncadd.s32 $0xFFFFE000  }
0x101: {  	[tilespmem:s21], [sflag:$0x1] =	stream.indirect.gather [hbm4b:s4+s20], $0x80, s10, s20, $0xb8;
	[tilespmem:$0x1F800] =	vst v63  }
0x102: {  	s10 =	sadd.s32 $0x1680, s0  }
0x103: {  	[spmem:s2] =	stream.indirect.scatter.add.f32 [tilespmem:s23], [sflag:$0x3], $0x80, s10, s22, $0xb8;
	[tilespmem:$0x1F800] =	vst v63  }
0x104: {  	_ =	swait.ge [sflag:s18], $0x4000  }
0x105: {  	[sflag:s18] =	ssyncset.done $0x0  }
0x106: {  	s10 =	sor.u32 $0x780, s17;
	[sflag:s18] =	ssyncadd.s32 $0xFFFFC000  }
0x107: {  	[tilespmem:s23], [sflag:$0x1] =	stream.indirect.gather [hbm4b:s4+s20], $0x80, s10, s20, $0xb8;
	[tilespmem:$0x1F800] =	vst v63  }
0x108: {  	_ =	swait.ge [sflag:s24], $0x2000  }
0x109: {  	[sflag:s24] =	ssyncset.done $0x0  }
0x10a: {  	[sflag:s24] =	ssyncadd.s32 $0xFFFFE000  }
0x10b: {  	_ =	swait.ge [sflag:s24], $0x2000  }
0x10c: {  	[sflag:s24] =	ssyncset.done $0x0  }
0x10d: {  	s10 =	sor.u32 $0x7C0, s17;
	[sflag:s24] =	ssyncadd.s32 $0xFFFFE000  }
0x10e: {  	[tilespmem:s25], [sflag:$0x1] =	stream.indirect.gather [hbm4b:s4+s20], $0x80, s10, s20, $0xb8;
	[tilespmem:$0x1F800] =	vst v63  }
0x10f: {  	s17 =	sadd.s32 $0x1700, s0  }
0x110: {  	[spmem:s2] =	stream.indirect.scatter.add.f32 [tilespmem:s19], [sflag:$0x3], $0x80, s17, s22, $0xb8;
	[tilespmem:$0x1F800] =	vst v63  }
0x111: {  	_ =	swait.ge [sflag:s18], $0x4000  }
0x112: {  	[sflag:s18] =	ssyncset.done $0x0  }
0x113: {  	s9 =	simm.s32 @p1 $0x1;
	[sflag:s18] =	ssyncadd.s32 $0xFFFFC000  }
0x114: {  	_ =	swait.ge @p1 [sflag:s9], $0x2000  }
0x115: {  	[sflag:s9] =	ssyncset.done @p1 $0x0  }
0x116: {  	[sflag:s9] =	ssyncadd.s32 @p1 $0xFFFFE000  }
0x117: {  	_ =	swait.ge @p1 [sflag:s9], $0x2000  }
0x118: {  	[sflag:s9] =	ssyncset.done @p1 $0x0  }
0x119: {  	[sflag:s9] =	ssyncadd.s32 @p1 $0xFFFFE000;
	s9 =	simm.s32 @!p1 $0x2  }
0x11a: {  	_ =	swait.ge @!p1 [sflag:s9], $0x800  }
0x11b: {  	[sflag:s9] =	ssyncset.done @!p1 $0x0  }
0x11c: {  	s17 =	simm.s32 @!p1 $0x3800;
	[sflag:s9] =	ssyncadd.s32 @!p1 $0xFFFFF800;
	s9 =	simm.s32 @!p1 $0x40  }
0x11d: {  	[tilespmem:s17], [sflag:$0x1] =	stream.indirect.gather @!p1 [hbm4b:s4+s9], $0x80, s31, s9, $0xb8;
	[tilespmem:$0x1F800] =	vst v63  }
0x11e: {  	s17 =	simm.s32 @!p1 $0x1  }
0x11f: {  	_ =	swait.ge @!p1 [sflag:s17], $0x2000  }
0x120: {  	[sflag:s17] =	ssyncset.done @!p1 $0x0  }
0x121: {  	[sflag:s17] =	ssyncadd.s32 @!p1 $0xFFFFE000  }
0x122: {  	s28 =	sadd.s32 @!p1 $0x2000, s28;
	_ =	swait.ge @!p1 [sflag:s17], $0x2000  }
0x123: {  	p2 =	sne.s32 @!p1 s28, $0xA000;
	[sflag:s17] =	ssyncset.done @!p1 $0x0  }
0x124: {  	s10 =	simm.s32 @!p1 $0x5800;
	[sflag:s17] =	ssyncadd.s32 @!p1 $0xFFFFE000;
	s17 =	sor.u32 @!p1 $0x40, s31  }
0x125: {  	[tilespmem:s10], [sflag:$0x1] =	stream.indirect.gather @!p1 [hbm4b:s4+s9], $0x80, s17, s9, $0xb8;
	[tilespmem:$0x1F800] =	vst v63  }
0x126: {  	p2 =	por p1, !p2;
	s0 =	sadd.s32 $0x1780, s0  }
0x127: {  	[spmem:s2] =	stream.indirect.scatter.add.f32 [tilespmem:s23], [sflag:$0x3], $0x80, s0, s22, $0xb8;
	[tilespmem:$0x1F800] =	vst v63  }
.Ltmp3:
0x128: {  	_ = 	snop;
	(pc) =	sbr.rel @!p2 .LBB2_7-.Ltmp3, $4  }
0x129: {  	_ =	swait.ge [sflag:s18], $0x4000  }
0x12a: {  	s29 =	sadd.s32 @!p1 $0x800, s29;
	s30 =	sadd.s32 @!p1 $0x1, s30;
	[sflag:s18] =	ssyncset.done $0x0  }
0x12b: {  	s10 =	simm.s32 @!p1 $0x7800;
	s0 =	sor.u32 @!p1 $0x80, s31;
	[sflag:s18] =	ssyncadd.s32 $0xFFFFC000  }
0x12c: {  	[tilespmem:s10], [sflag:$0x1] =	stream.indirect.gather @!p1 [hbm4b:s4+s9], $0x80, s0, s9, $0xb8;
	[tilespmem:$0x1F800] =	vst v63  }
0x12d: {  	s26 =	sadd.s32 $0x1, s26  }
0x12e: {  	s0 =	sshll.u32 s1, $0x6;
	[bflag:$0x0] =	sbarrier.arrive $0xFFFF;
	p1 =	sne.s32 s26, s15  }
.Ltmp4:
0x12f: {  	s9 =	sshrl.u32 s8, $0x3;
	s0 =	sor.u32 $0x1C03, s0;
	(pc) =	sbr.rel @p1 .LBB2_1-.Ltmp4, $4  }
0x130: {  	[hbm:s14], [sflag:s0] =	dma.local [spmem:s9], $0x2800  }
0x131: {  	_ =	swait.ge [sflag:s18], $0x2800  }
0x132: {  	[sflag:s18] =	ssyncset.done $0x0  }
0x133: {  	[sflag:s18] =	ssyncadd.s32 $0xFFFFD800  }
0x134: {  	_ =	sfence.sel $0x180000  }
0x135: {  	[bflag:$0x0] =	sbarrier.arrive $0xFFFF  }
0x136: {  	_ =	strace $0x9000004D  }
0x137: {  	[bflag:$0x2] =	sbarrier.arrive $0xFFFF  }
0x138: {  	p0 =	sne.s32 s1, $0x0;
	s0 =	rddreg [dreg:$0x2]  }
0x139: {  	s0 =	sadd.s32 @!p0 $0x100000, s0  }
0x13a: {  	[sflag:s0] =	ssyncadd.tile.s32 @!p0 $0x1;
	_ =	shalt  }
.Lfunc_end2:
_tile_overlayer_lowered:
.L_overlay_start_2:
0x13b: {  	(tag) =	ssettag $0x2  }
0x13c: {  	s0 =	rddreg [dreg:$0x0];
	s2 =	stileid.u32  }
0x13d: {  	s1 =	rddreg [dreg:$0x1];
	p0 =	sne.s32 s2, $0x0  }
0x13e: {  	s3 =	rddreg [dreg:$0x2];
	[bflag:$0x3] =	sbarrier.arrive $0xFFFF;
	s2 =	simm.s32 @!p0 $0x1C03  }
0x13f: {  	[timem:s3], [sflag:s2] =	dma.local @!p0 [hbm:s0], s1  }
0x140: {  	s0 =	simm.s32 @!p0 $0x3  }
0x141: {  	_ =	swait.ge @!p0 [sflag:s0], s1  }
0x142: {  	s1 =	ssub.s32 @!p0 $0x0, s1;
	[sflag:s0] =	ssyncset.done @!p0 $0x0  }
0x143: {  	[sflag:s0] =	ssyncadd.s32 @!p0 s1  }
0x144: {  	[bflag:$0x3] =	sbarrier.arrive $0xFFFF  }
0x145: {  	_ =	shalt  }

// kernel: kernel.8.cloned.1.call-start
scs
__scs_entry_jumppad:
0x0: {  	(pc) =	sbr.rel $0x88, $3  }
0x1: {  	(tag) =	ssettag $0x0;
	lr =	simm.s32 $0x1  }
0x2: {  	[smem:$0x3F98] =	sst lr;
	_ =	strace $0xD0000000  }
0x3: {  	_ = 	snop  }
0x4: {  	_ = 	snop  }
0x5: {  	_ = 	snop  }
0x6: {  	_ = 	snop  }
0x7: {  	_ = 	snop  }
__scs_overlays_trampoline_lowered:
0x8: {  	[smem:$0x3FA7] =	sst s0  }
0x9: {  	[smem:$0x3FA8] =	sst s1  }
0xa: {  	[smem:$0x3FA9] =	sst s2  }
0xb: {  	[smem:$0x3FAA] =	sst s3  }
0xc: {  	[smem:$0x3FAB] =	sst s4  }
0xd: {  	[smem:$0x3FAC] =	sst s5  }
0xe: {  	[smem:$0x3FAD] =	sst s6  }
0xf: {  	[smem:$0x3FAE] =	sst s7  }
0x10: {  	[smem:$0x3FAF] =	sst s8  }
0x11: {  	[smem:$0x3FB0] =	sst s9;
	s0 =	simm.s32 @!p0 $0x0  }
0x12: {  	s1 =	sld [smem:$0x3F96];
	s0 =	simm.s32 @p0 $0x1  }
0x13: {  	[smem:$0x3FB1] =	sst s0;
	s0 =	simm.s32 @!p1 $0x0  }
0x14: {  	s2 =	sld [smem:$0x3F95];
	s0 =	simm.s32 @p1 $0x1  }
0x15: {  	[smem:$0x3FB2] =	sst s0;
	s0 =	simm.s32 @!p2 $0x0  }
0x16: {  	s3 =	sld [smem:$0x3FDB];
	s0 =	simm.s32 @p2 $0x1  }
0x17: {  	s4 =	simm.s32 $0x1BF5;
	[smem:$0x3FB4] =	sst s0  }
0x18: {  	s0 =	sld [smem:$0x3F97];
	_ =	swait.ge [sflag:s4], $0x0  }
0x19: {  	s7 =	sld [smem:$0x3F98]  }
0x1a: {  	s8 =	sadd.s32 $0xFFFFE003, lr  }
0x1b: {  	s9 =	sadd.s32 $0xFFFFFEF7, lr;
	s5 =	simm.s32 $0xFFFFFFFF;
	p2 =	slt.u32 s8, $0xFFFFF086  }
0x1c: {  	p1 =	slt.u32 s9, $0xF7A;
	s5 =	simm.s32 @!p2 $0x0  }
0x1d: {  	s5 =	simm.s32 @p1 $0x1;
	p0 =	seq.s32 s7, s2  }
0x1e: {  	s7 =	smul.u32 @!p0 $0xF7A, s2;
	p2 =	seq.s32 @!p0 s5, $0x0  }
0x1f: {  	s9 =	smul.u32 $0xF7A, s1;
	s8 =	simm.s32 @!p0 $0x1BF5;
	p2 =	por !p2, p0  }
0x20: {  	[sflag:s8] =	ssyncset.s32 @!p0 $0xFFFFF086;
	s6 =	sadd.s32 @!p0 s3, s7;
	s7 =	simm.s32 @!p0 $0x108  }
0x21: {  	s3 =	sadd.s32 s3, s9;
	s6 =	sadd.s32 @!p0 $0x88, s6;
	s7 =	simm.s32 @p2 $0x1082  }
0x22: {  	[simem:s7], [sflag:s8] =	dma.local @!p0 [hbm:s6], $0xF7A  }
0x23: {  	s9 =	sor.u32 $0xD0000000, s2;
	s6 =	simm.s32 $0x108;
	_ =	swait.ge @!p0 [sflag:s8], $0x0  }
0x24: {  	s3 =	sadd.s32 $0x88, s3;
	s6 =	simm.s32 @!p1 $0x1082;
	[sflag:s4] =	ssyncset.s32 $0xFFFFF086  }
0x25: {  	[simem:s6], [sflag:s4] =	dma.local [hbm:s3], $0xF7A  }
0x26: {  	[smem:$0x3F98] =	sst s1;
	(tag) =	ssettag s2;
	_ =	strace s9  }
0x27: {  	s1 =	sld [smem:$0x3FA8]  }
0x28: {  	s2 =	sld [smem:$0x3FA9]  }
0x29: {  	s4 =	sld [smem:$0x3FAB]  }
0x2a: {  	p0 =	seq.s32 s5, $0x0;
	s5 =	sld [smem:$0x3FAC]  }
0x2b: {  	s6 =	sld [smem:$0x3FAD]  }
0x2c: {  	s7 =	sld [smem:$0x3FAE]  }
0x2d: {  	s3 =	simm.s32 $0x108;
	s8 =	sld [smem:$0x3FAF]  }
0x2e: {  	s3 =	simm.s32 @!p0 $0x1082;
	s9 =	sld [smem:$0x3FB0]  }
0x2f: {  	lr =	sadd.s32 s0, s3;
	s0 =	sld [smem:$0x3FA7]  }
0x30: {  	s3 =	sld [smem:$0x3FAA]  }
0x31: {  	[smem:$0x3FB3] =	sst s10  }
0x32: {  	s10 =	sld [smem:$0x3FB1];
	_ =	sdelay $0x3  }
0x33: {  	p0 =	seq.s32 s10, $0x1;
	s10 =	sld [smem:$0x3FB3];
	_ =	sdelay $0x3  }
0x34: {  	[smem:$0x3FB3] =	sst s10  }
0x35: {  	s10 =	sld [smem:$0x3FB2];
	_ =	sdelay $0x3  }
0x36: {  	p1 =	seq.s32 s10, $0x1;
	s10 =	sld [smem:$0x3FB3];
	_ =	sdelay $0x3  }
0x37: {  	[smem:$0x3FB3] =	sst s10  }
0x38: {  	s10 =	sld [smem:$0x3FB4]  }
0x39: {  	_ = 	snop;
	(pc) =	sbr.ind lr, $3  }
0x3a: {  	_ = 	snop  }
0x3b: {  	_ = 	snop  }
0x3c: {  	p2 =	seq.s32 s10, $0x1;
	s10 =	sld [smem:$0x3FB3]  }
0x3d: {  	_ =	shalt  }
0x3e: {  	_ =	shalt  }
0x3f: {  	_ =	shalt  }
0x40: {  	_ =	shalt  }
0x41: {  	_ =	shalt  }
0x42: {  	_ =	shalt  }
0x43: {  	_ =	shalt  }
0x44: {  	_ =	shalt  }
0x45: {  	_ =	shalt  }
0x46: {  	_ =	shalt  }
0x47: {  	_ =	shalt  }
0x48: {  	_ =	shalt  }
0x49: {  	_ =	shalt  }
0x4a: {  	_ =	shalt  }
0x4b: {  	_ =	shalt  }
0x4c: {  	_ =	shalt  }
0x4d: {  	_ =	shalt  }
0x4e: {  	_ =	shalt  }
0x4f: {  	_ =	shalt  }
0x50: {  	_ =	shalt  }
0x51: {  	_ =	shalt  }
0x52: {  	_ =	shalt  }
0x53: {  	_ =	shalt  }
0x54: {  	_ =	shalt  }
0x55: {  	_ =	shalt  }
0x56: {  	_ =	shalt  }
0x57: {  	_ =	shalt  }
0x58: {  	_ =	shalt  }
0x59: {  	_ =	shalt  }
0x5a: {  	_ =	shalt  }
0x5b: {  	_ =	shalt  }
0x5c: {  	_ =	shalt  }
0x5d: {  	_ =	shalt  }
0x5e: {  	_ =	shalt  }
0x5f: {  	_ =	shalt  }
0x60: {  	_ =	shalt  }
0x61: {  	_ =	shalt  }
0x62: {  	_ =	shalt  }
0x63: {  	_ =	shalt  }
0x64: {  	_ =	shalt  }
0x65: {  	_ =	shalt  }
0x66: {  	_ =	shalt  }
0x67: {  	_ =	shalt  }
0x68: {  	_ =	shalt  }
0x69: {  	_ =	shalt  }
0x6a: {  	_ =	shalt  }
0x6b: {  	_ =	shalt  }
0x6c: {  	_ =	shalt  }
0x6d: {  	_ =	shalt  }
0x6e: {  	_ =	shalt  }
0x6f: {  	_ =	shalt  }
0x70: {  	_ =	shalt  }
0x71: {  	_ =	shalt  }
0x72: {  	_ =	shalt  }
0x73: {  	_ =	shalt  }
0x74: {  	_ =	shalt  }
0x75: {  	_ =	shalt  }
0x76: {  	_ =	shalt  }
0x77: {  	_ =	shalt  }
0x78: {  	_ =	shalt  }
0x79: {  	_ =	shalt  }
0x7a: {  	_ =	shalt  }
0x7b: {  	_ =	shalt  }
0x7c: {  	_ =	shalt  }
0x7d: {  	_ =	shalt  }
0x7e: {  	_ =	shalt  }
0x7f: {  	_ =	shalt  }
0x80: {  	_ =	shalt  }
0x81: {  	_ =	shalt  }
0x82: {  	_ =	shalt  }
0x83: {  	_ =	shalt  }
0x84: {  	_ =	shalt  }
0x85: {  	_ =	shalt  }
0x86: {  	_ =	shalt  }
0x87: {  	_ =	shalt  }
.Lfunc_end0:
.L_simem_size_0:
called_computation_lowered:
.L_overlay_start_0:
0x88: {  	s2 =	sld [smem:$0x3FD9]  }
0x89: {  	s3 =	sld [smem:$0x3FFE];
	_ =	sdelay $0x1  }
0x8a: {  	s1 =	srdreg.scid  }
0x8b: {  	s0 =	sand.u32 $0x1, s1  }
0x8c: {  	s16 =	sshll.u32 s0, $0xA;
	s2 =	sadd.s32 s3, s2  }
0x8d: {  	s2 =	sadd.s32 s2, s16  }
0x8e: {  	[smem:$0x3FBF] =	sst s2  }
0x8f: {  	_ = 	snop  }
0x90: {  	(tm) =	ssettm $0x1  }
0x91: {  	s17 =	sld [smem:$0x3FFB];
	_ =	sdelay $0x3  }
0x92: {  	_ =	strace s17  }
0x93: {  	s2 =	sld [smem:$0x3FFC];
	_ =	sdelay $0x3  }
0x94: {  	_ =	strace s2  }
0x95: {  	s2 =	sld [smem:$0x3FFD];
	_ =	sdelay $0x3  }
0x96: {  	_ =	strace s2  }
0x97: {  	_ =	strace $0x8FFFFFFF  }
0x98: {  	s18 =	sld [smem:$0x3FDB];
	_ =	sdelay $0x1  }
0x99: {  	s19 =	simm.s32 $_scs_section_size  }
0x9a: {  	s4 =	simm.s32 $_size__tile_overlayer_lowered;
	s5 =	simm.s32 $_tile_overlayer_lowered  }
0x9b: {  	s22 =	simm.s32 $0x1BFF;
	s21 =	sshll.u32 s5, $0x1;
	s2 =	sadd.s32 s19, s18  }
0x9c: {  	s6 =	simm.s32 $0x0;
	s20 =	sshll.u32 s4, $0x1;
	s4 =	sadd.s32 s21, s2  }
0x9d: {  	[timem:s6], [sflag:s22] =	dma.local [hbm:s4], s20  }
0x9e: {  	_ =	swait.ge [sflag:s22], s20  }
0x9f: {  	s3 =	ssub.s32 $0x0, s20;
	[sflag:s22] =	ssyncset.done $0x0  }
0xa0: {  	[sflag:s22] =	ssyncadd.s32 s3;
	_ =	sdelay $0x1  }
0xa1: {  	s23 =	simm.s32 $0x1B8B  }
0xa2: {  	_ =	swait.ge [sflag:s23], $0x1  }
0xa3: {  	[sflag:s23] =	ssyncset.done $0x0  }
0xa4: {  	s25 =	simm.s32 $0x1B8E;
	s24 =	sld [smem:$0x3FFE];
	[sflag:s23] =	ssyncadd.s32 $0xFFFFFFFF  }
0xa5: {  	s26 =	simm.s32 $execute0_lowered;
	[smem:$0x3FD2] =	sst s25  }
0xa6: {  	s4 =	sshll.u32 s26, $0x1;
	_ =	strace $0x80000046;
	[dreg:$0x1] =	wrdreg $0xFFFFFFFF  }
0xa7: {  	s28 =	simm.s32 $_size_execute0_lowered;
	s2 =	sadd.s32 s2, s4;
	[dreg:$0x0] =	wrdreg $0x0  }
0xa8: {  	s4 =	sshll.u32 s28, $0x1;
	[dreg:$0x2] =	wrdreg s2  }
0xa9: {  	[dreg:$0x3] =	wrdreg s4  }
0xaa: {  	[dreg:$0x4] =	wrdreg $0xC0  }
0xab: {  	_ =	task [dreg:s6], $0x5FFFF  }
0xac: {  	[dreg:$0x1] =	wrdreg $0xFFFFFFFF  }
0xad: {  	[dreg:$0x0] =	wrdreg $0x60  }
0xae: {  	[dreg:$0x2] =	wrdreg s24  }
0xaf: {  	[dreg:$0x3] =	wrdreg $0x2B000  }
0xb0: {  	[dreg:$0x4] =	wrdreg $0x9  }
0xb1: {  	_ =	task.clear_ibuf [dreg:s6], $0x5FFFF;
	_ =	strace $0x90000046  }
0xb2: {  	s29 =	simm.s32 $0x9;
	_ =	strace $0x80000048  }
0xb3: {  	_ =	swait.ge [sflag:s29], $0x1  }
0xb4: {  	[sflag:s29] =	ssyncadd.s32 $0xFFFFFFFF  }
0xb5: {  	_ =	strace $0x90000048  }
0xb6: {  	_ =	sfence  }
0xb7: {  	s30 =	sld [smem:$0x0];
	_ =	sdelay $0x2  }
0xb8: {  	s31 =	sshll.u32 s1, $0xD;
	s1 =	sshrl.u32 s1, $0x2  }
0xb9: {  	s3 =	sand.u32 $0x4000, s31;
	s1 =	sadd.s32 s1, s30  }
0xba: {  	s0 =	sor.u32 s3, s0;
	s1 =	sshll.u32 s1, $0x11  }
0xbb: {  	s0 =	sor.u32 s1, s0  }
0xbc: {  	s0 =	sadd.s32 $0x8F2B, s0  }
0xbd: {  	[sflag:s0] =	ssyncadd.remote.s32 $0x1  }
0xbe: {  	_ =	sfence.sel $0xFFFF  }
0xbf: {  	[dreg:$0x0] =	wrdreg $0xFFFFFFFF;
	(pc) =	sbr.abs _section_cstart, $3  }
0xc0: {  	[dreg:$0x1] =	wrdreg $0xFFFFFFFF  }
0xc1: {  	_ =	task.clear_ibuf [dreg:s6], $0x2FFFF;
	_ =	strace $0x9FFFFFFF  }
0xc2: {  	(tm) =	ssettm $0x7FFFFFFF  }
0xc3: {  	_ =	shalt  }
tec
execute0_lowered:
.L_overlay_start_1:
0x0: {  	(tag) =	ssettag $0x1  }
0x1: {  	s4 =	rddreg [dreg:$0x0]  }
0x2: {  	s2 =	rddreg [dreg:$0x1]  }
0x3: {  	s0 =	rddreg [dreg:$0x2]  }
0x4: {  	s3 =	srdreg.scid;
	s1 =	stileid.u32  }
0x5: {  	s10 =	simm.s32 $0x80;
	s11 =	simm.s32 $0x2800;
	s12 =	simm.s32 $0x1  }
0x6: {  	s13 =	simm.s32 $0x100;
	s14 =	simm.s32 $0x0;
	s5 =	sand.u32 $0x1, s3  }
0x7: {  	s6 =	smul.u32 $0x500, s1;
	s7 =	sshll.u32 s1, $0x1;
	s3 =	simm.s32 $0x0  }
0x8: {  	s29 =	smul.u32 $0xA00, s1;
	s8 =	sshll.u32 s5, $0x7;
	s7 =	sor.u32 s5, s7  }
0x9: {  	[smem:$0x7FF] =	sst s3;
	s5 =	ssub.s32 $0x2, s5;
	s6 =	sor.u32 s8, s6  }
0xa: {  	s7 =	smul.u32 $0x2800, s7;
	_ =	strace $0x80000047;
	s9 =	sshrl.u32 s5, $0x1  }
0xb: {  	s30 =	sshrl.u32 s29, $0x2;
	s8 =	simm.s32 $0x2;
	s6 =	sshrl.u32 s6, $0x3  }
0xc: {  	s31 =	ssub.s32 s5, s9;
	s5 =	sadd.s32 s30, s2;
	s7 =	sshrl.u32 s7, $0x3  }
0xd: {  	s9 =	simm.s32 $0x2880;
	s6 =	sadd.s32 s6, s4;
	s4 =	sadd.s32 s4, s7  }
0xe: {  	v0 =	vimm.f32 $1.000000000e+00;
	v1 =	vimm.f32 $0.0e+00;
	s6 =	sadd.s32 $0x16A00, s6;
	s7 =	smax.u32 s31, $0x1;
	s4 =	sadd.s32 $0xCA00, s4  }
.LBB2_1:
0xf: {  	[tilespmem:s3], [sflag:$0x2] =	stream.linear.gather [hbm4b:s4+s3], $0x2800, $0x38;
	[tilespmem:$0x2D80] =	vst v63  }
0x10: {  	_ =	swait.ge [sflag:s8], $0x2800  }
0x11: {  	[sflag:s8] =	ssyncset.done $0x0  }
0x12: {  	[sflag:s8] =	ssyncadd.s32 $0xFFFFD800  }
0x13: {  	[tilespmem:$0x2800] =	vst v0  }
0x14: {  	[tilespmem:$0x2810] =	vst v0  }
0x15: {  	[tilespmem:$0x2820] =	vst v0  }
0x16: {  	[tilespmem:$0x2830] =	vst v0  }
0x17: {  	[tilespmem:$0x2840] =	vst v0  }
0x18: {  	[tilespmem:$0x2850] =	vst v0  }
0x19: {  	[tilespmem:$0x2860] =	vst v0  }
0x1a: {  	[tilespmem:$0x2870] =	vst v0  }
0x1b: {  	[tilespmem:$0x2880] =	vst v1  }
0x1c: {  	[tilespmem:$0x2890] =	vst v1  }
0x1d: {  	[tilespmem:$0x28A0] =	vst v1  }
0x1e: {  	[tilespmem:$0x28B0] =	vst v1  }
0x1f: {  	[tilespmem:$0x28C0] =	vst v1  }
0x20: {  	[tilespmem:$0x28D0] =	vst v1  }
0x21: {  	[tilespmem:$0x28E0] =	vst v1  }
0x22: {  	[tilespmem:$0x28F0] =	vst v1  }
0x23: {  	[tilespmem:$0x2900] =	vst v1  }
0x24: {  	[tilespmem:$0x2910] =	vst v1  }
0x25: {  	[tilespmem:$0x2920] =	vst v1  }
0x26: {  	[tilespmem:$0x2930] =	vst v1  }
0x27: {  	[tilespmem:$0x2940] =	vst v1  }
0x28: {  	[tilespmem:$0x2950] =	vst v1  }
0x29: {  	[tilespmem:$0x2960] =	vst v1  }
0x2a: {  	[tilespmem:$0x2970] =	vst v1  }
0x2b: {  	[tilespmem:$0x2980] =	vst v1  }
0x2c: {  	[tilespmem:$0x2990] =	vst v1  }
0x2d: {  	[tilespmem:$0x29A0] =	vst v1  }
0x2e: {  	[tilespmem:$0x29B0] =	vst v1  }
0x2f: {  	[tilespmem:$0x29C0] =	vst v1  }
0x30: {  	[tilespmem:$0x29D0] =	vst v1  }
0x31: {  	[tilespmem:$0x29E0] =	vst v1  }
0x32: {  	[tilespmem:$0x29F0] =	vst v1  }
0x33: {  	[tilespmem:$0x2A00] =	vst v1  }
0x34: {  	[tilespmem:$0x2A10] =	vst v1  }
0x35: {  	[tilespmem:$0x2A20] =	vst v1  }
0x36: {  	[tilespmem:$0x2A30] =	vst v1  }
0x37: {  	[tilespmem:$0x2A40] =	vst v1  }
0x38: {  	[tilespmem:$0x2A50] =	vst v1  }
0x39: {  	[tilespmem:$0x2A60] =	vst v1  }
0x3a: {  	[tilespmem:$0x2A70] =	vst v1  }
0x3b: {  	[tilespmem:$0x2A80] =	vst v1  }
0x3c: {  	[tilespmem:$0x2A90] =	vst v1  }
0x3d: {  	[tilespmem:$0x2AA0] =	vst v1  }
0x3e: {  	[tilespmem:$0x2AB0] =	vst v1  }
0x3f: {  	[tilespmem:$0x2AC0] =	vst v1  }
0x40: {  	[tilespmem:$0x2AD0] =	vst v1  }
0x41: {  	[tilespmem:$0x2AE0] =	vst v1  }
0x42: {  	[tilespmem:$0x2AF0] =	vst v1  }
0x43: {  	[spmem:s5] =	stream.linear.scatter [tilespmem:s9], [sflag:$0x2], $0x280, $0x38;
	[tilespmem:$0x2D80] =	vst v63  }
0x44: {  	_ =	swait.ge [sflag:s8], $0x280  }
0x45: {  	[sflag:s8] =	ssyncset.done $0x0  }
0x46: {  	[sflag:s8] =	ssyncadd.s32 $0xFFFFFD80  }
0x47: {  	s15 =	simm.s32 $0x0;
	[bflag:$0x0] =	sbarrier.arrive $0xFFFF  }
.LBB2_2:
0x48: {  	p0 =	sne.s32 s15, $0x9E00  }
.Ltmp0:
0x49: {  	_ = 	snop;
	(pc) =	sbr.rel @p0 .LBB2_2-.Ltmp0, $3  }
0x4a: {  	_ =	sdelay $0x1  }
0x4b: {  	s16 =	sshra.s32 s15, $0x2;
	s15 =	sadd.s32 $0x200, s15  }
0x4c: {  	[spmem:s2] =	stream.indirect.scatter.add.f32 [tilespmem:s11], [sflag:$0x1], $0x1, s16, s10, $0xb8;
	[tilespmem:$0x2D80] =	vst v63  }
0x4d: {  	_ =	swait.ge [sflag:s12], $0x80  }
0x4e: {  	s15 =	simm.s32 $0x4F;
	[sflag:s12] =	ssyncset.done $0x0  }
.LBB2_4:
0x4f: {  	p0 =	sne.s32 s15, $0x1;
	s15 =	sadd.s32 $0xFFFFFFFF, s15;
	[sflag:s12] =	ssyncadd.s32 $0xFFFFFF80  }
.Ltmp1:
0x50: {  	(pc) =	sbr.rel @p0 .LBB2_4-.Ltmp1, $3  }
0x51: {  	_ =	sdelay $0x1  }
0x52: {  	_ =	swait.ge [sflag:s12], $0x80  }
0x53: {  	[sflag:s12] =	ssyncset.done $0x0  }
0x54: {  	[sflag:s12] =	ssyncadd.s32 $0xFFFFFF80  }
0x55: {  	[bflag:$0x0] =	sbarrier.arrive $0xFFFF  }
0x56: {  	[tilespmem:s9], [sflag:$0x2] =	stream.linear.gather [spmem:s5], $0x280, $0x38;
	[tilespmem:$0x2D80] =	vst v63  }
0x57: {  	s14 =	sadd.s32 $0x1, s14;
	_ =	swait.ge [sflag:s8], $0x280  }
0x58: {  	p0 =	sne.s32 s14, s7;
	[sflag:s8] =	ssyncset.done $0x0  }
.Ltmp2:
0x59: {  	[sflag:s8] =	ssyncadd.s32 $0xFFFFFD80;
	(pc) =	sbr.rel @p0 .LBB2_1-.Ltmp2, $4  }
0x5a: {  	[hbm4b:s6+s10] =	stream.strided.scatter [tilespmem:s9], [sflag:$0x2], $0x280, s13, s10, $0x38;
	[tilespmem:$0x2D80] =	vst v63  }
0x5b: {  	_ =	swait.ge [sflag:s8], $0x280  }
0x5c: {  	[sflag:s8] =	ssyncset.done $0x0  }
0x5d: {  	[sflag:s8] =	ssyncadd.s32 $0xFFFFFD80  }
0x5e: {  	_ =	sfence.sel $0x180000  }
0x5f: {  	[bflag:$0x0] =	sbarrier.arrive $0xFFFF  }
0x60: {  	p0 =	sne.s32 s1, $0x0;
	_ =	strace $0x90000047  }
0x61: {  	s0 =	sadd.s32 @!p0 $0x100000, s0;
	[bflag:$0x2] =	sbarrier.arrive $0xFFFF  }
0x62: {  	[sflag:s0] =	ssyncadd.tile.s32 @!p0 $0x1;
	_ =	shalt  }
.Lfunc_end2:
_tile_overlayer_lowered:
.L_overlay_start_2:
0x63: {  	(tag) =	ssettag $0x2  }
0x64: {  	s0 =	rddreg [dreg:$0x0];
	s2 =	stileid.u32  }
0x65: {  	s1 =	rddreg [dreg:$0x1];
	p0 =	sne.s32 s2, $0x0  }
0x66: {  	s3 =	rddreg [dreg:$0x2];
	[bflag:$0x3] =	sbarrier.arrive $0xFFFF;
	s2 =	simm.s32 @!p0 $0x1C02  }
0x67: {  	[timem:s3], [sflag:s2] =	dma.local @!p0 [hbm:s0], s1  }
0x68: {  	s0 =	simm.s32 @!p0 $0x2  }
0x69: {  	_ =	swait.ge @!p0 [sflag:s0], s1  }
0x6a: {  	s1 =	ssub.s32 @!p0 $0x0, s1;
	[sflag:s0] =	ssyncset.done @!p0 $0x0  }
0x6b: {  	[sflag:s0] =	ssyncadd.s32 @!p0 s1  }
0x6c: {  	[bflag:$0x3] =	sbarrier.arrive $0xFFFF  }
0x6d: {  	_ =	shalt  }

</sc_bundles>
